<compile_context>
chip_gen: v7x
topology: tpu7x:2x2x1
jax: 0.10.2.dev20260603
libtpu: 0.0.44.dev20260713+nightly
codegen_flags: <defaults>
</compile_context>

<pallas_src>
import jax
import jax.numpy as jnp
from jax import lax
from jax.experimental import pallas as pl
from jax.experimental.pallas import tpu as pltpu
from jax.experimental.pallas import tpu_sc as plsc

ITEM_NUM = 100000
CONTENT_DIM = 128
HID = 256
EMB = 64
K = 20
TEMP = 2.0
LAM = 0.5
B = 4096
N_TOT = B * K
NC, NS, L = 2, 16, 16
NW = NC * NS
P_W = N_TOT // NW
NCHUNK = 20
CW = P_W // NCHUNK
NG = CW // L
NRAND = N_TOT // 2
RB = 10240
NBUF = 2


def _mlp_body(c_ref, w1_ref, b1_ref, w2_ref, b2_ref, e_ref, out_ref):
    h = jnp.dot(
        c_ref[...].astype(jnp.bfloat16),
        w1_ref[...].astype(jnp.bfloat16),
        preferred_element_type=jnp.float32,
    )
    h = h + b1_ref[...]
    h = jnp.where(h >= 0, h, 0.01 * h)
    f = jnp.dot(h, w2_ref[...], preferred_element_type=jnp.float32) + b2_ref[...]
    out_ref[...] = jnp.concatenate([f, e_ref[...]], axis=1)


def _encode(content, W1, b1, W2, b2, item_emb):
    R = 800
    return pl.pallas_call(
        _mlp_body,
        grid=(ITEM_NUM // R,),
        in_specs=[
            pl.BlockSpec((R, CONTENT_DIM), lambda i: (i, 0)),
            pl.BlockSpec((CONTENT_DIM, HID), lambda i: (0, 0)),
            pl.BlockSpec((1, HID), lambda i: (0, 0)),
            pl.BlockSpec((HID, EMB), lambda i: (0, 0)),
            pl.BlockSpec((1, EMB), lambda i: (0, 0)),
            pl.BlockSpec((R, EMB), lambda i: (i, 0)),
        ],
        out_specs=pl.BlockSpec((R, 2 * EMB), lambda i: (i, 0)),
        out_shape=jax.ShapeDtypeStruct((ITEM_NUM, 2 * EMB), jnp.float32),
    )(content, W1, b1.reshape(1, HID), W2, b2.reshape(1, EMB), item_emb)


def _sc_body(fe, u2, idxi, idxuh, idxuo, posi, bidx, rand,
             out_o,
             idxi_v, idxuh_v, idxuo_v, bidx_v, posi_v, ep_v, rand_v, mask_v,
             f0, f1, u0, u1, st,
             sf0, sf1, su0, su1, sp):
    wid = lax.axis_index("c") * NS + lax.axis_index("s")
    lo = wid * P_W
    febuf = (f0, f1)
    ubuf = (u0, u1)
    fsem = (sf0, sf1)
    usem = (su0, su1)

    pltpu.sync_copy(idxi.at[wid], idxi_v)
    pltpu.sync_copy(idxuh.at[wid], idxuh_v)
    pltpu.sync_copy(idxuo.at[wid], idxuo_v)
    pltpu.sync_copy(bidx, bidx_v)
    pltpu.sync_copy(posi.at[pl.ds(wid * CW, CW)], posi_v)
    ep_desc = pltpu.make_async_copy(fe.at[posi_v], ep_v, sp)
    ep_desc.start()

    def fire(j, db):
        idx_j = idxi_v.at[pl.ds(j * CW, CW)]
        uidx_j = idxuh_v.at[pl.ds(j * CW, CW)]
        pltpu.make_async_copy(fe.at[idx_j], febuf[db], fsem[db]).start()
        pltpu.make_async_copy(u2.at[uidx_j], ubuf[db], usem[db]).start()

    def drain(j, db):
        idx_j = idxi_v.at[pl.ds(j * CW, CW)]
        uidx_j = idxuh_v.at[pl.ds(j * CW, CW)]
        pltpu.make_async_copy(fe.at[idx_j], febuf[db], fsem[db]).wait()
        pltpu.make_async_copy(u2.at[uidx_j], ubuf[db], usem[db]).wait()

    for db in range(NBUF):
        fire(db, db)

    zero16f = jnp.zeros((L,), jnp.float32)
    ones16 = jnp.ones((L,), jnp.float32)
    iota16 = lax.iota(jnp.int32, L)

    @pl.loop(0, P_W // L)
    def _zero(i):
        mask_v[pl.ds(i * L, L)] = zero16f

    for rc in range(NRAND // RB):
        pltpu.sync_copy(rand.at[pl.ds(rc * RB, RB)], rand_v)

        @pl.loop(0, RB // L, unroll=4)
        def _scat(g):
            r16 = rand_v[pl.ds(g * L, L)]
            m = (r16 >= lo) & (r16 < lo + P_W)
            rl = jnp.where(m, r16 - lo, 0)
            plsc.store_scatter(mask_v, [rl], ones16, mask=m)

    ep_desc.wait()

    @pl.loop(0, NCHUNK, step=NBUF)
    def _chunk(j0):
        for db in range(NBUF):
            j = j0 + db
            drain(j, db)
            fe_v, u_v = febuf[db], ubuf[db]

            ones16i = jnp.full((L,), 1, jnp.int32)
            wrap16i = jnp.full((L,), EMB - 1, jnp.int32)
            c64 = jnp.full((L,), EMB, jnp.int32)

            @pl.loop(0, NG)
            def _group(g):
                rows16 = iota16 + g * L
                bidx16 = bidx_v[pl.ds(j * CW + g * L, L)]
                uoff16 = idxuo_v[pl.ds(j * CW + g * L, L)]
                m16 = mask_v[pl.ds(j * CW + g * L, L)] > 0.0
                acc_d1 = zero16f
                acc_qf = zero16f
                acc_qi = zero16f
                acc_qu = zero16f
                acc_d2 = zero16f
                cd = iota16
                for d in range(EMB):
                    cd64 = cd + c64
                    fd = plsc.load_gather(fe_v, [rows16, cd])
                    ed = plsc.load_gather(fe_v, [rows16, cd64])
                    ud = plsc.load_gather(u_v, [rows16, cd + uoff16])
                    pd = plsc.load_gather(ep_v, [bidx16, cd64])
                    wd = jnp.where(m16, fd, ed)
                    acc_d1 = acc_d1 + pd * fd
                    acc_qf = acc_qf + fd * fd
                    acc_qi = acc_qi + ed * ed
                    acc_qu = acc_qu + ud * ud
                    acc_d2 = acc_d2 + ud * wd
                    if d < EMB - 1:
                        cd = (cd + ones16i) & wrap16i
                for q in range(5):
                    sl = pl.ds(q * CW + g * L, L)
                    acc = (acc_d1, acc_qf, acc_qi, acc_qu, acc_d2)[q]
                    st[sl] = acc

            @pl.when(j + NBUF < NCHUNK)
            def _():
                fire(j + NBUF, db)

            pltpu.sync_copy(st, out_o.at[wid * NCHUNK + j])


def _sc_call(fe, u2, idxi, idxuh, idxuo, posi, bidx, rand):
    mesh = plsc.VectorSubcoreMesh(
        core_axis_name="c", subcore_axis_name="s", num_cores=NC, num_subcores=NS
    )
    row = pltpu.VMEM((CW, 2 * EMB), jnp.float32)
    sem = pltpu.SemaphoreType.DMA
    return pl.kernel(
        _sc_body,
        out_type=jax.ShapeDtypeStruct((NW * NCHUNK, 5 * CW), jnp.float32),
        mesh=mesh,
        compiler_params=pltpu.CompilerParams(
            needs_layout_passes=False, use_tc_tiling_on_sc=True
        ),
        scratch_types=[
            pltpu.VMEM((P_W,), jnp.int32),
            pltpu.VMEM((P_W,), jnp.int32),
            pltpu.VMEM((P_W,), jnp.int32),
            pltpu.VMEM((P_W,), jnp.int32),
            pltpu.VMEM((CW,), jnp.int32),
            pltpu.VMEM((CW, 2 * EMB), jnp.float32),
            pltpu.VMEM((RB,), jnp.int32),
            pltpu.VMEM((P_W,), jnp.float32),
            row, row, row, row,
            pltpu.VMEM((5 * CW,), jnp.float32),
            sem, sem, sem, sem, sem,
        ],
    )(fe, u2, idxi, idxuh, idxuo, posi, bidx, rand)


def _fin_body(d1, qf, qi, qu, d2, loss_o, reg_o):
    eps = 1e-12
    qi_all = qi[...]
    qpos = qi_all[:, 0:1]
    sc = jnp.maximum(jnp.sqrt(qpos), eps) * jnp.maximum(jnp.sqrt(qf[...]), eps)
    s1 = jnp.exp(d1[...] / (sc * TEMP))
    l1 = jnp.mean(
        jnp.log(jnp.sum(s1, axis=1, keepdims=True)) - jnp.log(s1[:, 0:1])
    )
    s2 = jnp.exp(d2[...] / TEMP)
    l2 = jnp.mean(
        jnp.log(jnp.sum(s2, axis=1, keepdims=True)) - jnp.log(s2[:, 0:1])
    )
    reg = (jnp.mean(jnp.sqrt(qu[...])) + jnp.mean(jnp.sqrt(qi_all))) / 2.0
    loss_o[...] = (l1 * LAM + l2 * (1.0 - LAM)).reshape(1, 1)
    reg_o[...] = reg.reshape(1, 1)


def _finish(d1, qf, qi, qu, d2):
    return pl.pallas_call(
        _fin_body,
        out_shape=[
            jax.ShapeDtypeStruct((1, 1), jnp.float32),
            jax.ShapeDtypeStruct((1, 1), jnp.float32),
        ],
    )(d1, qf, qi, qu, d2)


def kernel(user_tensor, item_tensor, rand_index, item_content, W1, b1, W2, b2,
           user_emb, item_emb):
    it = item_tensor.astype(jnp.int32)
    ut = user_tensor.astype(jnp.int32)
    fe = _encode(item_content, W1, b1, W2, b2, item_emb)
    u2 = user_emb.reshape(ITEM_NUM // 2, 2 * EMB)
    idxi = it.reshape(NW, P_W)
    uflat = ut.reshape(NW, P_W)
    idxuh = uflat // 2
    idxuo = (uflat % 2) * EMB
    posi = it[:, 0].astype(jnp.int32)
    bidx = jnp.arange(P_W, dtype=jnp.int32) // K
    rand = rand_index.astype(jnp.int32)
    o = _sc_call(fe, u2, idxi, idxuh, idxuo, posi, bidx, rand)
    o = o.reshape(NW * NCHUNK, 5, CW)
    loss, reg = _finish(
        o[:, 0, :].reshape(B, K), o[:, 1, :].reshape(B, K),
        o[:, 2, :].reshape(B, K), o[:, 3, :].reshape(B, K),
        o[:, 4, :].reshape(B, K)
    )
    return loss.reshape(()), reg.reshape(())

# --- scband reference (transcript-rebuilt; emitter-appended) ---
"""Pipeline reference for scband-clcrec-learner-16630113370543 (READ-ONLY COPY).

The authoritative reference and input builder live on the scoring server;
editing this copy changes nothing except your own understanding.
"""

import jax, jax.numpy as jnp
import numpy as np

USER_NUM = 100000
ITEM_NUM = 100000
CONTENT_DIM = 128
EMB = 64
NUM_NEG = 19
TEMP = 2.0
LAM = 0.5
B = 4096


def _normalize(x, eps=1e-12):
    n = jnp.sqrt(jnp.sum(x * x, axis=1, keepdims=True))
    return x / jnp.maximum(n, eps)


def _loss_contrastive(anchor, allv, temp):
    all_score = jnp.exp(jnp.sum(anchor * allv, axis=1) / temp).reshape(-1, 1 + NUM_NEG)
    pos_score = all_score[:, 0]
    denom = jnp.sum(all_score, axis=1)
    return jnp.mean(-jnp.log(pos_score / denom))


def setup_inputs(seed: int = 0) -> dict:
    key = jax.random.key(seed)
    ks = jax.random.split(key, 10)
    user_tensor = jax.random.randint(ks[0], (B, 1 + NUM_NEG), 0, USER_NUM, dtype=jnp.int64 if jax.config.jax_enable_x64 else jnp.int32)
    item_tensor = jax.random.randint(ks[1], (B, 1 + NUM_NEG), 0, ITEM_NUM, dtype=jnp.int64 if jax.config.jax_enable_x64 else jnp.int32)
    n_tot = B * (1 + NUM_NEG)
    rand_index = jax.random.randint(ks[2], (n_tot // 2,), 0, n_tot, dtype=jnp.int64 if jax.config.jax_enable_x64 else jnp.int32)
    item_content = jax.random.normal(ks[3], (ITEM_NUM, CONTENT_DIM), dtype=jnp.float32)
    W1 = jax.random.normal(ks[4], (CONTENT_DIM, 256), dtype=jnp.float32) * 0.05
    b1 = jnp.zeros((256,), dtype=jnp.float32)
    W2 = jax.random.normal(ks[5], (256, EMB), dtype=jnp.float32) * 0.05
    b2 = jnp.zeros((EMB,), dtype=jnp.float32)
    user_emb = jax.random.normal(ks[6], (USER_NUM, EMB), dtype=jnp.float32) * 0.05
    item_emb = jax.random.normal(ks[7], (ITEM_NUM, EMB), dtype=jnp.float32) * 0.05
    return {
        'user_tensor': user_tensor,
        'item_tensor': item_tensor,
        'rand_index': rand_index,
        'item_content': item_content,
        'W1': W1, 'b1': b1, 'W2': W2, 'b2': b2,
        'user_emb': user_emb, 'item_emb': item_emb,
    }


def reference(user_tensor, item_tensor, rand_index, item_content, W1, b1, W2, b2, user_emb, item_emb):
    # pos_item_tensor = item_tensor[:, 0].unsqueeze(1).repeat(1, 1+num_neg).view(-1)
    pos_item_flat = jnp.repeat(item_tensor[:, 0:1], 1 + NUM_NEG, axis=1).reshape(-1)
    user_flat = user_tensor.reshape(-1)
    item_flat = item_tensor.reshape(-1)
    # encoder over full content table
    h = jax.nn.leaky_relu(item_content @ W1 + b1, negative_slope=0.01)
    feature = h @ W2 + b2  # [ITEM_NUM, EMB]
    # embedding lookups (gathers)
    all_item_feat = jnp.take(feature, item_flat, axis=0)
    user_embedding = jnp.take(user_emb, user_flat, axis=0)
    pos_item_embedding = jnp.take(item_emb, pos_item_flat, axis=0)
    all_item_embedding = jnp.take(item_emb, item_flat, axis=0)
    head_feat = _normalize(all_item_feat)
    head_embed = _normalize(pos_item_embedding)
    # scatter-overwrite: replace sampled rows with content features
    all_item_input = all_item_embedding.at[rand_index].set(jnp.take(all_item_feat, rand_index, axis=0))
    loss1 = _loss_contrastive(head_embed, head_feat, TEMP)
    loss2 = _loss_contrastive(user_embedding, all_item_input, TEMP)
    reg_loss = (jnp.mean(jnp.sqrt(jnp.sum(user_embedding ** 2, axis=1))) + jnp.mean(jnp.sqrt(jnp.sum(all_item_embedding ** 2, axis=1)))) / 2.0
    return (loss1 * LAM + loss2 * (1.0 - LAM), reg_loss)

if __name__ == "__main__":
    import jax
    _d = setup_inputs()
    print(jax.jit(kernel)(*tuple(_d.values())))

</pallas_src>

<mosaic_0001>
#map = affine_map<(d0, d1) -> (0, 0)>
#map1 = affine_map<(d0, d1) -> (0)>
module attributes {stable_mosaic.version = 14 : i64} {
  func.func @_sc_body(%arg0: i32, %arg1: i32, %arg2: memref<100000x128xf32, #tpu.memory_space<hbm>>, %arg3: memref<50000x128xf32, #tpu.memory_space<hbm>>, %arg4: memref<32x2560xi32, #tpu.memory_space<hbm>>, %arg5: memref<32x2560xi32, #tpu.memory_space<hbm>>, %arg6: memref<32x2560xi32, #tpu.memory_space<hbm>>, %arg7: memref<4096xi32, #tpu.memory_space<hbm>>, %arg8: memref<2560xi32, #tpu.memory_space<hbm>>, %arg9: memref<40960xi32, #tpu.memory_space<hbm>>, %arg10: memref<640x640xf32, #tpu.memory_space<hbm>>, %arg11: memref<2560xi32, #tpu.memory_space<vmem>>, %arg12: memref<2560xi32, #tpu.memory_space<vmem>>, %arg13: memref<2560xi32, #tpu.memory_space<vmem>>, %arg14: memref<2560xi32, #tpu.memory_space<vmem>>, %arg15: memref<128xi32, #tpu.memory_space<vmem>>, %arg16: memref<128x128xf32, #tpu.memory_space<vmem>>, %arg17: memref<10240xi32, #tpu.memory_space<vmem>>, %arg18: memref<2560xf32, #tpu.memory_space<vmem>>, %arg19: memref<128x128xf32, #tpu.memory_space<vmem>>, %arg20: memref<128x128xf32, #tpu.memory_space<vmem>>, %arg21: memref<128x128xf32, #tpu.memory_space<vmem>>, %arg22: memref<128x128xf32, #tpu.memory_space<vmem>>, %arg23: memref<640xf32, #tpu.memory_space<vmem>>, %arg24: memref<!tpu.dma_semaphore, #tpu.memory_space<semaphore_mem>>, %arg25: memref<!tpu.dma_semaphore, #tpu.memory_space<semaphore_mem>>, %arg26: memref<!tpu.dma_semaphore, #tpu.memory_space<semaphore_mem>>, %arg27: memref<!tpu.dma_semaphore, #tpu.memory_space<semaphore_mem>>, %arg28: memref<!tpu.dma_semaphore, #tpu.memory_space<semaphore_mem>>) attributes {dimension_semantics = [#tpu.dimension_semantics<core_parallel>, #tpu.dimension_semantics<subcore_parallel>], iteration_bounds = array<i64: 2, 16>, scalar_prefetch = 0 : i64, scratch_operands = 18 : i64, tpu.core_type = #tpu.core_type<sc_vector_subcore>, window_params = [{transform_indices = #map}, {transform_indices = #map}, {transform_indices = #map}, {transform_indices = #map}, {transform_indices = #map}, {transform_indices = #map1}, {transform_indices = #map1}, {transform_indices = #map1}, {transform_indices = #map}]} {
    %mul3A = arith.constant 16 : i32
    %mul3A_0 = arith.muli %arg0, %mul3A : i32
    %add3A = arith.addi %mul3A_0, %arg1 : i32
    %mul3A_1 = arith.constant 2560 : i32
    %mul3A_2 = arith.muli %add3A, %mul3A_1 : i32
    "tpu.region"() ({
      %run_scoped3A = tpu.sem_alloc : memref<!tpu.dma_semaphore, #tpu.memory_space<semaphore_mem>>
      %dma_start3A_61 = arith.constant 0 : i32
      %dma_start3A_62 = tpu.memref_slice %arg4[%add3A, %dma_start3A_61] : memref<32x2560xi32, #tpu.memory_space<hbm>> -> memref<1x2560xi32, #tpu.memory_space<hbm>>
      %dma_start3A_63 = tpu.memref_squeeze %dma_start3A_62 : memref<1x2560xi32, #tpu.memory_space<hbm>> -> memref<2560xi32, #tpu.memory_space<hbm>>
      %dma_start3A_64 = arith.constant 0 : i32
      %dma_start3A_65 = tpu.memref_slice %arg4[%add3A, %dma_start3A_64] : memref<32x2560xi32, #tpu.memory_space<hbm>> -> memref<1x2560xi32, #tpu.memory_space<hbm>>
      %dma_start3A_66 = tpu.memref_squeeze %dma_start3A_65 : memref<1x2560xi32, #tpu.memory_space<hbm>> -> memref<2560xi32, #tpu.memory_space<hbm>>
      tpu.enqueue_dma source(%dma_start3A_66 : memref<2560xi32, #tpu.memory_space<hbm>>) target(%arg11 : memref<2560xi32, #tpu.memory_space<vmem>>) target_semaphore(%run_scoped3A : memref<!tpu.dma_semaphore, #tpu.memory_space<semaphore_mem>>)
      %dma_wait3A_67 = arith.constant 0 : i32
      %dma_wait3A_68 = tpu.memref_slice %arg4[%add3A, %dma_wait3A_67] : memref<32x2560xi32, #tpu.memory_space<hbm>> -> memref<1x2560xi32, #tpu.memory_space<hbm>>
      %dma_wait3A_69 = tpu.memref_squeeze %dma_wait3A_68 : memref<1x2560xi32, #tpu.memory_space<hbm>> -> memref<2560xi32, #tpu.memory_space<hbm>>
      %dma_wait3A_70 = arith.constant 0 : i32
      %dma_wait3A_71 = tpu.memref_slice %arg4[%add3A, %dma_wait3A_70] : memref<32x2560xi32, #tpu.memory_space<hbm>> -> memref<1x2560xi32, #tpu.memory_space<hbm>>
      %dma_wait3A_72 = tpu.memref_squeeze %dma_wait3A_71 : memref<1x2560xi32, #tpu.memory_space<hbm>> -> memref<2560xi32, #tpu.memory_space<hbm>>
      tpu.wait_dma2 semaphore(%run_scoped3A : memref<!tpu.dma_semaphore, #tpu.memory_space<semaphore_mem>>) src(%dma_wait3A_72 : memref<2560xi32, #tpu.memory_space<hbm>>) dst(%arg11 : memref<2560xi32, #tpu.memory_space<vmem>>)
      tpu.yield
    }) : () -> ()
    "tpu.region"() ({
      %run_scoped3A = tpu.sem_alloc : memref<!tpu.dma_semaphore, #tpu.memory_space<semaphore_mem>>
      %dma_start3A_61 = arith.constant 0 : i32
      %dma_start3A_62 = tpu.memref_slice %arg5[%add3A, %dma_start3A_61] : memref<32x2560xi32, #tpu.memory_space<hbm>> -> memref<1x2560xi32, #tpu.memory_space<hbm>>
      %dma_start3A_63 = tpu.memref_squeeze %dma_start3A_62 : memref<1x2560xi32, #tpu.memory_space<hbm>> -> memref<2560xi32, #tpu.memory_space<hbm>>
      %dma_start3A_64 = arith.constant 0 : i32
      %dma_start3A_65 = tpu.memref_slice %arg5[%add3A, %dma_start3A_64] : memref<32x2560xi32, #tpu.memory_space<hbm>> -> memref<1x2560xi32, #tpu.memory_space<hbm>>
      %dma_start3A_66 = tpu.memref_squeeze %dma_start3A_65 : memref<1x2560xi32, #tpu.memory_space<hbm>> -> memref<2560xi32, #tpu.memory_space<hbm>>
      tpu.enqueue_dma source(%dma_start3A_66 : memref<2560xi32, #tpu.memory_space<hbm>>) target(%arg12 : memref<2560xi32, #tpu.memory_space<vmem>>) target_semaphore(%run_scoped3A : memref<!tpu.dma_semaphore, #tpu.memory_space<semaphore_mem>>)
      %dma_wait3A_67 = arith.constant 0 : i32
      %dma_wait3A_68 = tpu.memref_slice %arg5[%add3A, %dma_wait3A_67] : memref<32x2560xi32, #tpu.memory_space<hbm>> -> memref<1x2560xi32, #tpu.memory_space<hbm>>
      %dma_wait3A_69 = tpu.memref_squeeze %dma_wait3A_68 : memref<1x2560xi32, #tpu.memory_space<hbm>> -> memref<2560xi32, #tpu.memory_space<hbm>>
      %dma_wait3A_70 = arith.constant 0 : i32
      %dma_wait3A_71 = tpu.memref_slice %arg5[%add3A, %dma_wait3A_70] : memref<32x2560xi32, #tpu.memory_space<hbm>> -> memref<1x2560xi32, #tpu.memory_space<hbm>>
      %dma_wait3A_72 = tpu.memref_squeeze %dma_wait3A_71 : memref<1x2560xi32, #tpu.memory_space<hbm>> -> memref<2560xi32, #tpu.memory_space<hbm>>
      tpu.wait_dma2 semaphore(%run_scoped3A : memref<!tpu.dma_semaphore, #tpu.memory_space<semaphore_mem>>) src(%dma_wait3A_72 : memref<2560xi32, #tpu.memory_space<hbm>>) dst(%arg12 : memref<2560xi32, #tpu.memory_space<vmem>>)
      tpu.yield
    }) : () -> ()
    "tpu.region"() ({
      %run_scoped3A = tpu.sem_alloc : memref<!tpu.dma_semaphore, #tpu.memory_space<semaphore_mem>>
      %dma_start3A_61 = arith.constant 0 : i32
      %dma_start3A_62 = tpu.memref_slice %arg6[%add3A, %dma_start3A_61] : memref<32x2560xi32, #tpu.memory_space<hbm>> -> memref<1x2560xi32, #tpu.memory_space<hbm>>
      %dma_start3A_63 = tpu.memref_squeeze %dma_start3A_62 : memref<1x2560xi32, #tpu.memory_space<hbm>> -> memref<2560xi32, #tpu.memory_space<hbm>>
      %dma_start3A_64 = arith.constant 0 : i32
      %dma_start3A_65 = tpu.memref_slice %arg6[%add3A, %dma_start3A_64] : memref<32x2560xi32, #tpu.memory_space<hbm>> -> memref<1x2560xi32, #tpu.memory_space<hbm>>
      %dma_start3A_66 = tpu.memref_squeeze %dma_start3A_65 : memref<1x2560xi32, #tpu.memory_space<hbm>> -> memref<2560xi32, #tpu.memory_space<hbm>>
      tpu.enqueue_dma source(%dma_start3A_66 : memref<2560xi32, #tpu.memory_space<hbm>>) target(%arg13 : memref<2560xi32, #tpu.memory_space<vmem>>) target_semaphore(%run_scoped3A : memref<!tpu.dma_semaphore, #tpu.memory_space<semaphore_mem>>)
      %dma_wait3A_67 = arith.constant 0 : i32
      %dma_wait3A_68 = tpu.memref_slice %arg6[%add3A, %dma_wait3A_67] : memref<32x2560xi32, #tpu.memory_space<hbm>> -> memref<1x2560xi32, #tpu.memory_space<hbm>>
      %dma_wait3A_69 = tpu.memref_squeeze %dma_wait3A_68 : memref<1x2560xi32, #tpu.memory_space<hbm>> -> memref<2560xi32, #tpu.memory_space<hbm>>
      %dma_wait3A_70 = arith.constant 0 : i32
      %dma_wait3A_71 = tpu.memref_slice %arg6[%add3A, %dma_wait3A_70] : memref<32x2560xi32, #tpu.memory_space<hbm>> -> memref<1x2560xi32, #tpu.memory_space<hbm>>
      %dma_wait3A_72 = tpu.memref_squeeze %dma_wait3A_71 : memref<1x2560xi32, #tpu.memory_space<hbm>> -> memref<2560xi32, #tpu.memory_space<hbm>>
      tpu.wait_dma2 semaphore(%run_scoped3A : memref<!tpu.dma_semaphore, #tpu.memory_space<semaphore_mem>>) src(%dma_wait3A_72 : memref<2560xi32, #tpu.memory_space<hbm>>) dst(%arg13 : memref<2560xi32, #tpu.memory_space<vmem>>)
      tpu.yield
    }) : () -> ()
    "tpu.region"() ({
      %run_scoped3A = tpu.sem_alloc : memref<!tpu.dma_semaphore, #tpu.memory_space<semaphore_mem>>
      tpu.enqueue_dma source(%arg8 : memref<2560xi32, #tpu.memory_space<hbm>>) target(%arg14 : memref<2560xi32, #tpu.memory_space<vmem>>) target_semaphore(%run_scoped3A : memref<!tpu.dma_semaphore, #tpu.memory_space<semaphore_mem>>)
      tpu.wait_dma2 semaphore(%run_scoped3A : memref<!tpu.dma_semaphore, #tpu.memory_space<semaphore_mem>>) src(%arg8 : memref<2560xi32, #tpu.memory_space<hbm>>) dst(%arg14 : memref<2560xi32, #tpu.memory_space<vmem>>)
      tpu.yield
    }) : () -> ()
    %mul3A_3 = arith.constant 128 : i32
    %mul3A_4 = arith.muli %add3A, %mul3A_3 : i32
    "tpu.region"() ({
      %run_scoped3A = tpu.sem_alloc : memref<!tpu.dma_semaphore, #tpu.memory_space<semaphore_mem>>
      %dma_start3A_61 = tpu.memref_slice %arg7[%mul3A_4] : memref<4096xi32, #tpu.memory_space<hbm>> -> memref<128xi32, #tpu.memory_space<hbm>>
      %dma_start3A_62 = tpu.memref_slice %arg7[%mul3A_4] : memref<4096xi32, #tpu.memory_space<hbm>> -> memref<128xi32, #tpu.memory_space<hbm>>
      tpu.enqueue_dma source(%dma_start3A_62 : memref<128xi32, #tpu.memory_space<hbm>>) target(%arg15 : memref<128xi32, #tpu.memory_space<vmem>>) target_semaphore(%run_scoped3A : memref<!tpu.dma_semaphore, #tpu.memory_space<semaphore_mem>>)
      %dma_wait3A_63 = tpu.memref_slice %arg7[%mul3A_4] : memref<4096xi32, #tpu.memory_space<hbm>> -> memref<128xi32, #tpu.memory_space<hbm>>
      %dma_wait3A_64 = tpu.memref_slice %arg7[%mul3A_4] : memref<4096xi32, #tpu.memory_space<hbm>> -> memref<128xi32, #tpu.memory_space<hbm>>
      tpu.wait_dma2 semaphore(%run_scoped3A : memref<!tpu.dma_semaphore, #tpu.memory_space<semaphore_mem>>) src(%dma_wait3A_64 : memref<128xi32, #tpu.memory_space<hbm>>) dst(%arg15 : memref<128xi32, #tpu.memory_space<vmem>>)
      tpu.yield
    }) : () -> ()
    %dma_start3A = arith.constant 0 : i32
    %dma_start3A_5 = arith.constant 0 : i32
    %dma_start3A_6 = tpu.memref_slice %arg2[%dma_start3A, %dma_start3A_5] : memref<100000x128xf32, #tpu.memory_space<hbm>> -> memref<100000x128xf32, #tpu.memory_space<hbm>>
    tpu.enqueue_indirect_dma source(%dma_start3A_6 : memref<100000x128xf32, #tpu.memory_space<hbm>>) target(%arg16 : memref<128x128xf32, #tpu.memory_space<vmem>>) offsets(%arg15 : memref<128xi32, #tpu.memory_space<vmem>>) semaphore(%arg28 : memref<!tpu.dma_semaphore, #tpu.memory_space<semaphore_mem>>)
    %dma_start3A_7 = arith.constant 0 : i32
    %dma_start3A_8 = tpu.memref_slice %arg11[%dma_start3A_7] : memref<2560xi32, #tpu.memory_space<vmem>> -> memref<128xi32, #tpu.memory_space<vmem>>
    %dma_start3A_9 = arith.constant 0 : i32
    %dma_start3A_10 = arith.constant 0 : i32
    %dma_start3A_11 = tpu.memref_slice %arg2[%dma_start3A_9, %dma_start3A_10] : memref<100000x128xf32, #tpu.memory_space<hbm>> -> memref<100000x128xf32, #tpu.memory_space<hbm>>
    tpu.enqueue_indirect_dma source(%dma_start3A_11 : memref<100000x128xf32, #tpu.memory_space<hbm>>) target(%arg19 : memref<128x128xf32, #tpu.memory_space<vmem>>) offsets(%dma_start3A_8 : memref<128xi32, #tpu.memory_space<vmem>>) semaphore(%arg24 : memref<!tpu.dma_semaphore, #tpu.memory_space<semaphore_mem>>)
    %dma_start3A_12 = arith.constant 0 : i32
    %dma_start3A_13 = tpu.memref_slice %arg12[%dma_start3A_12] : memref<2560xi32, #tpu.memory_space<vmem>> -> memref<128xi32, #tpu.memory_space<vmem>>
    %dma_start3A_14 = arith.constant 0 : i32
    %dma_start3A_15 = arith.constant 0 : i32
    %dma_start3A_16 = tpu.memref_slice %arg3[%dma_start3A_14, %dma_start3A_15] : memref<50000x128xf32, #tpu.memory_space<hbm>> -> memref<50000x128xf32, #tpu.memory_space<hbm>>
    tpu.enqueue_indirect_dma source(%dma_start3A_16 : memref<50000x128xf32, #tpu.memory_space<hbm>>) target(%arg21 : memref<128x128xf32, #tpu.memory_space<vmem>>) offsets(%dma_start3A_13 : memref<128xi32, #tpu.memory_space<vmem>>) semaphore(%arg26 : memref<!tpu.dma_semaphore, #tpu.memory_space<semaphore_mem>>)
    %dma_start3A_17 = arith.constant 128 : i32
    %dma_start3A_18 = tpu.memref_slice %arg11[%dma_start3A_17] : memref<2560xi32, #tpu.memory_space<vmem>> -> memref<128xi32, #tpu.memory_space<vmem>>
    %dma_start3A_19 = arith.constant 0 : i32
    %dma_start3A_20 = arith.constant 0 : i32
    %dma_start3A_21 = tpu.memref_slice %arg2[%dma_start3A_19, %dma_start3A_20] : memref<100000x128xf32, #tpu.memory_space<hbm>> -> memref<100000x128xf32, #tpu.memory_space<hbm>>
    tpu.enqueue_indirect_dma source(%dma_start3A_21 : memref<100000x128xf32, #tpu.memory_space<hbm>>) target(%arg20 : memref<128x128xf32, #tpu.memory_space<vmem>>) offsets(%dma_start3A_18 : memref<128xi32, #tpu.memory_space<vmem>>) semaphore(%arg25 : memref<!tpu.dma_semaphore, #tpu.memory_space<semaphore_mem>>)
    %dma_start3A_22 = arith.constant 128 : i32
    %dma_start3A_23 = tpu.memref_slice %arg12[%dma_start3A_22] : memref<2560xi32, #tpu.memory_space<vmem>> -> memref<128xi32, #tpu.memory_space<vmem>>
    %dma_start3A_24 = arith.constant 0 : i32
    %dma_start3A_25 = arith.constant 0 : i32
    %dma_start3A_26 = tpu.memref_slice %arg3[%dma_start3A_24, %dma_start3A_25] : memref<50000x128xf32, #tpu.memory_space<hbm>> -> memref<50000x128xf32, #tpu.memory_space<hbm>>
    tpu.enqueue_indirect_dma source(%dma_start3A_26 : memref<50000x128xf32, #tpu.memory_space<hbm>>) target(%arg22 : memref<128x128xf32, #tpu.memory_space<vmem>>) offsets(%dma_start3A_23 : memref<128xi32, #tpu.memory_space<vmem>>) semaphore(%arg27 : memref<!tpu.dma_semaphore, #tpu.memory_space<semaphore_mem>>)
    %broadcast_in_dim3A = arith.constant 0.000000e+00 : f32
    %broadcast_in_dim3A_27 = vector.broadcast %broadcast_in_dim3A : f32 to vector<16xf32>
    %broadcast_in_dim3A_28 = arith.constant 1.000000e+00 : f32
    %broadcast_in_dim3A_29 = vector.broadcast %broadcast_in_dim3A_28 : f32 to vector<16xf32>
    %iota3A = tpu.iota {dimensions = array<i32: 0>} : vector<16xi32>
    %scan3A = arith.constant 0 : i32
    %scan3A_30 = arith.constant 160 : i32
    %scan3A_31 = arith.addi %scan3A, %scan3A_30 : i32
    %scan3A_32 = arith.constant 1 : i32
    scf.for %scan3A_61 = %scan3A to %scan3A_31 step %scan3A_32  : i32 {
      %mul3A_62 = arith.constant 1 : i32
      %mul3A_63 = arith.muli %scan3A_61, %mul3A_62 : i32
      %add3A_64 = arith.constant 0 : i32
      %add3A_65 = arith.addi %add3A_64, %mul3A_63 : i32
      %mul3A_66 = arith.constant 16 : i32
      %mul3A_67 = arith.muli %add3A_65, %mul3A_66 : i32
      %swap3A = arith.index_cast %mul3A_67 : i32 to index
      %swap3A_68 = tpu.vector_load %arg18[%swap3A] {strides = array<i32>} : memref<2560xf32, #tpu.memory_space<vmem>>, vector<16xf32>,
      tpu.vector_store %arg18[%swap3A], %broadcast_in_dim3A_27 {strides = array<i32>} : memref<2560xf32, #tpu.memory_space<vmem>>, vector<16xf32>,
    }
    %scan3A_33 = arith.constant 160 : i32
    "tpu.region"() ({
      %run_scoped3A = tpu.sem_alloc : memref<!tpu.dma_semaphore, #tpu.memory_space<semaphore_mem>>
      %dma_start3A_61 = arith.constant 0 : i32
      %dma_start3A_62 = tpu.memref_slice %arg9[%dma_start3A_61] : memref<40960xi32, #tpu.memory_space<hbm>> -> memref<10240xi32, #tpu.memory_space<hbm>>
      %dma_start3A_63 = arith.constant 0 : i32
      %dma_start3A_64 = tpu.memref_slice %arg9[%dma_start3A_63] : memref<40960xi32, #tpu.memory_space<hbm>> -> memref<10240xi32, #tpu.memory_space<hbm>>
      tpu.enqueue_dma source(%dma_start3A_64 : memref<10240xi32, #tpu.memory_space<hbm>>) target(%arg17 : memref<10240xi32, #tpu.memory_space<vmem>>) target_semaphore(%run_scoped3A : memref<!tpu.dma_semaphore, #tpu.memory_space<semaphore_mem>>)
      %dma_wait3A_65 = arith.constant 0 : i32
      %dma_wait3A_66 = tpu.memref_slice %arg9[%dma_wait3A_65] : memref<40960xi32, #tpu.memory_space<hbm>> -> memref<10240xi32, #tpu.memory_space<hbm>>
      %dma_wait3A_67 = arith.constant 0 : i32
      %dma_wait3A_68 = tpu.memref_slice %arg9[%dma_wait3A_67] : memref<40960xi32, #tpu.memory_space<hbm>> -> memref<10240xi32, #tpu.memory_space<hbm>>
      tpu.wait_dma2 semaphore(%run_scoped3A : memref<!tpu.dma_semaphore, #tpu.memory_space<semaphore_mem>>) src(%dma_wait3A_68 : memref<10240xi32, #tpu.memory_space<hbm>>) dst(%arg17 : memref<10240xi32, #tpu.memory_space<vmem>>)
      tpu.yield
    }) : () -> ()
    %scan3A_34 = arith.constant 0 : i32
    %scan3A_35 = arith.constant 640 : i32
    %scan3A_36 = arith.addi %scan3A_34, %scan3A_35 : i32
    %scan3A_37 = arith.constant 4 : i32
    scf.for %scan3A_61 = %scan3A_34 to %scan3A_36 step %scan3A_37  : i32 {
      %mul3A_62 = arith.constant 1 : i32
      %mul3A_63 = arith.muli %scan3A_61, %mul3A_62 : i32
      %add3A_64 = arith.constant 0 : i32
      %add3A_65 = arith.addi %add3A_64, %mul3A_63 : i32
      %mul3A_66 = arith.constant 16 : i32
      %mul3A_67 = arith.muli %add3A_65, %mul3A_66 : i32
      %get3A = arith.index_cast %mul3A_67 : i32 to index
      %get3A_68 = tpu.vector_load %arg17[%get3A] {strides = array<i32>} : memref<10240xi32, #tpu.memory_space<vmem>>, vector<16xi32>,
      %ge3A = vector.broadcast %mul3A_2 : i32 to vector<16xi32>
      %ge3A_69 = arith.cmpi sge, %get3A_68, %ge3A : vector<16xi32>
      %add3A_70 = arith.constant 2560 : i32
      %add3A_71 = arith.addi %mul3A_2, %add3A_70 : i32
      %lt3A = vector.broadcast %add3A_71 : i32 to vector<16xi32>
      %lt3A_72 = arith.cmpi slt, %get3A_68, %lt3A : vector<16xi32>
      %and3A = arith.andi %ge3A_69, %lt3A_72 : vector<16xi1>
      %sub3A = vector.broadcast %mul3A_2 : i32 to vector<16xi32>
      %sub3A_73 = arith.subi %get3A_68, %sub3A : vector<16xi32>
      %jit3A = arith.constant 0 : i32
      %broadcast_in_dim3A_74 = vector.broadcast %jit3A : i32 to vector<16xi32>
      %select_n3A = arith.select %and3A, %sub3A_73, %broadcast_in_dim3A_74 : vector<16xi1>, vector<16xi32>
      tpu.vector_store_idx %arg18[%select_n3A], %broadcast_in_dim3A_29 masked %and3A : memref<2560xf32, #tpu.memory_space<vmem>>[vector<16xi32>], vector<16xf32>, vector<16xi1>
      %scan3A_75 = arith.constant 1 : i32
      %scan3A_76 = arith.addi %scan3A_61, %scan3A_75 : i32
      %mul3A_77 = arith.constant 1 : i32
      %mul3A_78 = arith.muli %scan3A_76, %mul3A_77 : i32
      %add3A_79 = arith.constant 0 : i32
      %add3A_80 = arith.addi %add3A_79, %mul3A_78 : i32
      %mul3A_81 = arith.constant 16 : i32
      %mul3A_82 = arith.muli %add3A_80, %mul3A_81 : i32
      %get3A_83 = arith.index_cast %mul3A_82 : i32 to index
      %get3A_84 = tpu.vector_load %arg17[%get3A_83] {strides = array<i32>} : memref<10240xi32, #tpu.memory_space<vmem>>, vector<16xi32>,
      %ge3A_85 = vector.broadcast %mul3A_2 : i32 to vector<16xi32>
      %ge3A_86 = arith.cmpi sge, %get3A_84, %ge3A_85 : vector<16xi32>
      %add3A_87 = arith.constant 2560 : i32
      %add3A_88 = arith.addi %mul3A_2, %add3A_87 : i32
      %lt3A_89 = vector.broadcast %add3A_88 : i32 to vector<16xi32>
      %lt3A_90 = arith.cmpi slt, %get3A_84, %lt3A_89 : vector<16xi32>
      %and3A_91 = arith.andi %ge3A_86, %lt3A_90 : vector<16xi1>
      %sub3A_92 = vector.broadcast %mul3A_2 : i32 to vector<16xi32>
      %sub3A_93 = arith.subi %get3A_84, %sub3A_92 : vector<16xi32>
      %jit3A_94 = arith.constant 0 : i32
      %broadcast_in_dim3A_95 = vector.broadcast %jit3A_94 : i32 to vector<16xi32>
      %select_n3A_96 = arith.select %and3A_91, %sub3A_93, %broadcast_in_dim3A_95 : vector<16xi1>, vector<16xi32>
      tpu.vector_store_idx %arg18[%select_n3A_96], %broadcast_in_dim3A_29 masked %and3A_91 : memref<2560xf32, #tpu.memory_space<vmem>>[vector<16xi32>], vector<16xf32>, vector<16xi1>
      %scan3A_97 = arith.constant 2 : i32
      %scan3A_98 = arith.addi %scan3A_61, %scan3A_97 : i32
      %mul3A_99 = arith.constant 1 : i32
      %mul3A_100 = arith.muli %scan3A_98, %mul3A_99 : i32
      %add3A_101 = arith.constant 0 : i32
      %add3A_102 = arith.addi %add3A_101, %mul3A_100 : i32
      %mul3A_103 = arith.constant 16 : i32
      %mul3A_104 = arith.muli %add3A_102, %mul3A_103 : i32
      %get3A_105 = arith.index_cast %mul3A_104 : i32 to index
      %get3A_106 = tpu.vector_load %arg17[%get3A_105] {strides = array<i32>} : memref<10240xi32, #tpu.memory_space<vmem>>, vector<16xi32>,
      %ge3A_107 = vector.broadcast %mul3A_2 : i32 to vector<16xi32>
      %ge3A_108 = arith.cmpi sge, %get3A_106, %ge3A_107 : vector<16xi32>
      %add3A_109 = arith.constant 2560 : i32
      %add3A_110 = arith.addi %mul3A_2, %add3A_109 : i32
      %lt3A_111 = vector.broadcast %add3A_110 : i32 to vector<16xi32>
      %lt3A_112 = arith.cmpi slt, %get3A_106, %lt3A_111 : vector<16xi32>
      %and3A_113 = arith.andi %ge3A_108, %lt3A_112 : vector<16xi1>
      %sub3A_114 = vector.broadcast %mul3A_2 : i32 to vector<16xi32>
      %sub3A_115 = arith.subi %get3A_106, %sub3A_114 : vector<16xi32>
      %jit3A_116 = arith.constant 0 : i32
      %broadcast_in_dim3A_117 = vector.broadcast %jit3A_116 : i32 to vector<16xi32>
      %select_n3A_118 = arith.select %and3A_113, %sub3A_115, %broadcast_in_dim3A_117 : vector<16xi1>, vector<16xi32>
      tpu.vector_store_idx %arg18[%select_n3A_118], %broadcast_in_dim3A_29 masked %and3A_113 : memref<2560xf32, #tpu.memory_space<vmem>>[vector<16xi32>], vector<16xf32>, vector<16xi1>
      %scan3A_119 = arith.constant 3 : i32
      %scan3A_120 = arith.addi %scan3A_61, %scan3A_119 : i32
      %mul3A_121 = arith.constant 1 : i32
      %mul3A_122 = arith.muli %scan3A_120, %mul3A_121 : i32
      %add3A_123 = arith.constant 0 : i32
      %add3A_124 = arith.addi %add3A_123, %mul3A_122 : i32
      %mul3A_125 = arith.constant 16 : i32
      %mul3A_126 = arith.muli %add3A_124, %mul3A_125 : i32
      %get3A_127 = arith.index_cast %mul3A_126 : i32 to index
      %get3A_128 = tpu.vector_load %arg17[%get3A_127] {strides = array<i32>} : memref<10240xi32, #tpu.memory_space<vmem>>, vector<16xi32>,
      %ge3A_129 = vector.broadcast %mul3A_2 : i32 to vector<16xi32>
      %ge3A_130 = arith.cmpi sge, %get3A_128, %ge3A_129 : vector<16xi32>
      %add3A_131 = arith.constant 2560 : i32
      %add3A_132 = arith.addi %mul3A_2, %add3A_131 : i32
      %lt3A_133 = vector.broadcast %add3A_132 : i32 to vector<16xi32>
      %lt3A_134 = arith.cmpi slt, %get3A_128, %lt3A_133 : vector<16xi32>
      %and3A_135 = arith.andi %ge3A_130, %lt3A_134 : vector<16xi1>
      %sub3A_136 = vector.broadcast %mul3A_2 : i32 to vector<16xi32>
      %sub3A_137 = arith.subi %get3A_128, %sub3A_136 : vector<16xi32>
      %jit3A_138 = arith.constant 0 : i32
      %broadcast_in_dim3A_139 = vector.broadcast %jit3A_138 : i32 to vector<16xi32>
      %select_n3A_140 = arith.select %and3A_135, %sub3A_137, %broadcast_in_dim3A_139 : vector<16xi1>, vector<16xi32>
      tpu.vector_store_idx %arg18[%select_n3A_140], %broadcast_in_dim3A_29 masked %and3A_135 : memref<2560xf32, #tpu.memory_space<vmem>>[vector<16xi32>], vector<16xf32>, vector<16xi1>
    }
    %scan3A_38 = arith.constant 640 : i32
    "tpu.region"() ({
      %run_scoped3A = tpu.sem_alloc : memref<!tpu.dma_semaphore, #tpu.memory_space<semaphore_mem>>
      %dma_start3A_61 = arith.constant 10240 : i32
      %dma_start3A_62 = tpu.memref_slice %arg9[%dma_start3A_61] : memref<40960xi32, #tpu.memory_space<hbm>> -> memref<10240xi32, #tpu.memory_space<hbm>>
      %dma_start3A_63 = arith.constant 10240 : i32
      %dma_start3A_64 = tpu.memref_slice %arg9[%dma_start3A_63] : memref<40960xi32, #tpu.memory_space<hbm>> -> memref<10240xi32, #tpu.memory_space<hbm>>
      tpu.enqueue_dma source(%dma_start3A_64 : memref<10240xi32, #tpu.memory_space<hbm>>) target(%arg17 : memref<10240xi32, #tpu.memory_space<vmem>>) target_semaphore(%run_scoped3A : memref<!tpu.dma_semaphore, #tpu.memory_space<semaphore_mem>>)
      %dma_wait3A_65 = arith.constant 10240 : i32
      %dma_wait3A_66 = tpu.memref_slice %arg9[%dma_wait3A_65] : memref<40960xi32, #tpu.memory_space<hbm>> -> memref<10240xi32, #tpu.memory_space<hbm>>
      %dma_wait3A_67 = arith.constant 10240 : i32
      %dma_wait3A_68 = tpu.memref_slice %arg9[%dma_wait3A_67] : memref<40960xi32, #tpu.memory_space<hbm>> -> memref<10240xi32, #tpu.memory_space<hbm>>
      tpu.wait_dma2 semaphore(%run_scoped3A : memref<!tpu.dma_semaphore, #tpu.memory_space<semaphore_mem>>) src(%dma_wait3A_68 : memref<10240xi32, #tpu.memory_space<hbm>>) dst(%arg17 : memref<10240xi32, #tpu.memory_space<vmem>>)
      tpu.yield
    }) : () -> ()
    %scan3A_39 = arith.constant 0 : i32
    %scan3A_40 = arith.constant 640 : i32
    %scan3A_41 = arith.addi %scan3A_39, %scan3A_40 : i32
    %scan3A_42 = arith.constant 4 : i32
    scf.for %scan3A_61 = %scan3A_39 to %scan3A_41 step %scan3A_42  : i32 {
      %mul3A_62 = arith.constant 1 : i32
      %mul3A_63 = arith.muli %scan3A_61, %mul3A_62 : i32
      %add3A_64 = arith.constant 0 : i32
      %add3A_65 = arith.addi %add3A_64, %mul3A_63 : i32
      %mul3A_66 = arith.constant 16 : i32
      %mul3A_67 = arith.muli %add3A_65, %mul3A_66 : i32
      %get3A = arith.index_cast %mul3A_67 : i32 to index
      %get3A_68 = tpu.vector_load %arg17[%get3A] {strides = array<i32>} : memref<10240xi32, #tpu.memory_space<vmem>>, vector<16xi32>,
      %ge3A = vector.broadcast %mul3A_2 : i32 to vector<16xi32>
      %ge3A_69 = arith.cmpi sge, %get3A_68, %ge3A : vector<16xi32>
      %add3A_70 = arith.constant 2560 : i32
      %add3A_71 = arith.addi %mul3A_2, %add3A_70 : i32
      %lt3A = vector.broadcast %add3A_71 : i32 to vector<16xi32>
      %lt3A_72 = arith.cmpi slt, %get3A_68, %lt3A : vector<16xi32>
      %and3A = arith.andi %ge3A_69, %lt3A_72 : vector<16xi1>
      %sub3A = vector.broadcast %mul3A_2 : i32 to vector<16xi32>
      %sub3A_73 = arith.subi %get3A_68, %sub3A : vector<16xi32>
      %jit3A = arith.constant 0 : i32
      %broadcast_in_dim3A_74 = vector.broadcast %jit3A : i32 to vector<16xi32>
      %select_n3A = arith.select %and3A, %sub3A_73, %broadcast_in_dim3A_74 : vector<16xi1>, vector<16xi32>
      tpu.vector_store_idx %arg18[%select_n3A], %broadcast_in_dim3A_29 masked %and3A : memref<2560xf32, #tpu.memory_space<vmem>>[vector<16xi32>], vector<16xf32>, vector<16xi1>
      %scan3A_75 = arith.constant 1 : i32
      %scan3A_76 = arith.addi %scan3A_61, %scan3A_75 : i32
      %mul3A_77 = arith.constant 1 : i32
      %mul3A_78 = arith.muli %scan3A_76, %mul3A_77 : i32
      %add3A_79 = arith.constant 0 : i32
      %add3A_80 = arith.addi %add3A_79, %mul3A_78 : i32
      %mul3A_81 = arith.constant 16 : i32
      %mul3A_82 = arith.muli %add3A_80, %mul3A_81 : i32
      %get3A_83 = arith.index_cast %mul3A_82 : i32 to index
      %get3A_84 = tpu.vector_load %arg17[%get3A_83] {strides = array<i32>} : memref<10240xi32, #tpu.memory_space<vmem>>, vector<16xi32>,
      %ge3A_85 = vector.broadcast %mul3A_2 : i32 to vector<16xi32>
      %ge3A_86 = arith.cmpi sge, %get3A_84, %ge3A_85 : vector<16xi32>
      %add3A_87 = arith.constant 2560 : i32
      %add3A_88 = arith.addi %mul3A_2, %add3A_87 : i32
      %lt3A_89 = vector.broadcast %add3A_88 : i32 to vector<16xi32>
      %lt3A_90 = arith.cmpi slt, %get3A_84, %lt3A_89 : vector<16xi32>
      %and3A_91 = arith.andi %ge3A_86, %lt3A_90 : vector<16xi1>
      %sub3A_92 = vector.broadcast %mul3A_2 : i32 to vector<16xi32>
      %sub3A_93 = arith.subi %get3A_84, %sub3A_92 : vector<16xi32>
      %jit3A_94 = arith.constant 0 : i32
      %broadcast_in_dim3A_95 = vector.broadcast %jit3A_94 : i32 to vector<16xi32>
      %select_n3A_96 = arith.select %and3A_91, %sub3A_93, %broadcast_in_dim3A_95 : vector<16xi1>, vector<16xi32>
      tpu.vector_store_idx %arg18[%select_n3A_96], %broadcast_in_dim3A_29 masked %and3A_91 : memref<2560xf32, #tpu.memory_space<vmem>>[vector<16xi32>], vector<16xf32>, vector<16xi1>
      %scan3A_97 = arith.constant 2 : i32
      %scan3A_98 = arith.addi %scan3A_61, %scan3A_97 : i32
      %mul3A_99 = arith.constant 1 : i32
      %mul3A_100 = arith.muli %scan3A_98, %mul3A_99 : i32
      %add3A_101 = arith.constant 0 : i32
      %add3A_102 = arith.addi %add3A_101, %mul3A_100 : i32
      %mul3A_103 = arith.constant 16 : i32
      %mul3A_104 = arith.muli %add3A_102, %mul3A_103 : i32
      %get3A_105 = arith.index_cast %mul3A_104 : i32 to index
      %get3A_106 = tpu.vector_load %arg17[%get3A_105] {strides = array<i32>} : memref<10240xi32, #tpu.memory_space<vmem>>, vector<16xi32>,
      %ge3A_107 = vector.broadcast %mul3A_2 : i32 to vector<16xi32>
      %ge3A_108 = arith.cmpi sge, %get3A_106, %ge3A_107 : vector<16xi32>
      %add3A_109 = arith.constant 2560 : i32
      %add3A_110 = arith.addi %mul3A_2, %add3A_109 : i32
      %lt3A_111 = vector.broadcast %add3A_110 : i32 to vector<16xi32>
      %lt3A_112 = arith.cmpi slt, %get3A_106, %lt3A_111 : vector<16xi32>
      %and3A_113 = arith.andi %ge3A_108, %lt3A_112 : vector<16xi1>
      %sub3A_114 = vector.broadcast %mul3A_2 : i32 to vector<16xi32>
      %sub3A_115 = arith.subi %get3A_106, %sub3A_114 : vector<16xi32>
      %jit3A_116 = arith.constant 0 : i32
      %broadcast_in_dim3A_117 = vector.broadcast %jit3A_116 : i32 to vector<16xi32>
      %select_n3A_118 = arith.select %and3A_113, %sub3A_115, %broadcast_in_dim3A_117 : vector<16xi1>, vector<16xi32>
      tpu.vector_store_idx %arg18[%select_n3A_118], %broadcast_in_dim3A_29 masked %and3A_113 : memref<2560xf32, #tpu.memory_space<vmem>>[vector<16xi32>], vector<16xf32>, vector<16xi1>
      %scan3A_119 = arith.constant 3 : i32
      %scan3A_120 = arith.addi %scan3A_61, %scan3A_119 : i32
      %mul3A_121 = arith.constant 1 : i32
      %mul3A_122 = arith.muli %scan3A_120, %mul3A_121 : i32
      %add3A_123 = arith.constant 0 : i32
      %add3A_124 = arith.addi %add3A_123, %mul3A_122 : i32
      %mul3A_125 = arith.constant 16 : i32
      %mul3A_126 = arith.muli %add3A_124, %mul3A_125 : i32
      %get3A_127 = arith.index_cast %mul3A_126 : i32 to index
      %get3A_128 = tpu.vector_load %arg17[%get3A_127] {strides = array<i32>} : memref<10240xi32, #tpu.memory_space<vmem>>, vector<16xi32>,
      %ge3A_129 = vector.broadcast %mul3A_2 : i32 to vector<16xi32>
      %ge3A_130 = arith.cmpi sge, %get3A_128, %ge3A_129 : vector<16xi32>
      %add3A_131 = arith.constant 2560 : i32
      %add3A_132 = arith.addi %mul3A_2, %add3A_131 : i32
      %lt3A_133 = vector.broadcast %add3A_132 : i32 to vector<16xi32>
      %lt3A_134 = arith.cmpi slt, %get3A_128, %lt3A_133 : vector<16xi32>
      %and3A_135 = arith.andi %ge3A_130, %lt3A_134 : vector<16xi1>
      %sub3A_136 = vector.broadcast %mul3A_2 : i32 to vector<16xi32>
      %sub3A_137 = arith.subi %get3A_128, %sub3A_136 : vector<16xi32>
      %jit3A_138 = arith.constant 0 : i32
      %broadcast_in_dim3A_139 = vector.broadcast %jit3A_138 : i32 to vector<16xi32>
      %select_n3A_140 = arith.select %and3A_135, %sub3A_137, %broadcast_in_dim3A_139 : vector<16xi1>, vector<16xi32>
      tpu.vector_store_idx %arg18[%select_n3A_140], %broadcast_in_dim3A_29 masked %and3A_135 : memref<2560xf32, #tpu.memory_space<vmem>>[vector<16xi32>], vector<16xf32>, vector<16xi1>
    }
    %scan3A_43 = arith.constant 640 : i32
    "tpu.region"() ({
      %run_scoped3A = tpu.sem_alloc : memref<!tpu.dma_semaphore, #tpu.memory_space<semaphore_mem>>
      %dma_start3A_61 = arith.constant 20480 : i32
      %dma_start3A_62 = tpu.memref_slice %arg9[%dma_start3A_61] : memref<40960xi32, #tpu.memory_space<hbm>> -> memref<10240xi32, #tpu.memory_space<hbm>>
      %dma_start3A_63 = arith.constant 20480 : i32
      %dma_start3A_64 = tpu.memref_slice %arg9[%dma_start3A_63] : memref<40960xi32, #tpu.memory_space<hbm>> -> memref<10240xi32, #tpu.memory_space<hbm>>
      tpu.enqueue_dma source(%dma_start3A_64 : memref<10240xi32, #tpu.memory_space<hbm>>) target(%arg17 : memref<10240xi32, #tpu.memory_space<vmem>>) target_semaphore(%run_scoped3A : memref<!tpu.dma_semaphore, #tpu.memory_space<semaphore_mem>>)
      %dma_wait3A_65 = arith.constant 20480 : i32
      %dma_wait3A_66 = tpu.memref_slice %arg9[%dma_wait3A_65] : memref<40960xi32, #tpu.memory_space<hbm>> -> memref<10240xi32, #tpu.memory_space<hbm>>
      %dma_wait3A_67 = arith.constant 20480 : i32
      %dma_wait3A_68 = tpu.memref_slice %arg9[%dma_wait3A_67] : memref<40960xi32, #tpu.memory_space<hbm>> -> memref<10240xi32, #tpu.memory_space<hbm>>
      tpu.wait_dma2 semaphore(%run_scoped3A : memref<!tpu.dma_semaphore, #tpu.memory_space<semaphore_mem>>) src(%dma_wait3A_68 : memref<10240xi32, #tpu.memory_space<hbm>>) dst(%arg17 : memref<10240xi32, #tpu.memory_space<vmem>>)
      tpu.yield
    }) : () -> ()
    %scan3A_44 = arith.constant 0 : i32
    %scan3A_45 = arith.constant 640 : i32
    %scan3A_46 = arith.addi %scan3A_44, %scan3A_45 : i32
    %scan3A_47 = arith.constant 4 : i32
    scf.for %scan3A_61 = %scan3A_44 to %scan3A_46 step %scan3A_47  : i32 {
      %mul3A_62 = arith.constant 1 : i32
      %mul3A_63 = arith.muli %scan3A_61, %mul3A_62 : i32
      %add3A_64 = arith.constant 0 : i32
      %add3A_65 = arith.addi %add3A_64, %mul3A_63 : i32
      %mul3A_66 = arith.constant 16 : i32
      %mul3A_67 = arith.muli %add3A_65, %mul3A_66 : i32
      %get3A = arith.index_cast %mul3A_67 : i32 to index
      %get3A_68 = tpu.vector_load %arg17[%get3A] {strides = array<i32>} : memref<10240xi32, #tpu.memory_space<vmem>>, vector<16xi32>,
      %ge3A = vector.broadcast %mul3A_2 : i32 to vector<16xi32>
      %ge3A_69 = arith.cmpi sge, %get3A_68, %ge3A : vector<16xi32>
      %add3A_70 = arith.constant 2560 : i32
      %add3A_71 = arith.addi %mul3A_2, %add3A_70 : i32
      %lt3A = vector.broadcast %add3A_71 : i32 to vector<16xi32>
      %lt3A_72 = arith.cmpi slt, %get3A_68, %lt3A : vector<16xi32>
      %and3A = arith.andi %ge3A_69, %lt3A_72 : vector<16xi1>
      %sub3A = vector.broadcast %mul3A_2 : i32 to vector<16xi32>
      %sub3A_73 = arith.subi %get3A_68, %sub3A : vector<16xi32>
      %jit3A = arith.constant 0 : i32
      %broadcast_in_dim3A_74 = vector.broadcast %jit3A : i32 to vector<16xi32>
      %select_n3A = arith.select %and3A, %sub3A_73, %broadcast_in_dim3A_74 : vector<16xi1>, vector<16xi32>
      tpu.vector_store_idx %arg18[%select_n3A], %broadcast_in_dim3A_29 masked %and3A : memref<2560xf32, #tpu.memory_space<vmem>>[vector<16xi32>], vector<16xf32>, vector<16xi1>
      %scan3A_75 = arith.constant 1 : i32
      %scan3A_76 = arith.addi %scan3A_61, %scan3A_75 : i32
      %mul3A_77 = arith.constant 1 : i32
      %mul3A_78 = arith.muli %scan3A_76, %mul3A_77 : i32
      %add3A_79 = arith.constant 0 : i32
      %add3A_80 = arith.addi %add3A_79, %mul3A_78 : i32
      %mul3A_81 = arith.constant 16 : i32
      %mul3A_82 = arith.muli %add3A_80, %mul3A_81 : i32
      %get3A_83 = arith.index_cast %mul3A_82 : i32 to index
      %get3A_84 = tpu.vector_load %arg17[%get3A_83] {strides = array<i32>} : memref<10240xi32, #tpu.memory_space<vmem>>, vector<16xi32>,
      %ge3A_85 = vector.broadcast %mul3A_2 : i32 to vector<16xi32>
      %ge3A_86 = arith.cmpi sge, %get3A_84, %ge3A_85 : vector<16xi32>
      %add3A_87 = arith.constant 2560 : i32
      %add3A_88 = arith.addi %mul3A_2, %add3A_87 : i32
      %lt3A_89 = vector.broadcast %add3A_88 : i32 to vector<16xi32>
      %lt3A_90 = arith.cmpi slt, %get3A_84, %lt3A_89 : vector<16xi32>
      %and3A_91 = arith.andi %ge3A_86, %lt3A_90 : vector<16xi1>
      %sub3A_92 = vector.broadcast %mul3A_2 : i32 to vector<16xi32>
      %sub3A_93 = arith.subi %get3A_84, %sub3A_92 : vector<16xi32>
      %jit3A_94 = arith.constant 0 : i32
      %broadcast_in_dim3A_95 = vector.broadcast %jit3A_94 : i32 to vector<16xi32>
      %select_n3A_96 = arith.select %and3A_91, %sub3A_93, %broadcast_in_dim3A_95 : vector<16xi1>, vector<16xi32>
      tpu.vector_store_idx %arg18[%select_n3A_96], %broadcast_in_dim3A_29 masked %and3A_91 : memref<2560xf32, #tpu.memory_space<vmem>>[vector<16xi32>], vector<16xf32>, vector<16xi1>
      %scan3A_97 = arith.constant 2 : i32
      %scan3A_98 = arith.addi %scan3A_61, %scan3A_97 : i32
      %mul3A_99 = arith.constant 1 : i32
      %mul3A_100 = arith.muli %scan3A_98, %mul3A_99 : i32
      %add3A_101 = arith.constant 0 : i32
      %add3A_102 = arith.addi %add3A_101, %mul3A_100 : i32
      %mul3A_103 = arith.constant 16 : i32
      %mul3A_104 = arith.muli %add3A_102, %mul3A_103 : i32
      %get3A_105 = arith.index_cast %mul3A_104 : i32 to index
      %get3A_106 = tpu.vector_load %arg17[%get3A_105] {strides = array<i32>} : memref<10240xi32, #tpu.memory_space<vmem>>, vector<16xi32>,
      %ge3A_107 = vector.broadcast %mul3A_2 : i32 to vector<16xi32>
      %ge3A_108 = arith.cmpi sge, %get3A_106, %ge3A_107 : vector<16xi32>
      %add3A_109 = arith.constant 2560 : i32
      %add3A_110 = arith.addi %mul3A_2, %add3A_109 : i32
      %lt3A_111 = vector.broadcast %add3A_110 : i32 to vector<16xi32>
      %lt3A_112 = arith.cmpi slt, %get3A_106, %lt3A_111 : vector<16xi32>
      %and3A_113 = arith.andi %ge3A_108, %lt3A_112 : vector<16xi1>
      %sub3A_114 = vector.broadcast %mul3A_2 : i32 to vector<16xi32>
      %sub3A_115 = arith.subi %get3A_106, %sub3A_114 : vector<16xi32>
      %jit3A_116 = arith.constant 0 : i32
      %broadcast_in_dim3A_117 = vector.broadcast %jit3A_116 : i32 to vector<16xi32>
      %select_n3A_118 = arith.select %and3A_113, %sub3A_115, %broadcast_in_dim3A_117 : vector<16xi1>, vector<16xi32>
      tpu.vector_store_idx %arg18[%select_n3A_118], %broadcast_in_dim3A_29 masked %and3A_113 : memref<2560xf32, #tpu.memory_space<vmem>>[vector<16xi32>], vector<16xf32>, vector<16xi1>
      %scan3A_119 = arith.constant 3 : i32
      %scan3A_120 = arith.addi %scan3A_61, %scan3A_119 : i32
      %mul3A_121 = arith.constant 1 : i32
      %mul3A_122 = arith.muli %scan3A_120, %mul3A_121 : i32
      %add3A_123 = arith.constant 0 : i32
      %add3A_124 = arith.addi %add3A_123, %mul3A_122 : i32
      %mul3A_125 = arith.constant 16 : i32
      %mul3A_126 = arith.muli %add3A_124, %mul3A_125 : i32
      %get3A_127 = arith.index_cast %mul3A_126 : i32 to index
      %get3A_128 = tpu.vector_load %arg17[%get3A_127] {strides = array<i32>} : memref<10240xi32, #tpu.memory_space<vmem>>, vector<16xi32>,
      %ge3A_129 = vector.broadcast %mul3A_2 : i32 to vector<16xi32>
      %ge3A_130 = arith.cmpi sge, %get3A_128, %ge3A_129 : vector<16xi32>
      %add3A_131 = arith.constant 2560 : i32
      %add3A_132 = arith.addi %mul3A_2, %add3A_131 : i32
      %lt3A_133 = vector.broadcast %add3A_132 : i32 to vector<16xi32>
      %lt3A_134 = arith.cmpi slt, %get3A_128, %lt3A_133 : vector<16xi32>
      %and3A_135 = arith.andi %ge3A_130, %lt3A_134 : vector<16xi1>
      %sub3A_136 = vector.broadcast %mul3A_2 : i32 to vector<16xi32>
      %sub3A_137 = arith.subi %get3A_128, %sub3A_136 : vector<16xi32>
      %jit3A_138 = arith.constant 0 : i32
      %broadcast_in_dim3A_139 = vector.broadcast %jit3A_138 : i32 to vector<16xi32>
      %select_n3A_140 = arith.select %and3A_135, %sub3A_137, %broadcast_in_dim3A_139 : vector<16xi1>, vector<16xi32>
      tpu.vector_store_idx %arg18[%select_n3A_140], %broadcast_in_dim3A_29 masked %and3A_135 : memref<2560xf32, #tpu.memory_space<vmem>>[vector<16xi32>], vector<16xf32>, vector<16xi1>
    }
    %scan3A_48 = arith.constant 640 : i32
    "tpu.region"() ({
      %run_scoped3A = tpu.sem_alloc : memref<!tpu.dma_semaphore, #tpu.memory_space<semaphore_mem>>
      %dma_start3A_61 = arith.constant 30720 : i32
      %dma_start3A_62 = tpu.memref_slice %arg9[%dma_start3A_61] : memref<40960xi32, #tpu.memory_space<hbm>> -> memref<10240xi32, #tpu.memory_space<hbm>>
      %dma_start3A_63 = arith.constant 30720 : i32
      %dma_start3A_64 = tpu.memref_slice %arg9[%dma_start3A_63] : memref<40960xi32, #tpu.memory_space<hbm>> -> memref<10240xi32, #tpu.memory_space<hbm>>
      tpu.enqueue_dma source(%dma_start3A_64 : memref<10240xi32, #tpu.memory_space<hbm>>) target(%arg17 : memref<10240xi32, #tpu.memory_space<vmem>>) target_semaphore(%run_scoped3A : memref<!tpu.dma_semaphore, #tpu.memory_space<semaphore_mem>>)
      %dma_wait3A_65 = arith.constant 30720 : i32
      %dma_wait3A_66 = tpu.memref_slice %arg9[%dma_wait3A_65] : memref<40960xi32, #tpu.memory_space<hbm>> -> memref<10240xi32, #tpu.memory_space<hbm>>
      %dma_wait3A_67 = arith.constant 30720 : i32
      %dma_wait3A_68 = tpu.memref_slice %arg9[%dma_wait3A_67] : memref<40960xi32, #tpu.memory_space<hbm>> -> memref<10240xi32, #tpu.memory_space<hbm>>
      tpu.wait_dma2 semaphore(%run_scoped3A : memref<!tpu.dma_semaphore, #tpu.memory_space<semaphore_mem>>) src(%dma_wait3A_68 : memref<10240xi32, #tpu.memory_space<hbm>>) dst(%arg17 : memref<10240xi32, #tpu.memory_space<vmem>>)
      tpu.yield
    }) : () -> ()
    %scan3A_49 = arith.constant 0 : i32
    %scan3A_50 = arith.constant 640 : i32
    %scan3A_51 = arith.addi %scan3A_49, %scan3A_50 : i32
    %scan3A_52 = arith.constant 4 : i32
    scf.for %scan3A_61 = %scan3A_49 to %scan3A_51 step %scan3A_52  : i32 {
      %mul3A_62 = arith.constant 1 : i32
      %mul3A_63 = arith.muli %scan3A_61, %mul3A_62 : i32
      %add3A_64 = arith.constant 0 : i32
      %add3A_65 = arith.addi %add3A_64, %mul3A_63 : i32
      %mul3A_66 = arith.constant 16 : i32
      %mul3A_67 = arith.muli %add3A_65, %mul3A_66 : i32
      %get3A = arith.index_cast %mul3A_67 : i32 to index
      %get3A_68 = tpu.vector_load %arg17[%get3A] {strides = array<i32>} : memref<10240xi32, #tpu.memory_space<vmem>>, vector<16xi32>,
      %ge3A = vector.broadcast %mul3A_2 : i32 to vector<16xi32>
      %ge3A_69 = arith.cmpi sge, %get3A_68, %ge3A : vector<16xi32>
      %add3A_70 = arith.constant 2560 : i32
      %add3A_71 = arith.addi %mul3A_2, %add3A_70 : i32
      %lt3A = vector.broadcast %add3A_71 : i32 to vector<16xi32>
      %lt3A_72 = arith.cmpi slt, %get3A_68, %lt3A : vector<16xi32>
      %and3A = arith.andi %ge3A_69, %lt3A_72 : vector<16xi1>
      %sub3A = vector.broadcast %mul3A_2 : i32 to vector<16xi32>
      %sub3A_73 = arith.subi %get3A_68, %sub3A : vector<16xi32>
      %jit3A = arith.constant 0 : i32
      %broadcast_in_dim3A_74 = vector.broadcast %jit3A : i32 to vector<16xi32>
      %select_n3A = arith.select %and3A, %sub3A_73, %broadcast_in_dim3A_74 : vector<16xi1>, vector<16xi32>
      tpu.vector_store_idx %arg18[%select_n3A], %broadcast_in_dim3A_29 masked %and3A : memref<2560xf32, #tpu.memory_space<vmem>>[vector<16xi32>], vector<16xf32>, vector<16xi1>
      %scan3A_75 = arith.constant 1 : i32
      %scan3A_76 = arith.addi %scan3A_61, %scan3A_75 : i32
      %mul3A_77 = arith.constant 1 : i32
      %mul3A_78 = arith.muli %scan3A_76, %mul3A_77 : i32
      %add3A_79 = arith.constant 0 : i32
      %add3A_80 = arith.addi %add3A_79, %mul3A_78 : i32
      %mul3A_81 = arith.constant 16 : i32
      %mul3A_82 = arith.muli %add3A_80, %mul3A_81 : i32
      %get3A_83 = arith.index_cast %mul3A_82 : i32 to index
      %get3A_84 = tpu.vector_load %arg17[%get3A_83] {strides = array<i32>} : memref<10240xi32, #tpu.memory_space<vmem>>, vector<16xi32>,
      %ge3A_85 = vector.broadcast %mul3A_2 : i32 to vector<16xi32>
      %ge3A_86 = arith.cmpi sge, %get3A_84, %ge3A_85 : vector<16xi32>
      %add3A_87 = arith.constant 2560 : i32
      %add3A_88 = arith.addi %mul3A_2, %add3A_87 : i32
      %lt3A_89 = vector.broadcast %add3A_88 : i32 to vector<16xi32>
      %lt3A_90 = arith.cmpi slt, %get3A_84, %lt3A_89 : vector<16xi32>
      %and3A_91 = arith.andi %ge3A_86, %lt3A_90 : vector<16xi1>
      %sub3A_92 = vector.broadcast %mul3A_2 : i32 to vector<16xi32>
      %sub3A_93 = arith.subi %get3A_84, %sub3A_92 : vector<16xi32>
      %jit3A_94 = arith.constant 0 : i32
      %broadcast_in_dim3A_95 = vector.broadcast %jit3A_94 : i32 to vector<16xi32>
      %select_n3A_96 = arith.select %and3A_91, %sub3A_93, %broadcast_in_dim3A_95 : vector<16xi1>, vector<16xi32>
      tpu.vector_store_idx %arg18[%select_n3A_96], %broadcast_in_dim3A_29 masked %and3A_91 : memref<2560xf32, #tpu.memory_space<vmem>>[vector<16xi32>], vector<16xf32>, vector<16xi1>
      %scan3A_97 = arith.constant 2 : i32
      %scan3A_98 = arith.addi %scan3A_61, %scan3A_97 : i32
      %mul3A_99 = arith.constant 1 : i32
      %mul3A_100 = arith.muli %scan3A_98, %mul3A_99 : i32
      %add3A_101 = arith.constant 0 : i32
      %add3A_102 = arith.addi %add3A_101, %mul3A_100 : i32
      %mul3A_103 = arith.constant 16 : i32
      %mul3A_104 = arith.muli %add3A_102, %mul3A_103 : i32
      %get3A_105 = arith.index_cast %mul3A_104 : i32 to index
      %get3A_106 = tpu.vector_load %arg17[%get3A_105] {strides = array<i32>} : memref<10240xi32, #tpu.memory_space<vmem>>, vector<16xi32>,
      %ge3A_107 = vector.broadcast %mul3A_2 : i32 to vector<16xi32>
      %ge3A_108 = arith.cmpi sge, %get3A_106, %ge3A_107 : vector<16xi32>
      %add3A_109 = arith.constant 2560 : i32
      %add3A_110 = arith.addi %mul3A_2, %add3A_109 : i32
      %lt3A_111 = vector.broadcast %add3A_110 : i32 to vector<16xi32>
      %lt3A_112 = arith.cmpi slt, %get3A_106, %lt3A_111 : vector<16xi32>
      %and3A_113 = arith.andi %ge3A_108, %lt3A_112 : vector<16xi1>
      %sub3A_114 = vector.broadcast %mul3A_2 : i32 to vector<16xi32>
      %sub3A_115 = arith.subi %get3A_106, %sub3A_114 : vector<16xi32>
      %jit3A_116 = arith.constant 0 : i32
      %broadcast_in_dim3A_117 = vector.broadcast %jit3A_116 : i32 to vector<16xi32>
      %select_n3A_118 = arith.select %and3A_113, %sub3A_115, %broadcast_in_dim3A_117 : vector<16xi1>, vector<16xi32>
      tpu.vector_store_idx %arg18[%select_n3A_118], %broadcast_in_dim3A_29 masked %and3A_113 : memref<2560xf32, #tpu.memory_space<vmem>>[vector<16xi32>], vector<16xf32>, vector<16xi1>
      %scan3A_119 = arith.constant 3 : i32
      %scan3A_120 = arith.addi %scan3A_61, %scan3A_119 : i32
      %mul3A_121 = arith.constant 1 : i32
      %mul3A_122 = arith.muli %scan3A_120, %mul3A_121 : i32
      %add3A_123 = arith.constant 0 : i32
      %add3A_124 = arith.addi %add3A_123, %mul3A_122 : i32
      %mul3A_125 = arith.constant 16 : i32
      %mul3A_126 = arith.muli %add3A_124, %mul3A_125 : i32
      %get3A_127 = arith.index_cast %mul3A_126 : i32 to index
      %get3A_128 = tpu.vector_load %arg17[%get3A_127] {strides = array<i32>} : memref<10240xi32, #tpu.memory_space<vmem>>, vector<16xi32>,
      %ge3A_129 = vector.broadcast %mul3A_2 : i32 to vector<16xi32>
      %ge3A_130 = arith.cmpi sge, %get3A_128, %ge3A_129 : vector<16xi32>
      %add3A_131 = arith.constant 2560 : i32
      %add3A_132 = arith.addi %mul3A_2, %add3A_131 : i32
      %lt3A_133 = vector.broadcast %add3A_132 : i32 to vector<16xi32>
      %lt3A_134 = arith.cmpi slt, %get3A_128, %lt3A_133 : vector<16xi32>
      %and3A_135 = arith.andi %ge3A_130, %lt3A_134 : vector<16xi1>
      %sub3A_136 = vector.broadcast %mul3A_2 : i32 to vector<16xi32>
      %sub3A_137 = arith.subi %get3A_128, %sub3A_136 : vector<16xi32>
      %jit3A_138 = arith.constant 0 : i32
      %broadcast_in_dim3A_139 = vector.broadcast %jit3A_138 : i32 to vector<16xi32>
      %select_n3A_140 = arith.select %and3A_135, %sub3A_137, %broadcast_in_dim3A_139 : vector<16xi1>, vector<16xi32>
      tpu.vector_store_idx %arg18[%select_n3A_140], %broadcast_in_dim3A_29 masked %and3A_135 : memref<2560xf32, #tpu.memory_space<vmem>>[vector<16xi32>], vector<16xf32>, vector<16xi1>
    }
    %scan3A_53 = arith.constant 640 : i32
    %dma_wait3A = arith.constant 0 : i32
    %dma_wait3A_54 = arith.constant 0 : i32
    %dma_wait3A_55 = tpu.memref_slice %arg2[%dma_wait3A, %dma_wait3A_54] : memref<100000x128xf32, #tpu.memory_space<hbm>> -> memref<100000x128xf32, #tpu.memory_space<hbm>>
    tpu.wait_indirect_dma semaphore(%arg28 : memref<!tpu.dma_semaphore, #tpu.memory_space<semaphore_mem>>) src(%dma_wait3A_55 : memref<100000x128xf32, #tpu.memory_space<hbm>>) dst(%arg16 : memref<128x128xf32, #tpu.memory_space<vmem>>)
    %scan3A_56 = arith.constant 0 : i32
    %scan3A_57 = arith.constant 10 : i32
    %scan3A_58 = arith.addi %scan3A_56, %scan3A_57 : i32
    %scan3A_59 = arith.constant 1 : i32
    scf.for %scan3A_61 = %scan3A_56 to %scan3A_58 step %scan3A_59  : i32 {
      %mul3A_62 = arith.constant 2 : i32
      %mul3A_63 = arith.muli %scan3A_61, %mul3A_62 : i32
      %add3A_64 = arith.constant 0 : i32
      %add3A_65 = arith.addi %add3A_64, %mul3A_63 : i32
      %add3A_66 = arith.constant 0 : i32
      %add3A_67 = arith.addi %add3A_65, %add3A_66 : i32
      %mul3A_68 = arith.constant 128 : i32
      %mul3A_69 = arith.muli %add3A_67, %mul3A_68 : i32
      %mul3A_70 = arith.constant 128 : i32
      %mul3A_71 = arith.muli %add3A_67, %mul3A_70 : i32
      %dma_wait3A_72 = tpu.memref_slice %arg11[%mul3A_69] : memref<2560xi32, #tpu.memory_space<vmem>> -> memref<128xi32, #tpu.memory_space<vmem>>
      %dma_wait3A_73 = arith.constant 0 : i32
      %dma_wait3A_74 = arith.constant 0 : i32
      %dma_wait3A_75 = tpu.memref_slice %arg2[%dma_wait3A_73, %dma_wait3A_74] : memref<100000x128xf32, #tpu.memory_space<hbm>> -> memref<100000x128xf32, #tpu.memory_space<hbm>>
      tpu.wait_indirect_dma semaphore(%arg24 : memref<!tpu.dma_semaphore, #tpu.memory_space<semaphore_mem>>) src(%dma_wait3A_75 : memref<100000x128xf32, #tpu.memory_space<hbm>>) dst(%arg19 : memref<128x128xf32, #tpu.memory_space<vmem>>)
      %dma_wait3A_76 = tpu.memref_slice %arg12[%mul3A_71] : memref<2560xi32, #tpu.memory_space<vmem>> -> memref<128xi32, #tpu.memory_space<vmem>>
      %dma_wait3A_77 = arith.constant 0 : i32
      %dma_wait3A_78 = arith.constant 0 : i32
      %dma_wait3A_79 = tpu.memref_slice %arg3[%dma_wait3A_77, %dma_wait3A_78] : memref<50000x128xf32, #tpu.memory_space<hbm>> -> memref<50000x128xf32, #tpu.memory_space<hbm>>
      tpu.wait_indirect_dma semaphore(%arg26 : memref<!tpu.dma_semaphore, #tpu.memory_space<semaphore_mem>>) src(%dma_wait3A_79 : memref<50000x128xf32, #tpu.memory_space<hbm>>) dst(%arg21 : memref<128x128xf32, #tpu.memory_space<vmem>>)
      %broadcast_in_dim3A_80 = arith.constant 1 : i32
      %broadcast_in_dim3A_81 = vector.broadcast %broadcast_in_dim3A_80 : i32 to vector<16xi32>
      %broadcast_in_dim3A_82 = arith.constant 63 : i32
      %broadcast_in_dim3A_83 = vector.broadcast %broadcast_in_dim3A_82 : i32 to vector<16xi32>
      %broadcast_in_dim3A_84 = arith.constant 64 : i32
      %broadcast_in_dim3A_85 = vector.broadcast %broadcast_in_dim3A_84 : i32 to vector<16xi32>
      %scan3A_86 = arith.constant 0 : i32
      %scan3A_87 = arith.constant 8 : i32
      %scan3A_88 = arith.addi %scan3A_86, %scan3A_87 : i32
      %scan3A_89 = arith.constant 1 : i32
      scf.for %scan3A_133 = %scan3A_86 to %scan3A_88 step %scan3A_89  : i32 {
        %mul3A_134 = arith.constant 1 : i32
        %mul3A_135 = arith.muli %scan3A_133, %mul3A_134 : i32
        %add3A_136 = arith.constant 0 : i32
        %add3A_137 = arith.addi %add3A_136, %mul3A_135 : i32
        %mul3A_138 = arith.constant 16 : i32
        %mul3A_139 = arith.muli %add3A_137, %mul3A_138 : i32
        %add3A_140 = vector.broadcast %mul3A_139 : i32 to vector<16xi32>
        %add3A_141 = arith.addi %iota3A, %add3A_140 : vector<16xi32>
        %mul3A_142 = arith.constant 128 : i32
        %mul3A_143 = arith.muli %add3A_67, %mul3A_142 : i32
        %mul3A_144 = arith.constant 16 : i32
        %mul3A_145 = arith.muli %add3A_137, %mul3A_144 : i32
        %add3A_146 = arith.addi %mul3A_143, %mul3A_145 : i32
        %get3A = arith.index_cast %add3A_146 : i32 to index
        %get3A_147 = tpu.vector_load %arg14[%get3A] {strides = array<i32>} : memref<2560xi32, #tpu.memory_space<vmem>>, vector<16xi32>,
        %mul3A_148 = arith.constant 128 : i32
        %mul3A_149 = arith.muli %add3A_67, %mul3A_148 : i32
        %mul3A_150 = arith.constant 16 : i32
        %mul3A_151 = arith.muli %add3A_137, %mul3A_150 : i32
        %add3A_152 = arith.addi %mul3A_149, %mul3A_151 : i32
        %get3A_153 = arith.index_cast %add3A_152 : i32 to index
        %get3A_154 = tpu.vector_load %arg13[%get3A_153] {strides = array<i32>} : memref<2560xi32, #tpu.memory_space<vmem>>, vector<16xi32>,
        %mul3A_155 = arith.constant 128 : i32
        %mul3A_156 = arith.muli %add3A_67, %mul3A_155 : i32
        %mul3A_157 = arith.constant 16 : i32
        %mul3A_158 = arith.muli %add3A_137, %mul3A_157 : i32
        %add3A_159 = arith.addi %mul3A_156, %mul3A_158 : i32
        %get3A_160 = arith.index_cast %add3A_159 : i32 to index
        %get3A_161 = tpu.vector_load %arg18[%get3A_160] {strides = array<i32>} : memref<2560xf32, #tpu.memory_space<vmem>>, vector<16xf32>,
        %gt3A = arith.constant 0.000000e+00 : f32
        %gt3A_162 = vector.broadcast %gt3A : f32 to vector<16xf32>
        %gt3A_163 = arith.cmpf ogt, %get3A_161, %gt3A_162 : vector<16xf32>
        %add3A_164 = arith.addi %iota3A, %broadcast_in_dim3A_85 : vector<16xi32>
        %gather3A = tpu.vector_load_idx %arg19[%add3A_141, %iota3A] : memref<128x128xf32, #tpu.memory_space<vmem>>[vector<16xi32>, vector<16xi32>], vector<16xf32>,
        %gather3A_165 = tpu.vector_load_idx %arg19[%add3A_141, %add3A_164] : memref<128x128xf32, #tpu.memory_space<vmem>>[vector<16xi32>, vector<16xi32>], vector<16xf32>,
        %add3A_166 = arith.addi %iota3A, %get3A_154 : vector<16xi32>
        %gather3A_167 = tpu.vector_load_idx %arg21[%add3A_141, %add3A_166] : memref<128x128xf32, #tpu.memory_space<vmem>>[vector<16xi32>, vector<16xi32>], vector<16xf32>,
        %gather3A_168 = tpu.vector_load_idx %arg16[%get3A_147, %add3A_164] : memref<128x128xf32, #tpu.memory_space<vmem>>[vector<16xi32>, vector<16xi32>], vector<16xf32>,
        %select_n3A = arith.select %gt3A_163, %gather3A, %gather3A_165 : vector<16xi1>, vector<16xf32>
        %mul3A_169 = arith.mulf %gather3A_168, %gather3A : vector<16xf32>
        %add3A_170 = arith.addf %broadcast_in_dim3A_27, %mul3A_169 : vector<16xf32>
        %mul3A_171 = arith.mulf %gather3A, %gather3A : vector<16xf32>
        %add3A_172 = arith.addf %broadcast_in_dim3A_27, %mul3A_171 : vector<16xf32>
        %mul3A_173 = arith.mulf %gather3A_165, %gather3A_165 : vector<16xf32>
        %add3A_174 = arith.addf %broadcast_in_dim3A_27, %mul3A_173 : vector<16xf32>
        %mul3A_175 = arith.mulf %gather3A_167, %gather3A_167 : vector<16xf32>
        %add3A_176 = arith.addf %broadcast_in_dim3A_27, %mul3A_175 : vector<16xf32>
        %mul3A_177 = arith.mulf %gather3A_167, %select_n3A : vector<16xf32>
        %add3A_178 = arith.addf %broadcast_in_dim3A_27, %mul3A_177 : vector<16xf32>
        %add3A_179 = arith.addi %iota3A, %broadcast_in_dim3A_81 : vector<16xi32>
        %and3A = arith.andi %add3A_179, %broadcast_in_dim3A_83 : vector<16xi32>
        %add3A_180 = arith.addi %and3A, %broadcast_in_dim3A_85 : vector<16xi32>
        %gather3A_181 = tpu.vector_load_idx %arg19[%add3A_141, %and3A] : memref<128x128xf32, #tpu.memory_space<vmem>>[vector<16xi32>, vector<16xi32>], vector<16xf32>,
        %gather3A_182 = tpu.vector_load_idx %arg19[%add3A_141, %add3A_180] : memref<128x128xf32, #tpu.memory_space<vmem>>[vector<16xi32>, vector<16xi32>], vector<16xf32>,
        %add3A_183 = arith.addi %and3A, %get3A_154 : vector<16xi32>
        %gather3A_184 = tpu.vector_load_idx %arg21[%add3A_141, %add3A_183] : memref<128x128xf32, #tpu.memory_space<vmem>>[vector<16xi32>, vector<16xi32>], vector<16xf32>,
        %gather3A_185 = tpu.vector_load_idx %arg16[%get3A_147, %add3A_180] : memref<128x128xf32, #tpu.memory_space<vmem>>[vector<16xi32>, vector<16xi32>], vector<16xf32>,
        %select_n3A_186 = arith.select %gt3A_163, %gather3A_181, %gather3A_182 : vector<16xi1>, vector<16xf32>
        %mul3A_187 = arith.mulf %gather3A_185, %gather3A_181 : vector<16xf32>
        %add3A_188 = arith.addf %add3A_170, %mul3A_187 : vector<16xf32>
        %mul3A_189 = arith.mulf %gather3A_181, %gather3A_181 : vector<16xf32>
        %add3A_190 = arith.addf %add3A_172, %mul3A_189 : vector<16xf32>
        %mul3A_191 = arith.mulf %gather3A_182, %gather3A_182 : vector<16xf32>
        %add3A_192 = arith.addf %add3A_174, %mul3A_191 : vector<16xf32>
        %mul3A_193 = arith.mulf %gather3A_184, %gather3A_184 : vector<16xf32>
        %add3A_194 = arith.addf %add3A_176, %mul3A_193 : vector<16xf32>
        %mul3A_195 = arith.mulf %gather3A_184, %select_n3A_186 : vector<16xf32>
        %add3A_196 = arith.addf %add3A_178, %mul3A_195 : vector<16xf32>
        %add3A_197 = arith.addi %and3A, %broadcast_in_dim3A_81 : vector<16xi32>
        %and3A_198 = arith.andi %add3A_197, %broadcast_in_dim3A_83 : vector<16xi32>
        %add3A_199 = arith.addi %and3A_198, %broadcast_in_dim3A_85 : vector<16xi32>
        %gather3A_200 = tpu.vector_load_idx %arg19[%add3A_141, %and3A_198] : memref<128x128xf32, #tpu.memory_space<vmem>>[vector<16xi32>, vector<16xi32>], vector<16xf32>,
        %gather3A_201 = tpu.vector_load_idx %arg19[%add3A_141, %add3A_199] : memref<128x128xf32, #tpu.memory_space<vmem>>[vector<16xi32>, vector<16xi32>], vector<16xf32>,
        %add3A_202 = arith.addi %and3A_198, %get3A_154 : vector<16xi32>
        %gather3A_203 = tpu.vector_load_idx %arg21[%add3A_141, %add3A_202] : memref<128x128xf32, #tpu.memory_space<vmem>>[vector<16xi32>, vector<16xi32>], vector<16xf32>,
        %gather3A_204 = tpu.vector_load_idx %arg16[%get3A_147, %add3A_199] : memref<128x128xf32, #tpu.memory_space<vmem>>[vector<16xi32>, vector<16xi32>], vector<16xf32>,
        %select_n3A_205 = arith.select %gt3A_163, %gather3A_200, %gather3A_201 : vector<16xi1>, vector<16xf32>
        %mul3A_206 = arith.mulf %gather3A_204, %gather3A_200 : vector<16xf32>
        %add3A_207 = arith.addf %add3A_188, %mul3A_206 : vector<16xf32>
        %mul3A_208 = arith.mulf %gather3A_200, %gather3A_200 : vector<16xf32>
        %add3A_209 = arith.addf %add3A_190, %mul3A_208 : vector<16xf32>
        %mul3A_210 = arith.mulf %gather3A_201, %gather3A_201 : vector<16xf32>
        %add3A_211 = arith.addf %add3A_192, %mul3A_210 : vector<16xf32>
        %mul3A_212 = arith.mulf %gather3A_203, %gather3A_203 : vector<16xf32>
        %add3A_213 = arith.addf %add3A_194, %mul3A_212 : vector<16xf32>
        %mul3A_214 = arith.mulf %gather3A_203, %select_n3A_205 : vector<16xf32>
        %add3A_215 = arith.addf %add3A_196, %mul3A_214 : vector<16xf32>
        %add3A_216 = arith.addi %and3A_198, %broadcast_in_dim3A_81 : vector<16xi32>
        %and3A_217 = arith.andi %add3A_216, %broadcast_in_dim3A_83 : vector<16xi32>
        %add3A_218 = arith.addi %and3A_217, %broadcast_in_dim3A_85 : vector<16xi32>
        %gather3A_219 = tpu.vector_load_idx %arg19[%add3A_141, %and3A_217] : memref<128x128xf32, #tpu.memory_space<vmem>>[vector<16xi32>, vector<16xi32>], vector<16xf32>,
        %gather3A_220 = tpu.vector_load_idx %arg19[%add3A_141, %add3A_218] : memref<128x128xf32, #tpu.memory_space<vmem>>[vector<16xi32>, vector<16xi32>], vector<16xf32>,
        %add3A_221 = arith.addi %and3A_217, %get3A_154 : vector<16xi32>
        %gather3A_222 = tpu.vector_load_idx %arg21[%add3A_141, %add3A_221] : memref<128x128xf32, #tpu.memory_space<vmem>>[vector<16xi32>, vector<16xi32>], vector<16xf32>,
        %gather3A_223 = tpu.vector_load_idx %arg16[%get3A_147, %add3A_218] : memref<128x128xf32, #tpu.memory_space<vmem>>[vector<16xi32>, vector<16xi32>], vector<16xf32>,
        %select_n3A_224 = arith.select %gt3A_163, %gather3A_219, %gather3A_220 : vector<16xi1>, vector<16xf32>
        %mul3A_225 = arith.mulf %gather3A_223, %gather3A_219 : vector<16xf32>
        %add3A_226 = arith.addf %add3A_207, %mul3A_225 : vector<16xf32>
        %mul3A_227 = arith.mulf %gather3A_219, %gather3A_219 : vector<16xf32>
        %add3A_228 = arith.addf %add3A_209, %mul3A_227 : vector<16xf32>
        %mul3A_229 = arith.mulf %gather3A_220, %gather3A_220 : vector<16xf32>
        %add3A_230 = arith.addf %add3A_211, %mul3A_229 : vector<16xf32>
        %mul3A_231 = arith.mulf %gather3A_222, %gather3A_222 : vector<16xf32>
        %add3A_232 = arith.addf %add3A_213, %mul3A_231 : vector<16xf32>
        %mul3A_233 = arith.mulf %gather3A_222, %select_n3A_224 : vector<16xf32>
        %add3A_234 = arith.addf %add3A_215, %mul3A_233 : vector<16xf32>
        %add3A_235 = arith.addi %and3A_217, %broadcast_in_dim3A_81 : vector<16xi32>
        %and3A_236 = arith.andi %add3A_235, %broadcast_in_dim3A_83 : vector<16xi32>
        %add3A_237 = arith.addi %and3A_236, %broadcast_in_dim3A_85 : vector<16xi32>
        %gather3A_238 = tpu.vector_load_idx %arg19[%add3A_141, %and3A_236] : memref<128x128xf32, #tpu.memory_space<vmem>>[vector<16xi32>, vector<16xi32>], vector<16xf32>,
        %gather3A_239 = tpu.vector_load_idx %arg19[%add3A_141, %add3A_237] : memref<128x128xf32, #tpu.memory_space<vmem>>[vector<16xi32>, vector<16xi32>], vector<16xf32>,
        %add3A_240 = arith.addi %and3A_236, %get3A_154 : vector<16xi32>
        %gather3A_241 = tpu.vector_load_idx %arg21[%add3A_141, %add3A_240] : memref<128x128xf32, #tpu.memory_space<vmem>>[vector<16xi32>, vector<16xi32>], vector<16xf32>,
        %gather3A_242 = tpu.vector_load_idx %arg16[%get3A_147, %add3A_237] : memref<128x128xf32, #tpu.memory_space<vmem>>[vector<16xi32>, vector<16xi32>], vector<16xf32>,
        %select_n3A_243 = arith.select %gt3A_163, %gather3A_238, %gather3A_239 : vector<16xi1>, vector<16xf32>
        %mul3A_244 = arith.mulf %gather3A_242, %gather3A_238 : vector<16xf32>
        %add3A_245 = arith.addf %add3A_226, %mul3A_244 : vector<16xf32>
        %mul3A_246 = arith.mulf %gather3A_238, %gather3A_238 : vector<16xf32>
        %add3A_247 = arith.addf %add3A_228, %mul3A_246 : vector<16xf32>
        %mul3A_248 = arith.mulf %gather3A_239, %gather3A_239 : vector<16xf32>
        %add3A_249 = arith.addf %add3A_230, %mul3A_248 : vector<16xf32>
        %mul3A_250 = arith.mulf %gather3A_241, %gather3A_241 : vector<16xf32>
        %add3A_251 = arith.addf %add3A_232, %mul3A_250 : vector<16xf32>
        %mul3A_252 = arith.mulf %gather3A_241, %select_n3A_243 : vector<16xf32>
        %add3A_253 = arith.addf %add3A_234, %mul3A_252 : vector<16xf32>
        %add3A_254 = arith.addi %and3A_236, %broadcast_in_dim3A_81 : vector<16xi32>
        %and3A_255 = arith.andi %add3A_254, %broadcast_in_dim3A_83 : vector<16xi32>
        %add3A_256 = arith.addi %and3A_255, %broadcast_in_dim3A_85 : vector<16xi32>
        %gather3A_257 = tpu.vector_load_idx %arg19[%add3A_141, %and3A_255] : memref<128x128xf32, #tpu.memory_space<vmem>>[vector<16xi32>, vector<16xi32>], vector<16xf32>,
        %gather3A_258 = tpu.vector_load_idx %arg19[%add3A_141, %add3A_256] : memref<128x128xf32, #tpu.memory_space<vmem>>[vector<16xi32>, vector<16xi32>], vector<16xf32>,
        %add3A_259 = arith.addi %and3A_255, %get3A_154 : vector<16xi32>
        %gather3A_260 = tpu.vector_load_idx %arg21[%add3A_141, %add3A_259] : memref<128x128xf32, #tpu.memory_space<vmem>>[vector<16xi32>, vector<16xi32>], vector<16xf32>,
        %gather3A_261 = tpu.vector_load_idx %arg16[%get3A_147, %add3A_256] : memref<128x128xf32, #tpu.memory_space<vmem>>[vector<16xi32>, vector<16xi32>], vector<16xf32>,
        %select_n3A_262 = arith.select %gt3A_163, %gather3A_257, %gather3A_258 : vector<16xi1>, vector<16xf32>
        %mul3A_263 = arith.mulf %gather3A_261, %gather3A_257 : vector<16xf32>
        %add3A_264 = arith.addf %add3A_245, %mul3A_263 : vector<16xf32>
        %mul3A_265 = arith.mulf %gather3A_257, %gather3A_257 : vector<16xf32>
        %add3A_266 = arith.addf %add3A_247, %mul3A_265 : vector<16xf32>
        %mul3A_267 = arith.mulf %gather3A_258, %gather3A_258 : vector<16xf32>
        %add3A_268 = arith.addf %add3A_249, %mul3A_267 : vector<16xf32>
        %mul3A_269 = arith.mulf %gather3A_260, %gather3A_260 : vector<16xf32>
        %add3A_270 = arith.addf %add3A_251, %mul3A_269 : vector<16xf32>
        %mul3A_271 = arith.mulf %gather3A_260, %select_n3A_262 : vector<16xf32>
        %add3A_272 = arith.addf %add3A_253, %mul3A_271 : vector<16xf32>
        %add3A_273 = arith.addi %and3A_255, %broadcast_in_dim3A_81 : vector<16xi32>
        %and3A_274 = arith.andi %add3A_273, %broadcast_in_dim3A_83 : vector<16xi32>
        %add3A_275 = arith.addi %and3A_274, %broadcast_in_dim3A_85 : vector<16xi32>
        %gather3A_276 = tpu.vector_load_idx %arg19[%add3A_141, %and3A_274] : memref<128x128xf32, #tpu.memory_space<vmem>>[vector<16xi32>, vector<16xi32>], vector<16xf32>,
        %gather3A_277 = tpu.vector_load_idx %arg19[%add3A_141, %add3A_275] : memref<128x128xf32, #tpu.memory_space<vmem>>[vector<16xi32>, vector<16xi32>], vector<16xf32>,
        %add3A_278 = arith.addi %and3A_274, %get3A_154 : vector<16xi32>
        %gather3A_279 = tpu.vector_load_idx %arg21[%add3A_141, %add3A_278] : memref<128x128xf32, #tpu.memory_space<vmem>>[vector<16xi32>, vector<16xi32>], vector<16xf32>,
        %gather3A_280 = tpu.vector_load_idx %arg16[%get3A_147, %add3A_275] : memref<128x128xf32, #tpu.memory_space<vmem>>[vector<16xi32>, vector<16xi32>], vector<16xf32>,
        %select_n3A_281 = arith.select %gt3A_163, %gather3A_276, %gather3A_277 : vector<16xi1>, vector<16xf32>
        %mul3A_282 = arith.mulf %gather3A_280, %gather3A_276 : vector<16xf32>
        %add3A_283 = arith.addf %add3A_264, %mul3A_282 : vector<16xf32>
        %mul3A_284 = arith.mulf %gather3A_276, %gather3A_276 : vector<16xf32>
        %add3A_285 = arith.addf %add3A_266, %mul3A_284 : vector<16xf32>
        %mul3A_286 = arith.mulf %gather3A_277, %gather3A_277 : vector<16xf32>
        %add3A_287 = arith.addf %add3A_268, %mul3A_286 : vector<16xf32>
        %mul3A_288 = arith.mulf %gather3A_279, %gather3A_279 : vector<16xf32>
        %add3A_289 = arith.addf %add3A_270, %mul3A_288 : vector<16xf32>
        %mul3A_290 = arith.mulf %gather3A_279, %select_n3A_281 : vector<16xf32>
        %add3A_291 = arith.addf %add3A_272, %mul3A_290 : vector<16xf32>
        %add3A_292 = arith.addi %and3A_274, %broadcast_in_dim3A_81 : vector<16xi32>
        %and3A_293 = arith.andi %add3A_292, %broadcast_in_dim3A_83 : vector<16xi32>
        %add3A_294 = arith.addi %and3A_293, %broadcast_in_dim3A_85 : vector<16xi32>
        %gather3A_295 = tpu.vector_load_idx %arg19[%add3A_141, %and3A_293] : memref<128x128xf32, #tpu.memory_space<vmem>>[vector<16xi32>, vector<16xi32>], vector<16xf32>,
        %gather3A_296 = tpu.vector_load_idx %arg19[%add3A_141, %add3A_294] : memref<128x128xf32, #tpu.memory_space<vmem>>[vector<16xi32>, vector<16xi32>], vector<16xf32>,
        %add3A_297 = arith.addi %and3A_293, %get3A_154 : vector<16xi32>
        %gather3A_298 = tpu.vector_load_idx %arg21[%add3A_141, %add3A_297] : memref<128x128xf32, #tpu.memory_space<vmem>>[vector<16xi32>, vector<16xi32>], vector<16xf32>,
        %gather3A_299 = tpu.vector_load_idx %arg16[%get3A_147, %add3A_294] : memref<128x128xf32, #tpu.memory_space<vmem>>[vector<16xi32>, vector<16xi32>], vector<16xf32>,
        %select_n3A_300 = arith.select %gt3A_163, %gather3A_295, %gather3A_296 : vector<16xi1>, vector<16xf32>
        %mul3A_301 = arith.mulf %gather3A_299, %gather3A_295 : vector<16xf32>
        %add3A_302 = arith.addf %add3A_283, %mul3A_301 : vector<16xf32>
        %mul3A_303 = arith.mulf %gather3A_295, %gather3A_295 : vector<16xf32>
        %add3A_304 = arith.addf %add3A_285, %mul3A_303 : vector<16xf32>
        %mul3A_305 = arith.mulf %gather3A_296, %gather3A_296 : vector<16xf32>
        %add3A_306 = arith.addf %add3A_287, %mul3A_305 : vector<16xf32>
        %mul3A_307 = arith.mulf %gather3A_298, %gather3A_298 : vector<16xf32>
        %add3A_308 = arith.addf %add3A_289, %mul3A_307 : vector<16xf32>
        %mul3A_309 = arith.mulf %gather3A_298, %select_n3A_300 : vector<16xf32>
        %add3A_310 = arith.addf %add3A_291, %mul3A_309 : vector<16xf32>
        %add3A_311 = arith.addi %and3A_293, %broadcast_in_dim3A_81 : vector<16xi32>
        %and3A_312 = arith.andi %add3A_311, %broadcast_in_dim3A_83 : vector<16xi32>
        %add3A_313 = arith.addi %and3A_312, %broadcast_in_dim3A_85 : vector<16xi32>
        %gather3A_314 = tpu.vector_load_idx %arg19[%add3A_141, %and3A_312] : memref<128x128xf32, #tpu.memory_space<vmem>>[vector<16xi32>, vector<16xi32>], vector<16xf32>,
        %gather3A_315 = tpu.vector_load_idx %arg19[%add3A_141, %add3A_313] : memref<128x128xf32, #tpu.memory_space<vmem>>[vector<16xi32>, vector<16xi32>], vector<16xf32>,
        %add3A_316 = arith.addi %and3A_312, %get3A_154 : vector<16xi32>
        %gather3A_317 = tpu.vector_load_idx %arg21[%add3A_141, %add3A_316] : memref<128x128xf32, #tpu.memory_space<vmem>>[vector<16xi32>, vector<16xi32>], vector<16xf32>,
        %gather3A_318 = tpu.vector_load_idx %arg16[%get3A_147, %add3A_313] : memref<128x128xf32, #tpu.memory_space<vmem>>[vector<16xi32>, vector<16xi32>], vector<16xf32>,
        %select_n3A_319 = arith.select %gt3A_163, %gather3A_314, %gather3A_315 : vector<16xi1>, vector<16xf32>
        %mul3A_320 = arith.mulf %gather3A_318, %gather3A_314 : vector<16xf32>
        %add3A_321 = arith.addf %add3A_302, %mul3A_320 : vector<16xf32>
        %mul3A_322 = arith.mulf %gather3A_314, %gather3A_314 : vector<16xf32>
        %add3A_323 = arith.addf %add3A_304, %mul3A_322 : vector<16xf32>
        %mul3A_324 = arith.mulf %gather3A_315, %gather3A_315 : vector<16xf32>
        %add3A_325 = arith.addf %add3A_306, %mul3A_324 : vector<16xf32>
        %mul3A_326 = arith.mulf %gather3A_317, %gather3A_317 : vector<16xf32>
        %add3A_327 = arith.addf %add3A_308, %mul3A_326 : vector<16xf32>
        %mul3A_328 = arith.mulf %gather3A_317, %select_n3A_319 : vector<16xf32>
        %add3A_329 = arith.addf %add3A_310, %mul3A_328 : vector<16xf32>
        %add3A_330 = arith.addi %and3A_312, %broadcast_in_dim3A_81 : vector<16xi32>
        %and3A_331 = arith.andi %add3A_330, %broadcast_in_dim3A_83 : vector<16xi32>
        %add3A_332 = arith.addi %and3A_331, %broadcast_in_dim3A_85 : vector<16xi32>
        %gather3A_333 = tpu.vector_load_idx %arg19[%add3A_141, %and3A_331] : memref<128x128xf32, #tpu.memory_space<vmem>>[vector<16xi32>, vector<16xi32>], vector<16xf32>,
        %gather3A_334 = tpu.vector_load_idx %arg19[%add3A_141, %add3A_332] : memref<128x128xf32, #tpu.memory_space<vmem>>[vector<16xi32>, vector<16xi32>], vector<16xf32>,
        %add3A_335 = arith.addi %and3A_331, %get3A_154 : vector<16xi32>
        %gather3A_336 = tpu.vector_load_idx %arg21[%add3A_141, %add3A_335] : memref<128x128xf32, #tpu.memory_space<vmem>>[vector<16xi32>, vector<16xi32>], vector<16xf32>,
        %gather3A_337 = tpu.vector_load_idx %arg16[%get3A_147, %add3A_332] : memref<128x128xf32, #tpu.memory_space<vmem>>[vector<16xi32>, vector<16xi32>], vector<16xf32>,
        %select_n3A_338 = arith.select %gt3A_163, %gather3A_333, %gather3A_334 : vector<16xi1>, vector<16xf32>
        %mul3A_339 = arith.mulf %gather3A_337, %gather3A_333 : vector<16xf32>
        %add3A_340 = arith.addf %add3A_321, %mul3A_339 : vector<16xf32>
        %mul3A_341 = arith.mulf %gather3A_333, %gather3A_333 : vector<16xf32>
        %add3A_342 = arith.addf %add3A_323, %mul3A_341 : vector<16xf32>
        %mul3A_343 = arith.mulf %gather3A_334, %gather3A_334 : vector<16xf32>
        %add3A_344 = arith.addf %add3A_325, %mul3A_343 : vector<16xf32>
        %mul3A_345 = arith.mulf %gather3A_336, %gather3A_336 : vector<16xf32>
        %add3A_346 = arith.addf %add3A_327, %mul3A_345 : vector<16xf32>
        %mul3A_347 = arith.mulf %gather3A_336, %select_n3A_338 : vector<16xf32>
        %add3A_348 = arith.addf %add3A_329, %mul3A_347 : vector<16xf32>
        %add3A_349 = arith.addi %and3A_331, %broadcast_in_dim3A_81 : vector<16xi32>
        %and3A_350 = arith.andi %add3A_349, %broadcast_in_dim3A_83 : vector<16xi32>
        %add3A_351 = arith.addi %and3A_350, %broadcast_in_dim3A_85 : vector<16xi32>
        %gather3A_352 = tpu.vector_load_idx %arg19[%add3A_141, %and3A_350] : memref<128x128xf32, #tpu.memory_space<vmem>>[vector<16xi32>, vector<16xi32>], vector<16xf32>,
        %gather3A_353 = tpu.vector_load_idx %arg19[%add3A_141, %add3A_351] : memref<128x128xf32, #tpu.memory_space<vmem>>[vector<16xi32>, vector<16xi32>], vector<16xf32>,
        %add3A_354 = arith.addi %and3A_350, %get3A_154 : vector<16xi32>
        %gather3A_355 = tpu.vector_load_idx %arg21[%add3A_141, %add3A_354] : memref<128x128xf32, #tpu.memory_space<vmem>>[vector<16xi32>, vector<16xi32>], vector<16xf32>,
        %gather3A_356 = tpu.vector_load_idx %arg16[%get3A_147, %add3A_351] : memref<128x128xf32, #tpu.memory_space<vmem>>[vector<16xi32>, vector<16xi32>], vector<16xf32>,
        %select_n3A_357 = arith.select %gt3A_163, %gather3A_352, %gather3A_353 : vector<16xi1>, vector<16xf32>
        %mul3A_358 = arith.mulf %gather3A_356, %gather3A_352 : vector<16xf32>
        %add3A_359 = arith.addf %add3A_340, %mul3A_358 : vector<16xf32>
        %mul3A_360 = arith.mulf %gather3A_352, %gather3A_352 : vector<16xf32>
        %add3A_361 = arith.addf %add3A_342, %mul3A_360 : vector<16xf32>
        %mul3A_362 = arith.mulf %gather3A_353, %gather3A_353 : vector<16xf32>
        %add3A_363 = arith.addf %add3A_344, %mul3A_362 : vector<16xf32>
        %mul3A_364 = arith.mulf %gather3A_355, %gather3A_355 : vector<16xf32>
        %add3A_365 = arith.addf %add3A_346, %mul3A_364 : vector<16xf32>
        %mul3A_366 = arith.mulf %gather3A_355, %select_n3A_357 : vector<16xf32>
        %add3A_367 = arith.addf %add3A_348, %mul3A_366 : vector<16xf32>
        %add3A_368 = arith.addi %and3A_350, %broadcast_in_dim3A_81 : vector<16xi32>
        %and3A_369 = arith.andi %add3A_368, %broadcast_in_dim3A_83 : vector<16xi32>
        %add3A_370 = arith.addi %and3A_369, %broadcast_in_dim3A_85 : vector<16xi32>
        %gather3A_371 = tpu.vector_load_idx %arg19[%add3A_141, %and3A_369] : memref<128x128xf32, #tpu.memory_space<vmem>>[vector<16xi32>, vector<16xi32>], vector<16xf32>,
        %gather3A_372 = tpu.vector_load_idx %arg19[%add3A_141, %add3A_370] : memref<128x128xf32, #tpu.memory_space<vmem>>[vector<16xi32>, vector<16xi32>], vector<16xf32>,
        %add3A_373 = arith.addi %and3A_369, %get3A_154 : vector<16xi32>
        %gather3A_374 = tpu.vector_load_idx %arg21[%add3A_141, %add3A_373] : memref<128x128xf32, #tpu.memory_space<vmem>>[vector<16xi32>, vector<16xi32>], vector<16xf32>,
        %gather3A_375 = tpu.vector_load_idx %arg16[%get3A_147, %add3A_370] : memref<128x128xf32, #tpu.memory_space<vmem>>[vector<16xi32>, vector<16xi32>], vector<16xf32>,
        %select_n3A_376 = arith.select %gt3A_163, %gather3A_371, %gather3A_372 : vector<16xi1>, vector<16xf32>
        %mul3A_377 = arith.mulf %gather3A_375, %gather3A_371 : vector<16xf32>
        %add3A_378 = arith.addf %add3A_359, %mul3A_377 : vector<16xf32>
        %mul3A_379 = arith.mulf %gather3A_371, %gather3A_371 : vector<16xf32>
        %add3A_380 = arith.addf %add3A_361, %mul3A_379 : vector<16xf32>
        %mul3A_381 = arith.mulf %gather3A_372, %gather3A_372 : vector<16xf32>
        %add3A_382 = arith.addf %add3A_363, %mul3A_381 : vector<16xf32>
        %mul3A_383 = arith.mulf %gather3A_374, %gather3A_374 : vector<16xf32>
        %add3A_384 = arith.addf %add3A_365, %mul3A_383 : vector<16xf32>
        %mul3A_385 = arith.mulf %gather3A_374, %select_n3A_376 : vector<16xf32>
        %add3A_386 = arith.addf %add3A_367, %mul3A_385 : vector<16xf32>
        %add3A_387 = arith.addi %and3A_369, %broadcast_in_dim3A_81 : vector<16xi32>
        %and3A_388 = arith.andi %add3A_387, %broadcast_in_dim3A_83 : vector<16xi32>
        %add3A_389 = arith.addi %and3A_388, %broadcast_in_dim3A_85 : vector<16xi32>
        %gather3A_390 = tpu.vector_load_idx %arg19[%add3A_141, %and3A_388] : memref<128x128xf32, #tpu.memory_space<vmem>>[vector<16xi32>, vector<16xi32>], vector<16xf32>,
        %gather3A_391 = tpu.vector_load_idx %arg19[%add3A_141, %add3A_389] : memref<128x128xf32, #tpu.memory_space<vmem>>[vector<16xi32>, vector<16xi32>], vector<16xf32>,
        %add3A_392 = arith.addi %and3A_388, %get3A_154 : vector<16xi32>
        %gather3A_393 = tpu.vector_load_idx %arg21[%add3A_141, %add3A_392] : memref<128x128xf32, #tpu.memory_space<vmem>>[vector<16xi32>, vector<16xi32>], vector<16xf32>,
        %gather3A_394 = tpu.vector_load_idx %arg16[%get3A_147, %add3A_389] : memref<128x128xf32, #tpu.memory_space<vmem>>[vector<16xi32>, vector<16xi32>], vector<16xf32>,
        %select_n3A_395 = arith.select %gt3A_163, %gather3A_390, %gather3A_391 : vector<16xi1>, vector<16xf32>
        %mul3A_396 = arith.mulf %gather3A_394, %gather3A_390 : vector<16xf32>
        %add3A_397 = arith.addf %add3A_378, %mul3A_396 : vector<16xf32>
        %mul3A_398 = arith.mulf %gather3A_390, %gather3A_390 : vector<16xf32>
        %add3A_399 = arith.addf %add3A_380, %mul3A_398 : vector<16xf32>
        %mul3A_400 = arith.mulf %gather3A_391, %gather3A_391 : vector<16xf32>
        %add3A_401 = arith.addf %add3A_382, %mul3A_400 : vector<16xf32>
        %mul3A_402 = arith.mulf %gather3A_393, %gather3A_393 : vector<16xf32>
        %add3A_403 = arith.addf %add3A_384, %mul3A_402 : vector<16xf32>
        %mul3A_404 = arith.mulf %gather3A_393, %select_n3A_395 : vector<16xf32>
        %add3A_405 = arith.addf %add3A_386, %mul3A_404 : vector<16xf32>
        %add3A_406 = arith.addi %and3A_388, %broadcast_in_dim3A_81 : vector<16xi32>
        %and3A_407 = arith.andi %add3A_406, %broadcast_in_dim3A_83 : vector<16xi32>
        %add3A_408 = arith.addi %and3A_407, %broadcast_in_dim3A_85 : vector<16xi32>
        %gather3A_409 = tpu.vector_load_idx %arg19[%add3A_141, %and3A_407] : memref<128x128xf32, #tpu.memory_space<vmem>>[vector<16xi32>, vector<16xi32>], vector<16xf32>,
        %gather3A_410 = tpu.vector_load_idx %arg19[%add3A_141, %add3A_408] : memref<128x128xf32, #tpu.memory_space<vmem>>[vector<16xi32>, vector<16xi32>], vector<16xf32>,
        %add3A_411 = arith.addi %and3A_407, %get3A_154 : vector<16xi32>
        %gather3A_412 = tpu.vector_load_idx %arg21[%add3A_141, %add3A_411] : memref<128x128xf32, #tpu.memory_space<vmem>>[vector<16xi32>, vector<16xi32>], vector<16xf32>,
        %gather3A_413 = tpu.vector_load_idx %arg16[%get3A_147, %add3A_408] : memref<128x128xf32, #tpu.memory_space<vmem>>[vector<16xi32>, vector<16xi32>], vector<16xf32>,
        %select_n3A_414 = arith.select %gt3A_163, %gather3A_409, %gather3A_410 : vector<16xi1>, vector<16xf32>
        %mul3A_415 = arith.mulf %gather3A_413, %gather3A_409 : vector<16xf32>
        %add3A_416 = arith.addf %add3A_397, %mul3A_415 : vector<16xf32>
        %mul3A_417 = arith.mulf %gather3A_409, %gather3A_409 : vector<16xf32>
        %add3A_418 = arith.addf %add3A_399, %mul3A_417 : vector<16xf32>
        %mul3A_419 = arith.mulf %gather3A_410, %gather3A_410 : vector<16xf32>
        %add3A_420 = arith.addf %add3A_401, %mul3A_419 : vector<16xf32>
        %mul3A_421 = arith.mulf %gather3A_412, %gather3A_412 : vector<16xf32>
        %add3A_422 = arith.addf %add3A_403, %mul3A_421 : vector<16xf32>
        %mul3A_423 = arith.mulf %gather3A_412, %select_n3A_414 : vector<16xf32>
        %add3A_424 = arith.addf %add3A_405, %mul3A_423 : vector<16xf32>
        %add3A_425 = arith.addi %and3A_407, %broadcast_in_dim3A_81 : vector<16xi32>
        %and3A_426 = arith.andi %add3A_425, %broadcast_in_dim3A_83 : vector<16xi32>
        %add3A_427 = arith.addi %and3A_426, %broadcast_in_dim3A_85 : vector<16xi32>
        %gather3A_428 = tpu.vector_load_idx %arg19[%add3A_141, %and3A_426] : memref<128x128xf32, #tpu.memory_space<vmem>>[vector<16xi32>, vector<16xi32>], vector<16xf32>,
        %gather3A_429 = tpu.vector_load_idx %arg19[%add3A_141, %add3A_427] : memref<128x128xf32, #tpu.memory_space<vmem>>[vector<16xi32>, vector<16xi32>], vector<16xf32>,
        %add3A_430 = arith.addi %and3A_426, %get3A_154 : vector<16xi32>
        %gather3A_431 = tpu.vector_load_idx %arg21[%add3A_141, %add3A_430] : memref<128x128xf32, #tpu.memory_space<vmem>>[vector<16xi32>, vector<16xi32>], vector<16xf32>,
        %gather3A_432 = tpu.vector_load_idx %arg16[%get3A_147, %add3A_427] : memref<128x128xf32, #tpu.memory_space<vmem>>[vector<16xi32>, vector<16xi32>], vector<16xf32>,
        %select_n3A_433 = arith.select %gt3A_163, %gather3A_428, %gather3A_429 : vector<16xi1>, vector<16xf32>
        %mul3A_434 = arith.mulf %gather3A_432, %gather3A_428 : vector<16xf32>
        %add3A_435 = arith.addf %add3A_416, %mul3A_434 : vector<16xf32>
        %mul3A_436 = arith.mulf %gather3A_428, %gather3A_428 : vector<16xf32>
        %add3A_437 = arith.addf %add3A_418, %mul3A_436 : vector<16xf32>
        %mul3A_438 = arith.mulf %gather3A_429, %gather3A_429 : vector<16xf32>
        %add3A_439 = arith.addf %add3A_420, %mul3A_438 : vector<16xf32>
        %mul3A_440 = arith.mulf %gather3A_431, %gather3A_431 : vector<16xf32>
        %add3A_441 = arith.addf %add3A_422, %mul3A_440 : vector<16xf32>
        %mul3A_442 = arith.mulf %gather3A_431, %select_n3A_433 : vector<16xf32>
        %add3A_443 = arith.addf %add3A_424, %mul3A_442 : vector<16xf32>
        %add3A_444 = arith.addi %and3A_426, %broadcast_in_dim3A_81 : vector<16xi32>
        %and3A_445 = arith.andi %add3A_444, %broadcast_in_dim3A_83 : vector<16xi32>
        %add3A_446 = arith.addi %and3A_445, %broadcast_in_dim3A_85 : vector<16xi32>
        %gather3A_447 = tpu.vector_load_idx %arg19[%add3A_141, %and3A_445] : memref<128x128xf32, #tpu.memory_space<vmem>>[vector<16xi32>, vector<16xi32>], vector<16xf32>,
        %gather3A_448 = tpu.vector_load_idx %arg19[%add3A_141, %add3A_446] : memref<128x128xf32, #tpu.memory_space<vmem>>[vector<16xi32>, vector<16xi32>], vector<16xf32>,
        %add3A_449 = arith.addi %and3A_445, %get3A_154 : vector<16xi32>
        %gather3A_450 = tpu.vector_load_idx %arg21[%add3A_141, %add3A_449] : memref<128x128xf32, #tpu.memory_space<vmem>>[vector<16xi32>, vector<16xi32>], vector<16xf32>,
        %gather3A_451 = tpu.vector_load_idx %arg16[%get3A_147, %add3A_446] : memref<128x128xf32, #tpu.memory_space<vmem>>[vector<16xi32>, vector<16xi32>], vector<16xf32>,
        %select_n3A_452 = arith.select %gt3A_163, %gather3A_447, %gather3A_448 : vector<16xi1>, vector<16xf32>
        %mul3A_453 = arith.mulf %gather3A_451, %gather3A_447 : vector<16xf32>
        %add3A_454 = arith.addf %add3A_435, %mul3A_453 : vector<16xf32>
        %mul3A_455 = arith.mulf %gather3A_447, %gather3A_447 : vector<16xf32>
        %add3A_456 = arith.addf %add3A_437, %mul3A_455 : vector<16xf32>
        %mul3A_457 = arith.mulf %gather3A_448, %gather3A_448 : vector<16xf32>
        %add3A_458 = arith.addf %add3A_439, %mul3A_457 : vector<16xf32>
        %mul3A_459 = arith.mulf %gather3A_450, %gather3A_450 : vector<16xf32>
        %add3A_460 = arith.addf %add3A_441, %mul3A_459 : vector<16xf32>
        %mul3A_461 = arith.mulf %gather3A_450, %select_n3A_452 : vector<16xf32>
        %add3A_462 = arith.addf %add3A_443, %mul3A_461 : vector<16xf32>
        %add3A_463 = arith.addi %and3A_445, %broadcast_in_dim3A_81 : vector<16xi32>
        %and3A_464 = arith.andi %add3A_463, %broadcast_in_dim3A_83 : vector<16xi32>
        %add3A_465 = arith.addi %and3A_464, %broadcast_in_dim3A_85 : vector<16xi32>
        %gather3A_466 = tpu.vector_load_idx %arg19[%add3A_141, %and3A_464] : memref<128x128xf32, #tpu.memory_space<vmem>>[vector<16xi32>, vector<16xi32>], vector<16xf32>,
        %gather3A_467 = tpu.vector_load_idx %arg19[%add3A_141, %add3A_465] : memref<128x128xf32, #tpu.memory_space<vmem>>[vector<16xi32>, vector<16xi32>], vector<16xf32>,
        %add3A_468 = arith.addi %and3A_464, %get3A_154 : vector<16xi32>
        %gather3A_469 = tpu.vector_load_idx %arg21[%add3A_141, %add3A_468] : memref<128x128xf32, #tpu.memory_space<vmem>>[vector<16xi32>, vector<16xi32>], vector<16xf32>,
        %gather3A_470 = tpu.vector_load_idx %arg16[%get3A_147, %add3A_465] : memref<128x128xf32, #tpu.memory_space<vmem>>[vector<16xi32>, vector<16xi32>], vector<16xf32>,
        %select_n3A_471 = arith.select %gt3A_163, %gather3A_466, %gather3A_467 : vector<16xi1>, vector<16xf32>
        %mul3A_472 = arith.mulf %gather3A_470, %gather3A_466 : vector<16xf32>
        %add3A_473 = arith.addf %add3A_454, %mul3A_472 : vector<16xf32>
        %mul3A_474 = arith.mulf %gather3A_466, %gather3A_466 : vector<16xf32>
        %add3A_475 = arith.addf %add3A_456, %mul3A_474 : vector<16xf32>
        %mul3A_476 = arith.mulf %gather3A_467, %gather3A_467 : vector<16xf32>
        %add3A_477 = arith.addf %add3A_458, %mul3A_476 : vector<16xf32>
        %mul3A_478 = arith.mulf %gather3A_469, %gather3A_469 : vector<16xf32>
        %add3A_479 = arith.addf %add3A_460, %mul3A_478 : vector<16xf32>
        %mul3A_480 = arith.mulf %gather3A_469, %select_n3A_471 : vector<16xf32>
        %add3A_481 = arith.addf %add3A_462, %mul3A_480 : vector<16xf32>
        %add3A_482 = arith.addi %and3A_464, %broadcast_in_dim3A_81 : vector<16xi32>
        %and3A_483 = arith.andi %add3A_482, %broadcast_in_dim3A_83 : vector<16xi32>
        %add3A_484 = arith.addi %and3A_483, %broadcast_in_dim3A_85 : vector<16xi32>
        %gather3A_485 = tpu.vector_load_idx %arg19[%add3A_141, %and3A_483] : memref<128x128xf32, #tpu.memory_space<vmem>>[vector<16xi32>, vector<16xi32>], vector<16xf32>,
        %gather3A_486 = tpu.vector_load_idx %arg19[%add3A_141, %add3A_484] : memref<128x128xf32, #tpu.memory_space<vmem>>[vector<16xi32>, vector<16xi32>], vector<16xf32>,
        %add3A_487 = arith.addi %and3A_483, %get3A_154 : vector<16xi32>
        %gather3A_488 = tpu.vector_load_idx %arg21[%add3A_141, %add3A_487] : memref<128x128xf32, #tpu.memory_space<vmem>>[vector<16xi32>, vector<16xi32>], vector<16xf32>,
        %gather3A_489 = tpu.vector_load_idx %arg16[%get3A_147, %add3A_484] : memref<128x128xf32, #tpu.memory_space<vmem>>[vector<16xi32>, vector<16xi32>], vector<16xf32>,
        %select_n3A_490 = arith.select %gt3A_163, %gather3A_485, %gather3A_486 : vector<16xi1>, vector<16xf32>
        %mul3A_491 = arith.mulf %gather3A_489, %gather3A_485 : vector<16xf32>
        %add3A_492 = arith.addf %add3A_473, %mul3A_491 : vector<16xf32>
        %mul3A_493 = arith.mulf %gather3A_485, %gather3A_485 : vector<16xf32>
        %add3A_494 = arith.addf %add3A_475, %mul3A_493 : vector<16xf32>
        %mul3A_495 = arith.mulf %gather3A_486, %gather3A_486 : vector<16xf32>
        %add3A_496 = arith.addf %add3A_477, %mul3A_495 : vector<16xf32>
        %mul3A_497 = arith.mulf %gather3A_488, %gather3A_488 : vector<16xf32>
        %add3A_498 = arith.addf %add3A_479, %mul3A_497 : vector<16xf32>
        %mul3A_499 = arith.mulf %gather3A_488, %select_n3A_490 : vector<16xf32>
        %add3A_500 = arith.addf %add3A_481, %mul3A_499 : vector<16xf32>
        %add3A_501 = arith.addi %and3A_483, %broadcast_in_dim3A_81 : vector<16xi32>
        %and3A_502 = arith.andi %add3A_501, %broadcast_in_dim3A_83 : vector<16xi32>
        %add3A_503 = arith.addi %and3A_502, %broadcast_in_dim3A_85 : vector<16xi32>
        %gather3A_504 = tpu.vector_load_idx %arg19[%add3A_141, %and3A_502] : memref<128x128xf32, #tpu.memory_space<vmem>>[vector<16xi32>, vector<16xi32>], vector<16xf32>,
        %gather3A_505 = tpu.vector_load_idx %arg19[%add3A_141, %add3A_503] : memref<128x128xf32, #tpu.memory_space<vmem>>[vector<16xi32>, vector<16xi32>], vector<16xf32>,
        %add3A_506 = arith.addi %and3A_502, %get3A_154 : vector<16xi32>
        %gather3A_507 = tpu.vector_load_idx %arg21[%add3A_141, %add3A_506] : memref<128x128xf32, #tpu.memory_space<vmem>>[vector<16xi32>, vector<16xi32>], vector<16xf32>,
        %gather3A_508 = tpu.vector_load_idx %arg16[%get3A_147, %add3A_503] : memref<128x128xf32, #tpu.memory_space<vmem>>[vector<16xi32>, vector<16xi32>], vector<16xf32>,
        %select_n3A_509 = arith.select %gt3A_163, %gather3A_504, %gather3A_505 : vector<16xi1>, vector<16xf32>
        %mul3A_510 = arith.mulf %gather3A_508, %gather3A_504 : vector<16xf32>
        %add3A_511 = arith.addf %add3A_492, %mul3A_510 : vector<16xf32>
        %mul3A_512 = arith.mulf %gather3A_504, %gather3A_504 : vector<16xf32>
        %add3A_513 = arith.addf %add3A_494, %mul3A_512 : vector<16xf32>
        %mul3A_514 = arith.mulf %gather3A_505, %gather3A_505 : vector<16xf32>
        %add3A_515 = arith.addf %add3A_496, %mul3A_514 : vector<16xf32>
        %mul3A_516 = arith.mulf %gather3A_507, %gather3A_507 : vector<16xf32>
        %add3A_517 = arith.addf %add3A_498, %mul3A_516 : vector<16xf32>
        %mul3A_518 = arith.mulf %gather3A_507, %select_n3A_509 : vector<16xf32>
        %add3A_519 = arith.addf %add3A_500, %mul3A_518 : vector<16xf32>
        %add3A_520 = arith.addi %and3A_502, %broadcast_in_dim3A_81 : vector<16xi32>
        %and3A_521 = arith.andi %add3A_520, %broadcast_in_dim3A_83 : vector<16xi32>
        %add3A_522 = arith.addi %and3A_521, %broadcast_in_dim3A_85 : vector<16xi32>
        %gather3A_523 = tpu.vector_load_idx %arg19[%add3A_141, %and3A_521] : memref<128x128xf32, #tpu.memory_space<vmem>>[vector<16xi32>, vector<16xi32>], vector<16xf32>,
        %gather3A_524 = tpu.vector_load_idx %arg19[%add3A_141, %add3A_522] : memref<128x128xf32, #tpu.memory_space<vmem>>[vector<16xi32>, vector<16xi32>], vector<16xf32>,
        %add3A_525 = arith.addi %and3A_521, %get3A_154 : vector<16xi32>
        %gather3A_526 = tpu.vector_load_idx %arg21[%add3A_141, %add3A_525] : memref<128x128xf32, #tpu.memory_space<vmem>>[vector<16xi32>, vector<16xi32>], vector<16xf32>,
        %gather3A_527 = tpu.vector_load_idx %arg16[%get3A_147, %add3A_522] : memref<128x128xf32, #tpu.memory_space<vmem>>[vector<16xi32>, vector<16xi32>], vector<16xf32>,
        %select_n3A_528 = arith.select %gt3A_163, %gather3A_523, %gather3A_524 : vector<16xi1>, vector<16xf32>
        %mul3A_529 = arith.mulf %gather3A_527, %gather3A_523 : vector<16xf32>
        %add3A_530 = arith.addf %add3A_511, %mul3A_529 : vector<16xf32>
        %mul3A_531 = arith.mulf %gather3A_523, %gather3A_523 : vector<16xf32>
        %add3A_532 = arith.addf %add3A_513, %mul3A_531 : vector<16xf32>
        %mul3A_533 = arith.mulf %gather3A_524, %gather3A_524 : vector<16xf32>
        %add3A_534 = arith.addf %add3A_515, %mul3A_533 : vector<16xf32>
        %mul3A_535 = arith.mulf %gather3A_526, %gather3A_526 : vector<16xf32>
        %add3A_536 = arith.addf %add3A_517, %mul3A_535 : vector<16xf32>
        %mul3A_537 = arith.mulf %gather3A_526, %select_n3A_528 : vector<16xf32>
        %add3A_538 = arith.addf %add3A_519, %mul3A_537 : vector<16xf32>
        %add3A_539 = arith.addi %and3A_521, %broadcast_in_dim3A_81 : vector<16xi32>
        %and3A_540 = arith.andi %add3A_539, %broadcast_in_dim3A_83 : vector<16xi32>
        %add3A_541 = arith.addi %and3A_540, %broadcast_in_dim3A_85 : vector<16xi32>
        %gather3A_542 = tpu.vector_load_idx %arg19[%add3A_141, %and3A_540] : memref<128x128xf32, #tpu.memory_space<vmem>>[vector<16xi32>, vector<16xi32>], vector<16xf32>,
        %gather3A_543 = tpu.vector_load_idx %arg19[%add3A_141, %add3A_541] : memref<128x128xf32, #tpu.memory_space<vmem>>[vector<16xi32>, vector<16xi32>], vector<16xf32>,
        %add3A_544 = arith.addi %and3A_540, %get3A_154 : vector<16xi32>
        %gather3A_545 = tpu.vector_load_idx %arg21[%add3A_141, %add3A_544] : memref<128x128xf32, #tpu.memory_space<vmem>>[vector<16xi32>, vector<16xi32>], vector<16xf32>,
        %gather3A_546 = tpu.vector_load_idx %arg16[%get3A_147, %add3A_541] : memref<128x128xf32, #tpu.memory_space<vmem>>[vector<16xi32>, vector<16xi32>], vector<16xf32>,
        %select_n3A_547 = arith.select %gt3A_163, %gather3A_542, %gather3A_543 : vector<16xi1>, vector<16xf32>
        %mul3A_548 = arith.mulf %gather3A_546, %gather3A_542 : vector<16xf32>
        %add3A_549 = arith.addf %add3A_530, %mul3A_548 : vector<16xf32>
        %mul3A_550 = arith.mulf %gather3A_542, %gather3A_542 : vector<16xf32>
        %add3A_551 = arith.addf %add3A_532, %mul3A_550 : vector<16xf32>
        %mul3A_552 = arith.mulf %gather3A_543, %gather3A_543 : vector<16xf32>
        %add3A_553 = arith.addf %add3A_534, %mul3A_552 : vector<16xf32>
        %mul3A_554 = arith.mulf %gather3A_545, %gather3A_545 : vector<16xf32>
        %add3A_555 = arith.addf %add3A_536, %mul3A_554 : vector<16xf32>
        %mul3A_556 = arith.mulf %gather3A_545, %select_n3A_547 : vector<16xf32>
        %add3A_557 = arith.addf %add3A_538, %mul3A_556 : vector<16xf32>
        %add3A_558 = arith.addi %and3A_540, %broadcast_in_dim3A_81 : vector<16xi32>
        %and3A_559 = arith.andi %add3A_558, %broadcast_in_dim3A_83 : vector<16xi32>
        %add3A_560 = arith.addi %and3A_559, %broadcast_in_dim3A_85 : vector<16xi32>
        %gather3A_561 = tpu.vector_load_idx %arg19[%add3A_141, %and3A_559] : memref<128x128xf32, #tpu.memory_space<vmem>>[vector<16xi32>, vector<16xi32>], vector<16xf32>,
        %gather3A_562 = tpu.vector_load_idx %arg19[%add3A_141, %add3A_560] : memref<128x128xf32, #tpu.memory_space<vmem>>[vector<16xi32>, vector<16xi32>], vector<16xf32>,
        %add3A_563 = arith.addi %and3A_559, %get3A_154 : vector<16xi32>
        %gather3A_564 = tpu.vector_load_idx %arg21[%add3A_141, %add3A_563] : memref<128x128xf32, #tpu.memory_space<vmem>>[vector<16xi32>, vector<16xi32>], vector<16xf32>,
        %gather3A_565 = tpu.vector_load_idx %arg16[%get3A_147, %add3A_560] : memref<128x128xf32, #tpu.memory_space<vmem>>[vector<16xi32>, vector<16xi32>], vector<16xf32>,
        %select_n3A_566 = arith.select %gt3A_163, %gather3A_561, %gather3A_562 : vector<16xi1>, vector<16xf32>
        %mul3A_567 = arith.mulf %gather3A_565, %gather3A_561 : vector<16xf32>
        %add3A_568 = arith.addf %add3A_549, %mul3A_567 : vector<16xf32>
        %mul3A_569 = arith.mulf %gather3A_561, %gather3A_561 : vector<16xf32>
        %add3A_570 = arith.addf %add3A_551, %mul3A_569 : vector<16xf32>
        %mul3A_571 = arith.mulf %gather3A_562, %gather3A_562 : vector<16xf32>
        %add3A_572 = arith.addf %add3A_553, %mul3A_571 : vector<16xf32>
        %mul3A_573 = arith.mulf %gather3A_564, %gather3A_564 : vector<16xf32>
        %add3A_574 = arith.addf %add3A_555, %mul3A_573 : vector<16xf32>
        %mul3A_575 = arith.mulf %gather3A_564, %select_n3A_566 : vector<16xf32>
        %add3A_576 = arith.addf %add3A_557, %mul3A_575 : vector<16xf32>
        %add3A_577 = arith.addi %and3A_559, %broadcast_in_dim3A_81 : vector<16xi32>
        %and3A_578 = arith.andi %add3A_577, %broadcast_in_dim3A_83 : vector<16xi32>
        %add3A_579 = arith.addi %and3A_578, %broadcast_in_dim3A_85 : vector<16xi32>
        %gather3A_580 = tpu.vector_load_idx %arg19[%add3A_141, %and3A_578] : memref<128x128xf32, #tpu.memory_space<vmem>>[vector<16xi32>, vector<16xi32>], vector<16xf32>,
        %gather3A_581 = tpu.vector_load_idx %arg19[%add3A_141, %add3A_579] : memref<128x128xf32, #tpu.memory_space<vmem>>[vector<16xi32>, vector<16xi32>], vector<16xf32>,
        %add3A_582 = arith.addi %and3A_578, %get3A_154 : vector<16xi32>
        %gather3A_583 = tpu.vector_load_idx %arg21[%add3A_141, %add3A_582] : memref<128x128xf32, #tpu.memory_space<vmem>>[vector<16xi32>, vector<16xi32>], vector<16xf32>,
        %gather3A_584 = tpu.vector_load_idx %arg16[%get3A_147, %add3A_579] : memref<128x128xf32, #tpu.memory_space<vmem>>[vector<16xi32>, vector<16xi32>], vector<16xf32>,
        %select_n3A_585 = arith.select %gt3A_163, %gather3A_580, %gather3A_581 : vector<16xi1>, vector<16xf32>
        %mul3A_586 = arith.mulf %gather3A_584, %gather3A_580 : vector<16xf32>
        %add3A_587 = arith.addf %add3A_568, %mul3A_586 : vector<16xf32>
        %mul3A_588 = arith.mulf %gather3A_580, %gather3A_580 : vector<16xf32>
        %add3A_589 = arith.addf %add3A_570, %mul3A_588 : vector<16xf32>
        %mul3A_590 = arith.mulf %gather3A_581, %gather3A_581 : vector<16xf32>
        %add3A_591 = arith.addf %add3A_572, %mul3A_590 : vector<16xf32>
        %mul3A_592 = arith.mulf %gather3A_583, %gather3A_583 : vector<16xf32>
        %add3A_593 = arith.addf %add3A_574, %mul3A_592 : vector<16xf32>
        %mul3A_594 = arith.mulf %gather3A_583, %select_n3A_585 : vector<16xf32>
        %add3A_595 = arith.addf %add3A_576, %mul3A_594 : vector<16xf32>
        %add3A_596 = arith.addi %and3A_578, %broadcast_in_dim3A_81 : vector<16xi32>
        %and3A_597 = arith.andi %add3A_596, %broadcast_in_dim3A_83 : vector<16xi32>
        %add3A_598 = arith.addi %and3A_597, %broadcast_in_dim3A_85 : vector<16xi32>
        %gather3A_599 = tpu.vector_load_idx %arg19[%add3A_141, %and3A_597] : memref<128x128xf32, #tpu.memory_space<vmem>>[vector<16xi32>, vector<16xi32>], vector<16xf32>,
        %gather3A_600 = tpu.vector_load_idx %arg19[%add3A_141, %add3A_598] : memref<128x128xf32, #tpu.memory_space<vmem>>[vector<16xi32>, vector<16xi32>], vector<16xf32>,
        %add3A_601 = arith.addi %and3A_597, %get3A_154 : vector<16xi32>
        %gather3A_602 = tpu.vector_load_idx %arg21[%add3A_141, %add3A_601] : memref<128x128xf32, #tpu.memory_space<vmem>>[vector<16xi32>, vector<16xi32>], vector<16xf32>,
        %gather3A_603 = tpu.vector_load_idx %arg16[%get3A_147, %add3A_598] : memref<128x128xf32, #tpu.memory_space<vmem>>[vector<16xi32>, vector<16xi32>], vector<16xf32>,
        %select_n3A_604 = arith.select %gt3A_163, %gather3A_599, %gather3A_600 : vector<16xi1>, vector<16xf32>
        %mul3A_605 = arith.mulf %gather3A_603, %gather3A_599 : vector<16xf32>
        %add3A_606 = arith.addf %add3A_587, %mul3A_605 : vector<16xf32>
        %mul3A_607 = arith.mulf %gather3A_599, %gather3A_599 : vector<16xf32>
        %add3A_608 = arith.addf %add3A_589, %mul3A_607 : vector<16xf32>
        %mul3A_609 = arith.mulf %gather3A_600, %gather3A_600 : vector<16xf32>
        %add3A_610 = arith.addf %add3A_591, %mul3A_609 : vector<16xf32>
        %mul3A_611 = arith.mulf %gather3A_602, %gather3A_602 : vector<16xf32>
        %add3A_612 = arith.addf %add3A_593, %mul3A_611 : vector<16xf32>
        %mul3A_613 = arith.mulf %gather3A_602, %select_n3A_604 : vector<16xf32>
        %add3A_614 = arith.addf %add3A_595, %mul3A_613 : vector<16xf32>
        %add3A_615 = arith.addi %and3A_597, %broadcast_in_dim3A_81 : vector<16xi32>
        %and3A_616 = arith.andi %add3A_615, %broadcast_in_dim3A_83 : vector<16xi32>
        %add3A_617 = arith.addi %and3A_616, %broadcast_in_dim3A_85 : vector<16xi32>
        %gather3A_618 = tpu.vector_load_idx %arg19[%add3A_141, %and3A_616] : memref<128x128xf32, #tpu.memory_space<vmem>>[vector<16xi32>, vector<16xi32>], vector<16xf32>,
        %gather3A_619 = tpu.vector_load_idx %arg19[%add3A_141, %add3A_617] : memref<128x128xf32, #tpu.memory_space<vmem>>[vector<16xi32>, vector<16xi32>], vector<16xf32>,
        %add3A_620 = arith.addi %and3A_616, %get3A_154 : vector<16xi32>
        %gather3A_621 = tpu.vector_load_idx %arg21[%add3A_141, %add3A_620] : memref<128x128xf32, #tpu.memory_space<vmem>>[vector<16xi32>, vector<16xi32>], vector<16xf32>,
        %gather3A_622 = tpu.vector_load_idx %arg16[%get3A_147, %add3A_617] : memref<128x128xf32, #tpu.memory_space<vmem>>[vector<16xi32>, vector<16xi32>], vector<16xf32>,
        %select_n3A_623 = arith.select %gt3A_163, %gather3A_618, %gather3A_619 : vector<16xi1>, vector<16xf32>
        %mul3A_624 = arith.mulf %gather3A_622, %gather3A_618 : vector<16xf32>
        %add3A_625 = arith.addf %add3A_606, %mul3A_624 : vector<16xf32>
        %mul3A_626 = arith.mulf %gather3A_618, %gather3A_618 : vector<16xf32>
        %add3A_627 = arith.addf %add3A_608, %mul3A_626 : vector<16xf32>
        %mul3A_628 = arith.mulf %gather3A_619, %gather3A_619 : vector<16xf32>
        %add3A_629 = arith.addf %add3A_610, %mul3A_628 : vector<16xf32>
        %mul3A_630 = arith.mulf %gather3A_621, %gather3A_621 : vector<16xf32>
        %add3A_631 = arith.addf %add3A_612, %mul3A_630 : vector<16xf32>
        %mul3A_632 = arith.mulf %gather3A_621, %select_n3A_623 : vector<16xf32>
        %add3A_633 = arith.addf %add3A_614, %mul3A_632 : vector<16xf32>
        %add3A_634 = arith.addi %and3A_616, %broadcast_in_dim3A_81 : vector<16xi32>
        %and3A_635 = arith.andi %add3A_634, %broadcast_in_dim3A_83 : vector<16xi32>
        %add3A_636 = arith.addi %and3A_635, %broadcast_in_dim3A_85 : vector<16xi32>
        %gather3A_637 = tpu.vector_load_idx %arg19[%add3A_141, %and3A_635] : memref<128x128xf32, #tpu.memory_space<vmem>>[vector<16xi32>, vector<16xi32>], vector<16xf32>,
        %gather3A_638 = tpu.vector_load_idx %arg19[%add3A_141, %add3A_636] : memref<128x128xf32, #tpu.memory_space<vmem>>[vector<16xi32>, vector<16xi32>], vector<16xf32>,
        %add3A_639 = arith.addi %and3A_635, %get3A_154 : vector<16xi32>
        %gather3A_640 = tpu.vector_load_idx %arg21[%add3A_141, %add3A_639] : memref<128x128xf32, #tpu.memory_space<vmem>>[vector<16xi32>, vector<16xi32>], vector<16xf32>,
        %gather3A_641 = tpu.vector_load_idx %arg16[%get3A_147, %add3A_636] : memref<128x128xf32, #tpu.memory_space<vmem>>[vector<16xi32>, vector<16xi32>], vector<16xf32>,
        %select_n3A_642 = arith.select %gt3A_163, %gather3A_637, %gather3A_638 : vector<16xi1>, vector<16xf32>
        %mul3A_643 = arith.mulf %gather3A_641, %gather3A_637 : vector<16xf32>
        %add3A_644 = arith.addf %add3A_625, %mul3A_643 : vector<16xf32>
        %mul3A_645 = arith.mulf %gather3A_637, %gather3A_637 : vector<16xf32>
        %add3A_646 = arith.addf %add3A_627, %mul3A_645 : vector<16xf32>
        %mul3A_647 = arith.mulf %gather3A_638, %gather3A_638 : vector<16xf32>
        %add3A_648 = arith.addf %add3A_629, %mul3A_647 : vector<16xf32>
        %mul3A_649 = arith.mulf %gather3A_640, %gather3A_640 : vector<16xf32>
        %add3A_650 = arith.addf %add3A_631, %mul3A_649 : vector<16xf32>
        %mul3A_651 = arith.mulf %gather3A_640, %select_n3A_642 : vector<16xf32>
        %add3A_652 = arith.addf %add3A_633, %mul3A_651 : vector<16xf32>
        %add3A_653 = arith.addi %and3A_635, %broadcast_in_dim3A_81 : vector<16xi32>
        %and3A_654 = arith.andi %add3A_653, %broadcast_in_dim3A_83 : vector<16xi32>
        %add3A_655 = arith.addi %and3A_654, %broadcast_in_dim3A_85 : vector<16xi32>
        %gather3A_656 = tpu.vector_load_idx %arg19[%add3A_141, %and3A_654] : memref<128x128xf32, #tpu.memory_space<vmem>>[vector<16xi32>, vector<16xi32>], vector<16xf32>,
        %gather3A_657 = tpu.vector_load_idx %arg19[%add3A_141, %add3A_655] : memref<128x128xf32, #tpu.memory_space<vmem>>[vector<16xi32>, vector<16xi32>], vector<16xf32>,
        %add3A_658 = arith.addi %and3A_654, %get3A_154 : vector<16xi32>
        %gather3A_659 = tpu.vector_load_idx %arg21[%add3A_141, %add3A_658] : memref<128x128xf32, #tpu.memory_space<vmem>>[vector<16xi32>, vector<16xi32>], vector<16xf32>,
        %gather3A_660 = tpu.vector_load_idx %arg16[%get3A_147, %add3A_655] : memref<128x128xf32, #tpu.memory_space<vmem>>[vector<16xi32>, vector<16xi32>], vector<16xf32>,
        %select_n3A_661 = arith.select %gt3A_163, %gather3A_656, %gather3A_657 : vector<16xi1>, vector<16xf32>
        %mul3A_662 = arith.mulf %gather3A_660, %gather3A_656 : vector<16xf32>
        %add3A_663 = arith.addf %add3A_644, %mul3A_662 : vector<16xf32>
        %mul3A_664 = arith.mulf %gather3A_656, %gather3A_656 : vector<16xf32>
        %add3A_665 = arith.addf %add3A_646, %mul3A_664 : vector<16xf32>
        %mul3A_666 = arith.mulf %gather3A_657, %gather3A_657 : vector<16xf32>
        %add3A_667 = arith.addf %add3A_648, %mul3A_666 : vector<16xf32>
        %mul3A_668 = arith.mulf %gather3A_659, %gather3A_659 : vector<16xf32>
        %add3A_669 = arith.addf %add3A_650, %mul3A_668 : vector<16xf32>
        %mul3A_670 = arith.mulf %gather3A_659, %select_n3A_661 : vector<16xf32>
        %add3A_671 = arith.addf %add3A_652, %mul3A_670 : vector<16xf32>
        %add3A_672 = arith.addi %and3A_654, %broadcast_in_dim3A_81 : vector<16xi32>
        %and3A_673 = arith.andi %add3A_672, %broadcast_in_dim3A_83 : vector<16xi32>
        %add3A_674 = arith.addi %and3A_673, %broadcast_in_dim3A_85 : vector<16xi32>
        %gather3A_675 = tpu.vector_load_idx %arg19[%add3A_141, %and3A_673] : memref<128x128xf32, #tpu.memory_space<vmem>>[vector<16xi32>, vector<16xi32>], vector<16xf32>,
        %gather3A_676 = tpu.vector_load_idx %arg19[%add3A_141, %add3A_674] : memref<128x128xf32, #tpu.memory_space<vmem>>[vector<16xi32>, vector<16xi32>], vector<16xf32>,
        %add3A_677 = arith.addi %and3A_673, %get3A_154 : vector<16xi32>
        %gather3A_678 = tpu.vector_load_idx %arg21[%add3A_141, %add3A_677] : memref<128x128xf32, #tpu.memory_space<vmem>>[vector<16xi32>, vector<16xi32>], vector<16xf32>,
        %gather3A_679 = tpu.vector_load_idx %arg16[%get3A_147, %add3A_674] : memref<128x128xf32, #tpu.memory_space<vmem>>[vector<16xi32>, vector<16xi32>], vector<16xf32>,
        %select_n3A_680 = arith.select %gt3A_163, %gather3A_675, %gather3A_676 : vector<16xi1>, vector<16xf32>
        %mul3A_681 = arith.mulf %gather3A_679, %gather3A_675 : vector<16xf32>
        %add3A_682 = arith.addf %add3A_663, %mul3A_681 : vector<16xf32>
        %mul3A_683 = arith.mulf %gather3A_675, %gather3A_675 : vector<16xf32>
        %add3A_684 = arith.addf %add3A_665, %mul3A_683 : vector<16xf32>
        %mul3A_685 = arith.mulf %gather3A_676, %gather3A_676 : vector<16xf32>
        %add3A_686 = arith.addf %add3A_667, %mul3A_685 : vector<16xf32>
        %mul3A_687 = arith.mulf %gather3A_678, %gather3A_678 : vector<16xf32>
        %add3A_688 = arith.addf %add3A_669, %mul3A_687 : vector<16xf32>
        %mul3A_689 = arith.mulf %gather3A_678, %select_n3A_680 : vector<16xf32>
        %add3A_690 = arith.addf %add3A_671, %mul3A_689 : vector<16xf32>
        %add3A_691 = arith.addi %and3A_673, %broadcast_in_dim3A_81 : vector<16xi32>
        %and3A_692 = arith.andi %add3A_691, %broadcast_in_dim3A_83 : vector<16xi32>
        %add3A_693 = arith.addi %and3A_692, %broadcast_in_dim3A_85 : vector<16xi32>
        %gather3A_694 = tpu.vector_load_idx %arg19[%add3A_141, %and3A_692] : memref<128x128xf32, #tpu.memory_space<vmem>>[vector<16xi32>, vector<16xi32>], vector<16xf32>,
        %gather3A_695 = tpu.vector_load_idx %arg19[%add3A_141, %add3A_693] : memref<128x128xf32, #tpu.memory_space<vmem>>[vector<16xi32>, vector<16xi32>], vector<16xf32>,
        %add3A_696 = arith.addi %and3A_692, %get3A_154 : vector<16xi32>
        %gather3A_697 = tpu.vector_load_idx %arg21[%add3A_141, %add3A_696] : memref<128x128xf32, #tpu.memory_space<vmem>>[vector<16xi32>, vector<16xi32>], vector<16xf32>,
        %gather3A_698 = tpu.vector_load_idx %arg16[%get3A_147, %add3A_693] : memref<128x128xf32, #tpu.memory_space<vmem>>[vector<16xi32>, vector<16xi32>], vector<16xf32>,
        %select_n3A_699 = arith.select %gt3A_163, %gather3A_694, %gather3A_695 : vector<16xi1>, vector<16xf32>
        %mul3A_700 = arith.mulf %gather3A_698, %gather3A_694 : vector<16xf32>
        %add3A_701 = arith.addf %add3A_682, %mul3A_700 : vector<16xf32>
        %mul3A_702 = arith.mulf %gather3A_694, %gather3A_694 : vector<16xf32>
        %add3A_703 = arith.addf %add3A_684, %mul3A_702 : vector<16xf32>
        %mul3A_704 = arith.mulf %gather3A_695, %gather3A_695 : vector<16xf32>
        %add3A_705 = arith.addf %add3A_686, %mul3A_704 : vector<16xf32>
        %mul3A_706 = arith.mulf %gather3A_697, %gather3A_697 : vector<16xf32>
        %add3A_707 = arith.addf %add3A_688, %mul3A_706 : vector<16xf32>
        %mul3A_708 = arith.mulf %gather3A_697, %select_n3A_699 : vector<16xf32>
        %add3A_709 = arith.addf %add3A_690, %mul3A_708 : vector<16xf32>
        %add3A_710 = arith.addi %and3A_692, %broadcast_in_dim3A_81 : vector<16xi32>
        %and3A_711 = arith.andi %add3A_710, %broadcast_in_dim3A_83 : vector<16xi32>
        %add3A_712 = arith.addi %and3A_711, %broadcast_in_dim3A_85 : vector<16xi32>
        %gather3A_713 = tpu.vector_load_idx %arg19[%add3A_141, %and3A_711] : memref<128x128xf32, #tpu.memory_space<vmem>>[vector<16xi32>, vector<16xi32>], vector<16xf32>,
        %gather3A_714 = tpu.vector_load_idx %arg19[%add3A_141, %add3A_712] : memref<128x128xf32, #tpu.memory_space<vmem>>[vector<16xi32>, vector<16xi32>], vector<16xf32>,
        %add3A_715 = arith.addi %and3A_711, %get3A_154 : vector<16xi32>
        %gather3A_716 = tpu.vector_load_idx %arg21[%add3A_141, %add3A_715] : memref<128x128xf32, #tpu.memory_space<vmem>>[vector<16xi32>, vector<16xi32>], vector<16xf32>,
        %gather3A_717 = tpu.vector_load_idx %arg16[%get3A_147, %add3A_712] : memref<128x128xf32, #tpu.memory_space<vmem>>[vector<16xi32>, vector<16xi32>], vector<16xf32>,
        %select_n3A_718 = arith.select %gt3A_163, %gather3A_713, %gather3A_714 : vector<16xi1>, vector<16xf32>
        %mul3A_719 = arith.mulf %gather3A_717, %gather3A_713 : vector<16xf32>
        %add3A_720 = arith.addf %add3A_701, %mul3A_719 : vector<16xf32>
        %mul3A_721 = arith.mulf %gather3A_713, %gather3A_713 : vector<16xf32>
        %add3A_722 = arith.addf %add3A_703, %mul3A_721 : vector<16xf32>
        %mul3A_723 = arith.mulf %gather3A_714, %gather3A_714 : vector<16xf32>
        %add3A_724 = arith.addf %add3A_705, %mul3A_723 : vector<16xf32>
        %mul3A_725 = arith.mulf %gather3A_716, %gather3A_716 : vector<16xf32>
        %add3A_726 = arith.addf %add3A_707, %mul3A_725 : vector<16xf32>
        %mul3A_727 = arith.mulf %gather3A_716, %select_n3A_718 : vector<16xf32>
        %add3A_728 = arith.addf %add3A_709, %mul3A_727 : vector<16xf32>
        %add3A_729 = arith.addi %and3A_711, %broadcast_in_dim3A_81 : vector<16xi32>
        %and3A_730 = arith.andi %add3A_729, %broadcast_in_dim3A_83 : vector<16xi32>
        %add3A_731 = arith.addi %and3A_730, %broadcast_in_dim3A_85 : vector<16xi32>
        %gather3A_732 = tpu.vector_load_idx %arg19[%add3A_141, %and3A_730] : memref<128x128xf32, #tpu.memory_space<vmem>>[vector<16xi32>, vector<16xi32>], vector<16xf32>,
        %gather3A_733 = tpu.vector_load_idx %arg19[%add3A_141, %add3A_731] : memref<128x128xf32, #tpu.memory_space<vmem>>[vector<16xi32>, vector<16xi32>], vector<16xf32>,
        %add3A_734 = arith.addi %and3A_730, %get3A_154 : vector<16xi32>
        %gather3A_735 = tpu.vector_load_idx %arg21[%add3A_141, %add3A_734] : memref<128x128xf32, #tpu.memory_space<vmem>>[vector<16xi32>, vector<16xi32>], vector<16xf32>,
        %gather3A_736 = tpu.vector_load_idx %arg16[%get3A_147, %add3A_731] : memref<128x128xf32, #tpu.memory_space<vmem>>[vector<16xi32>, vector<16xi32>], vector<16xf32>,
        %select_n3A_737 = arith.select %gt3A_163, %gather3A_732, %gather3A_733 : vector<16xi1>, vector<16xf32>
        %mul3A_738 = arith.mulf %gather3A_736, %gather3A_732 : vector<16xf32>
        %add3A_739 = arith.addf %add3A_720, %mul3A_738 : vector<16xf32>
        %mul3A_740 = arith.mulf %gather3A_732, %gather3A_732 : vector<16xf32>
        %add3A_741 = arith.addf %add3A_722, %mul3A_740 : vector<16xf32>
        %mul3A_742 = arith.mulf %gather3A_733, %gather3A_733 : vector<16xf32>
        %add3A_743 = arith.addf %add3A_724, %mul3A_742 : vector<16xf32>
        %mul3A_744 = arith.mulf %gather3A_735, %gather3A_735 : vector<16xf32>
        %add3A_745 = arith.addf %add3A_726, %mul3A_744 : vector<16xf32>
        %mul3A_746 = arith.mulf %gather3A_735, %select_n3A_737 : vector<16xf32>
        %add3A_747 = arith.addf %add3A_728, %mul3A_746 : vector<16xf32>
        %add3A_748 = arith.addi %and3A_730, %broadcast_in_dim3A_81 : vector<16xi32>
        %and3A_749 = arith.andi %add3A_748, %broadcast_in_dim3A_83 : vector<16xi32>
        %add3A_750 = arith.addi %and3A_749, %broadcast_in_dim3A_85 : vector<16xi32>
        %gather3A_751 = tpu.vector_load_idx %arg19[%add3A_141, %and3A_749] : memref<128x128xf32, #tpu.memory_space<vmem>>[vector<16xi32>, vector<16xi32>], vector<16xf32>,
        %gather3A_752 = tpu.vector_load_idx %arg19[%add3A_141, %add3A_750] : memref<128x128xf32, #tpu.memory_space<vmem>>[vector<16xi32>, vector<16xi32>], vector<16xf32>,
        %add3A_753 = arith.addi %and3A_749, %get3A_154 : vector<16xi32>
        %gather3A_754 = tpu.vector_load_idx %arg21[%add3A_141, %add3A_753] : memref<128x128xf32, #tpu.memory_space<vmem>>[vector<16xi32>, vector<16xi32>], vector<16xf32>,
        %gather3A_755 = tpu.vector_load_idx %arg16[%get3A_147, %add3A_750] : memref<128x128xf32, #tpu.memory_space<vmem>>[vector<16xi32>, vector<16xi32>], vector<16xf32>,
        %select_n3A_756 = arith.select %gt3A_163, %gather3A_751, %gather3A_752 : vector<16xi1>, vector<16xf32>
        %mul3A_757 = arith.mulf %gather3A_755, %gather3A_751 : vector<16xf32>
        %add3A_758 = arith.addf %add3A_739, %mul3A_757 : vector<16xf32>
        %mul3A_759 = arith.mulf %gather3A_751, %gather3A_751 : vector<16xf32>
        %add3A_760 = arith.addf %add3A_741, %mul3A_759 : vector<16xf32>
        %mul3A_761 = arith.mulf %gather3A_752, %gather3A_752 : vector<16xf32>
        %add3A_762 = arith.addf %add3A_743, %mul3A_761 : vector<16xf32>
        %mul3A_763 = arith.mulf %gather3A_754, %gather3A_754 : vector<16xf32>
        %add3A_764 = arith.addf %add3A_745, %mul3A_763 : vector<16xf32>
        %mul3A_765 = arith.mulf %gather3A_754, %select_n3A_756 : vector<16xf32>
        %add3A_766 = arith.addf %add3A_747, %mul3A_765 : vector<16xf32>
        %add3A_767 = arith.addi %and3A_749, %broadcast_in_dim3A_81 : vector<16xi32>
        %and3A_768 = arith.andi %add3A_767, %broadcast_in_dim3A_83 : vector<16xi32>
        %add3A_769 = arith.addi %and3A_768, %broadcast_in_dim3A_85 : vector<16xi32>
        %gather3A_770 = tpu.vector_load_idx %arg19[%add3A_141, %and3A_768] : memref<128x128xf32, #tpu.memory_space<vmem>>[vector<16xi32>, vector<16xi32>], vector<16xf32>,
        %gather3A_771 = tpu.vector_load_idx %arg19[%add3A_141, %add3A_769] : memref<128x128xf32, #tpu.memory_space<vmem>>[vector<16xi32>, vector<16xi32>], vector<16xf32>,
        %add3A_772 = arith.addi %and3A_768, %get3A_154 : vector<16xi32>
        %gather3A_773 = tpu.vector_load_idx %arg21[%add3A_141, %add3A_772] : memref<128x128xf32, #tpu.memory_space<vmem>>[vector<16xi32>, vector<16xi32>], vector<16xf32>,
        %gather3A_774 = tpu.vector_load_idx %arg16[%get3A_147, %add3A_769] : memref<128x128xf32, #tpu.memory_space<vmem>>[vector<16xi32>, vector<16xi32>], vector<16xf32>,
        %select_n3A_775 = arith.select %gt3A_163, %gather3A_770, %gather3A_771 : vector<16xi1>, vector<16xf32>
        %mul3A_776 = arith.mulf %gather3A_774, %gather3A_770 : vector<16xf32>
        %add3A_777 = arith.addf %add3A_758, %mul3A_776 : vector<16xf32>
        %mul3A_778 = arith.mulf %gather3A_770, %gather3A_770 : vector<16xf32>
        %add3A_779 = arith.addf %add3A_760, %mul3A_778 : vector<16xf32>
        %mul3A_780 = arith.mulf %gather3A_771, %gather3A_771 : vector<16xf32>
        %add3A_781 = arith.addf %add3A_762, %mul3A_780 : vector<16xf32>
        %mul3A_782 = arith.mulf %gather3A_773, %gather3A_773 : vector<16xf32>
        %add3A_783 = arith.addf %add3A_764, %mul3A_782 : vector<16xf32>
        %mul3A_784 = arith.mulf %gather3A_773, %select_n3A_775 : vector<16xf32>
        %add3A_785 = arith.addf %add3A_766, %mul3A_784 : vector<16xf32>
        %add3A_786 = arith.addi %and3A_768, %broadcast_in_dim3A_81 : vector<16xi32>
        %and3A_787 = arith.andi %add3A_786, %broadcast_in_dim3A_83 : vector<16xi32>
        %add3A_788 = arith.addi %and3A_787, %broadcast_in_dim3A_85 : vector<16xi32>
        %gather3A_789 = tpu.vector_load_idx %arg19[%add3A_141, %and3A_787] : memref<128x128xf32, #tpu.memory_space<vmem>>[vector<16xi32>, vector<16xi32>], vector<16xf32>,
        %gather3A_790 = tpu.vector_load_idx %arg19[%add3A_141, %add3A_788] : memref<128x128xf32, #tpu.memory_space<vmem>>[vector<16xi32>, vector<16xi32>], vector<16xf32>,
        %add3A_791 = arith.addi %and3A_787, %get3A_154 : vector<16xi32>
        %gather3A_792 = tpu.vector_load_idx %arg21[%add3A_141, %add3A_791] : memref<128x128xf32, #tpu.memory_space<vmem>>[vector<16xi32>, vector<16xi32>], vector<16xf32>,
        %gather3A_793 = tpu.vector_load_idx %arg16[%get3A_147, %add3A_788] : memref<128x128xf32, #tpu.memory_space<vmem>>[vector<16xi32>, vector<16xi32>], vector<16xf32>,
        %select_n3A_794 = arith.select %gt3A_163, %gather3A_789, %gather3A_790 : vector<16xi1>, vector<16xf32>
        %mul3A_795 = arith.mulf %gather3A_793, %gather3A_789 : vector<16xf32>
        %add3A_796 = arith.addf %add3A_777, %mul3A_795 : vector<16xf32>
        %mul3A_797 = arith.mulf %gather3A_789, %gather3A_789 : vector<16xf32>
        %add3A_798 = arith.addf %add3A_779, %mul3A_797 : vector<16xf32>
        %mul3A_799 = arith.mulf %gather3A_790, %gather3A_790 : vector<16xf32>
        %add3A_800 = arith.addf %add3A_781, %mul3A_799 : vector<16xf32>
        %mul3A_801 = arith.mulf %gather3A_792, %gather3A_792 : vector<16xf32>
        %add3A_802 = arith.addf %add3A_783, %mul3A_801 : vector<16xf32>
        %mul3A_803 = arith.mulf %gather3A_792, %select_n3A_794 : vector<16xf32>
        %add3A_804 = arith.addf %add3A_785, %mul3A_803 : vector<16xf32>
        %add3A_805 = arith.addi %and3A_787, %broadcast_in_dim3A_81 : vector<16xi32>
        %and3A_806 = arith.andi %add3A_805, %broadcast_in_dim3A_83 : vector<16xi32>
        %add3A_807 = arith.addi %and3A_806, %broadcast_in_dim3A_85 : vector<16xi32>
        %gather3A_808 = tpu.vector_load_idx %arg19[%add3A_141, %and3A_806] : memref<128x128xf32, #tpu.memory_space<vmem>>[vector<16xi32>, vector<16xi32>], vector<16xf32>,
        %gather3A_809 = tpu.vector_load_idx %arg19[%add3A_141, %add3A_807] : memref<128x128xf32, #tpu.memory_space<vmem>>[vector<16xi32>, vector<16xi32>], vector<16xf32>,
        %add3A_810 = arith.addi %and3A_806, %get3A_154 : vector<16xi32>
        %gather3A_811 = tpu.vector_load_idx %arg21[%add3A_141, %add3A_810] : memref<128x128xf32, #tpu.memory_space<vmem>>[vector<16xi32>, vector<16xi32>], vector<16xf32>,
        %gather3A_812 = tpu.vector_load_idx %arg16[%get3A_147, %add3A_807] : memref<128x128xf32, #tpu.memory_space<vmem>>[vector<16xi32>, vector<16xi32>], vector<16xf32>,
        %select_n3A_813 = arith.select %gt3A_163, %gather3A_808, %gather3A_809 : vector<16xi1>, vector<16xf32>
        %mul3A_814 = arith.mulf %gather3A_812, %gather3A_808 : vector<16xf32>
        %add3A_815 = arith.addf %add3A_796, %mul3A_814 : vector<16xf32>
        %mul3A_816 = arith.mulf %gather3A_808, %gather3A_808 : vector<16xf32>
        %add3A_817 = arith.addf %add3A_798, %mul3A_816 : vector<16xf32>
        %mul3A_818 = arith.mulf %gather3A_809, %gather3A_809 : vector<16xf32>
        %add3A_819 = arith.addf %add3A_800, %mul3A_818 : vector<16xf32>
        %mul3A_820 = arith.mulf %gather3A_811, %gather3A_811 : vector<16xf32>
        %add3A_821 = arith.addf %add3A_802, %mul3A_820 : vector<16xf32>
        %mul3A_822 = arith.mulf %gather3A_811, %select_n3A_813 : vector<16xf32>
        %add3A_823 = arith.addf %add3A_804, %mul3A_822 : vector<16xf32>
        %add3A_824 = arith.addi %and3A_806, %broadcast_in_dim3A_81 : vector<16xi32>
        %and3A_825 = arith.andi %add3A_824, %broadcast_in_dim3A_83 : vector<16xi32>
        %add3A_826 = arith.addi %and3A_825, %broadcast_in_dim3A_85 : vector<16xi32>
        %gather3A_827 = tpu.vector_load_idx %arg19[%add3A_141, %and3A_825] : memref<128x128xf32, #tpu.memory_space<vmem>>[vector<16xi32>, vector<16xi32>], vector<16xf32>,
        %gather3A_828 = tpu.vector_load_idx %arg19[%add3A_141, %add3A_826] : memref<128x128xf32, #tpu.memory_space<vmem>>[vector<16xi32>, vector<16xi32>], vector<16xf32>,
        %add3A_829 = arith.addi %and3A_825, %get3A_154 : vector<16xi32>
        %gather3A_830 = tpu.vector_load_idx %arg21[%add3A_141, %add3A_829] : memref<128x128xf32, #tpu.memory_space<vmem>>[vector<16xi32>, vector<16xi32>], vector<16xf32>,
        %gather3A_831 = tpu.vector_load_idx %arg16[%get3A_147, %add3A_826] : memref<128x128xf32, #tpu.memory_space<vmem>>[vector<16xi32>, vector<16xi32>], vector<16xf32>,
        %select_n3A_832 = arith.select %gt3A_163, %gather3A_827, %gather3A_828 : vector<16xi1>, vector<16xf32>
        %mul3A_833 = arith.mulf %gather3A_831, %gather3A_827 : vector<16xf32>
        %add3A_834 = arith.addf %add3A_815, %mul3A_833 : vector<16xf32>
        %mul3A_835 = arith.mulf %gather3A_827, %gather3A_827 : vector<16xf32>
        %add3A_836 = arith.addf %add3A_817, %mul3A_835 : vector<16xf32>
        %mul3A_837 = arith.mulf %gather3A_828, %gather3A_828 : vector<16xf32>
        %add3A_838 = arith.addf %add3A_819, %mul3A_837 : vector<16xf32>
        %mul3A_839 = arith.mulf %gather3A_830, %gather3A_830 : vector<16xf32>
        %add3A_840 = arith.addf %add3A_821, %mul3A_839 : vector<16xf32>
        %mul3A_841 = arith.mulf %gather3A_830, %select_n3A_832 : vector<16xf32>
        %add3A_842 = arith.addf %add3A_823, %mul3A_841 : vector<16xf32>
        %add3A_843 = arith.addi %and3A_825, %broadcast_in_dim3A_81 : vector<16xi32>
        %and3A_844 = arith.andi %add3A_843, %broadcast_in_dim3A_83 : vector<16xi32>
        %add3A_845 = arith.addi %and3A_844, %broadcast_in_dim3A_85 : vector<16xi32>
        %gather3A_846 = tpu.vector_load_idx %arg19[%add3A_141, %and3A_844] : memref<128x128xf32, #tpu.memory_space<vmem>>[vector<16xi32>, vector<16xi32>], vector<16xf32>,
        %gather3A_847 = tpu.vector_load_idx %arg19[%add3A_141, %add3A_845] : memref<128x128xf32, #tpu.memory_space<vmem>>[vector<16xi32>, vector<16xi32>], vector<16xf32>,
        %add3A_848 = arith.addi %and3A_844, %get3A_154 : vector<16xi32>
        %gather3A_849 = tpu.vector_load_idx %arg21[%add3A_141, %add3A_848] : memref<128x128xf32, #tpu.memory_space<vmem>>[vector<16xi32>, vector<16xi32>], vector<16xf32>,
        %gather3A_850 = tpu.vector_load_idx %arg16[%get3A_147, %add3A_845] : memref<128x128xf32, #tpu.memory_space<vmem>>[vector<16xi32>, vector<16xi32>], vector<16xf32>,
        %select_n3A_851 = arith.select %gt3A_163, %gather3A_846, %gather3A_847 : vector<16xi1>, vector<16xf32>
        %mul3A_852 = arith.mulf %gather3A_850, %gather3A_846 : vector<16xf32>
        %add3A_853 = arith.addf %add3A_834, %mul3A_852 : vector<16xf32>
        %mul3A_854 = arith.mulf %gather3A_846, %gather3A_846 : vector<16xf32>
        %add3A_855 = arith.addf %add3A_836, %mul3A_854 : vector<16xf32>
        %mul3A_856 = arith.mulf %gather3A_847, %gather3A_847 : vector<16xf32>
        %add3A_857 = arith.addf %add3A_838, %mul3A_856 : vector<16xf32>
        %mul3A_858 = arith.mulf %gather3A_849, %gather3A_849 : vector<16xf32>
        %add3A_859 = arith.addf %add3A_840, %mul3A_858 : vector<16xf32>
        %mul3A_860 = arith.mulf %gather3A_849, %select_n3A_851 : vector<16xf32>
        %add3A_861 = arith.addf %add3A_842, %mul3A_860 : vector<16xf32>
        %add3A_862 = arith.addi %and3A_844, %broadcast_in_dim3A_81 : vector<16xi32>
        %and3A_863 = arith.andi %add3A_862, %broadcast_in_dim3A_83 : vector<16xi32>
        %add3A_864 = arith.addi %and3A_863, %broadcast_in_dim3A_85 : vector<16xi32>
        %gather3A_865 = tpu.vector_load_idx %arg19[%add3A_141, %and3A_863] : memref<128x128xf32, #tpu.memory_space<vmem>>[vector<16xi32>, vector<16xi32>], vector<16xf32>,
        %gather3A_866 = tpu.vector_load_idx %arg19[%add3A_141, %add3A_864] : memref<128x128xf32, #tpu.memory_space<vmem>>[vector<16xi32>, vector<16xi32>], vector<16xf32>,
        %add3A_867 = arith.addi %and3A_863, %get3A_154 : vector<16xi32>
        %gather3A_868 = tpu.vector_load_idx %arg21[%add3A_141, %add3A_867] : memref<128x128xf32, #tpu.memory_space<vmem>>[vector<16xi32>, vector<16xi32>], vector<16xf32>,
        %gather3A_869 = tpu.vector_load_idx %arg16[%get3A_147, %add3A_864] : memref<128x128xf32, #tpu.memory_space<vmem>>[vector<16xi32>, vector<16xi32>], vector<16xf32>,
        %select_n3A_870 = arith.select %gt3A_163, %gather3A_865, %gather3A_866 : vector<16xi1>, vector<16xf32>
        %mul3A_871 = arith.mulf %gather3A_869, %gather3A_865 : vector<16xf32>
        %add3A_872 = arith.addf %add3A_853, %mul3A_871 : vector<16xf32>
        %mul3A_873 = arith.mulf %gather3A_865, %gather3A_865 : vector<16xf32>
        %add3A_874 = arith.addf %add3A_855, %mul3A_873 : vector<16xf32>
        %mul3A_875 = arith.mulf %gather3A_866, %gather3A_866 : vector<16xf32>
        %add3A_876 = arith.addf %add3A_857, %mul3A_875 : vector<16xf32>
        %mul3A_877 = arith.mulf %gather3A_868, %gather3A_868 : vector<16xf32>
        %add3A_878 = arith.addf %add3A_859, %mul3A_877 : vector<16xf32>
        %mul3A_879 = arith.mulf %gather3A_868, %select_n3A_870 : vector<16xf32>
        %add3A_880 = arith.addf %add3A_861, %mul3A_879 : vector<16xf32>
        %add3A_881 = arith.addi %and3A_863, %broadcast_in_dim3A_81 : vector<16xi32>
        %and3A_882 = arith.andi %add3A_881, %broadcast_in_dim3A_83 : vector<16xi32>
        %add3A_883 = arith.addi %and3A_882, %broadcast_in_dim3A_85 : vector<16xi32>
        %gather3A_884 = tpu.vector_load_idx %arg19[%add3A_141, %and3A_882] : memref<128x128xf32, #tpu.memory_space<vmem>>[vector<16xi32>, vector<16xi32>], vector<16xf32>,
        %gather3A_885 = tpu.vector_load_idx %arg19[%add3A_141, %add3A_883] : memref<128x128xf32, #tpu.memory_space<vmem>>[vector<16xi32>, vector<16xi32>], vector<16xf32>,
        %add3A_886 = arith.addi %and3A_882, %get3A_154 : vector<16xi32>
        %gather3A_887 = tpu.vector_load_idx %arg21[%add3A_141, %add3A_886] : memref<128x128xf32, #tpu.memory_space<vmem>>[vector<16xi32>, vector<16xi32>], vector<16xf32>,
        %gather3A_888 = tpu.vector_load_idx %arg16[%get3A_147, %add3A_883] : memref<128x128xf32, #tpu.memory_space<vmem>>[vector<16xi32>, vector<16xi32>], vector<16xf32>,
        %select_n3A_889 = arith.select %gt3A_163, %gather3A_884, %gather3A_885 : vector<16xi1>, vector<16xf32>
        %mul3A_890 = arith.mulf %gather3A_888, %gather3A_884 : vector<16xf32>
        %add3A_891 = arith.addf %add3A_872, %mul3A_890 : vector<16xf32>
        %mul3A_892 = arith.mulf %gather3A_884, %gather3A_884 : vector<16xf32>
        %add3A_893 = arith.addf %add3A_874, %mul3A_892 : vector<16xf32>
        %mul3A_894 = arith.mulf %gather3A_885, %gather3A_885 : vector<16xf32>
        %add3A_895 = arith.addf %add3A_876, %mul3A_894 : vector<16xf32>
        %mul3A_896 = arith.mulf %gather3A_887, %gather3A_887 : vector<16xf32>
        %add3A_897 = arith.addf %add3A_878, %mul3A_896 : vector<16xf32>
        %mul3A_898 = arith.mulf %gather3A_887, %select_n3A_889 : vector<16xf32>
        %add3A_899 = arith.addf %add3A_880, %mul3A_898 : vector<16xf32>
        %add3A_900 = arith.addi %and3A_882, %broadcast_in_dim3A_81 : vector<16xi32>
        %and3A_901 = arith.andi %add3A_900, %broadcast_in_dim3A_83 : vector<16xi32>
        %add3A_902 = arith.addi %and3A_901, %broadcast_in_dim3A_85 : vector<16xi32>
        %gather3A_903 = tpu.vector_load_idx %arg19[%add3A_141, %and3A_901] : memref<128x128xf32, #tpu.memory_space<vmem>>[vector<16xi32>, vector<16xi32>], vector<16xf32>,
        %gather3A_904 = tpu.vector_load_idx %arg19[%add3A_141, %add3A_902] : memref<128x128xf32, #tpu.memory_space<vmem>>[vector<16xi32>, vector<16xi32>], vector<16xf32>,
        %add3A_905 = arith.addi %and3A_901, %get3A_154 : vector<16xi32>
        %gather3A_906 = tpu.vector_load_idx %arg21[%add3A_141, %add3A_905] : memref<128x128xf32, #tpu.memory_space<vmem>>[vector<16xi32>, vector<16xi32>], vector<16xf32>,
        %gather3A_907 = tpu.vector_load_idx %arg16[%get3A_147, %add3A_902] : memref<128x128xf32, #tpu.memory_space<vmem>>[vector<16xi32>, vector<16xi32>], vector<16xf32>,
        %select_n3A_908 = arith.select %gt3A_163, %gather3A_903, %gather3A_904 : vector<16xi1>, vector<16xf32>
        %mul3A_909 = arith.mulf %gather3A_907, %gather3A_903 : vector<16xf32>
        %add3A_910 = arith.addf %add3A_891, %mul3A_909 : vector<16xf32>
        %mul3A_911 = arith.mulf %gather3A_903, %gather3A_903 : vector<16xf32>
        %add3A_912 = arith.addf %add3A_893, %mul3A_911 : vector<16xf32>
        %mul3A_913 = arith.mulf %gather3A_904, %gather3A_904 : vector<16xf32>
        %add3A_914 = arith.addf %add3A_895, %mul3A_913 : vector<16xf32>
        %mul3A_915 = arith.mulf %gather3A_906, %gather3A_906 : vector<16xf32>
        %add3A_916 = arith.addf %add3A_897, %mul3A_915 : vector<16xf32>
        %mul3A_917 = arith.mulf %gather3A_906, %select_n3A_908 : vector<16xf32>
        %add3A_918 = arith.addf %add3A_899, %mul3A_917 : vector<16xf32>
        %add3A_919 = arith.addi %and3A_901, %broadcast_in_dim3A_81 : vector<16xi32>
        %and3A_920 = arith.andi %add3A_919, %broadcast_in_dim3A_83 : vector<16xi32>
        %add3A_921 = arith.addi %and3A_920, %broadcast_in_dim3A_85 : vector<16xi32>
        %gather3A_922 = tpu.vector_load_idx %arg19[%add3A_141, %and3A_920] : memref<128x128xf32, #tpu.memory_space<vmem>>[vector<16xi32>, vector<16xi32>], vector<16xf32>,
        %gather3A_923 = tpu.vector_load_idx %arg19[%add3A_141, %add3A_921] : memref<128x128xf32, #tpu.memory_space<vmem>>[vector<16xi32>, vector<16xi32>], vector<16xf32>,
        %add3A_924 = arith.addi %and3A_920, %get3A_154 : vector<16xi32>
        %gather3A_925 = tpu.vector_load_idx %arg21[%add3A_141, %add3A_924] : memref<128x128xf32, #tpu.memory_space<vmem>>[vector<16xi32>, vector<16xi32>], vector<16xf32>,
        %gather3A_926 = tpu.vector_load_idx %arg16[%get3A_147, %add3A_921] : memref<128x128xf32, #tpu.memory_space<vmem>>[vector<16xi32>, vector<16xi32>], vector<16xf32>,
        %select_n3A_927 = arith.select %gt3A_163, %gather3A_922, %gather3A_923 : vector<16xi1>, vector<16xf32>
        %mul3A_928 = arith.mulf %gather3A_926, %gather3A_922 : vector<16xf32>
        %add3A_929 = arith.addf %add3A_910, %mul3A_928 : vector<16xf32>
        %mul3A_930 = arith.mulf %gather3A_922, %gather3A_922 : vector<16xf32>
        %add3A_931 = arith.addf %add3A_912, %mul3A_930 : vector<16xf32>
        %mul3A_932 = arith.mulf %gather3A_923, %gather3A_923 : vector<16xf32>
        %add3A_933 = arith.addf %add3A_914, %mul3A_932 : vector<16xf32>
        %mul3A_934 = arith.mulf %gather3A_925, %gather3A_925 : vector<16xf32>
        %add3A_935 = arith.addf %add3A_916, %mul3A_934 : vector<16xf32>
        %mul3A_936 = arith.mulf %gather3A_925, %select_n3A_927 : vector<16xf32>
        %add3A_937 = arith.addf %add3A_918, %mul3A_936 : vector<16xf32>
        %add3A_938 = arith.addi %and3A_920, %broadcast_in_dim3A_81 : vector<16xi32>
        %and3A_939 = arith.andi %add3A_938, %broadcast_in_dim3A_83 : vector<16xi32>
        %add3A_940 = arith.addi %and3A_939, %broadcast_in_dim3A_85 : vector<16xi32>
        %gather3A_941 = tpu.vector_load_idx %arg19[%add3A_141, %and3A_939] : memref<128x128xf32, #tpu.memory_space<vmem>>[vector<16xi32>, vector<16xi32>], vector<16xf32>,
        %gather3A_942 = tpu.vector_load_idx %arg19[%add3A_141, %add3A_940] : memref<128x128xf32, #tpu.memory_space<vmem>>[vector<16xi32>, vector<16xi32>], vector<16xf32>,
        %add3A_943 = arith.addi %and3A_939, %get3A_154 : vector<16xi32>
        %gather3A_944 = tpu.vector_load_idx %arg21[%add3A_141, %add3A_943] : memref<128x128xf32, #tpu.memory_space<vmem>>[vector<16xi32>, vector<16xi32>], vector<16xf32>,
        %gather3A_945 = tpu.vector_load_idx %arg16[%get3A_147, %add3A_940] : memref<128x128xf32, #tpu.memory_space<vmem>>[vector<16xi32>, vector<16xi32>], vector<16xf32>,
        %select_n3A_946 = arith.select %gt3A_163, %gather3A_941, %gather3A_942 : vector<16xi1>, vector<16xf32>
        %mul3A_947 = arith.mulf %gather3A_945, %gather3A_941 : vector<16xf32>
        %add3A_948 = arith.addf %add3A_929, %mul3A_947 : vector<16xf32>
        %mul3A_949 = arith.mulf %gather3A_941, %gather3A_941 : vector<16xf32>
        %add3A_950 = arith.addf %add3A_931, %mul3A_949 : vector<16xf32>
        %mul3A_951 = arith.mulf %gather3A_942, %gather3A_942 : vector<16xf32>
        %add3A_952 = arith.addf %add3A_933, %mul3A_951 : vector<16xf32>
        %mul3A_953 = arith.mulf %gather3A_944, %gather3A_944 : vector<16xf32>
        %add3A_954 = arith.addf %add3A_935, %mul3A_953 : vector<16xf32>
        %mul3A_955 = arith.mulf %gather3A_944, %select_n3A_946 : vector<16xf32>
        %add3A_956 = arith.addf %add3A_937, %mul3A_955 : vector<16xf32>
        %add3A_957 = arith.addi %and3A_939, %broadcast_in_dim3A_81 : vector<16xi32>
        %and3A_958 = arith.andi %add3A_957, %broadcast_in_dim3A_83 : vector<16xi32>
        %add3A_959 = arith.addi %and3A_958, %broadcast_in_dim3A_85 : vector<16xi32>
        %gather3A_960 = tpu.vector_load_idx %arg19[%add3A_141, %and3A_958] : memref<128x128xf32, #tpu.memory_space<vmem>>[vector<16xi32>, vector<16xi32>], vector<16xf32>,
        %gather3A_961 = tpu.vector_load_idx %arg19[%add3A_141, %add3A_959] : memref<128x128xf32, #tpu.memory_space<vmem>>[vector<16xi32>, vector<16xi32>], vector<16xf32>,
        %add3A_962 = arith.addi %and3A_958, %get3A_154 : vector<16xi32>
        %gather3A_963 = tpu.vector_load_idx %arg21[%add3A_141, %add3A_962] : memref<128x128xf32, #tpu.memory_space<vmem>>[vector<16xi32>, vector<16xi32>], vector<16xf32>,
        %gather3A_964 = tpu.vector_load_idx %arg16[%get3A_147, %add3A_959] : memref<128x128xf32, #tpu.memory_space<vmem>>[vector<16xi32>, vector<16xi32>], vector<16xf32>,
        %select_n3A_965 = arith.select %gt3A_163, %gather3A_960, %gather3A_961 : vector<16xi1>, vector<16xf32>
        %mul3A_966 = arith.mulf %gather3A_964, %gather3A_960 : vector<16xf32>
        %add3A_967 = arith.addf %add3A_948, %mul3A_966 : vector<16xf32>
        %mul3A_968 = arith.mulf %gather3A_960, %gather3A_960 : vector<16xf32>
        %add3A_969 = arith.addf %add3A_950, %mul3A_968 : vector<16xf32>
        %mul3A_970 = arith.mulf %gather3A_961, %gather3A_961 : vector<16xf32>
        %add3A_971 = arith.addf %add3A_952, %mul3A_970 : vector<16xf32>
        %mul3A_972 = arith.mulf %gather3A_963, %gather3A_963 : vector<16xf32>
        %add3A_973 = arith.addf %add3A_954, %mul3A_972 : vector<16xf32>
        %mul3A_974 = arith.mulf %gather3A_963, %select_n3A_965 : vector<16xf32>
        %add3A_975 = arith.addf %add3A_956, %mul3A_974 : vector<16xf32>
        %add3A_976 = arith.addi %and3A_958, %broadcast_in_dim3A_81 : vector<16xi32>
        %and3A_977 = arith.andi %add3A_976, %broadcast_in_dim3A_83 : vector<16xi32>
        %add3A_978 = arith.addi %and3A_977, %broadcast_in_dim3A_85 : vector<16xi32>
        %gather3A_979 = tpu.vector_load_idx %arg19[%add3A_141, %and3A_977] : memref<128x128xf32, #tpu.memory_space<vmem>>[vector<16xi32>, vector<16xi32>], vector<16xf32>,
        %gather3A_980 = tpu.vector_load_idx %arg19[%add3A_141, %add3A_978] : memref<128x128xf32, #tpu.memory_space<vmem>>[vector<16xi32>, vector<16xi32>], vector<16xf32>,
        %add3A_981 = arith.addi %and3A_977, %get3A_154 : vector<16xi32>
        %gather3A_982 = tpu.vector_load_idx %arg21[%add3A_141, %add3A_981] : memref<128x128xf32, #tpu.memory_space<vmem>>[vector<16xi32>, vector<16xi32>], vector<16xf32>,
        %gather3A_983 = tpu.vector_load_idx %arg16[%get3A_147, %add3A_978] : memref<128x128xf32, #tpu.memory_space<vmem>>[vector<16xi32>, vector<16xi32>], vector<16xf32>,
        %select_n3A_984 = arith.select %gt3A_163, %gather3A_979, %gather3A_980 : vector<16xi1>, vector<16xf32>
        %mul3A_985 = arith.mulf %gather3A_983, %gather3A_979 : vector<16xf32>
        %add3A_986 = arith.addf %add3A_967, %mul3A_985 : vector<16xf32>
        %mul3A_987 = arith.mulf %gather3A_979, %gather3A_979 : vector<16xf32>
        %add3A_988 = arith.addf %add3A_969, %mul3A_987 : vector<16xf32>
        %mul3A_989 = arith.mulf %gather3A_980, %gather3A_980 : vector<16xf32>
        %add3A_990 = arith.addf %add3A_971, %mul3A_989 : vector<16xf32>
        %mul3A_991 = arith.mulf %gather3A_982, %gather3A_982 : vector<16xf32>
        %add3A_992 = arith.addf %add3A_973, %mul3A_991 : vector<16xf32>
        %mul3A_993 = arith.mulf %gather3A_982, %select_n3A_984 : vector<16xf32>
        %add3A_994 = arith.addf %add3A_975, %mul3A_993 : vector<16xf32>
        %add3A_995 = arith.addi %and3A_977, %broadcast_in_dim3A_81 : vector<16xi32>
        %and3A_996 = arith.andi %add3A_995, %broadcast_in_dim3A_83 : vector<16xi32>
        %add3A_997 = arith.addi %and3A_996, %broadcast_in_dim3A_85 : vector<16xi32>
        %gather3A_998 = tpu.vector_load_idx %arg19[%add3A_141, %and3A_996] : memref<128x128xf32, #tpu.memory_space<vmem>>[vector<16xi32>, vector<16xi32>], vector<16xf32>,
        %gather3A_999 = tpu.vector_load_idx %arg19[%add3A_141, %add3A_997] : memref<128x128xf32, #tpu.memory_space<vmem>>[vector<16xi32>, vector<16xi32>], vector<16xf32>,
        %add3A_1000 = arith.addi %and3A_996, %get3A_154 : vector<16xi32>
        %gather3A_1001 = tpu.vector_load_idx %arg21[%add3A_141, %add3A_1000] : memref<128x128xf32, #tpu.memory_space<vmem>>[vector<16xi32>, vector<16xi32>], vector<16xf32>,
        %gather3A_1002 = tpu.vector_load_idx %arg16[%get3A_147, %add3A_997] : memref<128x128xf32, #tpu.memory_space<vmem>>[vector<16xi32>, vector<16xi32>], vector<16xf32>,
        %select_n3A_1003 = arith.select %gt3A_163, %gather3A_998, %gather3A_999 : vector<16xi1>, vector<16xf32>
        %mul3A_1004 = arith.mulf %gather3A_1002, %gather3A_998 : vector<16xf32>
        %add3A_1005 = arith.addf %add3A_986, %mul3A_1004 : vector<16xf32>
        %mul3A_1006 = arith.mulf %gather3A_998, %gather3A_998 : vector<16xf32>
        %add3A_1007 = arith.addf %add3A_988, %mul3A_1006 : vector<16xf32>
        %mul3A_1008 = arith.mulf %gather3A_999, %gather3A_999 : vector<16xf32>
        %add3A_1009 = arith.addf %add3A_990, %mul3A_1008 : vector<16xf32>
        %mul3A_1010 = arith.mulf %gather3A_1001, %gather3A_1001 : vector<16xf32>
        %add3A_1011 = arith.addf %add3A_992, %mul3A_1010 : vector<16xf32>
        %mul3A_1012 = arith.mulf %gather3A_1001, %select_n3A_1003 : vector<16xf32>
        %add3A_1013 = arith.addf %add3A_994, %mul3A_1012 : vector<16xf32>
        %add3A_1014 = arith.addi %and3A_996, %broadcast_in_dim3A_81 : vector<16xi32>
        %and3A_1015 = arith.andi %add3A_1014, %broadcast_in_dim3A_83 : vector<16xi32>
        %add3A_1016 = arith.addi %and3A_1015, %broadcast_in_dim3A_85 : vector<16xi32>
        %gather3A_1017 = tpu.vector_load_idx %arg19[%add3A_141, %and3A_1015] : memref<128x128xf32, #tpu.memory_space<vmem>>[vector<16xi32>, vector<16xi32>], vector<16xf32>,
        %gather3A_1018 = tpu.vector_load_idx %arg19[%add3A_141, %add3A_1016] : memref<128x128xf32, #tpu.memory_space<vmem>>[vector<16xi32>, vector<16xi32>], vector<16xf32>,
        %add3A_1019 = arith.addi %and3A_1015, %get3A_154 : vector<16xi32>
        %gather3A_1020 = tpu.vector_load_idx %arg21[%add3A_141, %add3A_1019] : memref<128x128xf32, #tpu.memory_space<vmem>>[vector<16xi32>, vector<16xi32>], vector<16xf32>,
        %gather3A_1021 = tpu.vector_load_idx %arg16[%get3A_147, %add3A_1016] : memref<128x128xf32, #tpu.memory_space<vmem>>[vector<16xi32>, vector<16xi32>], vector<16xf32>,
        %select_n3A_1022 = arith.select %gt3A_163, %gather3A_1017, %gather3A_1018 : vector<16xi1>, vector<16xf32>
        %mul3A_1023 = arith.mulf %gather3A_1021, %gather3A_1017 : vector<16xf32>
        %add3A_1024 = arith.addf %add3A_1005, %mul3A_1023 : vector<16xf32>
        %mul3A_1025 = arith.mulf %gather3A_1017, %gather3A_1017 : vector<16xf32>
        %add3A_1026 = arith.addf %add3A_1007, %mul3A_1025 : vector<16xf32>
        %mul3A_1027 = arith.mulf %gather3A_1018, %gather3A_1018 : vector<16xf32>
        %add3A_1028 = arith.addf %add3A_1009, %mul3A_1027 : vector<16xf32>
        %mul3A_1029 = arith.mulf %gather3A_1020, %gather3A_1020 : vector<16xf32>
        %add3A_1030 = arith.addf %add3A_1011, %mul3A_1029 : vector<16xf32>
        %mul3A_1031 = arith.mulf %gather3A_1020, %select_n3A_1022 : vector<16xf32>
        %add3A_1032 = arith.addf %add3A_1013, %mul3A_1031 : vector<16xf32>
        %add3A_1033 = arith.addi %and3A_1015, %broadcast_in_dim3A_81 : vector<16xi32>
        %and3A_1034 = arith.andi %add3A_1033, %broadcast_in_dim3A_83 : vector<16xi32>
        %add3A_1035 = arith.addi %and3A_1034, %broadcast_in_dim3A_85 : vector<16xi32>
        %gather3A_1036 = tpu.vector_load_idx %arg19[%add3A_141, %and3A_1034] : memref<128x128xf32, #tpu.memory_space<vmem>>[vector<16xi32>, vector<16xi32>], vector<16xf32>,
        %gather3A_1037 = tpu.vector_load_idx %arg19[%add3A_141, %add3A_1035] : memref<128x128xf32, #tpu.memory_space<vmem>>[vector<16xi32>, vector<16xi32>], vector<16xf32>,
        %add3A_1038 = arith.addi %and3A_1034, %get3A_154 : vector<16xi32>
        %gather3A_1039 = tpu.vector_load_idx %arg21[%add3A_141, %add3A_1038] : memref<128x128xf32, #tpu.memory_space<vmem>>[vector<16xi32>, vector<16xi32>], vector<16xf32>,
        %gather3A_1040 = tpu.vector_load_idx %arg16[%get3A_147, %add3A_1035] : memref<128x128xf32, #tpu.memory_space<vmem>>[vector<16xi32>, vector<16xi32>], vector<16xf32>,
        %select_n3A_1041 = arith.select %gt3A_163, %gather3A_1036, %gather3A_1037 : vector<16xi1>, vector<16xf32>
        %mul3A_1042 = arith.mulf %gather3A_1040, %gather3A_1036 : vector<16xf32>
        %add3A_1043 = arith.addf %add3A_1024, %mul3A_1042 : vector<16xf32>
        %mul3A_1044 = arith.mulf %gather3A_1036, %gather3A_1036 : vector<16xf32>
        %add3A_1045 = arith.addf %add3A_1026, %mul3A_1044 : vector<16xf32>
        %mul3A_1046 = arith.mulf %gather3A_1037, %gather3A_1037 : vector<16xf32>
        %add3A_1047 = arith.addf %add3A_1028, %mul3A_1046 : vector<16xf32>
        %mul3A_1048 = arith.mulf %gather3A_1039, %gather3A_1039 : vector<16xf32>
        %add3A_1049 = arith.addf %add3A_1030, %mul3A_1048 : vector<16xf32>
        %mul3A_1050 = arith.mulf %gather3A_1039, %select_n3A_1041 : vector<16xf32>
        %add3A_1051 = arith.addf %add3A_1032, %mul3A_1050 : vector<16xf32>
        %add3A_1052 = arith.addi %and3A_1034, %broadcast_in_dim3A_81 : vector<16xi32>
        %and3A_1053 = arith.andi %add3A_1052, %broadcast_in_dim3A_83 : vector<16xi32>
        %add3A_1054 = arith.addi %and3A_1053, %broadcast_in_dim3A_85 : vector<16xi32>
        %gather3A_1055 = tpu.vector_load_idx %arg19[%add3A_141, %and3A_1053] : memref<128x128xf32, #tpu.memory_space<vmem>>[vector<16xi32>, vector<16xi32>], vector<16xf32>,
        %gather3A_1056 = tpu.vector_load_idx %arg19[%add3A_141, %add3A_1054] : memref<128x128xf32, #tpu.memory_space<vmem>>[vector<16xi32>, vector<16xi32>], vector<16xf32>,
        %add3A_1057 = arith.addi %and3A_1053, %get3A_154 : vector<16xi32>
        %gather3A_1058 = tpu.vector_load_idx %arg21[%add3A_141, %add3A_1057] : memref<128x128xf32, #tpu.memory_space<vmem>>[vector<16xi32>, vector<16xi32>], vector<16xf32>,
        %gather3A_1059 = tpu.vector_load_idx %arg16[%get3A_147, %add3A_1054] : memref<128x128xf32, #tpu.memory_space<vmem>>[vector<16xi32>, vector<16xi32>], vector<16xf32>,
        %select_n3A_1060 = arith.select %gt3A_163, %gather3A_1055, %gather3A_1056 : vector<16xi1>, vector<16xf32>
        %mul3A_1061 = arith.mulf %gather3A_1059, %gather3A_1055 : vector<16xf32>
        %add3A_1062 = arith.addf %add3A_1043, %mul3A_1061 : vector<16xf32>
        %mul3A_1063 = arith.mulf %gather3A_1055, %gather3A_1055 : vector<16xf32>
        %add3A_1064 = arith.addf %add3A_1045, %mul3A_1063 : vector<16xf32>
        %mul3A_1065 = arith.mulf %gather3A_1056, %gather3A_1056 : vector<16xf32>
        %add3A_1066 = arith.addf %add3A_1047, %mul3A_1065 : vector<16xf32>
        %mul3A_1067 = arith.mulf %gather3A_1058, %gather3A_1058 : vector<16xf32>
        %add3A_1068 = arith.addf %add3A_1049, %mul3A_1067 : vector<16xf32>
        %mul3A_1069 = arith.mulf %gather3A_1058, %select_n3A_1060 : vector<16xf32>
        %add3A_1070 = arith.addf %add3A_1051, %mul3A_1069 : vector<16xf32>
        %add3A_1071 = arith.addi %and3A_1053, %broadcast_in_dim3A_81 : vector<16xi32>
        %and3A_1072 = arith.andi %add3A_1071, %broadcast_in_dim3A_83 : vector<16xi32>
        %add3A_1073 = arith.addi %and3A_1072, %broadcast_in_dim3A_85 : vector<16xi32>
        %gather3A_1074 = tpu.vector_load_idx %arg19[%add3A_141, %and3A_1072] : memref<128x128xf32, #tpu.memory_space<vmem>>[vector<16xi32>, vector<16xi32>], vector<16xf32>,
        %gather3A_1075 = tpu.vector_load_idx %arg19[%add3A_141, %add3A_1073] : memref<128x128xf32, #tpu.memory_space<vmem>>[vector<16xi32>, vector<16xi32>], vector<16xf32>,
        %add3A_1076 = arith.addi %and3A_1072, %get3A_154 : vector<16xi32>
        %gather3A_1077 = tpu.vector_load_idx %arg21[%add3A_141, %add3A_1076] : memref<128x128xf32, #tpu.memory_space<vmem>>[vector<16xi32>, vector<16xi32>], vector<16xf32>,
        %gather3A_1078 = tpu.vector_load_idx %arg16[%get3A_147, %add3A_1073] : memref<128x128xf32, #tpu.memory_space<vmem>>[vector<16xi32>, vector<16xi32>], vector<16xf32>,
        %select_n3A_1079 = arith.select %gt3A_163, %gather3A_1074, %gather3A_1075 : vector<16xi1>, vector<16xf32>
        %mul3A_1080 = arith.mulf %gather3A_1078, %gather3A_1074 : vector<16xf32>
        %add3A_1081 = arith.addf %add3A_1062, %mul3A_1080 : vector<16xf32>
        %mul3A_1082 = arith.mulf %gather3A_1074, %gather3A_1074 : vector<16xf32>
        %add3A_1083 = arith.addf %add3A_1064, %mul3A_1082 : vector<16xf32>
        %mul3A_1084 = arith.mulf %gather3A_1075, %gather3A_1075 : vector<16xf32>
        %add3A_1085 = arith.addf %add3A_1066, %mul3A_1084 : vector<16xf32>
        %mul3A_1086 = arith.mulf %gather3A_1077, %gather3A_1077 : vector<16xf32>
        %add3A_1087 = arith.addf %add3A_1068, %mul3A_1086 : vector<16xf32>
        %mul3A_1088 = arith.mulf %gather3A_1077, %select_n3A_1079 : vector<16xf32>
        %add3A_1089 = arith.addf %add3A_1070, %mul3A_1088 : vector<16xf32>
        %add3A_1090 = arith.addi %and3A_1072, %broadcast_in_dim3A_81 : vector<16xi32>
        %and3A_1091 = arith.andi %add3A_1090, %broadcast_in_dim3A_83 : vector<16xi32>
        %add3A_1092 = arith.addi %and3A_1091, %broadcast_in_dim3A_85 : vector<16xi32>
        %gather3A_1093 = tpu.vector_load_idx %arg19[%add3A_141, %and3A_1091] : memref<128x128xf32, #tpu.memory_space<vmem>>[vector<16xi32>, vector<16xi32>], vector<16xf32>,
        %gather3A_1094 = tpu.vector_load_idx %arg19[%add3A_141, %add3A_1092] : memref<128x128xf32, #tpu.memory_space<vmem>>[vector<16xi32>, vector<16xi32>], vector<16xf32>,
        %add3A_1095 = arith.addi %and3A_1091, %get3A_154 : vector<16xi32>
        %gather3A_1096 = tpu.vector_load_idx %arg21[%add3A_141, %add3A_1095] : memref<128x128xf32, #tpu.memory_space<vmem>>[vector<16xi32>, vector<16xi32>], vector<16xf32>,
        %gather3A_1097 = tpu.vector_load_idx %arg16[%get3A_147, %add3A_1092] : memref<128x128xf32, #tpu.memory_space<vmem>>[vector<16xi32>, vector<16xi32>], vector<16xf32>,
        %select_n3A_1098 = arith.select %gt3A_163, %gather3A_1093, %gather3A_1094 : vector<16xi1>, vector<16xf32>
        %mul3A_1099 = arith.mulf %gather3A_1097, %gather3A_1093 : vector<16xf32>
        %add3A_1100 = arith.addf %add3A_1081, %mul3A_1099 : vector<16xf32>
        %mul3A_1101 = arith.mulf %gather3A_1093, %gather3A_1093 : vector<16xf32>
        %add3A_1102 = arith.addf %add3A_1083, %mul3A_1101 : vector<16xf32>
        %mul3A_1103 = arith.mulf %gather3A_1094, %gather3A_1094 : vector<16xf32>
        %add3A_1104 = arith.addf %add3A_1085, %mul3A_1103 : vector<16xf32>
        %mul3A_1105 = arith.mulf %gather3A_1096, %gather3A_1096 : vector<16xf32>
        %add3A_1106 = arith.addf %add3A_1087, %mul3A_1105 : vector<16xf32>
        %mul3A_1107 = arith.mulf %gather3A_1096, %select_n3A_1098 : vector<16xf32>
        %add3A_1108 = arith.addf %add3A_1089, %mul3A_1107 : vector<16xf32>
        %add3A_1109 = arith.addi %and3A_1091, %broadcast_in_dim3A_81 : vector<16xi32>
        %and3A_1110 = arith.andi %add3A_1109, %broadcast_in_dim3A_83 : vector<16xi32>
        %add3A_1111 = arith.addi %and3A_1110, %broadcast_in_dim3A_85 : vector<16xi32>
        %gather3A_1112 = tpu.vector_load_idx %arg19[%add3A_141, %and3A_1110] : memref<128x128xf32, #tpu.memory_space<vmem>>[vector<16xi32>, vector<16xi32>], vector<16xf32>,
        %gather3A_1113 = tpu.vector_load_idx %arg19[%add3A_141, %add3A_1111] : memref<128x128xf32, #tpu.memory_space<vmem>>[vector<16xi32>, vector<16xi32>], vector<16xf32>,
        %add3A_1114 = arith.addi %and3A_1110, %get3A_154 : vector<16xi32>
        %gather3A_1115 = tpu.vector_load_idx %arg21[%add3A_141, %add3A_1114] : memref<128x128xf32, #tpu.memory_space<vmem>>[vector<16xi32>, vector<16xi32>], vector<16xf32>,
        %gather3A_1116 = tpu.vector_load_idx %arg16[%get3A_147, %add3A_1111] : memref<128x128xf32, #tpu.memory_space<vmem>>[vector<16xi32>, vector<16xi32>], vector<16xf32>,
        %select_n3A_1117 = arith.select %gt3A_163, %gather3A_1112, %gather3A_1113 : vector<16xi1>, vector<16xf32>
        %mul3A_1118 = arith.mulf %gather3A_1116, %gather3A_1112 : vector<16xf32>
        %add3A_1119 = arith.addf %add3A_1100, %mul3A_1118 : vector<16xf32>
        %mul3A_1120 = arith.mulf %gather3A_1112, %gather3A_1112 : vector<16xf32>
        %add3A_1121 = arith.addf %add3A_1102, %mul3A_1120 : vector<16xf32>
        %mul3A_1122 = arith.mulf %gather3A_1113, %gather3A_1113 : vector<16xf32>
        %add3A_1123 = arith.addf %add3A_1104, %mul3A_1122 : vector<16xf32>
        %mul3A_1124 = arith.mulf %gather3A_1115, %gather3A_1115 : vector<16xf32>
        %add3A_1125 = arith.addf %add3A_1106, %mul3A_1124 : vector<16xf32>
        %mul3A_1126 = arith.mulf %gather3A_1115, %select_n3A_1117 : vector<16xf32>
        %add3A_1127 = arith.addf %add3A_1108, %mul3A_1126 : vector<16xf32>
        %add3A_1128 = arith.addi %and3A_1110, %broadcast_in_dim3A_81 : vector<16xi32>
        %and3A_1129 = arith.andi %add3A_1128, %broadcast_in_dim3A_83 : vector<16xi32>
        %add3A_1130 = arith.addi %and3A_1129, %broadcast_in_dim3A_85 : vector<16xi32>
        %gather3A_1131 = tpu.vector_load_idx %arg19[%add3A_141, %and3A_1129] : memref<128x128xf32, #tpu.memory_space<vmem>>[vector<16xi32>, vector<16xi32>], vector<16xf32>,
        %gather3A_1132 = tpu.vector_load_idx %arg19[%add3A_141, %add3A_1130] : memref<128x128xf32, #tpu.memory_space<vmem>>[vector<16xi32>, vector<16xi32>], vector<16xf32>,
        %add3A_1133 = arith.addi %and3A_1129, %get3A_154 : vector<16xi32>
        %gather3A_1134 = tpu.vector_load_idx %arg21[%add3A_141, %add3A_1133] : memref<128x128xf32, #tpu.memory_space<vmem>>[vector<16xi32>, vector<16xi32>], vector<16xf32>,
        %gather3A_1135 = tpu.vector_load_idx %arg16[%get3A_147, %add3A_1130] : memref<128x128xf32, #tpu.memory_space<vmem>>[vector<16xi32>, vector<16xi32>], vector<16xf32>,
        %select_n3A_1136 = arith.select %gt3A_163, %gather3A_1131, %gather3A_1132 : vector<16xi1>, vector<16xf32>
        %mul3A_1137 = arith.mulf %gather3A_1135, %gather3A_1131 : vector<16xf32>
        %add3A_1138 = arith.addf %add3A_1119, %mul3A_1137 : vector<16xf32>
        %mul3A_1139 = arith.mulf %gather3A_1131, %gather3A_1131 : vector<16xf32>
        %add3A_1140 = arith.addf %add3A_1121, %mul3A_1139 : vector<16xf32>
        %mul3A_1141 = arith.mulf %gather3A_1132, %gather3A_1132 : vector<16xf32>
        %add3A_1142 = arith.addf %add3A_1123, %mul3A_1141 : vector<16xf32>
        %mul3A_1143 = arith.mulf %gather3A_1134, %gather3A_1134 : vector<16xf32>
        %add3A_1144 = arith.addf %add3A_1125, %mul3A_1143 : vector<16xf32>
        %mul3A_1145 = arith.mulf %gather3A_1134, %select_n3A_1136 : vector<16xf32>
        %add3A_1146 = arith.addf %add3A_1127, %mul3A_1145 : vector<16xf32>
        %add3A_1147 = arith.addi %and3A_1129, %broadcast_in_dim3A_81 : vector<16xi32>
        %and3A_1148 = arith.andi %add3A_1147, %broadcast_in_dim3A_83 : vector<16xi32>
        %add3A_1149 = arith.addi %and3A_1148, %broadcast_in_dim3A_85 : vector<16xi32>
        %gather3A_1150 = tpu.vector_load_idx %arg19[%add3A_141, %and3A_1148] : memref<128x128xf32, #tpu.memory_space<vmem>>[vector<16xi32>, vector<16xi32>], vector<16xf32>,
        %gather3A_1151 = tpu.vector_load_idx %arg19[%add3A_141, %add3A_1149] : memref<128x128xf32, #tpu.memory_space<vmem>>[vector<16xi32>, vector<16xi32>], vector<16xf32>,
        %add3A_1152 = arith.addi %and3A_1148, %get3A_154 : vector<16xi32>
        %gather3A_1153 = tpu.vector_load_idx %arg21[%add3A_141, %add3A_1152] : memref<128x128xf32, #tpu.memory_space<vmem>>[vector<16xi32>, vector<16xi32>], vector<16xf32>,
        %gather3A_1154 = tpu.vector_load_idx %arg16[%get3A_147, %add3A_1149] : memref<128x128xf32, #tpu.memory_space<vmem>>[vector<16xi32>, vector<16xi32>], vector<16xf32>,
        %select_n3A_1155 = arith.select %gt3A_163, %gather3A_1150, %gather3A_1151 : vector<16xi1>, vector<16xf32>
        %mul3A_1156 = arith.mulf %gather3A_1154, %gather3A_1150 : vector<16xf32>
        %add3A_1157 = arith.addf %add3A_1138, %mul3A_1156 : vector<16xf32>
        %mul3A_1158 = arith.mulf %gather3A_1150, %gather3A_1150 : vector<16xf32>
        %add3A_1159 = arith.addf %add3A_1140, %mul3A_1158 : vector<16xf32>
        %mul3A_1160 = arith.mulf %gather3A_1151, %gather3A_1151 : vector<16xf32>
        %add3A_1161 = arith.addf %add3A_1142, %mul3A_1160 : vector<16xf32>
        %mul3A_1162 = arith.mulf %gather3A_1153, %gather3A_1153 : vector<16xf32>
        %add3A_1163 = arith.addf %add3A_1144, %mul3A_1162 : vector<16xf32>
        %mul3A_1164 = arith.mulf %gather3A_1153, %select_n3A_1155 : vector<16xf32>
        %add3A_1165 = arith.addf %add3A_1146, %mul3A_1164 : vector<16xf32>
        %add3A_1166 = arith.addi %and3A_1148, %broadcast_in_dim3A_81 : vector<16xi32>
        %and3A_1167 = arith.andi %add3A_1166, %broadcast_in_dim3A_83 : vector<16xi32>
        %add3A_1168 = arith.addi %and3A_1167, %broadcast_in_dim3A_85 : vector<16xi32>
        %gather3A_1169 = tpu.vector_load_idx %arg19[%add3A_141, %and3A_1167] : memref<128x128xf32, #tpu.memory_space<vmem>>[vector<16xi32>, vector<16xi32>], vector<16xf32>,
        %gather3A_1170 = tpu.vector_load_idx %arg19[%add3A_141, %add3A_1168] : memref<128x128xf32, #tpu.memory_space<vmem>>[vector<16xi32>, vector<16xi32>], vector<16xf32>,
        %add3A_1171 = arith.addi %and3A_1167, %get3A_154 : vector<16xi32>
        %gather3A_1172 = tpu.vector_load_idx %arg21[%add3A_141, %add3A_1171] : memref<128x128xf32, #tpu.memory_space<vmem>>[vector<16xi32>, vector<16xi32>], vector<16xf32>,
        %gather3A_1173 = tpu.vector_load_idx %arg16[%get3A_147, %add3A_1168] : memref<128x128xf32, #tpu.memory_space<vmem>>[vector<16xi32>, vector<16xi32>], vector<16xf32>,
        %select_n3A_1174 = arith.select %gt3A_163, %gather3A_1169, %gather3A_1170 : vector<16xi1>, vector<16xf32>
        %mul3A_1175 = arith.mulf %gather3A_1173, %gather3A_1169 : vector<16xf32>
        %add3A_1176 = arith.addf %add3A_1157, %mul3A_1175 : vector<16xf32>
        %mul3A_1177 = arith.mulf %gather3A_1169, %gather3A_1169 : vector<16xf32>
        %add3A_1178 = arith.addf %add3A_1159, %mul3A_1177 : vector<16xf32>
        %mul3A_1179 = arith.mulf %gather3A_1170, %gather3A_1170 : vector<16xf32>
        %add3A_1180 = arith.addf %add3A_1161, %mul3A_1179 : vector<16xf32>
        %mul3A_1181 = arith.mulf %gather3A_1172, %gather3A_1172 : vector<16xf32>
        %add3A_1182 = arith.addf %add3A_1163, %mul3A_1181 : vector<16xf32>
        %mul3A_1183 = arith.mulf %gather3A_1172, %select_n3A_1174 : vector<16xf32>
        %add3A_1184 = arith.addf %add3A_1165, %mul3A_1183 : vector<16xf32>
        %add3A_1185 = arith.addi %and3A_1167, %broadcast_in_dim3A_81 : vector<16xi32>
        %and3A_1186 = arith.andi %add3A_1185, %broadcast_in_dim3A_83 : vector<16xi32>
        %add3A_1187 = arith.addi %and3A_1186, %broadcast_in_dim3A_85 : vector<16xi32>
        %gather3A_1188 = tpu.vector_load_idx %arg19[%add3A_141, %and3A_1186] : memref<128x128xf32, #tpu.memory_space<vmem>>[vector<16xi32>, vector<16xi32>], vector<16xf32>,
        %gather3A_1189 = tpu.vector_load_idx %arg19[%add3A_141, %add3A_1187] : memref<128x128xf32, #tpu.memory_space<vmem>>[vector<16xi32>, vector<16xi32>], vector<16xf32>,
        %add3A_1190 = arith.addi %and3A_1186, %get3A_154 : vector<16xi32>
        %gather3A_1191 = tpu.vector_load_idx %arg21[%add3A_141, %add3A_1190] : memref<128x128xf32, #tpu.memory_space<vmem>>[vector<16xi32>, vector<16xi32>], vector<16xf32>,
        %gather3A_1192 = tpu.vector_load_idx %arg16[%get3A_147, %add3A_1187] : memref<128x128xf32, #tpu.memory_space<vmem>>[vector<16xi32>, vector<16xi32>], vector<16xf32>,
        %select_n3A_1193 = arith.select %gt3A_163, %gather3A_1188, %gather3A_1189 : vector<16xi1>, vector<16xf32>
        %mul3A_1194 = arith.mulf %gather3A_1192, %gather3A_1188 : vector<16xf32>
        %add3A_1195 = arith.addf %add3A_1176, %mul3A_1194 : vector<16xf32>
        %mul3A_1196 = arith.mulf %gather3A_1188, %gather3A_1188 : vector<16xf32>
        %add3A_1197 = arith.addf %add3A_1178, %mul3A_1196 : vector<16xf32>
        %mul3A_1198 = arith.mulf %gather3A_1189, %gather3A_1189 : vector<16xf32>
        %add3A_1199 = arith.addf %add3A_1180, %mul3A_1198 : vector<16xf32>
        %mul3A_1200 = arith.mulf %gather3A_1191, %gather3A_1191 : vector<16xf32>
        %add3A_1201 = arith.addf %add3A_1182, %mul3A_1200 : vector<16xf32>
        %mul3A_1202 = arith.mulf %gather3A_1191, %select_n3A_1193 : vector<16xf32>
        %add3A_1203 = arith.addf %add3A_1184, %mul3A_1202 : vector<16xf32>
        %add3A_1204 = arith.addi %and3A_1186, %broadcast_in_dim3A_81 : vector<16xi32>
        %and3A_1205 = arith.andi %add3A_1204, %broadcast_in_dim3A_83 : vector<16xi32>
        %add3A_1206 = arith.addi %and3A_1205, %broadcast_in_dim3A_85 : vector<16xi32>
        %gather3A_1207 = tpu.vector_load_idx %arg19[%add3A_141, %and3A_1205] : memref<128x128xf32, #tpu.memory_space<vmem>>[vector<16xi32>, vector<16xi32>], vector<16xf32>,
        %gather3A_1208 = tpu.vector_load_idx %arg19[%add3A_141, %add3A_1206] : memref<128x128xf32, #tpu.memory_space<vmem>>[vector<16xi32>, vector<16xi32>], vector<16xf32>,
        %add3A_1209 = arith.addi %and3A_1205, %get3A_154 : vector<16xi32>
        %gather3A_1210 = tpu.vector_load_idx %arg21[%add3A_141, %add3A_1209] : memref<128x128xf32, #tpu.memory_space<vmem>>[vector<16xi32>, vector<16xi32>], vector<16xf32>,
        %gather3A_1211 = tpu.vector_load_idx %arg16[%get3A_147, %add3A_1206] : memref<128x128xf32, #tpu.memory_space<vmem>>[vector<16xi32>, vector<16xi32>], vector<16xf32>,
        %select_n3A_1212 = arith.select %gt3A_163, %gather3A_1207, %gather3A_1208 : vector<16xi1>, vector<16xf32>
        %mul3A_1213 = arith.mulf %gather3A_1211, %gather3A_1207 : vector<16xf32>
        %add3A_1214 = arith.addf %add3A_1195, %mul3A_1213 : vector<16xf32>
        %mul3A_1215 = arith.mulf %gather3A_1207, %gather3A_1207 : vector<16xf32>
        %add3A_1216 = arith.addf %add3A_1197, %mul3A_1215 : vector<16xf32>
        %mul3A_1217 = arith.mulf %gather3A_1208, %gather3A_1208 : vector<16xf32>
        %add3A_1218 = arith.addf %add3A_1199, %mul3A_1217 : vector<16xf32>
        %mul3A_1219 = arith.mulf %gather3A_1210, %gather3A_1210 : vector<16xf32>
        %add3A_1220 = arith.addf %add3A_1201, %mul3A_1219 : vector<16xf32>
        %mul3A_1221 = arith.mulf %gather3A_1210, %select_n3A_1212 : vector<16xf32>
        %add3A_1222 = arith.addf %add3A_1203, %mul3A_1221 : vector<16xf32>
        %add3A_1223 = arith.addi %and3A_1205, %broadcast_in_dim3A_81 : vector<16xi32>
        %and3A_1224 = arith.andi %add3A_1223, %broadcast_in_dim3A_83 : vector<16xi32>
        %add3A_1225 = arith.addi %and3A_1224, %broadcast_in_dim3A_85 : vector<16xi32>
        %gather3A_1226 = tpu.vector_load_idx %arg19[%add3A_141, %and3A_1224] : memref<128x128xf32, #tpu.memory_space<vmem>>[vector<16xi32>, vector<16xi32>], vector<16xf32>,
        %gather3A_1227 = tpu.vector_load_idx %arg19[%add3A_141, %add3A_1225] : memref<128x128xf32, #tpu.memory_space<vmem>>[vector<16xi32>, vector<16xi32>], vector<16xf32>,
        %add3A_1228 = arith.addi %and3A_1224, %get3A_154 : vector<16xi32>
        %gather3A_1229 = tpu.vector_load_idx %arg21[%add3A_141, %add3A_1228] : memref<128x128xf32, #tpu.memory_space<vmem>>[vector<16xi32>, vector<16xi32>], vector<16xf32>,
        %gather3A_1230 = tpu.vector_load_idx %arg16[%get3A_147, %add3A_1225] : memref<128x128xf32, #tpu.memory_space<vmem>>[vector<16xi32>, vector<16xi32>], vector<16xf32>,
        %select_n3A_1231 = arith.select %gt3A_163, %gather3A_1226, %gather3A_1227 : vector<16xi1>, vector<16xf32>
        %mul3A_1232 = arith.mulf %gather3A_1230, %gather3A_1226 : vector<16xf32>
        %add3A_1233 = arith.addf %add3A_1214, %mul3A_1232 : vector<16xf32>
        %mul3A_1234 = arith.mulf %gather3A_1226, %gather3A_1226 : vector<16xf32>
        %add3A_1235 = arith.addf %add3A_1216, %mul3A_1234 : vector<16xf32>
        %mul3A_1236 = arith.mulf %gather3A_1227, %gather3A_1227 : vector<16xf32>
        %add3A_1237 = arith.addf %add3A_1218, %mul3A_1236 : vector<16xf32>
        %mul3A_1238 = arith.mulf %gather3A_1229, %gather3A_1229 : vector<16xf32>
        %add3A_1239 = arith.addf %add3A_1220, %mul3A_1238 : vector<16xf32>
        %mul3A_1240 = arith.mulf %gather3A_1229, %select_n3A_1231 : vector<16xf32>
        %add3A_1241 = arith.addf %add3A_1222, %mul3A_1240 : vector<16xf32>
        %add3A_1242 = arith.addi %and3A_1224, %broadcast_in_dim3A_81 : vector<16xi32>
        %and3A_1243 = arith.andi %add3A_1242, %broadcast_in_dim3A_83 : vector<16xi32>
        %add3A_1244 = arith.addi %and3A_1243, %broadcast_in_dim3A_85 : vector<16xi32>
        %gather3A_1245 = tpu.vector_load_idx %arg19[%add3A_141, %and3A_1243] : memref<128x128xf32, #tpu.memory_space<vmem>>[vector<16xi32>, vector<16xi32>], vector<16xf32>,
        %gather3A_1246 = tpu.vector_load_idx %arg19[%add3A_141, %add3A_1244] : memref<128x128xf32, #tpu.memory_space<vmem>>[vector<16xi32>, vector<16xi32>], vector<16xf32>,
        %add3A_1247 = arith.addi %and3A_1243, %get3A_154 : vector<16xi32>
        %gather3A_1248 = tpu.vector_load_idx %arg21[%add3A_141, %add3A_1247] : memref<128x128xf32, #tpu.memory_space<vmem>>[vector<16xi32>, vector<16xi32>], vector<16xf32>,
        %gather3A_1249 = tpu.vector_load_idx %arg16[%get3A_147, %add3A_1244] : memref<128x128xf32, #tpu.memory_space<vmem>>[vector<16xi32>, vector<16xi32>], vector<16xf32>,
        %select_n3A_1250 = arith.select %gt3A_163, %gather3A_1245, %gather3A_1246 : vector<16xi1>, vector<16xf32>
        %mul3A_1251 = arith.mulf %gather3A_1249, %gather3A_1245 : vector<16xf32>
        %add3A_1252 = arith.addf %add3A_1233, %mul3A_1251 : vector<16xf32>
        %mul3A_1253 = arith.mulf %gather3A_1245, %gather3A_1245 : vector<16xf32>
        %add3A_1254 = arith.addf %add3A_1235, %mul3A_1253 : vector<16xf32>
        %mul3A_1255 = arith.mulf %gather3A_1246, %gather3A_1246 : vector<16xf32>
        %add3A_1256 = arith.addf %add3A_1237, %mul3A_1255 : vector<16xf32>
        %mul3A_1257 = arith.mulf %gather3A_1248, %gather3A_1248 : vector<16xf32>
        %add3A_1258 = arith.addf %add3A_1239, %mul3A_1257 : vector<16xf32>
        %mul3A_1259 = arith.mulf %gather3A_1248, %select_n3A_1250 : vector<16xf32>
        %add3A_1260 = arith.addf %add3A_1241, %mul3A_1259 : vector<16xf32>
        %add3A_1261 = arith.addi %and3A_1243, %broadcast_in_dim3A_81 : vector<16xi32>
        %and3A_1262 = arith.andi %add3A_1261, %broadcast_in_dim3A_83 : vector<16xi32>
        %add3A_1263 = arith.addi %and3A_1262, %broadcast_in_dim3A_85 : vector<16xi32>
        %gather3A_1264 = tpu.vector_load_idx %arg19[%add3A_141, %and3A_1262] : memref<128x128xf32, #tpu.memory_space<vmem>>[vector<16xi32>, vector<16xi32>], vector<16xf32>,
        %gather3A_1265 = tpu.vector_load_idx %arg19[%add3A_141, %add3A_1263] : memref<128x128xf32, #tpu.memory_space<vmem>>[vector<16xi32>, vector<16xi32>], vector<16xf32>,
        %add3A_1266 = arith.addi %and3A_1262, %get3A_154 : vector<16xi32>
        %gather3A_1267 = tpu.vector_load_idx %arg21[%add3A_141, %add3A_1266] : memref<128x128xf32, #tpu.memory_space<vmem>>[vector<16xi32>, vector<16xi32>], vector<16xf32>,
        %gather3A_1268 = tpu.vector_load_idx %arg16[%get3A_147, %add3A_1263] : memref<128x128xf32, #tpu.memory_space<vmem>>[vector<16xi32>, vector<16xi32>], vector<16xf32>,
        %select_n3A_1269 = arith.select %gt3A_163, %gather3A_1264, %gather3A_1265 : vector<16xi1>, vector<16xf32>
        %mul3A_1270 = arith.mulf %gather3A_1268, %gather3A_1264 : vector<16xf32>
        %add3A_1271 = arith.addf %add3A_1252, %mul3A_1270 : vector<16xf32>
        %mul3A_1272 = arith.mulf %gather3A_1264, %gather3A_1264 : vector<16xf32>
        %add3A_1273 = arith.addf %add3A_1254, %mul3A_1272 : vector<16xf32>
        %mul3A_1274 = arith.mulf %gather3A_1265, %gather3A_1265 : vector<16xf32>
        %add3A_1275 = arith.addf %add3A_1256, %mul3A_1274 : vector<16xf32>
        %mul3A_1276 = arith.mulf %gather3A_1267, %gather3A_1267 : vector<16xf32>
        %add3A_1277 = arith.addf %add3A_1258, %mul3A_1276 : vector<16xf32>
        %mul3A_1278 = arith.mulf %gather3A_1267, %select_n3A_1269 : vector<16xf32>
        %add3A_1279 = arith.addf %add3A_1260, %mul3A_1278 : vector<16xf32>
        %add3A_1280 = arith.addi %and3A_1262, %broadcast_in_dim3A_81 : vector<16xi32>
        %and3A_1281 = arith.andi %add3A_1280, %broadcast_in_dim3A_83 : vector<16xi32>
        %add3A_1282 = arith.addi %and3A_1281, %broadcast_in_dim3A_85 : vector<16xi32>
        %gather3A_1283 = tpu.vector_load_idx %arg19[%add3A_141, %and3A_1281] : memref<128x128xf32, #tpu.memory_space<vmem>>[vector<16xi32>, vector<16xi32>], vector<16xf32>,
        %gather3A_1284 = tpu.vector_load_idx %arg19[%add3A_141, %add3A_1282] : memref<128x128xf32, #tpu.memory_space<vmem>>[vector<16xi32>, vector<16xi32>], vector<16xf32>,
        %add3A_1285 = arith.addi %and3A_1281, %get3A_154 : vector<16xi32>
        %gather3A_1286 = tpu.vector_load_idx %arg21[%add3A_141, %add3A_1285] : memref<128x128xf32, #tpu.memory_space<vmem>>[vector<16xi32>, vector<16xi32>], vector<16xf32>,
        %gather3A_1287 = tpu.vector_load_idx %arg16[%get3A_147, %add3A_1282] : memref<128x128xf32, #tpu.memory_space<vmem>>[vector<16xi32>, vector<16xi32>], vector<16xf32>,
        %select_n3A_1288 = arith.select %gt3A_163, %gather3A_1283, %gather3A_1284 : vector<16xi1>, vector<16xf32>
        %mul3A_1289 = arith.mulf %gather3A_1287, %gather3A_1283 : vector<16xf32>
        %add3A_1290 = arith.addf %add3A_1271, %mul3A_1289 : vector<16xf32>
        %mul3A_1291 = arith.mulf %gather3A_1283, %gather3A_1283 : vector<16xf32>
        %add3A_1292 = arith.addf %add3A_1273, %mul3A_1291 : vector<16xf32>
        %mul3A_1293 = arith.mulf %gather3A_1284, %gather3A_1284 : vector<16xf32>
        %add3A_1294 = arith.addf %add3A_1275, %mul3A_1293 : vector<16xf32>
        %mul3A_1295 = arith.mulf %gather3A_1286, %gather3A_1286 : vector<16xf32>
        %add3A_1296 = arith.addf %add3A_1277, %mul3A_1295 : vector<16xf32>
        %mul3A_1297 = arith.mulf %gather3A_1286, %select_n3A_1288 : vector<16xf32>
        %add3A_1298 = arith.addf %add3A_1279, %mul3A_1297 : vector<16xf32>
        %add3A_1299 = arith.addi %and3A_1281, %broadcast_in_dim3A_81 : vector<16xi32>
        %and3A_1300 = arith.andi %add3A_1299, %broadcast_in_dim3A_83 : vector<16xi32>
        %add3A_1301 = arith.addi %and3A_1300, %broadcast_in_dim3A_85 : vector<16xi32>
        %gather3A_1302 = tpu.vector_load_idx %arg19[%add3A_141, %and3A_1300] : memref<128x128xf32, #tpu.memory_space<vmem>>[vector<16xi32>, vector<16xi32>], vector<16xf32>,
        %gather3A_1303 = tpu.vector_load_idx %arg19[%add3A_141, %add3A_1301] : memref<128x128xf32, #tpu.memory_space<vmem>>[vector<16xi32>, vector<16xi32>], vector<16xf32>,
        %add3A_1304 = arith.addi %and3A_1300, %get3A_154 : vector<16xi32>
        %gather3A_1305 = tpu.vector_load_idx %arg21[%add3A_141, %add3A_1304] : memref<128x128xf32, #tpu.memory_space<vmem>>[vector<16xi32>, vector<16xi32>], vector<16xf32>,
        %gather3A_1306 = tpu.vector_load_idx %arg16[%get3A_147, %add3A_1301] : memref<128x128xf32, #tpu.memory_space<vmem>>[vector<16xi32>, vector<16xi32>], vector<16xf32>,
        %select_n3A_1307 = arith.select %gt3A_163, %gather3A_1302, %gather3A_1303 : vector<16xi1>, vector<16xf32>
        %mul3A_1308 = arith.mulf %gather3A_1306, %gather3A_1302 : vector<16xf32>
        %add3A_1309 = arith.addf %add3A_1290, %mul3A_1308 : vector<16xf32>
        %mul3A_1310 = arith.mulf %gather3A_1302, %gather3A_1302 : vector<16xf32>
        %add3A_1311 = arith.addf %add3A_1292, %mul3A_1310 : vector<16xf32>
        %mul3A_1312 = arith.mulf %gather3A_1303, %gather3A_1303 : vector<16xf32>
        %add3A_1313 = arith.addf %add3A_1294, %mul3A_1312 : vector<16xf32>
        %mul3A_1314 = arith.mulf %gather3A_1305, %gather3A_1305 : vector<16xf32>
        %add3A_1315 = arith.addf %add3A_1296, %mul3A_1314 : vector<16xf32>
        %mul3A_1316 = arith.mulf %gather3A_1305, %select_n3A_1307 : vector<16xf32>
        %add3A_1317 = arith.addf %add3A_1298, %mul3A_1316 : vector<16xf32>
        %add3A_1318 = arith.addi %and3A_1300, %broadcast_in_dim3A_81 : vector<16xi32>
        %and3A_1319 = arith.andi %add3A_1318, %broadcast_in_dim3A_83 : vector<16xi32>
        %add3A_1320 = arith.addi %and3A_1319, %broadcast_in_dim3A_85 : vector<16xi32>
        %gather3A_1321 = tpu.vector_load_idx %arg19[%add3A_141, %and3A_1319] : memref<128x128xf32, #tpu.memory_space<vmem>>[vector<16xi32>, vector<16xi32>], vector<16xf32>,
        %gather3A_1322 = tpu.vector_load_idx %arg19[%add3A_141, %add3A_1320] : memref<128x128xf32, #tpu.memory_space<vmem>>[vector<16xi32>, vector<16xi32>], vector<16xf32>,
        %add3A_1323 = arith.addi %and3A_1319, %get3A_154 : vector<16xi32>
        %gather3A_1324 = tpu.vector_load_idx %arg21[%add3A_141, %add3A_1323] : memref<128x128xf32, #tpu.memory_space<vmem>>[vector<16xi32>, vector<16xi32>], vector<16xf32>,
        %gather3A_1325 = tpu.vector_load_idx %arg16[%get3A_147, %add3A_1320] : memref<128x128xf32, #tpu.memory_space<vmem>>[vector<16xi32>, vector<16xi32>], vector<16xf32>,
        %select_n3A_1326 = arith.select %gt3A_163, %gather3A_1321, %gather3A_1322 : vector<16xi1>, vector<16xf32>
        %mul3A_1327 = arith.mulf %gather3A_1325, %gather3A_1321 : vector<16xf32>
        %add3A_1328 = arith.addf %add3A_1309, %mul3A_1327 : vector<16xf32>
        %mul3A_1329 = arith.mulf %gather3A_1321, %gather3A_1321 : vector<16xf32>
        %add3A_1330 = arith.addf %add3A_1311, %mul3A_1329 : vector<16xf32>
        %mul3A_1331 = arith.mulf %gather3A_1322, %gather3A_1322 : vector<16xf32>
        %add3A_1332 = arith.addf %add3A_1313, %mul3A_1331 : vector<16xf32>
        %mul3A_1333 = arith.mulf %gather3A_1324, %gather3A_1324 : vector<16xf32>
        %add3A_1334 = arith.addf %add3A_1315, %mul3A_1333 : vector<16xf32>
        %mul3A_1335 = arith.mulf %gather3A_1324, %select_n3A_1326 : vector<16xf32>
        %add3A_1336 = arith.addf %add3A_1317, %mul3A_1335 : vector<16xf32>
        %add3A_1337 = arith.addi %and3A_1319, %broadcast_in_dim3A_81 : vector<16xi32>
        %and3A_1338 = arith.andi %add3A_1337, %broadcast_in_dim3A_83 : vector<16xi32>
        %add3A_1339 = arith.addi %and3A_1338, %broadcast_in_dim3A_85 : vector<16xi32>
        %gather3A_1340 = tpu.vector_load_idx %arg19[%add3A_141, %and3A_1338] : memref<128x128xf32, #tpu.memory_space<vmem>>[vector<16xi32>, vector<16xi32>], vector<16xf32>,
        %gather3A_1341 = tpu.vector_load_idx %arg19[%add3A_141, %add3A_1339] : memref<128x128xf32, #tpu.memory_space<vmem>>[vector<16xi32>, vector<16xi32>], vector<16xf32>,
        %add3A_1342 = arith.addi %and3A_1338, %get3A_154 : vector<16xi32>
        %gather3A_1343 = tpu.vector_load_idx %arg21[%add3A_141, %add3A_1342] : memref<128x128xf32, #tpu.memory_space<vmem>>[vector<16xi32>, vector<16xi32>], vector<16xf32>,
        %gather3A_1344 = tpu.vector_load_idx %arg16[%get3A_147, %add3A_1339] : memref<128x128xf32, #tpu.memory_space<vmem>>[vector<16xi32>, vector<16xi32>], vector<16xf32>,
        %select_n3A_1345 = arith.select %gt3A_163, %gather3A_1340, %gather3A_1341 : vector<16xi1>, vector<16xf32>
        %mul3A_1346 = arith.mulf %gather3A_1344, %gather3A_1340 : vector<16xf32>
        %add3A_1347 = arith.addf %add3A_1328, %mul3A_1346 : vector<16xf32>
        %mul3A_1348 = arith.mulf %gather3A_1340, %gather3A_1340 : vector<16xf32>
        %add3A_1349 = arith.addf %add3A_1330, %mul3A_1348 : vector<16xf32>
        %mul3A_1350 = arith.mulf %gather3A_1341, %gather3A_1341 : vector<16xf32>
        %add3A_1351 = arith.addf %add3A_1332, %mul3A_1350 : vector<16xf32>
        %mul3A_1352 = arith.mulf %gather3A_1343, %gather3A_1343 : vector<16xf32>
        %add3A_1353 = arith.addf %add3A_1334, %mul3A_1352 : vector<16xf32>
        %mul3A_1354 = arith.mulf %gather3A_1343, %select_n3A_1345 : vector<16xf32>
        %add3A_1355 = arith.addf %add3A_1336, %mul3A_1354 : vector<16xf32>
        %add3A_1356 = arith.addi %and3A_1338, %broadcast_in_dim3A_81 : vector<16xi32>
        %and3A_1357 = arith.andi %add3A_1356, %broadcast_in_dim3A_83 : vector<16xi32>
        %add3A_1358 = arith.addi %and3A_1357, %broadcast_in_dim3A_85 : vector<16xi32>
        %gather3A_1359 = tpu.vector_load_idx %arg19[%add3A_141, %and3A_1357] : memref<128x128xf32, #tpu.memory_space<vmem>>[vector<16xi32>, vector<16xi32>], vector<16xf32>,
        %gather3A_1360 = tpu.vector_load_idx %arg19[%add3A_141, %add3A_1358] : memref<128x128xf32, #tpu.memory_space<vmem>>[vector<16xi32>, vector<16xi32>], vector<16xf32>,
        %add3A_1361 = arith.addi %and3A_1357, %get3A_154 : vector<16xi32>
        %gather3A_1362 = tpu.vector_load_idx %arg21[%add3A_141, %add3A_1361] : memref<128x128xf32, #tpu.memory_space<vmem>>[vector<16xi32>, vector<16xi32>], vector<16xf32>,
        %gather3A_1363 = tpu.vector_load_idx %arg16[%get3A_147, %add3A_1358] : memref<128x128xf32, #tpu.memory_space<vmem>>[vector<16xi32>, vector<16xi32>], vector<16xf32>,
        %select_n3A_1364 = arith.select %gt3A_163, %gather3A_1359, %gather3A_1360 : vector<16xi1>, vector<16xf32>
        %mul3A_1365 = arith.mulf %gather3A_1363, %gather3A_1359 : vector<16xf32>
        %add3A_1366 = arith.addf %add3A_1347, %mul3A_1365 : vector<16xf32>
        %mul3A_1367 = arith.mulf %gather3A_1359, %gather3A_1359 : vector<16xf32>
        %add3A_1368 = arith.addf %add3A_1349, %mul3A_1367 : vector<16xf32>
        %mul3A_1369 = arith.mulf %gather3A_1360, %gather3A_1360 : vector<16xf32>
        %add3A_1370 = arith.addf %add3A_1351, %mul3A_1369 : vector<16xf32>
        %mul3A_1371 = arith.mulf %gather3A_1362, %gather3A_1362 : vector<16xf32>
        %add3A_1372 = arith.addf %add3A_1353, %mul3A_1371 : vector<16xf32>
        %mul3A_1373 = arith.mulf %gather3A_1362, %select_n3A_1364 : vector<16xf32>
        %add3A_1374 = arith.addf %add3A_1355, %mul3A_1373 : vector<16xf32>
        %mul3A_1375 = arith.constant 16 : i32
        %mul3A_1376 = arith.muli %add3A_137, %mul3A_1375 : i32
        %add3A_1377 = arith.constant 0 : i32
        %add3A_1378 = arith.addi %add3A_1377, %mul3A_1376 : i32
        %swap3A = arith.index_cast %add3A_1378 : i32 to index
        %swap3A_1379 = tpu.vector_load %arg23[%swap3A] {strides = array<i32>} : memref<640xf32, #tpu.memory_space<vmem>>, vector<16xf32>,
        tpu.vector_store %arg23[%swap3A], %add3A_1366 {strides = array<i32>} : memref<640xf32, #tpu.memory_space<vmem>>, vector<16xf32>,
        %mul3A_1380 = arith.constant 16 : i32
        %mul3A_1381 = arith.muli %add3A_137, %mul3A_1380 : i32
        %add3A_1382 = arith.constant 128 : i32
        %add3A_1383 = arith.addi %add3A_1382, %mul3A_1381 : i32
        %swap3A_1384 = arith.index_cast %add3A_1383 : i32 to index
        %swap3A_1385 = tpu.vector_load %arg23[%swap3A_1384] {strides = array<i32>} : memref<640xf32, #tpu.memory_space<vmem>>, vector<16xf32>,
        tpu.vector_store %arg23[%swap3A_1384], %add3A_1368 {strides = array<i32>} : memref<640xf32, #tpu.memory_space<vmem>>, vector<16xf32>,
        %mul3A_1386 = arith.constant 16 : i32
        %mul3A_1387 = arith.muli %add3A_137, %mul3A_1386 : i32
        %add3A_1388 = arith.constant 256 : i32
        %add3A_1389 = arith.addi %add3A_1388, %mul3A_1387 : i32
        %swap3A_1390 = arith.index_cast %add3A_1389 : i32 to index
        %swap3A_1391 = tpu.vector_load %arg23[%swap3A_1390] {strides = array<i32>} : memref<640xf32, #tpu.memory_space<vmem>>, vector<16xf32>,
        tpu.vector_store %arg23[%swap3A_1390], %add3A_1370 {strides = array<i32>} : memref<640xf32, #tpu.memory_space<vmem>>, vector<16xf32>,
        %mul3A_1392 = arith.constant 16 : i32
        %mul3A_1393 = arith.muli %add3A_137, %mul3A_1392 : i32
        %add3A_1394 = arith.constant 384 : i32
        %add3A_1395 = arith.addi %add3A_1394, %mul3A_1393 : i32
        %swap3A_1396 = arith.index_cast %add3A_1395 : i32 to index
        %swap3A_1397 = tpu.vector_load %arg23[%swap3A_1396] {strides = array<i32>} : memref<640xf32, #tpu.memory_space<vmem>>, vector<16xf32>,
        tpu.vector_store %arg23[%swap3A_1396], %add3A_1372 {strides = array<i32>} : memref<640xf32, #tpu.memory_space<vmem>>, vector<16xf32>,
        %mul3A_1398 = arith.constant 16 : i32
        %mul3A_1399 = arith.muli %add3A_137, %mul3A_1398 : i32
        %add3A_1400 = arith.constant 512 : i32
        %add3A_1401 = arith.addi %add3A_1400, %mul3A_1399 : i32
        %swap3A_1402 = arith.index_cast %add3A_1401 : i32 to index
        %swap3A_1403 = tpu.vector_load %arg23[%swap3A_1402] {strides = array<i32>} : memref<640xf32, #tpu.memory_space<vmem>>, vector<16xf32>,
        tpu.vector_store %arg23[%swap3A_1402], %add3A_1374 {strides = array<i32>} : memref<640xf32, #tpu.memory_space<vmem>>, vector<16xf32>,
      }
      %scan3A_90 = arith.constant 8 : i32
      %add3A_91 = arith.constant 2 : i32
      %add3A_92 = arith.addi %add3A_67, %add3A_91 : i32
      %lt3A = arith.constant 20 : i32
      %lt3A_93 = arith.cmpi slt, %add3A_92, %lt3A : i32
      %convert_element_type3A = arith.extui %lt3A_93 : i1 to i32
      %cond3A = arith.constant 0 : i32
      %cond3A_94 = arith.cmpi ne, %convert_element_type3A, %cond3A : i32
      scf.if %cond3A_94 {
        %add3A_133 = arith.constant 2 : i32
        %add3A_134 = arith.addi %add3A_67, %add3A_133 : i32
        %mul3A_135 = arith.constant 128 : i32
        %mul3A_136 = arith.muli %add3A_134, %mul3A_135 : i32
        %mul3A_137 = arith.constant 128 : i32
        %mul3A_138 = arith.muli %add3A_134, %mul3A_137 : i32
        %dma_start3A_139 = tpu.memref_slice %arg11[%mul3A_136] : memref<2560xi32, #tpu.memory_space<vmem>> -> memref<128xi32, #tpu.memory_space<vmem>>
        %dma_start3A_140 = arith.constant 0 : i32
        %dma_start3A_141 = arith.constant 0 : i32
        %dma_start3A_142 = tpu.memref_slice %arg2[%dma_start3A_140, %dma_start3A_141] : memref<100000x128xf32, #tpu.memory_space<hbm>> -> memref<100000x128xf32, #tpu.memory_space<hbm>>
        tpu.enqueue_indirect_dma source(%dma_start3A_142 : memref<100000x128xf32, #tpu.memory_space<hbm>>) target(%arg19 : memref<128x128xf32, #tpu.memory_space<vmem>>) offsets(%dma_start3A_139 : memref<128xi32, #tpu.memory_space<vmem>>) semaphore(%arg24 : memref<!tpu.dma_semaphore, #tpu.memory_space<semaphore_mem>>)
        %dma_start3A_143 = tpu.memref_slice %arg12[%mul3A_138] : memref<2560xi32, #tpu.memory_space<vmem>> -> memref<128xi32, #tpu.memory_space<vmem>>
        %dma_start3A_144 = arith.constant 0 : i32
        %dma_start3A_145 = arith.constant 0 : i32
        %dma_start3A_146 = tpu.memref_slice %arg3[%dma_start3A_144, %dma_start3A_145] : memref<50000x128xf32, #tpu.memory_space<hbm>> -> memref<50000x128xf32, #tpu.memory_space<hbm>>
        tpu.enqueue_indirect_dma source(%dma_start3A_146 : memref<50000x128xf32, #tpu.memory_space<hbm>>) target(%arg21 : memref<128x128xf32, #tpu.memory_space<vmem>>) offsets(%dma_start3A_143 : memref<128xi32, #tpu.memory_space<vmem>>) semaphore(%arg26 : memref<!tpu.dma_semaphore, #tpu.memory_space<semaphore_mem>>)
      } else {
      }
      %mul3A_95 = arith.constant 20 : i32
      %mul3A_96 = arith.muli %add3A, %mul3A_95 : i32
      %add3A_97 = arith.addi %mul3A_96, %add3A_67 : i32
      "tpu.region"() ({
        %run_scoped3A = tpu.sem_alloc : memref<!tpu.dma_semaphore, #tpu.memory_space<semaphore_mem>>
        %dma_start3A_133 = arith.constant 0 : i32
        %dma_start3A_134 = tpu.memref_slice %arg10[%add3A_97, %dma_start3A_133] : memref<640x640xf32, #tpu.memory_space<hbm>> -> memref<1x640xf32, #tpu.memory_space<hbm>>
        %dma_start3A_135 = tpu.memref_squeeze %dma_start3A_134 : memref<1x640xf32, #tpu.memory_space<hbm>> -> memref<640xf32, #tpu.memory_space<hbm>>
        %dma_start3A_136 = arith.constant 0 : i32
        %dma_start3A_137 = tpu.memref_slice %arg10[%add3A_97, %dma_start3A_136] : memref<640x640xf32, #tpu.memory_space<hbm>> -> memref<1x640xf32, #tpu.memory_space<hbm>>
        %dma_start3A_138 = tpu.memref_squeeze %dma_start3A_137 : memref<1x640xf32, #tpu.memory_space<hbm>> -> memref<640xf32, #tpu.memory_space<hbm>>
        tpu.enqueue_dma source(%arg23 : memref<640xf32, #tpu.memory_space<vmem>>) target(%dma_start3A_138 : memref<640xf32, #tpu.memory_space<hbm>>) target_semaphore(%run_scoped3A : memref<!tpu.dma_semaphore, #tpu.memory_space<semaphore_mem>>)
        %dma_wait3A_139 = arith.constant 0 : i32
        %dma_wait3A_140 = tpu.memref_slice %arg10[%add3A_97, %dma_wait3A_139] : memref<640x640xf32, #tpu.memory_space<hbm>> -> memref<1x640xf32, #tpu.memory_space<hbm>>
        %dma_wait3A_141 = tpu.memref_squeeze %dma_wait3A_140 : memref<1x640xf32, #tpu.memory_space<hbm>> -> memref<640xf32, #tpu.memory_space<hbm>>
        %dma_wait3A_142 = arith.constant 0 : i32
        %dma_wait3A_143 = tpu.memref_slice %arg10[%add3A_97, %dma_wait3A_142] : memref<640x640xf32, #tpu.memory_space<hbm>> -> memref<1x640xf32, #tpu.memory_space<hbm>>
        %dma_wait3A_144 = tpu.memref_squeeze %dma_wait3A_143 : memref<1x640xf32, #tpu.memory_space<hbm>> -> memref<640xf32, #tpu.memory_space<hbm>>
        tpu.wait_dma2 semaphore(%run_scoped3A : memref<!tpu.dma_semaphore, #tpu.memory_space<semaphore_mem>>) src(%arg23 : memref<640xf32, #tpu.memory_space<vmem>>) dst(%dma_wait3A_144 : memref<640xf32, #tpu.memory_space<hbm>>)
        tpu.yield
      }) : () -> ()
      %add3A_98 = arith.constant 1 : i32
      %add3A_99 = arith.addi %add3A_65, %add3A_98 : i32
      %mul3A_100 = arith.constant 128 : i32
      %mul3A_101 = arith.muli %add3A_99, %mul3A_100 : i32
      %mul3A_102 = arith.constant 128 : i32
      %mul3A_103 = arith.muli %add3A_99, %mul3A_102 : i32
      %dma_wait3A_104 = tpu.memref_slice %arg11[%mul3A_101] : memref<2560xi32, #tpu.memory_space<vmem>> -> memref<128xi32, #tpu.memory_space<vmem>>
      %dma_wait3A_105 = arith.constant 0 : i32
      %dma_wait3A_106 = arith.constant 0 : i32
      %dma_wait3A_107 = tpu.memref_slice %arg2[%dma_wait3A_105, %dma_wait3A_106] : memref<100000x128xf32, #tpu.memory_space<hbm>> -> memref<100000x128xf32, #tpu.memory_space<hbm>>
      tpu.wait_indirect_dma semaphore(%arg25 : memref<!tpu.dma_semaphore, #tpu.memory_space<semaphore_mem>>) src(%dma_wait3A_107 : memref<100000x128xf32, #tpu.memory_space<hbm>>) dst(%arg20 : memref<128x128xf32, #tpu.memory_space<vmem>>)
      %dma_wait3A_108 = tpu.memref_slice %arg12[%mul3A_103] : memref<2560xi32, #tpu.memory_space<vmem>> -> memref<128xi32, #tpu.memory_space<vmem>>
      %dma_wait3A_109 = arith.constant 0 : i32
      %dma_wait3A_110 = arith.constant 0 : i32
      %dma_wait3A_111 = tpu.memref_slice %arg3[%dma_wait3A_109, %dma_wait3A_110] : memref<50000x128xf32, #tpu.memory_space<hbm>> -> memref<50000x128xf32, #tpu.memory_space<hbm>>
      tpu.wait_indirect_dma semaphore(%arg27 : memref<!tpu.dma_semaphore, #tpu.memory_space<semaphore_mem>>) src(%dma_wait3A_111 : memref<50000x128xf32, #tpu.memory_space<hbm>>) dst(%arg22 : memref<128x128xf32, #tpu.memory_space<vmem>>)
      %broadcast_in_dim3A_112 = arith.constant 1 : i32
      %broadcast_in_dim3A_113 = vector.broadcast %broadcast_in_dim3A_112 : i32 to vector<16xi32>
      %broadcast_in_dim3A_114 = arith.constant 63 : i32
      %broadcast_in_dim3A_115 = vector.broadcast %broadcast_in_dim3A_114 : i32 to vector<16xi32>
      %broadcast_in_dim3A_116 = arith.constant 64 : i32
      %broadcast_in_dim3A_117 = vector.broadcast %broadcast_in_dim3A_116 : i32 to vector<16xi32>
      %scan3A_118 = arith.constant 0 : i32
      %scan3A_119 = arith.constant 8 : i32
      %scan3A_120 = arith.addi %scan3A_118, %scan3A_119 : i32
      %scan3A_121 = arith.constant 1 : i32
      scf.for %scan3A_133 = %scan3A_118 to %scan3A_120 step %scan3A_121  : i32 {
        %mul3A_134 = arith.constant 1 : i32
        %mul3A_135 = arith.muli %scan3A_133, %mul3A_134 : i32
        %add3A_136 = arith.constant 0 : i32
        %add3A_137 = arith.addi %add3A_136, %mul3A_135 : i32
        %mul3A_138 = arith.constant 16 : i32
        %mul3A_139 = arith.muli %add3A_137, %mul3A_138 : i32
        %add3A_140 = vector.broadcast %mul3A_139 : i32 to vector<16xi32>
        %add3A_141 = arith.addi %iota3A, %add3A_140 : vector<16xi32>
        %mul3A_142 = arith.constant 128 : i32
        %mul3A_143 = arith.muli %add3A_99, %mul3A_142 : i32
        %mul3A_144 = arith.constant 16 : i32
        %mul3A_145 = arith.muli %add3A_137, %mul3A_144 : i32
        %add3A_146 = arith.addi %mul3A_143, %mul3A_145 : i32
        %get3A = arith.index_cast %add3A_146 : i32 to index
        %get3A_147 = tpu.vector_load %arg14[%get3A] {strides = array<i32>} : memref<2560xi32, #tpu.memory_space<vmem>>, vector<16xi32>,
        %mul3A_148 = arith.constant 128 : i32
        %mul3A_149 = arith.muli %add3A_99, %mul3A_148 : i32
        %mul3A_150 = arith.constant 16 : i32
        %mul3A_151 = arith.muli %add3A_137, %mul3A_150 : i32
        %add3A_152 = arith.addi %mul3A_149, %mul3A_151 : i32
        %get3A_153 = arith.index_cast %add3A_152 : i32 to index
        %get3A_154 = tpu.vector_load %arg13[%get3A_153] {strides = array<i32>} : memref<2560xi32, #tpu.memory_space<vmem>>, vector<16xi32>,
        %mul3A_155 = arith.constant 128 : i32
        %mul3A_156 = arith.muli %add3A_99, %mul3A_155 : i32
        %mul3A_157 = arith.constant 16 : i32
        %mul3A_158 = arith.muli %add3A_137, %mul3A_157 : i32
        %add3A_159 = arith.addi %mul3A_156, %mul3A_158 : i32
        %get3A_160 = arith.index_cast %add3A_159 : i32 to index
        %get3A_161 = tpu.vector_load %arg18[%get3A_160] {strides = array<i32>} : memref<2560xf32, #tpu.memory_space<vmem>>, vector<16xf32>,
        %gt3A = arith.constant 0.000000e+00 : f32
        %gt3A_162 = vector.broadcast %gt3A : f32 to vector<16xf32>
        %gt3A_163 = arith.cmpf ogt, %get3A_161, %gt3A_162 : vector<16xf32>
        %add3A_164 = arith.addi %iota3A, %broadcast_in_dim3A_117 : vector<16xi32>
        %gather3A = tpu.vector_load_idx %arg20[%add3A_141, %iota3A] : memref<128x128xf32, #tpu.memory_space<vmem>>[vector<16xi32>, vector<16xi32>], vector<16xf32>,
        %gather3A_165 = tpu.vector_load_idx %arg20[%add3A_141, %add3A_164] : memref<128x128xf32, #tpu.memory_space<vmem>>[vector<16xi32>, vector<16xi32>], vector<16xf32>,
        %add3A_166 = arith.addi %iota3A, %get3A_154 : vector<16xi32>
        %gather3A_167 = tpu.vector_load_idx %arg22[%add3A_141, %add3A_166] : memref<128x128xf32, #tpu.memory_space<vmem>>[vector<16xi32>, vector<16xi32>], vector<16xf32>,
        %gather3A_168 = tpu.vector_load_idx %arg16[%get3A_147, %add3A_164] : memref<128x128xf32, #tpu.memory_space<vmem>>[vector<16xi32>, vector<16xi32>], vector<16xf32>,
        %select_n3A = arith.select %gt3A_163, %gather3A, %gather3A_165 : vector<16xi1>, vector<16xf32>
        %mul3A_169 = arith.mulf %gather3A_168, %gather3A : vector<16xf32>
        %add3A_170 = arith.addf %broadcast_in_dim3A_27, %mul3A_169 : vector<16xf32>
        %mul3A_171 = arith.mulf %gather3A, %gather3A : vector<16xf32>
        %add3A_172 = arith.addf %broadcast_in_dim3A_27, %mul3A_171 : vector<16xf32>
        %mul3A_173 = arith.mulf %gather3A_165, %gather3A_165 : vector<16xf32>
        %add3A_174 = arith.addf %broadcast_in_dim3A_27, %mul3A_173 : vector<16xf32>
        %mul3A_175 = arith.mulf %gather3A_167, %gather3A_167 : vector<16xf32>
        %add3A_176 = arith.addf %broadcast_in_dim3A_27, %mul3A_175 : vector<16xf32>
        %mul3A_177 = arith.mulf %gather3A_167, %select_n3A : vector<16xf32>
        %add3A_178 = arith.addf %broadcast_in_dim3A_27, %mul3A_177 : vector<16xf32>
        %add3A_179 = arith.addi %iota3A, %broadcast_in_dim3A_113 : vector<16xi32>
        %and3A = arith.andi %add3A_179, %broadcast_in_dim3A_115 : vector<16xi32>
        %add3A_180 = arith.addi %and3A, %broadcast_in_dim3A_117 : vector<16xi32>
        %gather3A_181 = tpu.vector_load_idx %arg20[%add3A_141, %and3A] : memref<128x128xf32, #tpu.memory_space<vmem>>[vector<16xi32>, vector<16xi32>], vector<16xf32>,
        %gather3A_182 = tpu.vector_load_idx %arg20[%add3A_141, %add3A_180] : memref<128x128xf32, #tpu.memory_space<vmem>>[vector<16xi32>, vector<16xi32>], vector<16xf32>,
        %add3A_183 = arith.addi %and3A, %get3A_154 : vector<16xi32>
        %gather3A_184 = tpu.vector_load_idx %arg22[%add3A_141, %add3A_183] : memref<128x128xf32, #tpu.memory_space<vmem>>[vector<16xi32>, vector<16xi32>], vector<16xf32>,
        %gather3A_185 = tpu.vector_load_idx %arg16[%get3A_147, %add3A_180] : memref<128x128xf32, #tpu.memory_space<vmem>>[vector<16xi32>, vector<16xi32>], vector<16xf32>,
        %select_n3A_186 = arith.select %gt3A_163, %gather3A_181, %gather3A_182 : vector<16xi1>, vector<16xf32>
        %mul3A_187 = arith.mulf %gather3A_185, %gather3A_181 : vector<16xf32>
        %add3A_188 = arith.addf %add3A_170, %mul3A_187 : vector<16xf32>
        %mul3A_189 = arith.mulf %gather3A_181, %gather3A_181 : vector<16xf32>
        %add3A_190 = arith.addf %add3A_172, %mul3A_189 : vector<16xf32>
        %mul3A_191 = arith.mulf %gather3A_182, %gather3A_182 : vector<16xf32>
        %add3A_192 = arith.addf %add3A_174, %mul3A_191 : vector<16xf32>
        %mul3A_193 = arith.mulf %gather3A_184, %gather3A_184 : vector<16xf32>
        %add3A_194 = arith.addf %add3A_176, %mul3A_193 : vector<16xf32>
        %mul3A_195 = arith.mulf %gather3A_184, %select_n3A_186 : vector<16xf32>
        %add3A_196 = arith.addf %add3A_178, %mul3A_195 : vector<16xf32>
        %add3A_197 = arith.addi %and3A, %broadcast_in_dim3A_113 : vector<16xi32>
        %and3A_198 = arith.andi %add3A_197, %broadcast_in_dim3A_115 : vector<16xi32>
        %add3A_199 = arith.addi %and3A_198, %broadcast_in_dim3A_117 : vector<16xi32>
        %gather3A_200 = tpu.vector_load_idx %arg20[%add3A_141, %and3A_198] : memref<128x128xf32, #tpu.memory_space<vmem>>[vector<16xi32>, vector<16xi32>], vector<16xf32>,
        %gather3A_201 = tpu.vector_load_idx %arg20[%add3A_141, %add3A_199] : memref<128x128xf32, #tpu.memory_space<vmem>>[vector<16xi32>, vector<16xi32>], vector<16xf32>,
        %add3A_202 = arith.addi %and3A_198, %get3A_154 : vector<16xi32>
        %gather3A_203 = tpu.vector_load_idx %arg22[%add3A_141, %add3A_202] : memref<128x128xf32, #tpu.memory_space<vmem>>[vector<16xi32>, vector<16xi32>], vector<16xf32>,
        %gather3A_204 = tpu.vector_load_idx %arg16[%get3A_147, %add3A_199] : memref<128x128xf32, #tpu.memory_space<vmem>>[vector<16xi32>, vector<16xi32>], vector<16xf32>,
        %select_n3A_205 = arith.select %gt3A_163, %gather3A_200, %gather3A_201 : vector<16xi1>, vector<16xf32>
        %mul3A_206 = arith.mulf %gather3A_204, %gather3A_200 : vector<16xf32>
        %add3A_207 = arith.addf %add3A_188, %mul3A_206 : vector<16xf32>
        %mul3A_208 = arith.mulf %gather3A_200, %gather3A_200 : vector<16xf32>
        %add3A_209 = arith.addf %add3A_190, %mul3A_208 : vector<16xf32>
        %mul3A_210 = arith.mulf %gather3A_201, %gather3A_201 : vector<16xf32>
        %add3A_211 = arith.addf %add3A_192, %mul3A_210 : vector<16xf32>
        %mul3A_212 = arith.mulf %gather3A_203, %gather3A_203 : vector<16xf32>
        %add3A_213 = arith.addf %add3A_194, %mul3A_212 : vector<16xf32>
        %mul3A_214 = arith.mulf %gather3A_203, %select_n3A_205 : vector<16xf32>
        %add3A_215 = arith.addf %add3A_196, %mul3A_214 : vector<16xf32>
        %add3A_216 = arith.addi %and3A_198, %broadcast_in_dim3A_113 : vector<16xi32>
        %and3A_217 = arith.andi %add3A_216, %broadcast_in_dim3A_115 : vector<16xi32>
        %add3A_218 = arith.addi %and3A_217, %broadcast_in_dim3A_117 : vector<16xi32>
        %gather3A_219 = tpu.vector_load_idx %arg20[%add3A_141, %and3A_217] : memref<128x128xf32, #tpu.memory_space<vmem>>[vector<16xi32>, vector<16xi32>], vector<16xf32>,
        %gather3A_220 = tpu.vector_load_idx %arg20[%add3A_141, %add3A_218] : memref<128x128xf32, #tpu.memory_space<vmem>>[vector<16xi32>, vector<16xi32>], vector<16xf32>,
        %add3A_221 = arith.addi %and3A_217, %get3A_154 : vector<16xi32>
        %gather3A_222 = tpu.vector_load_idx %arg22[%add3A_141, %add3A_221] : memref<128x128xf32, #tpu.memory_space<vmem>>[vector<16xi32>, vector<16xi32>], vector<16xf32>,
        %gather3A_223 = tpu.vector_load_idx %arg16[%get3A_147, %add3A_218] : memref<128x128xf32, #tpu.memory_space<vmem>>[vector<16xi32>, vector<16xi32>], vector<16xf32>,
        %select_n3A_224 = arith.select %gt3A_163, %gather3A_219, %gather3A_220 : vector<16xi1>, vector<16xf32>
        %mul3A_225 = arith.mulf %gather3A_223, %gather3A_219 : vector<16xf32>
        %add3A_226 = arith.addf %add3A_207, %mul3A_225 : vector<16xf32>
        %mul3A_227 = arith.mulf %gather3A_219, %gather3A_219 : vector<16xf32>
        %add3A_228 = arith.addf %add3A_209, %mul3A_227 : vector<16xf32>
        %mul3A_229 = arith.mulf %gather3A_220, %gather3A_220 : vector<16xf32>
        %add3A_230 = arith.addf %add3A_211, %mul3A_229 : vector<16xf32>
        %mul3A_231 = arith.mulf %gather3A_222, %gather3A_222 : vector<16xf32>
        %add3A_232 = arith.addf %add3A_213, %mul3A_231 : vector<16xf32>
        %mul3A_233 = arith.mulf %gather3A_222, %select_n3A_224 : vector<16xf32>
        %add3A_234 = arith.addf %add3A_215, %mul3A_233 : vector<16xf32>
        %add3A_235 = arith.addi %and3A_217, %broadcast_in_dim3A_113 : vector<16xi32>
        %and3A_236 = arith.andi %add3A_235, %broadcast_in_dim3A_115 : vector<16xi32>
        %add3A_237 = arith.addi %and3A_236, %broadcast_in_dim3A_117 : vector<16xi32>
        %gather3A_238 = tpu.vector_load_idx %arg20[%add3A_141, %and3A_236] : memref<128x128xf32, #tpu.memory_space<vmem>>[vector<16xi32>, vector<16xi32>], vector<16xf32>,
        %gather3A_239 = tpu.vector_load_idx %arg20[%add3A_141, %add3A_237] : memref<128x128xf32, #tpu.memory_space<vmem>>[vector<16xi32>, vector<16xi32>], vector<16xf32>,
        %add3A_240 = arith.addi %and3A_236, %get3A_154 : vector<16xi32>
        %gather3A_241 = tpu.vector_load_idx %arg22[%add3A_141, %add3A_240] : memref<128x128xf32, #tpu.memory_space<vmem>>[vector<16xi32>, vector<16xi32>], vector<16xf32>,
        %gather3A_242 = tpu.vector_load_idx %arg16[%get3A_147, %add3A_237] : memref<128x128xf32, #tpu.memory_space<vmem>>[vector<16xi32>, vector<16xi32>], vector<16xf32>,
        %select_n3A_243 = arith.select %gt3A_163, %gather3A_238, %gather3A_239 : vector<16xi1>, vector<16xf32>
        %mul3A_244 = arith.mulf %gather3A_242, %gather3A_238 : vector<16xf32>
        %add3A_245 = arith.addf %add3A_226, %mul3A_244 : vector<16xf32>
        %mul3A_246 = arith.mulf %gather3A_238, %gather3A_238 : vector<16xf32>
        %add3A_247 = arith.addf %add3A_228, %mul3A_246 : vector<16xf32>
        %mul3A_248 = arith.mulf %gather3A_239, %gather3A_239 : vector<16xf32>
        %add3A_249 = arith.addf %add3A_230, %mul3A_248 : vector<16xf32>
        %mul3A_250 = arith.mulf %gather3A_241, %gather3A_241 : vector<16xf32>
        %add3A_251 = arith.addf %add3A_232, %mul3A_250 : vector<16xf32>
        %mul3A_252 = arith.mulf %gather3A_241, %select_n3A_243 : vector<16xf32>
        %add3A_253 = arith.addf %add3A_234, %mul3A_252 : vector<16xf32>
        %add3A_254 = arith.addi %and3A_236, %broadcast_in_dim3A_113 : vector<16xi32>
        %and3A_255 = arith.andi %add3A_254, %broadcast_in_dim3A_115 : vector<16xi32>
        %add3A_256 = arith.addi %and3A_255, %broadcast_in_dim3A_117 : vector<16xi32>
        %gather3A_257 = tpu.vector_load_idx %arg20[%add3A_141, %and3A_255] : memref<128x128xf32, #tpu.memory_space<vmem>>[vector<16xi32>, vector<16xi32>], vector<16xf32>,
        %gather3A_258 = tpu.vector_load_idx %arg20[%add3A_141, %add3A_256] : memref<128x128xf32, #tpu.memory_space<vmem>>[vector<16xi32>, vector<16xi32>], vector<16xf32>,
        %add3A_259 = arith.addi %and3A_255, %get3A_154 : vector<16xi32>
        %gather3A_260 = tpu.vector_load_idx %arg22[%add3A_141, %add3A_259] : memref<128x128xf32, #tpu.memory_space<vmem>>[vector<16xi32>, vector<16xi32>], vector<16xf32>,
        %gather3A_261 = tpu.vector_load_idx %arg16[%get3A_147, %add3A_256] : memref<128x128xf32, #tpu.memory_space<vmem>>[vector<16xi32>, vector<16xi32>], vector<16xf32>,
        %select_n3A_262 = arith.select %gt3A_163, %gather3A_257, %gather3A_258 : vector<16xi1>, vector<16xf32>
        %mul3A_263 = arith.mulf %gather3A_261, %gather3A_257 : vector<16xf32>
        %add3A_264 = arith.addf %add3A_245, %mul3A_263 : vector<16xf32>
        %mul3A_265 = arith.mulf %gather3A_257, %gather3A_257 : vector<16xf32>
        %add3A_266 = arith.addf %add3A_247, %mul3A_265 : vector<16xf32>
        %mul3A_267 = arith.mulf %gather3A_258, %gather3A_258 : vector<16xf32>
        %add3A_268 = arith.addf %add3A_249, %mul3A_267 : vector<16xf32>
        %mul3A_269 = arith.mulf %gather3A_260, %gather3A_260 : vector<16xf32>
        %add3A_270 = arith.addf %add3A_251, %mul3A_269 : vector<16xf32>
        %mul3A_271 = arith.mulf %gather3A_260, %select_n3A_262 : vector<16xf32>
        %add3A_272 = arith.addf %add3A_253, %mul3A_271 : vector<16xf32>
        %add3A_273 = arith.addi %and3A_255, %broadcast_in_dim3A_113 : vector<16xi32>
        %and3A_274 = arith.andi %add3A_273, %broadcast_in_dim3A_115 : vector<16xi32>
        %add3A_275 = arith.addi %and3A_274, %broadcast_in_dim3A_117 : vector<16xi32>
        %gather3A_276 = tpu.vector_load_idx %arg20[%add3A_141, %and3A_274] : memref<128x128xf32, #tpu.memory_space<vmem>>[vector<16xi32>, vector<16xi32>], vector<16xf32>,
        %gather3A_277 = tpu.vector_load_idx %arg20[%add3A_141, %add3A_275] : memref<128x128xf32, #tpu.memory_space<vmem>>[vector<16xi32>, vector<16xi32>], vector<16xf32>,
        %add3A_278 = arith.addi %and3A_274, %get3A_154 : vector<16xi32>
        %gather3A_279 = tpu.vector_load_idx %arg22[%add3A_141, %add3A_278] : memref<128x128xf32, #tpu.memory_space<vmem>>[vector<16xi32>, vector<16xi32>], vector<16xf32>,
        %gather3A_280 = tpu.vector_load_idx %arg16[%get3A_147, %add3A_275] : memref<128x128xf32, #tpu.memory_space<vmem>>[vector<16xi32>, vector<16xi32>], vector<16xf32>,
        %select_n3A_281 = arith.select %gt3A_163, %gather3A_276, %gather3A_277 : vector<16xi1>, vector<16xf32>
        %mul3A_282 = arith.mulf %gather3A_280, %gather3A_276 : vector<16xf32>
        %add3A_283 = arith.addf %add3A_264, %mul3A_282 : vector<16xf32>
        %mul3A_284 = arith.mulf %gather3A_276, %gather3A_276 : vector<16xf32>
        %add3A_285 = arith.addf %add3A_266, %mul3A_284 : vector<16xf32>
        %mul3A_286 = arith.mulf %gather3A_277, %gather3A_277 : vector<16xf32>
        %add3A_287 = arith.addf %add3A_268, %mul3A_286 : vector<16xf32>
        %mul3A_288 = arith.mulf %gather3A_279, %gather3A_279 : vector<16xf32>
        %add3A_289 = arith.addf %add3A_270, %mul3A_288 : vector<16xf32>
        %mul3A_290 = arith.mulf %gather3A_279, %select_n3A_281 : vector<16xf32>
        %add3A_291 = arith.addf %add3A_272, %mul3A_290 : vector<16xf32>
        %add3A_292 = arith.addi %and3A_274, %broadcast_in_dim3A_113 : vector<16xi32>
        %and3A_293 = arith.andi %add3A_292, %broadcast_in_dim3A_115 : vector<16xi32>
        %add3A_294 = arith.addi %and3A_293, %broadcast_in_dim3A_117 : vector<16xi32>
        %gather3A_295 = tpu.vector_load_idx %arg20[%add3A_141, %and3A_293] : memref<128x128xf32, #tpu.memory_space<vmem>>[vector<16xi32>, vector<16xi32>], vector<16xf32>,
        %gather3A_296 = tpu.vector_load_idx %arg20[%add3A_141, %add3A_294] : memref<128x128xf32, #tpu.memory_space<vmem>>[vector<16xi32>, vector<16xi32>], vector<16xf32>,
        %add3A_297 = arith.addi %and3A_293, %get3A_154 : vector<16xi32>
        %gather3A_298 = tpu.vector_load_idx %arg22[%add3A_141, %add3A_297] : memref<128x128xf32, #tpu.memory_space<vmem>>[vector<16xi32>, vector<16xi32>], vector<16xf32>,
        %gather3A_299 = tpu.vector_load_idx %arg16[%get3A_147, %add3A_294] : memref<128x128xf32, #tpu.memory_space<vmem>>[vector<16xi32>, vector<16xi32>], vector<16xf32>,
        %select_n3A_300 = arith.select %gt3A_163, %gather3A_295, %gather3A_296 : vector<16xi1>, vector<16xf32>
        %mul3A_301 = arith.mulf %gather3A_299, %gather3A_295 : vector<16xf32>
        %add3A_302 = arith.addf %add3A_283, %mul3A_301 : vector<16xf32>
        %mul3A_303 = arith.mulf %gather3A_295, %gather3A_295 : vector<16xf32>
        %add3A_304 = arith.addf %add3A_285, %mul3A_303 : vector<16xf32>
        %mul3A_305 = arith.mulf %gather3A_296, %gather3A_296 : vector<16xf32>
        %add3A_306 = arith.addf %add3A_287, %mul3A_305 : vector<16xf32>
        %mul3A_307 = arith.mulf %gather3A_298, %gather3A_298 : vector<16xf32>
        %add3A_308 = arith.addf %add3A_289, %mul3A_307 : vector<16xf32>
        %mul3A_309 = arith.mulf %gather3A_298, %select_n3A_300 : vector<16xf32>
        %add3A_310 = arith.addf %add3A_291, %mul3A_309 : vector<16xf32>
        %add3A_311 = arith.addi %and3A_293, %broadcast_in_dim3A_113 : vector<16xi32>
        %and3A_312 = arith.andi %add3A_311, %broadcast_in_dim3A_115 : vector<16xi32>
        %add3A_313 = arith.addi %and3A_312, %broadcast_in_dim3A_117 : vector<16xi32>
        %gather3A_314 = tpu.vector_load_idx %arg20[%add3A_141, %and3A_312] : memref<128x128xf32, #tpu.memory_space<vmem>>[vector<16xi32>, vector<16xi32>], vector<16xf32>,
        %gather3A_315 = tpu.vector_load_idx %arg20[%add3A_141, %add3A_313] : memref<128x128xf32, #tpu.memory_space<vmem>>[vector<16xi32>, vector<16xi32>], vector<16xf32>,
        %add3A_316 = arith.addi %and3A_312, %get3A_154 : vector<16xi32>
        %gather3A_317 = tpu.vector_load_idx %arg22[%add3A_141, %add3A_316] : memref<128x128xf32, #tpu.memory_space<vmem>>[vector<16xi32>, vector<16xi32>], vector<16xf32>,
        %gather3A_318 = tpu.vector_load_idx %arg16[%get3A_147, %add3A_313] : memref<128x128xf32, #tpu.memory_space<vmem>>[vector<16xi32>, vector<16xi32>], vector<16xf32>,
        %select_n3A_319 = arith.select %gt3A_163, %gather3A_314, %gather3A_315 : vector<16xi1>, vector<16xf32>
        %mul3A_320 = arith.mulf %gather3A_318, %gather3A_314 : vector<16xf32>
        %add3A_321 = arith.addf %add3A_302, %mul3A_320 : vector<16xf32>
        %mul3A_322 = arith.mulf %gather3A_314, %gather3A_314 : vector<16xf32>
        %add3A_323 = arith.addf %add3A_304, %mul3A_322 : vector<16xf32>
        %mul3A_324 = arith.mulf %gather3A_315, %gather3A_315 : vector<16xf32>
        %add3A_325 = arith.addf %add3A_306, %mul3A_324 : vector<16xf32>
        %mul3A_326 = arith.mulf %gather3A_317, %gather3A_317 : vector<16xf32>
        %add3A_327 = arith.addf %add3A_308, %mul3A_326 : vector<16xf32>
        %mul3A_328 = arith.mulf %gather3A_317, %select_n3A_319 : vector<16xf32>
        %add3A_329 = arith.addf %add3A_310, %mul3A_328 : vector<16xf32>
        %add3A_330 = arith.addi %and3A_312, %broadcast_in_dim3A_113 : vector<16xi32>
        %and3A_331 = arith.andi %add3A_330, %broadcast_in_dim3A_115 : vector<16xi32>
        %add3A_332 = arith.addi %and3A_331, %broadcast_in_dim3A_117 : vector<16xi32>
        %gather3A_333 = tpu.vector_load_idx %arg20[%add3A_141, %and3A_331] : memref<128x128xf32, #tpu.memory_space<vmem>>[vector<16xi32>, vector<16xi32>], vector<16xf32>,
        %gather3A_334 = tpu.vector_load_idx %arg20[%add3A_141, %add3A_332] : memref<128x128xf32, #tpu.memory_space<vmem>>[vector<16xi32>, vector<16xi32>], vector<16xf32>,
        %add3A_335 = arith.addi %and3A_331, %get3A_154 : vector<16xi32>
        %gather3A_336 = tpu.vector_load_idx %arg22[%add3A_141, %add3A_335] : memref<128x128xf32, #tpu.memory_space<vmem>>[vector<16xi32>, vector<16xi32>], vector<16xf32>,
        %gather3A_337 = tpu.vector_load_idx %arg16[%get3A_147, %add3A_332] : memref<128x128xf32, #tpu.memory_space<vmem>>[vector<16xi32>, vector<16xi32>], vector<16xf32>,
        %select_n3A_338 = arith.select %gt3A_163, %gather3A_333, %gather3A_334 : vector<16xi1>, vector<16xf32>
        %mul3A_339 = arith.mulf %gather3A_337, %gather3A_333 : vector<16xf32>
        %add3A_340 = arith.addf %add3A_321, %mul3A_339 : vector<16xf32>
        %mul3A_341 = arith.mulf %gather3A_333, %gather3A_333 : vector<16xf32>
        %add3A_342 = arith.addf %add3A_323, %mul3A_341 : vector<16xf32>
        %mul3A_343 = arith.mulf %gather3A_334, %gather3A_334 : vector<16xf32>
        %add3A_344 = arith.addf %add3A_325, %mul3A_343 : vector<16xf32>
        %mul3A_345 = arith.mulf %gather3A_336, %gather3A_336 : vector<16xf32>
        %add3A_346 = arith.addf %add3A_327, %mul3A_345 : vector<16xf32>
        %mul3A_347 = arith.mulf %gather3A_336, %select_n3A_338 : vector<16xf32>
        %add3A_348 = arith.addf %add3A_329, %mul3A_347 : vector<16xf32>
        %add3A_349 = arith.addi %and3A_331, %broadcast_in_dim3A_113 : vector<16xi32>
        %and3A_350 = arith.andi %add3A_349, %broadcast_in_dim3A_115 : vector<16xi32>
        %add3A_351 = arith.addi %and3A_350, %broadcast_in_dim3A_117 : vector<16xi32>
        %gather3A_352 = tpu.vector_load_idx %arg20[%add3A_141, %and3A_350] : memref<128x128xf32, #tpu.memory_space<vmem>>[vector<16xi32>, vector<16xi32>], vector<16xf32>,
        %gather3A_353 = tpu.vector_load_idx %arg20[%add3A_141, %add3A_351] : memref<128x128xf32, #tpu.memory_space<vmem>>[vector<16xi32>, vector<16xi32>], vector<16xf32>,
        %add3A_354 = arith.addi %and3A_350, %get3A_154 : vector<16xi32>
        %gather3A_355 = tpu.vector_load_idx %arg22[%add3A_141, %add3A_354] : memref<128x128xf32, #tpu.memory_space<vmem>>[vector<16xi32>, vector<16xi32>], vector<16xf32>,
        %gather3A_356 = tpu.vector_load_idx %arg16[%get3A_147, %add3A_351] : memref<128x128xf32, #tpu.memory_space<vmem>>[vector<16xi32>, vector<16xi32>], vector<16xf32>,
        %select_n3A_357 = arith.select %gt3A_163, %gather3A_352, %gather3A_353 : vector<16xi1>, vector<16xf32>
        %mul3A_358 = arith.mulf %gather3A_356, %gather3A_352 : vector<16xf32>
        %add3A_359 = arith.addf %add3A_340, %mul3A_358 : vector<16xf32>
        %mul3A_360 = arith.mulf %gather3A_352, %gather3A_352 : vector<16xf32>
        %add3A_361 = arith.addf %add3A_342, %mul3A_360 : vector<16xf32>
        %mul3A_362 = arith.mulf %gather3A_353, %gather3A_353 : vector<16xf32>
        %add3A_363 = arith.addf %add3A_344, %mul3A_362 : vector<16xf32>
        %mul3A_364 = arith.mulf %gather3A_355, %gather3A_355 : vector<16xf32>
        %add3A_365 = arith.addf %add3A_346, %mul3A_364 : vector<16xf32>
        %mul3A_366 = arith.mulf %gather3A_355, %select_n3A_357 : vector<16xf32>
        %add3A_367 = arith.addf %add3A_348, %mul3A_366 : vector<16xf32>
        %add3A_368 = arith.addi %and3A_350, %broadcast_in_dim3A_113 : vector<16xi32>
        %and3A_369 = arith.andi %add3A_368, %broadcast_in_dim3A_115 : vector<16xi32>
        %add3A_370 = arith.addi %and3A_369, %broadcast_in_dim3A_117 : vector<16xi32>
        %gather3A_371 = tpu.vector_load_idx %arg20[%add3A_141, %and3A_369] : memref<128x128xf32, #tpu.memory_space<vmem>>[vector<16xi32>, vector<16xi32>], vector<16xf32>,
        %gather3A_372 = tpu.vector_load_idx %arg20[%add3A_141, %add3A_370] : memref<128x128xf32, #tpu.memory_space<vmem>>[vector<16xi32>, vector<16xi32>], vector<16xf32>,
        %add3A_373 = arith.addi %and3A_369, %get3A_154 : vector<16xi32>
        %gather3A_374 = tpu.vector_load_idx %arg22[%add3A_141, %add3A_373] : memref<128x128xf32, #tpu.memory_space<vmem>>[vector<16xi32>, vector<16xi32>], vector<16xf32>,
        %gather3A_375 = tpu.vector_load_idx %arg16[%get3A_147, %add3A_370] : memref<128x128xf32, #tpu.memory_space<vmem>>[vector<16xi32>, vector<16xi32>], vector<16xf32>,
        %select_n3A_376 = arith.select %gt3A_163, %gather3A_371, %gather3A_372 : vector<16xi1>, vector<16xf32>
        %mul3A_377 = arith.mulf %gather3A_375, %gather3A_371 : vector<16xf32>
        %add3A_378 = arith.addf %add3A_359, %mul3A_377 : vector<16xf32>
        %mul3A_379 = arith.mulf %gather3A_371, %gather3A_371 : vector<16xf32>
        %add3A_380 = arith.addf %add3A_361, %mul3A_379 : vector<16xf32>
        %mul3A_381 = arith.mulf %gather3A_372, %gather3A_372 : vector<16xf32>
        %add3A_382 = arith.addf %add3A_363, %mul3A_381 : vector<16xf32>
        %mul3A_383 = arith.mulf %gather3A_374, %gather3A_374 : vector<16xf32>
        %add3A_384 = arith.addf %add3A_365, %mul3A_383 : vector<16xf32>
        %mul3A_385 = arith.mulf %gather3A_374, %select_n3A_376 : vector<16xf32>
        %add3A_386 = arith.addf %add3A_367, %mul3A_385 : vector<16xf32>
        %add3A_387 = arith.addi %and3A_369, %broadcast_in_dim3A_113 : vector<16xi32>
        %and3A_388 = arith.andi %add3A_387, %broadcast_in_dim3A_115 : vector<16xi32>
        %add3A_389 = arith.addi %and3A_388, %broadcast_in_dim3A_117 : vector<16xi32>
        %gather3A_390 = tpu.vector_load_idx %arg20[%add3A_141, %and3A_388] : memref<128x128xf32, #tpu.memory_space<vmem>>[vector<16xi32>, vector<16xi32>], vector<16xf32>,
        %gather3A_391 = tpu.vector_load_idx %arg20[%add3A_141, %add3A_389] : memref<128x128xf32, #tpu.memory_space<vmem>>[vector<16xi32>, vector<16xi32>], vector<16xf32>,
        %add3A_392 = arith.addi %and3A_388, %get3A_154 : vector<16xi32>
        %gather3A_393 = tpu.vector_load_idx %arg22[%add3A_141, %add3A_392] : memref<128x128xf32, #tpu.memory_space<vmem>>[vector<16xi32>, vector<16xi32>], vector<16xf32>,
        %gather3A_394 = tpu.vector_load_idx %arg16[%get3A_147, %add3A_389] : memref<128x128xf32, #tpu.memory_space<vmem>>[vector<16xi32>, vector<16xi32>], vector<16xf32>,
        %select_n3A_395 = arith.select %gt3A_163, %gather3A_390, %gather3A_391 : vector<16xi1>, vector<16xf32>
        %mul3A_396 = arith.mulf %gather3A_394, %gather3A_390 : vector<16xf32>
        %add3A_397 = arith.addf %add3A_378, %mul3A_396 : vector<16xf32>
        %mul3A_398 = arith.mulf %gather3A_390, %gather3A_390 : vector<16xf32>
        %add3A_399 = arith.addf %add3A_380, %mul3A_398 : vector<16xf32>
        %mul3A_400 = arith.mulf %gather3A_391, %gather3A_391 : vector<16xf32>
        %add3A_401 = arith.addf %add3A_382, %mul3A_400 : vector<16xf32>
        %mul3A_402 = arith.mulf %gather3A_393, %gather3A_393 : vector<16xf32>
        %add3A_403 = arith.addf %add3A_384, %mul3A_402 : vector<16xf32>
        %mul3A_404 = arith.mulf %gather3A_393, %select_n3A_395 : vector<16xf32>
        %add3A_405 = arith.addf %add3A_386, %mul3A_404 : vector<16xf32>
        %add3A_406 = arith.addi %and3A_388, %broadcast_in_dim3A_113 : vector<16xi32>
        %and3A_407 = arith.andi %add3A_406, %broadcast_in_dim3A_115 : vector<16xi32>
        %add3A_408 = arith.addi %and3A_407, %broadcast_in_dim3A_117 : vector<16xi32>
        %gather3A_409 = tpu.vector_load_idx %arg20[%add3A_141, %and3A_407] : memref<128x128xf32, #tpu.memory_space<vmem>>[vector<16xi32>, vector<16xi32>], vector<16xf32>,
        %gather3A_410 = tpu.vector_load_idx %arg20[%add3A_141, %add3A_408] : memref<128x128xf32, #tpu.memory_space<vmem>>[vector<16xi32>, vector<16xi32>], vector<16xf32>,
        %add3A_411 = arith.addi %and3A_407, %get3A_154 : vector<16xi32>
        %gather3A_412 = tpu.vector_load_idx %arg22[%add3A_141, %add3A_411] : memref<128x128xf32, #tpu.memory_space<vmem>>[vector<16xi32>, vector<16xi32>], vector<16xf32>,
        %gather3A_413 = tpu.vector_load_idx %arg16[%get3A_147, %add3A_408] : memref<128x128xf32, #tpu.memory_space<vmem>>[vector<16xi32>, vector<16xi32>], vector<16xf32>,
        %select_n3A_414 = arith.select %gt3A_163, %gather3A_409, %gather3A_410 : vector<16xi1>, vector<16xf32>
        %mul3A_415 = arith.mulf %gather3A_413, %gather3A_409 : vector<16xf32>
        %add3A_416 = arith.addf %add3A_397, %mul3A_415 : vector<16xf32>
        %mul3A_417 = arith.mulf %gather3A_409, %gather3A_409 : vector<16xf32>
        %add3A_418 = arith.addf %add3A_399, %mul3A_417 : vector<16xf32>
        %mul3A_419 = arith.mulf %gather3A_410, %gather3A_410 : vector<16xf32>
        %add3A_420 = arith.addf %add3A_401, %mul3A_419 : vector<16xf32>
        %mul3A_421 = arith.mulf %gather3A_412, %gather3A_412 : vector<16xf32>
        %add3A_422 = arith.addf %add3A_403, %mul3A_421 : vector<16xf32>
        %mul3A_423 = arith.mulf %gather3A_412, %select_n3A_414 : vector<16xf32>
        %add3A_424 = arith.addf %add3A_405, %mul3A_423 : vector<16xf32>
        %add3A_425 = arith.addi %and3A_407, %broadcast_in_dim3A_113 : vector<16xi32>
        %and3A_426 = arith.andi %add3A_425, %broadcast_in_dim3A_115 : vector<16xi32>
        %add3A_427 = arith.addi %and3A_426, %broadcast_in_dim3A_117 : vector<16xi32>
        %gather3A_428 = tpu.vector_load_idx %arg20[%add3A_141, %and3A_426] : memref<128x128xf32, #tpu.memory_space<vmem>>[vector<16xi32>, vector<16xi32>], vector<16xf32>,
        %gather3A_429 = tpu.vector_load_idx %arg20[%add3A_141, %add3A_427] : memref<128x128xf32, #tpu.memory_space<vmem>>[vector<16xi32>, vector<16xi32>], vector<16xf32>,
        %add3A_430 = arith.addi %and3A_426, %get3A_154 : vector<16xi32>
        %gather3A_431 = tpu.vector_load_idx %arg22[%add3A_141, %add3A_430] : memref<128x128xf32, #tpu.memory_space<vmem>>[vector<16xi32>, vector<16xi32>], vector<16xf32>,
        %gather3A_432 = tpu.vector_load_idx %arg16[%get3A_147, %add3A_427] : memref<128x128xf32, #tpu.memory_space<vmem>>[vector<16xi32>, vector<16xi32>], vector<16xf32>,
        %select_n3A_433 = arith.select %gt3A_163, %gather3A_428, %gather3A_429 : vector<16xi1>, vector<16xf32>
        %mul3A_434 = arith.mulf %gather3A_432, %gather3A_428 : vector<16xf32>
        %add3A_435 = arith.addf %add3A_416, %mul3A_434 : vector<16xf32>
        %mul3A_436 = arith.mulf %gather3A_428, %gather3A_428 : vector<16xf32>
        %add3A_437 = arith.addf %add3A_418, %mul3A_436 : vector<16xf32>
        %mul3A_438 = arith.mulf %gather3A_429, %gather3A_429 : vector<16xf32>
        %add3A_439 = arith.addf %add3A_420, %mul3A_438 : vector<16xf32>
        %mul3A_440 = arith.mulf %gather3A_431, %gather3A_431 : vector<16xf32>
        %add3A_441 = arith.addf %add3A_422, %mul3A_440 : vector<16xf32>
        %mul3A_442 = arith.mulf %gather3A_431, %select_n3A_433 : vector<16xf32>
        %add3A_443 = arith.addf %add3A_424, %mul3A_442 : vector<16xf32>
        %add3A_444 = arith.addi %and3A_426, %broadcast_in_dim3A_113 : vector<16xi32>
        %and3A_445 = arith.andi %add3A_444, %broadcast_in_dim3A_115 : vector<16xi32>
        %add3A_446 = arith.addi %and3A_445, %broadcast_in_dim3A_117 : vector<16xi32>
        %gather3A_447 = tpu.vector_load_idx %arg20[%add3A_141, %and3A_445] : memref<128x128xf32, #tpu.memory_space<vmem>>[vector<16xi32>, vector<16xi32>], vector<16xf32>,
        %gather3A_448 = tpu.vector_load_idx %arg20[%add3A_141, %add3A_446] : memref<128x128xf32, #tpu.memory_space<vmem>>[vector<16xi32>, vector<16xi32>], vector<16xf32>,
        %add3A_449 = arith.addi %and3A_445, %get3A_154 : vector<16xi32>
        %gather3A_450 = tpu.vector_load_idx %arg22[%add3A_141, %add3A_449] : memref<128x128xf32, #tpu.memory_space<vmem>>[vector<16xi32>, vector<16xi32>], vector<16xf32>,
        %gather3A_451 = tpu.vector_load_idx %arg16[%get3A_147, %add3A_446] : memref<128x128xf32, #tpu.memory_space<vmem>>[vector<16xi32>, vector<16xi32>], vector<16xf32>,
        %select_n3A_452 = arith.select %gt3A_163, %gather3A_447, %gather3A_448 : vector<16xi1>, vector<16xf32>
        %mul3A_453 = arith.mulf %gather3A_451, %gather3A_447 : vector<16xf32>
        %add3A_454 = arith.addf %add3A_435, %mul3A_453 : vector<16xf32>
        %mul3A_455 = arith.mulf %gather3A_447, %gather3A_447 : vector<16xf32>
        %add3A_456 = arith.addf %add3A_437, %mul3A_455 : vector<16xf32>
        %mul3A_457 = arith.mulf %gather3A_448, %gather3A_448 : vector<16xf32>
        %add3A_458 = arith.addf %add3A_439, %mul3A_457 : vector<16xf32>
        %mul3A_459 = arith.mulf %gather3A_450, %gather3A_450 : vector<16xf32>
        %add3A_460 = arith.addf %add3A_441, %mul3A_459 : vector<16xf32>
        %mul3A_461 = arith.mulf %gather3A_450, %select_n3A_452 : vector<16xf32>
        %add3A_462 = arith.addf %add3A_443, %mul3A_461 : vector<16xf32>
        %add3A_463 = arith.addi %and3A_445, %broadcast_in_dim3A_113 : vector<16xi32>
        %and3A_464 = arith.andi %add3A_463, %broadcast_in_dim3A_115 : vector<16xi32>
        %add3A_465 = arith.addi %and3A_464, %broadcast_in_dim3A_117 : vector<16xi32>
        %gather3A_466 = tpu.vector_load_idx %arg20[%add3A_141, %and3A_464] : memref<128x128xf32, #tpu.memory_space<vmem>>[vector<16xi32>, vector<16xi32>], vector<16xf32>,
        %gather3A_467 = tpu.vector_load_idx %arg20[%add3A_141, %add3A_465] : memref<128x128xf32, #tpu.memory_space<vmem>>[vector<16xi32>, vector<16xi32>], vector<16xf32>,
        %add3A_468 = arith.addi %and3A_464, %get3A_154 : vector<16xi32>
        %gather3A_469 = tpu.vector_load_idx %arg22[%add3A_141, %add3A_468] : memref<128x128xf32, #tpu.memory_space<vmem>>[vector<16xi32>, vector<16xi32>], vector<16xf32>,
        %gather3A_470 = tpu.vector_load_idx %arg16[%get3A_147, %add3A_465] : memref<128x128xf32, #tpu.memory_space<vmem>>[vector<16xi32>, vector<16xi32>], vector<16xf32>,
        %select_n3A_471 = arith.select %gt3A_163, %gather3A_466, %gather3A_467 : vector<16xi1>, vector<16xf32>
        %mul3A_472 = arith.mulf %gather3A_470, %gather3A_466 : vector<16xf32>
        %add3A_473 = arith.addf %add3A_454, %mul3A_472 : vector<16xf32>
        %mul3A_474 = arith.mulf %gather3A_466, %gather3A_466 : vector<16xf32>
        %add3A_475 = arith.addf %add3A_456, %mul3A_474 : vector<16xf32>
        %mul3A_476 = arith.mulf %gather3A_467, %gather3A_467 : vector<16xf32>
        %add3A_477 = arith.addf %add3A_458, %mul3A_476 : vector<16xf32>
        %mul3A_478 = arith.mulf %gather3A_469, %gather3A_469 : vector<16xf32>
        %add3A_479 = arith.addf %add3A_460, %mul3A_478 : vector<16xf32>
        %mul3A_480 = arith.mulf %gather3A_469, %select_n3A_471 : vector<16xf32>
        %add3A_481 = arith.addf %add3A_462, %mul3A_480 : vector<16xf32>
        %add3A_482 = arith.addi %and3A_464, %broadcast_in_dim3A_113 : vector<16xi32>
        %and3A_483 = arith.andi %add3A_482, %broadcast_in_dim3A_115 : vector<16xi32>
        %add3A_484 = arith.addi %and3A_483, %broadcast_in_dim3A_117 : vector<16xi32>
        %gather3A_485 = tpu.vector_load_idx %arg20[%add3A_141, %and3A_483] : memref<128x128xf32, #tpu.memory_space<vmem>>[vector<16xi32>, vector<16xi32>], vector<16xf32>,
        %gather3A_486 = tpu.vector_load_idx %arg20[%add3A_141, %add3A_484] : memref<128x128xf32, #tpu.memory_space<vmem>>[vector<16xi32>, vector<16xi32>], vector<16xf32>,
        %add3A_487 = arith.addi %and3A_483, %get3A_154 : vector<16xi32>
        %gather3A_488 = tpu.vector_load_idx %arg22[%add3A_141, %add3A_487] : memref<128x128xf32, #tpu.memory_space<vmem>>[vector<16xi32>, vector<16xi32>], vector<16xf32>,
        %gather3A_489 = tpu.vector_load_idx %arg16[%get3A_147, %add3A_484] : memref<128x128xf32, #tpu.memory_space<vmem>>[vector<16xi32>, vector<16xi32>], vector<16xf32>,
        %select_n3A_490 = arith.select %gt3A_163, %gather3A_485, %gather3A_486 : vector<16xi1>, vector<16xf32>
        %mul3A_491 = arith.mulf %gather3A_489, %gather3A_485 : vector<16xf32>
        %add3A_492 = arith.addf %add3A_473, %mul3A_491 : vector<16xf32>
        %mul3A_493 = arith.mulf %gather3A_485, %gather3A_485 : vector<16xf32>
        %add3A_494 = arith.addf %add3A_475, %mul3A_493 : vector<16xf32>
        %mul3A_495 = arith.mulf %gather3A_486, %gather3A_486 : vector<16xf32>
        %add3A_496 = arith.addf %add3A_477, %mul3A_495 : vector<16xf32>
        %mul3A_497 = arith.mulf %gather3A_488, %gather3A_488 : vector<16xf32>
        %add3A_498 = arith.addf %add3A_479, %mul3A_497 : vector<16xf32>
        %mul3A_499 = arith.mulf %gather3A_488, %select_n3A_490 : vector<16xf32>
        %add3A_500 = arith.addf %add3A_481, %mul3A_499 : vector<16xf32>
        %add3A_501 = arith.addi %and3A_483, %broadcast_in_dim3A_113 : vector<16xi32>
        %and3A_502 = arith.andi %add3A_501, %broadcast_in_dim3A_115 : vector<16xi32>
        %add3A_503 = arith.addi %and3A_502, %broadcast_in_dim3A_117 : vector<16xi32>
        %gather3A_504 = tpu.vector_load_idx %arg20[%add3A_141, %and3A_502] : memref<128x128xf32, #tpu.memory_space<vmem>>[vector<16xi32>, vector<16xi32>], vector<16xf32>,
        %gather3A_505 = tpu.vector_load_idx %arg20[%add3A_141, %add3A_503] : memref<128x128xf32, #tpu.memory_space<vmem>>[vector<16xi32>, vector<16xi32>], vector<16xf32>,
        %add3A_506 = arith.addi %and3A_502, %get3A_154 : vector<16xi32>
        %gather3A_507 = tpu.vector_load_idx %arg22[%add3A_141, %add3A_506] : memref<128x128xf32, #tpu.memory_space<vmem>>[vector<16xi32>, vector<16xi32>], vector<16xf32>,
        %gather3A_508 = tpu.vector_load_idx %arg16[%get3A_147, %add3A_503] : memref<128x128xf32, #tpu.memory_space<vmem>>[vector<16xi32>, vector<16xi32>], vector<16xf32>,
        %select_n3A_509 = arith.select %gt3A_163, %gather3A_504, %gather3A_505 : vector<16xi1>, vector<16xf32>
        %mul3A_510 = arith.mulf %gather3A_508, %gather3A_504 : vector<16xf32>
        %add3A_511 = arith.addf %add3A_492, %mul3A_510 : vector<16xf32>
        %mul3A_512 = arith.mulf %gather3A_504, %gather3A_504 : vector<16xf32>
        %add3A_513 = arith.addf %add3A_494, %mul3A_512 : vector<16xf32>
        %mul3A_514 = arith.mulf %gather3A_505, %gather3A_505 : vector<16xf32>
        %add3A_515 = arith.addf %add3A_496, %mul3A_514 : vector<16xf32>
        %mul3A_516 = arith.mulf %gather3A_507, %gather3A_507 : vector<16xf32>
        %add3A_517 = arith.addf %add3A_498, %mul3A_516 : vector<16xf32>
        %mul3A_518 = arith.mulf %gather3A_507, %select_n3A_509 : vector<16xf32>
        %add3A_519 = arith.addf %add3A_500, %mul3A_518 : vector<16xf32>
        %add3A_520 = arith.addi %and3A_502, %broadcast_in_dim3A_113 : vector<16xi32>
        %and3A_521 = arith.andi %add3A_520, %broadcast_in_dim3A_115 : vector<16xi32>
        %add3A_522 = arith.addi %and3A_521, %broadcast_in_dim3A_117 : vector<16xi32>
        %gather3A_523 = tpu.vector_load_idx %arg20[%add3A_141, %and3A_521] : memref<128x128xf32, #tpu.memory_space<vmem>>[vector<16xi32>, vector<16xi32>], vector<16xf32>,
        %gather3A_524 = tpu.vector_load_idx %arg20[%add3A_141, %add3A_522] : memref<128x128xf32, #tpu.memory_space<vmem>>[vector<16xi32>, vector<16xi32>], vector<16xf32>,
        %add3A_525 = arith.addi %and3A_521, %get3A_154 : vector<16xi32>
        %gather3A_526 = tpu.vector_load_idx %arg22[%add3A_141, %add3A_525] : memref<128x128xf32, #tpu.memory_space<vmem>>[vector<16xi32>, vector<16xi32>], vector<16xf32>,
        %gather3A_527 = tpu.vector_load_idx %arg16[%get3A_147, %add3A_522] : memref<128x128xf32, #tpu.memory_space<vmem>>[vector<16xi32>, vector<16xi32>], vector<16xf32>,
        %select_n3A_528 = arith.select %gt3A_163, %gather3A_523, %gather3A_524 : vector<16xi1>, vector<16xf32>
        %mul3A_529 = arith.mulf %gather3A_527, %gather3A_523 : vector<16xf32>
        %add3A_530 = arith.addf %add3A_511, %mul3A_529 : vector<16xf32>
        %mul3A_531 = arith.mulf %gather3A_523, %gather3A_523 : vector<16xf32>
        %add3A_532 = arith.addf %add3A_513, %mul3A_531 : vector<16xf32>
        %mul3A_533 = arith.mulf %gather3A_524, %gather3A_524 : vector<16xf32>
        %add3A_534 = arith.addf %add3A_515, %mul3A_533 : vector<16xf32>
        %mul3A_535 = arith.mulf %gather3A_526, %gather3A_526 : vector<16xf32>
        %add3A_536 = arith.addf %add3A_517, %mul3A_535 : vector<16xf32>
        %mul3A_537 = arith.mulf %gather3A_526, %select_n3A_528 : vector<16xf32>
        %add3A_538 = arith.addf %add3A_519, %mul3A_537 : vector<16xf32>
        %add3A_539 = arith.addi %and3A_521, %broadcast_in_dim3A_113 : vector<16xi32>
        %and3A_540 = arith.andi %add3A_539, %broadcast_in_dim3A_115 : vector<16xi32>
        %add3A_541 = arith.addi %and3A_540, %broadcast_in_dim3A_117 : vector<16xi32>
        %gather3A_542 = tpu.vector_load_idx %arg20[%add3A_141, %and3A_540] : memref<128x128xf32, #tpu.memory_space<vmem>>[vector<16xi32>, vector<16xi32>], vector<16xf32>,
        %gather3A_543 = tpu.vector_load_idx %arg20[%add3A_141, %add3A_541] : memref<128x128xf32, #tpu.memory_space<vmem>>[vector<16xi32>, vector<16xi32>], vector<16xf32>,
        %add3A_544 = arith.addi %and3A_540, %get3A_154 : vector<16xi32>
        %gather3A_545 = tpu.vector_load_idx %arg22[%add3A_141, %add3A_544] : memref<128x128xf32, #tpu.memory_space<vmem>>[vector<16xi32>, vector<16xi32>], vector<16xf32>,
        %gather3A_546 = tpu.vector_load_idx %arg16[%get3A_147, %add3A_541] : memref<128x128xf32, #tpu.memory_space<vmem>>[vector<16xi32>, vector<16xi32>], vector<16xf32>,
        %select_n3A_547 = arith.select %gt3A_163, %gather3A_542, %gather3A_543 : vector<16xi1>, vector<16xf32>
        %mul3A_548 = arith.mulf %gather3A_546, %gather3A_542 : vector<16xf32>
        %add3A_549 = arith.addf %add3A_530, %mul3A_548 : vector<16xf32>
        %mul3A_550 = arith.mulf %gather3A_542, %gather3A_542 : vector<16xf32>
        %add3A_551 = arith.addf %add3A_532, %mul3A_550 : vector<16xf32>
        %mul3A_552 = arith.mulf %gather3A_543, %gather3A_543 : vector<16xf32>
        %add3A_553 = arith.addf %add3A_534, %mul3A_552 : vector<16xf32>
        %mul3A_554 = arith.mulf %gather3A_545, %gather3A_545 : vector<16xf32>
        %add3A_555 = arith.addf %add3A_536, %mul3A_554 : vector<16xf32>
        %mul3A_556 = arith.mulf %gather3A_545, %select_n3A_547 : vector<16xf32>
        %add3A_557 = arith.addf %add3A_538, %mul3A_556 : vector<16xf32>
        %add3A_558 = arith.addi %and3A_540, %broadcast_in_dim3A_113 : vector<16xi32>
        %and3A_559 = arith.andi %add3A_558, %broadcast_in_dim3A_115 : vector<16xi32>
        %add3A_560 = arith.addi %and3A_559, %broadcast_in_dim3A_117 : vector<16xi32>
        %gather3A_561 = tpu.vector_load_idx %arg20[%add3A_141, %and3A_559] : memref<128x128xf32, #tpu.memory_space<vmem>>[vector<16xi32>, vector<16xi32>], vector<16xf32>,
        %gather3A_562 = tpu.vector_load_idx %arg20[%add3A_141, %add3A_560] : memref<128x128xf32, #tpu.memory_space<vmem>>[vector<16xi32>, vector<16xi32>], vector<16xf32>,
        %add3A_563 = arith.addi %and3A_559, %get3A_154 : vector<16xi32>
        %gather3A_564 = tpu.vector_load_idx %arg22[%add3A_141, %add3A_563] : memref<128x128xf32, #tpu.memory_space<vmem>>[vector<16xi32>, vector<16xi32>], vector<16xf32>,
        %gather3A_565 = tpu.vector_load_idx %arg16[%get3A_147, %add3A_560] : memref<128x128xf32, #tpu.memory_space<vmem>>[vector<16xi32>, vector<16xi32>], vector<16xf32>,
        %select_n3A_566 = arith.select %gt3A_163, %gather3A_561, %gather3A_562 : vector<16xi1>, vector<16xf32>
        %mul3A_567 = arith.mulf %gather3A_565, %gather3A_561 : vector<16xf32>
        %add3A_568 = arith.addf %add3A_549, %mul3A_567 : vector<16xf32>
        %mul3A_569 = arith.mulf %gather3A_561, %gather3A_561 : vector<16xf32>
        %add3A_570 = arith.addf %add3A_551, %mul3A_569 : vector<16xf32>
        %mul3A_571 = arith.mulf %gather3A_562, %gather3A_562 : vector<16xf32>
        %add3A_572 = arith.addf %add3A_553, %mul3A_571 : vector<16xf32>
        %mul3A_573 = arith.mulf %gather3A_564, %gather3A_564 : vector<16xf32>
        %add3A_574 = arith.addf %add3A_555, %mul3A_573 : vector<16xf32>
        %mul3A_575 = arith.mulf %gather3A_564, %select_n3A_566 : vector<16xf32>
        %add3A_576 = arith.addf %add3A_557, %mul3A_575 : vector<16xf32>
        %add3A_577 = arith.addi %and3A_559, %broadcast_in_dim3A_113 : vector<16xi32>
        %and3A_578 = arith.andi %add3A_577, %broadcast_in_dim3A_115 : vector<16xi32>
        %add3A_579 = arith.addi %and3A_578, %broadcast_in_dim3A_117 : vector<16xi32>
        %gather3A_580 = tpu.vector_load_idx %arg20[%add3A_141, %and3A_578] : memref<128x128xf32, #tpu.memory_space<vmem>>[vector<16xi32>, vector<16xi32>], vector<16xf32>,
        %gather3A_581 = tpu.vector_load_idx %arg20[%add3A_141, %add3A_579] : memref<128x128xf32, #tpu.memory_space<vmem>>[vector<16xi32>, vector<16xi32>], vector<16xf32>,
        %add3A_582 = arith.addi %and3A_578, %get3A_154 : vector<16xi32>
        %gather3A_583 = tpu.vector_load_idx %arg22[%add3A_141, %add3A_582] : memref<128x128xf32, #tpu.memory_space<vmem>>[vector<16xi32>, vector<16xi32>], vector<16xf32>,
        %gather3A_584 = tpu.vector_load_idx %arg16[%get3A_147, %add3A_579] : memref<128x128xf32, #tpu.memory_space<vmem>>[vector<16xi32>, vector<16xi32>], vector<16xf32>,
        %select_n3A_585 = arith.select %gt3A_163, %gather3A_580, %gather3A_581 : vector<16xi1>, vector<16xf32>
        %mul3A_586 = arith.mulf %gather3A_584, %gather3A_580 : vector<16xf32>
        %add3A_587 = arith.addf %add3A_568, %mul3A_586 : vector<16xf32>
        %mul3A_588 = arith.mulf %gather3A_580, %gather3A_580 : vector<16xf32>
        %add3A_589 = arith.addf %add3A_570, %mul3A_588 : vector<16xf32>
        %mul3A_590 = arith.mulf %gather3A_581, %gather3A_581 : vector<16xf32>
        %add3A_591 = arith.addf %add3A_572, %mul3A_590 : vector<16xf32>
        %mul3A_592 = arith.mulf %gather3A_583, %gather3A_583 : vector<16xf32>
        %add3A_593 = arith.addf %add3A_574, %mul3A_592 : vector<16xf32>
        %mul3A_594 = arith.mulf %gather3A_583, %select_n3A_585 : vector<16xf32>
        %add3A_595 = arith.addf %add3A_576, %mul3A_594 : vector<16xf32>
        %add3A_596 = arith.addi %and3A_578, %broadcast_in_dim3A_113 : vector<16xi32>
        %and3A_597 = arith.andi %add3A_596, %broadcast_in_dim3A_115 : vector<16xi32>
        %add3A_598 = arith.addi %and3A_597, %broadcast_in_dim3A_117 : vector<16xi32>
        %gather3A_599 = tpu.vector_load_idx %arg20[%add3A_141, %and3A_597] : memref<128x128xf32, #tpu.memory_space<vmem>>[vector<16xi32>, vector<16xi32>], vector<16xf32>,
        %gather3A_600 = tpu.vector_load_idx %arg20[%add3A_141, %add3A_598] : memref<128x128xf32, #tpu.memory_space<vmem>>[vector<16xi32>, vector<16xi32>], vector<16xf32>,
        %add3A_601 = arith.addi %and3A_597, %get3A_154 : vector<16xi32>
        %gather3A_602 = tpu.vector_load_idx %arg22[%add3A_141, %add3A_601] : memref<128x128xf32, #tpu.memory_space<vmem>>[vector<16xi32>, vector<16xi32>], vector<16xf32>,
        %gather3A_603 = tpu.vector_load_idx %arg16[%get3A_147, %add3A_598] : memref<128x128xf32, #tpu.memory_space<vmem>>[vector<16xi32>, vector<16xi32>], vector<16xf32>,
        %select_n3A_604 = arith.select %gt3A_163, %gather3A_599, %gather3A_600 : vector<16xi1>, vector<16xf32>
        %mul3A_605 = arith.mulf %gather3A_603, %gather3A_599 : vector<16xf32>
        %add3A_606 = arith.addf %add3A_587, %mul3A_605 : vector<16xf32>
        %mul3A_607 = arith.mulf %gather3A_599, %gather3A_599 : vector<16xf32>
        %add3A_608 = arith.addf %add3A_589, %mul3A_607 : vector<16xf32>
        %mul3A_609 = arith.mulf %gather3A_600, %gather3A_600 : vector<16xf32>
        %add3A_610 = arith.addf %add3A_591, %mul3A_609 : vector<16xf32>
        %mul3A_611 = arith.mulf %gather3A_602, %gather3A_602 : vector<16xf32>
        %add3A_612 = arith.addf %add3A_593, %mul3A_611 : vector<16xf32>
        %mul3A_613 = arith.mulf %gather3A_602, %select_n3A_604 : vector<16xf32>
        %add3A_614 = arith.addf %add3A_595, %mul3A_613 : vector<16xf32>
        %add3A_615 = arith.addi %and3A_597, %broadcast_in_dim3A_113 : vector<16xi32>
        %and3A_616 = arith.andi %add3A_615, %broadcast_in_dim3A_115 : vector<16xi32>
        %add3A_617 = arith.addi %and3A_616, %broadcast_in_dim3A_117 : vector<16xi32>
        %gather3A_618 = tpu.vector_load_idx %arg20[%add3A_141, %and3A_616] : memref<128x128xf32, #tpu.memory_space<vmem>>[vector<16xi32>, vector<16xi32>], vector<16xf32>,
        %gather3A_619 = tpu.vector_load_idx %arg20[%add3A_141, %add3A_617] : memref<128x128xf32, #tpu.memory_space<vmem>>[vector<16xi32>, vector<16xi32>], vector<16xf32>,
        %add3A_620 = arith.addi %and3A_616, %get3A_154 : vector<16xi32>
        %gather3A_621 = tpu.vector_load_idx %arg22[%add3A_141, %add3A_620] : memref<128x128xf32, #tpu.memory_space<vmem>>[vector<16xi32>, vector<16xi32>], vector<16xf32>,
        %gather3A_622 = tpu.vector_load_idx %arg16[%get3A_147, %add3A_617] : memref<128x128xf32, #tpu.memory_space<vmem>>[vector<16xi32>, vector<16xi32>], vector<16xf32>,
        %select_n3A_623 = arith.select %gt3A_163, %gather3A_618, %gather3A_619 : vector<16xi1>, vector<16xf32>
        %mul3A_624 = arith.mulf %gather3A_622, %gather3A_618 : vector<16xf32>
        %add3A_625 = arith.addf %add3A_606, %mul3A_624 : vector<16xf32>
        %mul3A_626 = arith.mulf %gather3A_618, %gather3A_618 : vector<16xf32>
        %add3A_627 = arith.addf %add3A_608, %mul3A_626 : vector<16xf32>
        %mul3A_628 = arith.mulf %gather3A_619, %gather3A_619 : vector<16xf32>
        %add3A_629 = arith.addf %add3A_610, %mul3A_628 : vector<16xf32>
        %mul3A_630 = arith.mulf %gather3A_621, %gather3A_621 : vector<16xf32>
        %add3A_631 = arith.addf %add3A_612, %mul3A_630 : vector<16xf32>
        %mul3A_632 = arith.mulf %gather3A_621, %select_n3A_623 : vector<16xf32>
        %add3A_633 = arith.addf %add3A_614, %mul3A_632 : vector<16xf32>
        %add3A_634 = arith.addi %and3A_616, %broadcast_in_dim3A_113 : vector<16xi32>
        %and3A_635 = arith.andi %add3A_634, %broadcast_in_dim3A_115 : vector<16xi32>
        %add3A_636 = arith.addi %and3A_635, %broadcast_in_dim3A_117 : vector<16xi32>
        %gather3A_637 = tpu.vector_load_idx %arg20[%add3A_141, %and3A_635] : memref<128x128xf32, #tpu.memory_space<vmem>>[vector<16xi32>, vector<16xi32>], vector<16xf32>,
        %gather3A_638 = tpu.vector_load_idx %arg20[%add3A_141, %add3A_636] : memref<128x128xf32, #tpu.memory_space<vmem>>[vector<16xi32>, vector<16xi32>], vector<16xf32>,
        %add3A_639 = arith.addi %and3A_635, %get3A_154 : vector<16xi32>
        %gather3A_640 = tpu.vector_load_idx %arg22[%add3A_141, %add3A_639] : memref<128x128xf32, #tpu.memory_space<vmem>>[vector<16xi32>, vector<16xi32>], vector<16xf32>,
        %gather3A_641 = tpu.vector_load_idx %arg16[%get3A_147, %add3A_636] : memref<128x128xf32, #tpu.memory_space<vmem>>[vector<16xi32>, vector<16xi32>], vector<16xf32>,
        %select_n3A_642 = arith.select %gt3A_163, %gather3A_637, %gather3A_638 : vector<16xi1>, vector<16xf32>
        %mul3A_643 = arith.mulf %gather3A_641, %gather3A_637 : vector<16xf32>
        %add3A_644 = arith.addf %add3A_625, %mul3A_643 : vector<16xf32>
        %mul3A_645 = arith.mulf %gather3A_637, %gather3A_637 : vector<16xf32>
        %add3A_646 = arith.addf %add3A_627, %mul3A_645 : vector<16xf32>
        %mul3A_647 = arith.mulf %gather3A_638, %gather3A_638 : vector<16xf32>
        %add3A_648 = arith.addf %add3A_629, %mul3A_647 : vector<16xf32>
        %mul3A_649 = arith.mulf %gather3A_640, %gather3A_640 : vector<16xf32>
        %add3A_650 = arith.addf %add3A_631, %mul3A_649 : vector<16xf32>
        %mul3A_651 = arith.mulf %gather3A_640, %select_n3A_642 : vector<16xf32>
        %add3A_652 = arith.addf %add3A_633, %mul3A_651 : vector<16xf32>
        %add3A_653 = arith.addi %and3A_635, %broadcast_in_dim3A_113 : vector<16xi32>
        %and3A_654 = arith.andi %add3A_653, %broadcast_in_dim3A_115 : vector<16xi32>
        %add3A_655 = arith.addi %and3A_654, %broadcast_in_dim3A_117 : vector<16xi32>
        %gather3A_656 = tpu.vector_load_idx %arg20[%add3A_141, %and3A_654] : memref<128x128xf32, #tpu.memory_space<vmem>>[vector<16xi32>, vector<16xi32>], vector<16xf32>,
        %gather3A_657 = tpu.vector_load_idx %arg20[%add3A_141, %add3A_655] : memref<128x128xf32, #tpu.memory_space<vmem>>[vector<16xi32>, vector<16xi32>], vector<16xf32>,
        %add3A_658 = arith.addi %and3A_654, %get3A_154 : vector<16xi32>
        %gather3A_659 = tpu.vector_load_idx %arg22[%add3A_141, %add3A_658] : memref<128x128xf32, #tpu.memory_space<vmem>>[vector<16xi32>, vector<16xi32>], vector<16xf32>,
        %gather3A_660 = tpu.vector_load_idx %arg16[%get3A_147, %add3A_655] : memref<128x128xf32, #tpu.memory_space<vmem>>[vector<16xi32>, vector<16xi32>], vector<16xf32>,
        %select_n3A_661 = arith.select %gt3A_163, %gather3A_656, %gather3A_657 : vector<16xi1>, vector<16xf32>
        %mul3A_662 = arith.mulf %gather3A_660, %gather3A_656 : vector<16xf32>
        %add3A_663 = arith.addf %add3A_644, %mul3A_662 : vector<16xf32>
        %mul3A_664 = arith.mulf %gather3A_656, %gather3A_656 : vector<16xf32>
        %add3A_665 = arith.addf %add3A_646, %mul3A_664 : vector<16xf32>
        %mul3A_666 = arith.mulf %gather3A_657, %gather3A_657 : vector<16xf32>
        %add3A_667 = arith.addf %add3A_648, %mul3A_666 : vector<16xf32>
        %mul3A_668 = arith.mulf %gather3A_659, %gather3A_659 : vector<16xf32>
        %add3A_669 = arith.addf %add3A_650, %mul3A_668 : vector<16xf32>
        %mul3A_670 = arith.mulf %gather3A_659, %select_n3A_661 : vector<16xf32>
        %add3A_671 = arith.addf %add3A_652, %mul3A_670 : vector<16xf32>
        %add3A_672 = arith.addi %and3A_654, %broadcast_in_dim3A_113 : vector<16xi32>
        %and3A_673 = arith.andi %add3A_672, %broadcast_in_dim3A_115 : vector<16xi32>
        %add3A_674 = arith.addi %and3A_673, %broadcast_in_dim3A_117 : vector<16xi32>
        %gather3A_675 = tpu.vector_load_idx %arg20[%add3A_141, %and3A_673] : memref<128x128xf32, #tpu.memory_space<vmem>>[vector<16xi32>, vector<16xi32>], vector<16xf32>,
        %gather3A_676 = tpu.vector_load_idx %arg20[%add3A_141, %add3A_674] : memref<128x128xf32, #tpu.memory_space<vmem>>[vector<16xi32>, vector<16xi32>], vector<16xf32>,
        %add3A_677 = arith.addi %and3A_673, %get3A_154 : vector<16xi32>
        %gather3A_678 = tpu.vector_load_idx %arg22[%add3A_141, %add3A_677] : memref<128x128xf32, #tpu.memory_space<vmem>>[vector<16xi32>, vector<16xi32>], vector<16xf32>,
        %gather3A_679 = tpu.vector_load_idx %arg16[%get3A_147, %add3A_674] : memref<128x128xf32, #tpu.memory_space<vmem>>[vector<16xi32>, vector<16xi32>], vector<16xf32>,
        %select_n3A_680 = arith.select %gt3A_163, %gather3A_675, %gather3A_676 : vector<16xi1>, vector<16xf32>
        %mul3A_681 = arith.mulf %gather3A_679, %gather3A_675 : vector<16xf32>
        %add3A_682 = arith.addf %add3A_663, %mul3A_681 : vector<16xf32>
        %mul3A_683 = arith.mulf %gather3A_675, %gather3A_675 : vector<16xf32>
        %add3A_684 = arith.addf %add3A_665, %mul3A_683 : vector<16xf32>
        %mul3A_685 = arith.mulf %gather3A_676, %gather3A_676 : vector<16xf32>
        %add3A_686 = arith.addf %add3A_667, %mul3A_685 : vector<16xf32>
        %mul3A_687 = arith.mulf %gather3A_678, %gather3A_678 : vector<16xf32>
        %add3A_688 = arith.addf %add3A_669, %mul3A_687 : vector<16xf32>
        %mul3A_689 = arith.mulf %gather3A_678, %select_n3A_680 : vector<16xf32>
        %add3A_690 = arith.addf %add3A_671, %mul3A_689 : vector<16xf32>
        %add3A_691 = arith.addi %and3A_673, %broadcast_in_dim3A_113 : vector<16xi32>
        %and3A_692 = arith.andi %add3A_691, %broadcast_in_dim3A_115 : vector<16xi32>
        %add3A_693 = arith.addi %and3A_692, %broadcast_in_dim3A_117 : vector<16xi32>
        %gather3A_694 = tpu.vector_load_idx %arg20[%add3A_141, %and3A_692] : memref<128x128xf32, #tpu.memory_space<vmem>>[vector<16xi32>, vector<16xi32>], vector<16xf32>,
        %gather3A_695 = tpu.vector_load_idx %arg20[%add3A_141, %add3A_693] : memref<128x128xf32, #tpu.memory_space<vmem>>[vector<16xi32>, vector<16xi32>], vector<16xf32>,
        %add3A_696 = arith.addi %and3A_692, %get3A_154 : vector<16xi32>
        %gather3A_697 = tpu.vector_load_idx %arg22[%add3A_141, %add3A_696] : memref<128x128xf32, #tpu.memory_space<vmem>>[vector<16xi32>, vector<16xi32>], vector<16xf32>,
        %gather3A_698 = tpu.vector_load_idx %arg16[%get3A_147, %add3A_693] : memref<128x128xf32, #tpu.memory_space<vmem>>[vector<16xi32>, vector<16xi32>], vector<16xf32>,
        %select_n3A_699 = arith.select %gt3A_163, %gather3A_694, %gather3A_695 : vector<16xi1>, vector<16xf32>
        %mul3A_700 = arith.mulf %gather3A_698, %gather3A_694 : vector<16xf32>
        %add3A_701 = arith.addf %add3A_682, %mul3A_700 : vector<16xf32>
        %mul3A_702 = arith.mulf %gather3A_694, %gather3A_694 : vector<16xf32>
        %add3A_703 = arith.addf %add3A_684, %mul3A_702 : vector<16xf32>
        %mul3A_704 = arith.mulf %gather3A_695, %gather3A_695 : vector<16xf32>
        %add3A_705 = arith.addf %add3A_686, %mul3A_704 : vector<16xf32>
        %mul3A_706 = arith.mulf %gather3A_697, %gather3A_697 : vector<16xf32>
        %add3A_707 = arith.addf %add3A_688, %mul3A_706 : vector<16xf32>
        %mul3A_708 = arith.mulf %gather3A_697, %select_n3A_699 : vector<16xf32>
        %add3A_709 = arith.addf %add3A_690, %mul3A_708 : vector<16xf32>
        %add3A_710 = arith.addi %and3A_692, %broadcast_in_dim3A_113 : vector<16xi32>
        %and3A_711 = arith.andi %add3A_710, %broadcast_in_dim3A_115 : vector<16xi32>
        %add3A_712 = arith.addi %and3A_711, %broadcast_in_dim3A_117 : vector<16xi32>
        %gather3A_713 = tpu.vector_load_idx %arg20[%add3A_141, %and3A_711] : memref<128x128xf32, #tpu.memory_space<vmem>>[vector<16xi32>, vector<16xi32>], vector<16xf32>,
        %gather3A_714 = tpu.vector_load_idx %arg20[%add3A_141, %add3A_712] : memref<128x128xf32, #tpu.memory_space<vmem>>[vector<16xi32>, vector<16xi32>], vector<16xf32>,
        %add3A_715 = arith.addi %and3A_711, %get3A_154 : vector<16xi32>
        %gather3A_716 = tpu.vector_load_idx %arg22[%add3A_141, %add3A_715] : memref<128x128xf32, #tpu.memory_space<vmem>>[vector<16xi32>, vector<16xi32>], vector<16xf32>,
        %gather3A_717 = tpu.vector_load_idx %arg16[%get3A_147, %add3A_712] : memref<128x128xf32, #tpu.memory_space<vmem>>[vector<16xi32>, vector<16xi32>], vector<16xf32>,
        %select_n3A_718 = arith.select %gt3A_163, %gather3A_713, %gather3A_714 : vector<16xi1>, vector<16xf32>
        %mul3A_719 = arith.mulf %gather3A_717, %gather3A_713 : vector<16xf32>
        %add3A_720 = arith.addf %add3A_701, %mul3A_719 : vector<16xf32>
        %mul3A_721 = arith.mulf %gather3A_713, %gather3A_713 : vector<16xf32>
        %add3A_722 = arith.addf %add3A_703, %mul3A_721 : vector<16xf32>
        %mul3A_723 = arith.mulf %gather3A_714, %gather3A_714 : vector<16xf32>
        %add3A_724 = arith.addf %add3A_705, %mul3A_723 : vector<16xf32>
        %mul3A_725 = arith.mulf %gather3A_716, %gather3A_716 : vector<16xf32>
        %add3A_726 = arith.addf %add3A_707, %mul3A_725 : vector<16xf32>
        %mul3A_727 = arith.mulf %gather3A_716, %select_n3A_718 : vector<16xf32>
        %add3A_728 = arith.addf %add3A_709, %mul3A_727 : vector<16xf32>
        %add3A_729 = arith.addi %and3A_711, %broadcast_in_dim3A_113 : vector<16xi32>
        %and3A_730 = arith.andi %add3A_729, %broadcast_in_dim3A_115 : vector<16xi32>
        %add3A_731 = arith.addi %and3A_730, %broadcast_in_dim3A_117 : vector<16xi32>
        %gather3A_732 = tpu.vector_load_idx %arg20[%add3A_141, %and3A_730] : memref<128x128xf32, #tpu.memory_space<vmem>>[vector<16xi32>, vector<16xi32>], vector<16xf32>,
        %gather3A_733 = tpu.vector_load_idx %arg20[%add3A_141, %add3A_731] : memref<128x128xf32, #tpu.memory_space<vmem>>[vector<16xi32>, vector<16xi32>], vector<16xf32>,
        %add3A_734 = arith.addi %and3A_730, %get3A_154 : vector<16xi32>
        %gather3A_735 = tpu.vector_load_idx %arg22[%add3A_141, %add3A_734] : memref<128x128xf32, #tpu.memory_space<vmem>>[vector<16xi32>, vector<16xi32>], vector<16xf32>,
        %gather3A_736 = tpu.vector_load_idx %arg16[%get3A_147, %add3A_731] : memref<128x128xf32, #tpu.memory_space<vmem>>[vector<16xi32>, vector<16xi32>], vector<16xf32>,
        %select_n3A_737 = arith.select %gt3A_163, %gather3A_732, %gather3A_733 : vector<16xi1>, vector<16xf32>
        %mul3A_738 = arith.mulf %gather3A_736, %gather3A_732 : vector<16xf32>
        %add3A_739 = arith.addf %add3A_720, %mul3A_738 : vector<16xf32>
        %mul3A_740 = arith.mulf %gather3A_732, %gather3A_732 : vector<16xf32>
        %add3A_741 = arith.addf %add3A_722, %mul3A_740 : vector<16xf32>
        %mul3A_742 = arith.mulf %gather3A_733, %gather3A_733 : vector<16xf32>
        %add3A_743 = arith.addf %add3A_724, %mul3A_742 : vector<16xf32>
        %mul3A_744 = arith.mulf %gather3A_735, %gather3A_735 : vector<16xf32>
        %add3A_745 = arith.addf %add3A_726, %mul3A_744 : vector<16xf32>
        %mul3A_746 = arith.mulf %gather3A_735, %select_n3A_737 : vector<16xf32>
        %add3A_747 = arith.addf %add3A_728, %mul3A_746 : vector<16xf32>
        %add3A_748 = arith.addi %and3A_730, %broadcast_in_dim3A_113 : vector<16xi32>
        %and3A_749 = arith.andi %add3A_748, %broadcast_in_dim3A_115 : vector<16xi32>
        %add3A_750 = arith.addi %and3A_749, %broadcast_in_dim3A_117 : vector<16xi32>
        %gather3A_751 = tpu.vector_load_idx %arg20[%add3A_141, %and3A_749] : memref<128x128xf32, #tpu.memory_space<vmem>>[vector<16xi32>, vector<16xi32>], vector<16xf32>,
        %gather3A_752 = tpu.vector_load_idx %arg20[%add3A_141, %add3A_750] : memref<128x128xf32, #tpu.memory_space<vmem>>[vector<16xi32>, vector<16xi32>], vector<16xf32>,
        %add3A_753 = arith.addi %and3A_749, %get3A_154 : vector<16xi32>
        %gather3A_754 = tpu.vector_load_idx %arg22[%add3A_141, %add3A_753] : memref<128x128xf32, #tpu.memory_space<vmem>>[vector<16xi32>, vector<16xi32>], vector<16xf32>,
        %gather3A_755 = tpu.vector_load_idx %arg16[%get3A_147, %add3A_750] : memref<128x128xf32, #tpu.memory_space<vmem>>[vector<16xi32>, vector<16xi32>], vector<16xf32>,
        %select_n3A_756 = arith.select %gt3A_163, %gather3A_751, %gather3A_752 : vector<16xi1>, vector<16xf32>
        %mul3A_757 = arith.mulf %gather3A_755, %gather3A_751 : vector<16xf32>
        %add3A_758 = arith.addf %add3A_739, %mul3A_757 : vector<16xf32>
        %mul3A_759 = arith.mulf %gather3A_751, %gather3A_751 : vector<16xf32>
        %add3A_760 = arith.addf %add3A_741, %mul3A_759 : vector<16xf32>
        %mul3A_761 = arith.mulf %gather3A_752, %gather3A_752 : vector<16xf32>
        %add3A_762 = arith.addf %add3A_743, %mul3A_761 : vector<16xf32>
        %mul3A_763 = arith.mulf %gather3A_754, %gather3A_754 : vector<16xf32>
        %add3A_764 = arith.addf %add3A_745, %mul3A_763 : vector<16xf32>
        %mul3A_765 = arith.mulf %gather3A_754, %select_n3A_756 : vector<16xf32>
        %add3A_766 = arith.addf %add3A_747, %mul3A_765 : vector<16xf32>
        %add3A_767 = arith.addi %and3A_749, %broadcast_in_dim3A_113 : vector<16xi32>
        %and3A_768 = arith.andi %add3A_767, %broadcast_in_dim3A_115 : vector<16xi32>
        %add3A_769 = arith.addi %and3A_768, %broadcast_in_dim3A_117 : vector<16xi32>
        %gather3A_770 = tpu.vector_load_idx %arg20[%add3A_141, %and3A_768] : memref<128x128xf32, #tpu.memory_space<vmem>>[vector<16xi32>, vector<16xi32>], vector<16xf32>,
        %gather3A_771 = tpu.vector_load_idx %arg20[%add3A_141, %add3A_769] : memref<128x128xf32, #tpu.memory_space<vmem>>[vector<16xi32>, vector<16xi32>], vector<16xf32>,
        %add3A_772 = arith.addi %and3A_768, %get3A_154 : vector<16xi32>
        %gather3A_773 = tpu.vector_load_idx %arg22[%add3A_141, %add3A_772] : memref<128x128xf32, #tpu.memory_space<vmem>>[vector<16xi32>, vector<16xi32>], vector<16xf32>,
        %gather3A_774 = tpu.vector_load_idx %arg16[%get3A_147, %add3A_769] : memref<128x128xf32, #tpu.memory_space<vmem>>[vector<16xi32>, vector<16xi32>], vector<16xf32>,
        %select_n3A_775 = arith.select %gt3A_163, %gather3A_770, %gather3A_771 : vector<16xi1>, vector<16xf32>
        %mul3A_776 = arith.mulf %gather3A_774, %gather3A_770 : vector<16xf32>
        %add3A_777 = arith.addf %add3A_758, %mul3A_776 : vector<16xf32>
        %mul3A_778 = arith.mulf %gather3A_770, %gather3A_770 : vector<16xf32>
        %add3A_779 = arith.addf %add3A_760, %mul3A_778 : vector<16xf32>
        %mul3A_780 = arith.mulf %gather3A_771, %gather3A_771 : vector<16xf32>
        %add3A_781 = arith.addf %add3A_762, %mul3A_780 : vector<16xf32>
        %mul3A_782 = arith.mulf %gather3A_773, %gather3A_773 : vector<16xf32>
        %add3A_783 = arith.addf %add3A_764, %mul3A_782 : vector<16xf32>
        %mul3A_784 = arith.mulf %gather3A_773, %select_n3A_775 : vector<16xf32>
        %add3A_785 = arith.addf %add3A_766, %mul3A_784 : vector<16xf32>
        %add3A_786 = arith.addi %and3A_768, %broadcast_in_dim3A_113 : vector<16xi32>
        %and3A_787 = arith.andi %add3A_786, %broadcast_in_dim3A_115 : vector<16xi32>
        %add3A_788 = arith.addi %and3A_787, %broadcast_in_dim3A_117 : vector<16xi32>
        %gather3A_789 = tpu.vector_load_idx %arg20[%add3A_141, %and3A_787] : memref<128x128xf32, #tpu.memory_space<vmem>>[vector<16xi32>, vector<16xi32>], vector<16xf32>,
        %gather3A_790 = tpu.vector_load_idx %arg20[%add3A_141, %add3A_788] : memref<128x128xf32, #tpu.memory_space<vmem>>[vector<16xi32>, vector<16xi32>], vector<16xf32>,
        %add3A_791 = arith.addi %and3A_787, %get3A_154 : vector<16xi32>
        %gather3A_792 = tpu.vector_load_idx %arg22[%add3A_141, %add3A_791] : memref<128x128xf32, #tpu.memory_space<vmem>>[vector<16xi32>, vector<16xi32>], vector<16xf32>,
        %gather3A_793 = tpu.vector_load_idx %arg16[%get3A_147, %add3A_788] : memref<128x128xf32, #tpu.memory_space<vmem>>[vector<16xi32>, vector<16xi32>], vector<16xf32>,
        %select_n3A_794 = arith.select %gt3A_163, %gather3A_789, %gather3A_790 : vector<16xi1>, vector<16xf32>
        %mul3A_795 = arith.mulf %gather3A_793, %gather3A_789 : vector<16xf32>
        %add3A_796 = arith.addf %add3A_777, %mul3A_795 : vector<16xf32>
        %mul3A_797 = arith.mulf %gather3A_789, %gather3A_789 : vector<16xf32>
        %add3A_798 = arith.addf %add3A_779, %mul3A_797 : vector<16xf32>
        %mul3A_799 = arith.mulf %gather3A_790, %gather3A_790 : vector<16xf32>
        %add3A_800 = arith.addf %add3A_781, %mul3A_799 : vector<16xf32>
        %mul3A_801 = arith.mulf %gather3A_792, %gather3A_792 : vector<16xf32>
        %add3A_802 = arith.addf %add3A_783, %mul3A_801 : vector<16xf32>
        %mul3A_803 = arith.mulf %gather3A_792, %select_n3A_794 : vector<16xf32>
        %add3A_804 = arith.addf %add3A_785, %mul3A_803 : vector<16xf32>
        %add3A_805 = arith.addi %and3A_787, %broadcast_in_dim3A_113 : vector<16xi32>
        %and3A_806 = arith.andi %add3A_805, %broadcast_in_dim3A_115 : vector<16xi32>
        %add3A_807 = arith.addi %and3A_806, %broadcast_in_dim3A_117 : vector<16xi32>
        %gather3A_808 = tpu.vector_load_idx %arg20[%add3A_141, %and3A_806] : memref<128x128xf32, #tpu.memory_space<vmem>>[vector<16xi32>, vector<16xi32>], vector<16xf32>,
        %gather3A_809 = tpu.vector_load_idx %arg20[%add3A_141, %add3A_807] : memref<128x128xf32, #tpu.memory_space<vmem>>[vector<16xi32>, vector<16xi32>], vector<16xf32>,
        %add3A_810 = arith.addi %and3A_806, %get3A_154 : vector<16xi32>
        %gather3A_811 = tpu.vector_load_idx %arg22[%add3A_141, %add3A_810] : memref<128x128xf32, #tpu.memory_space<vmem>>[vector<16xi32>, vector<16xi32>], vector<16xf32>,
        %gather3A_812 = tpu.vector_load_idx %arg16[%get3A_147, %add3A_807] : memref<128x128xf32, #tpu.memory_space<vmem>>[vector<16xi32>, vector<16xi32>], vector<16xf32>,
        %select_n3A_813 = arith.select %gt3A_163, %gather3A_808, %gather3A_809 : vector<16xi1>, vector<16xf32>
        %mul3A_814 = arith.mulf %gather3A_812, %gather3A_808 : vector<16xf32>
        %add3A_815 = arith.addf %add3A_796, %mul3A_814 : vector<16xf32>
        %mul3A_816 = arith.mulf %gather3A_808, %gather3A_808 : vector<16xf32>
        %add3A_817 = arith.addf %add3A_798, %mul3A_816 : vector<16xf32>
        %mul3A_818 = arith.mulf %gather3A_809, %gather3A_809 : vector<16xf32>
        %add3A_819 = arith.addf %add3A_800, %mul3A_818 : vector<16xf32>
        %mul3A_820 = arith.mulf %gather3A_811, %gather3A_811 : vector<16xf32>
        %add3A_821 = arith.addf %add3A_802, %mul3A_820 : vector<16xf32>
        %mul3A_822 = arith.mulf %gather3A_811, %select_n3A_813 : vector<16xf32>
        %add3A_823 = arith.addf %add3A_804, %mul3A_822 : vector<16xf32>
        %add3A_824 = arith.addi %and3A_806, %broadcast_in_dim3A_113 : vector<16xi32>
        %and3A_825 = arith.andi %add3A_824, %broadcast_in_dim3A_115 : vector<16xi32>
        %add3A_826 = arith.addi %and3A_825, %broadcast_in_dim3A_117 : vector<16xi32>
        %gather3A_827 = tpu.vector_load_idx %arg20[%add3A_141, %and3A_825] : memref<128x128xf32, #tpu.memory_space<vmem>>[vector<16xi32>, vector<16xi32>], vector<16xf32>,
        %gather3A_828 = tpu.vector_load_idx %arg20[%add3A_141, %add3A_826] : memref<128x128xf32, #tpu.memory_space<vmem>>[vector<16xi32>, vector<16xi32>], vector<16xf32>,
        %add3A_829 = arith.addi %and3A_825, %get3A_154 : vector<16xi32>
        %gather3A_830 = tpu.vector_load_idx %arg22[%add3A_141, %add3A_829] : memref<128x128xf32, #tpu.memory_space<vmem>>[vector<16xi32>, vector<16xi32>], vector<16xf32>,
        %gather3A_831 = tpu.vector_load_idx %arg16[%get3A_147, %add3A_826] : memref<128x128xf32, #tpu.memory_space<vmem>>[vector<16xi32>, vector<16xi32>], vector<16xf32>,
        %select_n3A_832 = arith.select %gt3A_163, %gather3A_827, %gather3A_828 : vector<16xi1>, vector<16xf32>
        %mul3A_833 = arith.mulf %gather3A_831, %gather3A_827 : vector<16xf32>
        %add3A_834 = arith.addf %add3A_815, %mul3A_833 : vector<16xf32>
        %mul3A_835 = arith.mulf %gather3A_827, %gather3A_827 : vector<16xf32>
        %add3A_836 = arith.addf %add3A_817, %mul3A_835 : vector<16xf32>
        %mul3A_837 = arith.mulf %gather3A_828, %gather3A_828 : vector<16xf32>
        %add3A_838 = arith.addf %add3A_819, %mul3A_837 : vector<16xf32>
        %mul3A_839 = arith.mulf %gather3A_830, %gather3A_830 : vector<16xf32>
        %add3A_840 = arith.addf %add3A_821, %mul3A_839 : vector<16xf32>
        %mul3A_841 = arith.mulf %gather3A_830, %select_n3A_832 : vector<16xf32>
        %add3A_842 = arith.addf %add3A_823, %mul3A_841 : vector<16xf32>
        %add3A_843 = arith.addi %and3A_825, %broadcast_in_dim3A_113 : vector<16xi32>
        %and3A_844 = arith.andi %add3A_843, %broadcast_in_dim3A_115 : vector<16xi32>
        %add3A_845 = arith.addi %and3A_844, %broadcast_in_dim3A_117 : vector<16xi32>
        %gather3A_846 = tpu.vector_load_idx %arg20[%add3A_141, %and3A_844] : memref<128x128xf32, #tpu.memory_space<vmem>>[vector<16xi32>, vector<16xi32>], vector<16xf32>,
        %gather3A_847 = tpu.vector_load_idx %arg20[%add3A_141, %add3A_845] : memref<128x128xf32, #tpu.memory_space<vmem>>[vector<16xi32>, vector<16xi32>], vector<16xf32>,
        %add3A_848 = arith.addi %and3A_844, %get3A_154 : vector<16xi32>
        %gather3A_849 = tpu.vector_load_idx %arg22[%add3A_141, %add3A_848] : memref<128x128xf32, #tpu.memory_space<vmem>>[vector<16xi32>, vector<16xi32>], vector<16xf32>,
        %gather3A_850 = tpu.vector_load_idx %arg16[%get3A_147, %add3A_845] : memref<128x128xf32, #tpu.memory_space<vmem>>[vector<16xi32>, vector<16xi32>], vector<16xf32>,
        %select_n3A_851 = arith.select %gt3A_163, %gather3A_846, %gather3A_847 : vector<16xi1>, vector<16xf32>
        %mul3A_852 = arith.mulf %gather3A_850, %gather3A_846 : vector<16xf32>
        %add3A_853 = arith.addf %add3A_834, %mul3A_852 : vector<16xf32>
        %mul3A_854 = arith.mulf %gather3A_846, %gather3A_846 : vector<16xf32>
        %add3A_855 = arith.addf %add3A_836, %mul3A_854 : vector<16xf32>
        %mul3A_856 = arith.mulf %gather3A_847, %gather3A_847 : vector<16xf32>
        %add3A_857 = arith.addf %add3A_838, %mul3A_856 : vector<16xf32>
        %mul3A_858 = arith.mulf %gather3A_849, %gather3A_849 : vector<16xf32>
        %add3A_859 = arith.addf %add3A_840, %mul3A_858 : vector<16xf32>
        %mul3A_860 = arith.mulf %gather3A_849, %select_n3A_851 : vector<16xf32>
        %add3A_861 = arith.addf %add3A_842, %mul3A_860 : vector<16xf32>
        %add3A_862 = arith.addi %and3A_844, %broadcast_in_dim3A_113 : vector<16xi32>
        %and3A_863 = arith.andi %add3A_862, %broadcast_in_dim3A_115 : vector<16xi32>
        %add3A_864 = arith.addi %and3A_863, %broadcast_in_dim3A_117 : vector<16xi32>
        %gather3A_865 = tpu.vector_load_idx %arg20[%add3A_141, %and3A_863] : memref<128x128xf32, #tpu.memory_space<vmem>>[vector<16xi32>, vector<16xi32>], vector<16xf32>,
        %gather3A_866 = tpu.vector_load_idx %arg20[%add3A_141, %add3A_864] : memref<128x128xf32, #tpu.memory_space<vmem>>[vector<16xi32>, vector<16xi32>], vector<16xf32>,
        %add3A_867 = arith.addi %and3A_863, %get3A_154 : vector<16xi32>
        %gather3A_868 = tpu.vector_load_idx %arg22[%add3A_141, %add3A_867] : memref<128x128xf32, #tpu.memory_space<vmem>>[vector<16xi32>, vector<16xi32>], vector<16xf32>,
        %gather3A_869 = tpu.vector_load_idx %arg16[%get3A_147, %add3A_864] : memref<128x128xf32, #tpu.memory_space<vmem>>[vector<16xi32>, vector<16xi32>], vector<16xf32>,
        %select_n3A_870 = arith.select %gt3A_163, %gather3A_865, %gather3A_866 : vector<16xi1>, vector<16xf32>
        %mul3A_871 = arith.mulf %gather3A_869, %gather3A_865 : vector<16xf32>
        %add3A_872 = arith.addf %add3A_853, %mul3A_871 : vector<16xf32>
        %mul3A_873 = arith.mulf %gather3A_865, %gather3A_865 : vector<16xf32>
        %add3A_874 = arith.addf %add3A_855, %mul3A_873 : vector<16xf32>
        %mul3A_875 = arith.mulf %gather3A_866, %gather3A_866 : vector<16xf32>
        %add3A_876 = arith.addf %add3A_857, %mul3A_875 : vector<16xf32>
        %mul3A_877 = arith.mulf %gather3A_868, %gather3A_868 : vector<16xf32>
        %add3A_878 = arith.addf %add3A_859, %mul3A_877 : vector<16xf32>
        %mul3A_879 = arith.mulf %gather3A_868, %select_n3A_870 : vector<16xf32>
        %add3A_880 = arith.addf %add3A_861, %mul3A_879 : vector<16xf32>
        %add3A_881 = arith.addi %and3A_863, %broadcast_in_dim3A_113 : vector<16xi32>
        %and3A_882 = arith.andi %add3A_881, %broadcast_in_dim3A_115 : vector<16xi32>
        %add3A_883 = arith.addi %and3A_882, %broadcast_in_dim3A_117 : vector<16xi32>
        %gather3A_884 = tpu.vector_load_idx %arg20[%add3A_141, %and3A_882] : memref<128x128xf32, #tpu.memory_space<vmem>>[vector<16xi32>, vector<16xi32>], vector<16xf32>,
        %gather3A_885 = tpu.vector_load_idx %arg20[%add3A_141, %add3A_883] : memref<128x128xf32, #tpu.memory_space<vmem>>[vector<16xi32>, vector<16xi32>], vector<16xf32>,
        %add3A_886 = arith.addi %and3A_882, %get3A_154 : vector<16xi32>
        %gather3A_887 = tpu.vector_load_idx %arg22[%add3A_141, %add3A_886] : memref<128x128xf32, #tpu.memory_space<vmem>>[vector<16xi32>, vector<16xi32>], vector<16xf32>,
        %gather3A_888 = tpu.vector_load_idx %arg16[%get3A_147, %add3A_883] : memref<128x128xf32, #tpu.memory_space<vmem>>[vector<16xi32>, vector<16xi32>], vector<16xf32>,
        %select_n3A_889 = arith.select %gt3A_163, %gather3A_884, %gather3A_885 : vector<16xi1>, vector<16xf32>
        %mul3A_890 = arith.mulf %gather3A_888, %gather3A_884 : vector<16xf32>
        %add3A_891 = arith.addf %add3A_872, %mul3A_890 : vector<16xf32>
        %mul3A_892 = arith.mulf %gather3A_884, %gather3A_884 : vector<16xf32>
        %add3A_893 = arith.addf %add3A_874, %mul3A_892 : vector<16xf32>
        %mul3A_894 = arith.mulf %gather3A_885, %gather3A_885 : vector<16xf32>
        %add3A_895 = arith.addf %add3A_876, %mul3A_894 : vector<16xf32>
        %mul3A_896 = arith.mulf %gather3A_887, %gather3A_887 : vector<16xf32>
        %add3A_897 = arith.addf %add3A_878, %mul3A_896 : vector<16xf32>
        %mul3A_898 = arith.mulf %gather3A_887, %select_n3A_889 : vector<16xf32>
        %add3A_899 = arith.addf %add3A_880, %mul3A_898 : vector<16xf32>
        %add3A_900 = arith.addi %and3A_882, %broadcast_in_dim3A_113 : vector<16xi32>
        %and3A_901 = arith.andi %add3A_900, %broadcast_in_dim3A_115 : vector<16xi32>
        %add3A_902 = arith.addi %and3A_901, %broadcast_in_dim3A_117 : vector<16xi32>
        %gather3A_903 = tpu.vector_load_idx %arg20[%add3A_141, %and3A_901] : memref<128x128xf32, #tpu.memory_space<vmem>>[vector<16xi32>, vector<16xi32>], vector<16xf32>,
        %gather3A_904 = tpu.vector_load_idx %arg20[%add3A_141, %add3A_902] : memref<128x128xf32, #tpu.memory_space<vmem>>[vector<16xi32>, vector<16xi32>], vector<16xf32>,
        %add3A_905 = arith.addi %and3A_901, %get3A_154 : vector<16xi32>
        %gather3A_906 = tpu.vector_load_idx %arg22[%add3A_141, %add3A_905] : memref<128x128xf32, #tpu.memory_space<vmem>>[vector<16xi32>, vector<16xi32>], vector<16xf32>,
        %gather3A_907 = tpu.vector_load_idx %arg16[%get3A_147, %add3A_902] : memref<128x128xf32, #tpu.memory_space<vmem>>[vector<16xi32>, vector<16xi32>], vector<16xf32>,
        %select_n3A_908 = arith.select %gt3A_163, %gather3A_903, %gather3A_904 : vector<16xi1>, vector<16xf32>
        %mul3A_909 = arith.mulf %gather3A_907, %gather3A_903 : vector<16xf32>
        %add3A_910 = arith.addf %add3A_891, %mul3A_909 : vector<16xf32>
        %mul3A_911 = arith.mulf %gather3A_903, %gather3A_903 : vector<16xf32>
        %add3A_912 = arith.addf %add3A_893, %mul3A_911 : vector<16xf32>
        %mul3A_913 = arith.mulf %gather3A_904, %gather3A_904 : vector<16xf32>
        %add3A_914 = arith.addf %add3A_895, %mul3A_913 : vector<16xf32>
        %mul3A_915 = arith.mulf %gather3A_906, %gather3A_906 : vector<16xf32>
        %add3A_916 = arith.addf %add3A_897, %mul3A_915 : vector<16xf32>
        %mul3A_917 = arith.mulf %gather3A_906, %select_n3A_908 : vector<16xf32>
        %add3A_918 = arith.addf %add3A_899, %mul3A_917 : vector<16xf32>
        %add3A_919 = arith.addi %and3A_901, %broadcast_in_dim3A_113 : vector<16xi32>
        %and3A_920 = arith.andi %add3A_919, %broadcast_in_dim3A_115 : vector<16xi32>
        %add3A_921 = arith.addi %and3A_920, %broadcast_in_dim3A_117 : vector<16xi32>
        %gather3A_922 = tpu.vector_load_idx %arg20[%add3A_141, %and3A_920] : memref<128x128xf32, #tpu.memory_space<vmem>>[vector<16xi32>, vector<16xi32>], vector<16xf32>,
        %gather3A_923 = tpu.vector_load_idx %arg20[%add3A_141, %add3A_921] : memref<128x128xf32, #tpu.memory_space<vmem>>[vector<16xi32>, vector<16xi32>], vector<16xf32>,
        %add3A_924 = arith.addi %and3A_920, %get3A_154 : vector<16xi32>
        %gather3A_925 = tpu.vector_load_idx %arg22[%add3A_141, %add3A_924] : memref<128x128xf32, #tpu.memory_space<vmem>>[vector<16xi32>, vector<16xi32>], vector<16xf32>,
        %gather3A_926 = tpu.vector_load_idx %arg16[%get3A_147, %add3A_921] : memref<128x128xf32, #tpu.memory_space<vmem>>[vector<16xi32>, vector<16xi32>], vector<16xf32>,
        %select_n3A_927 = arith.select %gt3A_163, %gather3A_922, %gather3A_923 : vector<16xi1>, vector<16xf32>
        %mul3A_928 = arith.mulf %gather3A_926, %gather3A_922 : vector<16xf32>
        %add3A_929 = arith.addf %add3A_910, %mul3A_928 : vector<16xf32>
        %mul3A_930 = arith.mulf %gather3A_922, %gather3A_922 : vector<16xf32>
        %add3A_931 = arith.addf %add3A_912, %mul3A_930 : vector<16xf32>
        %mul3A_932 = arith.mulf %gather3A_923, %gather3A_923 : vector<16xf32>
        %add3A_933 = arith.addf %add3A_914, %mul3A_932 : vector<16xf32>
        %mul3A_934 = arith.mulf %gather3A_925, %gather3A_925 : vector<16xf32>
        %add3A_935 = arith.addf %add3A_916, %mul3A_934 : vector<16xf32>
        %mul3A_936 = arith.mulf %gather3A_925, %select_n3A_927 : vector<16xf32>
        %add3A_937 = arith.addf %add3A_918, %mul3A_936 : vector<16xf32>
        %add3A_938 = arith.addi %and3A_920, %broadcast_in_dim3A_113 : vector<16xi32>
        %and3A_939 = arith.andi %add3A_938, %broadcast_in_dim3A_115 : vector<16xi32>
        %add3A_940 = arith.addi %and3A_939, %broadcast_in_dim3A_117 : vector<16xi32>
        %gather3A_941 = tpu.vector_load_idx %arg20[%add3A_141, %and3A_939] : memref<128x128xf32, #tpu.memory_space<vmem>>[vector<16xi32>, vector<16xi32>], vector<16xf32>,
        %gather3A_942 = tpu.vector_load_idx %arg20[%add3A_141, %add3A_940] : memref<128x128xf32, #tpu.memory_space<vmem>>[vector<16xi32>, vector<16xi32>], vector<16xf32>,
        %add3A_943 = arith.addi %and3A_939, %get3A_154 : vector<16xi32>
        %gather3A_944 = tpu.vector_load_idx %arg22[%add3A_141, %add3A_943] : memref<128x128xf32, #tpu.memory_space<vmem>>[vector<16xi32>, vector<16xi32>], vector<16xf32>,
        %gather3A_945 = tpu.vector_load_idx %arg16[%get3A_147, %add3A_940] : memref<128x128xf32, #tpu.memory_space<vmem>>[vector<16xi32>, vector<16xi32>], vector<16xf32>,
        %select_n3A_946 = arith.select %gt3A_163, %gather3A_941, %gather3A_942 : vector<16xi1>, vector<16xf32>
        %mul3A_947 = arith.mulf %gather3A_945, %gather3A_941 : vector<16xf32>
        %add3A_948 = arith.addf %add3A_929, %mul3A_947 : vector<16xf32>
        %mul3A_949 = arith.mulf %gather3A_941, %gather3A_941 : vector<16xf32>
        %add3A_950 = arith.addf %add3A_931, %mul3A_949 : vector<16xf32>
        %mul3A_951 = arith.mulf %gather3A_942, %gather3A_942 : vector<16xf32>
        %add3A_952 = arith.addf %add3A_933, %mul3A_951 : vector<16xf32>
        %mul3A_953 = arith.mulf %gather3A_944, %gather3A_944 : vector<16xf32>
        %add3A_954 = arith.addf %add3A_935, %mul3A_953 : vector<16xf32>
        %mul3A_955 = arith.mulf %gather3A_944, %select_n3A_946 : vector<16xf32>
        %add3A_956 = arith.addf %add3A_937, %mul3A_955 : vector<16xf32>
        %add3A_957 = arith.addi %and3A_939, %broadcast_in_dim3A_113 : vector<16xi32>
        %and3A_958 = arith.andi %add3A_957, %broadcast_in_dim3A_115 : vector<16xi32>
        %add3A_959 = arith.addi %and3A_958, %broadcast_in_dim3A_117 : vector<16xi32>
        %gather3A_960 = tpu.vector_load_idx %arg20[%add3A_141, %and3A_958] : memref<128x128xf32, #tpu.memory_space<vmem>>[vector<16xi32>, vector<16xi32>], vector<16xf32>,
        %gather3A_961 = tpu.vector_load_idx %arg20[%add3A_141, %add3A_959] : memref<128x128xf32, #tpu.memory_space<vmem>>[vector<16xi32>, vector<16xi32>], vector<16xf32>,
        %add3A_962 = arith.addi %and3A_958, %get3A_154 : vector<16xi32>
        %gather3A_963 = tpu.vector_load_idx %arg22[%add3A_141, %add3A_962] : memref<128x128xf32, #tpu.memory_space<vmem>>[vector<16xi32>, vector<16xi32>], vector<16xf32>,
        %gather3A_964 = tpu.vector_load_idx %arg16[%get3A_147, %add3A_959] : memref<128x128xf32, #tpu.memory_space<vmem>>[vector<16xi32>, vector<16xi32>], vector<16xf32>,
        %select_n3A_965 = arith.select %gt3A_163, %gather3A_960, %gather3A_961 : vector<16xi1>, vector<16xf32>
        %mul3A_966 = arith.mulf %gather3A_964, %gather3A_960 : vector<16xf32>
        %add3A_967 = arith.addf %add3A_948, %mul3A_966 : vector<16xf32>
        %mul3A_968 = arith.mulf %gather3A_960, %gather3A_960 : vector<16xf32>
        %add3A_969 = arith.addf %add3A_950, %mul3A_968 : vector<16xf32>
        %mul3A_970 = arith.mulf %gather3A_961, %gather3A_961 : vector<16xf32>
        %add3A_971 = arith.addf %add3A_952, %mul3A_970 : vector<16xf32>
        %mul3A_972 = arith.mulf %gather3A_963, %gather3A_963 : vector<16xf32>
        %add3A_973 = arith.addf %add3A_954, %mul3A_972 : vector<16xf32>
        %mul3A_974 = arith.mulf %gather3A_963, %select_n3A_965 : vector<16xf32>
        %add3A_975 = arith.addf %add3A_956, %mul3A_974 : vector<16xf32>
        %add3A_976 = arith.addi %and3A_958, %broadcast_in_dim3A_113 : vector<16xi32>
        %and3A_977 = arith.andi %add3A_976, %broadcast_in_dim3A_115 : vector<16xi32>
        %add3A_978 = arith.addi %and3A_977, %broadcast_in_dim3A_117 : vector<16xi32>
        %gather3A_979 = tpu.vector_load_idx %arg20[%add3A_141, %and3A_977] : memref<128x128xf32, #tpu.memory_space<vmem>>[vector<16xi32>, vector<16xi32>], vector<16xf32>,
        %gather3A_980 = tpu.vector_load_idx %arg20[%add3A_141, %add3A_978] : memref<128x128xf32, #tpu.memory_space<vmem>>[vector<16xi32>, vector<16xi32>], vector<16xf32>,
        %add3A_981 = arith.addi %and3A_977, %get3A_154 : vector<16xi32>
        %gather3A_982 = tpu.vector_load_idx %arg22[%add3A_141, %add3A_981] : memref<128x128xf32, #tpu.memory_space<vmem>>[vector<16xi32>, vector<16xi32>], vector<16xf32>,
        %gather3A_983 = tpu.vector_load_idx %arg16[%get3A_147, %add3A_978] : memref<128x128xf32, #tpu.memory_space<vmem>>[vector<16xi32>, vector<16xi32>], vector<16xf32>,
        %select_n3A_984 = arith.select %gt3A_163, %gather3A_979, %gather3A_980 : vector<16xi1>, vector<16xf32>
        %mul3A_985 = arith.mulf %gather3A_983, %gather3A_979 : vector<16xf32>
        %add3A_986 = arith.addf %add3A_967, %mul3A_985 : vector<16xf32>
        %mul3A_987 = arith.mulf %gather3A_979, %gather3A_979 : vector<16xf32>
        %add3A_988 = arith.addf %add3A_969, %mul3A_987 : vector<16xf32>
        %mul3A_989 = arith.mulf %gather3A_980, %gather3A_980 : vector<16xf32>
        %add3A_990 = arith.addf %add3A_971, %mul3A_989 : vector<16xf32>
        %mul3A_991 = arith.mulf %gather3A_982, %gather3A_982 : vector<16xf32>
        %add3A_992 = arith.addf %add3A_973, %mul3A_991 : vector<16xf32>
        %mul3A_993 = arith.mulf %gather3A_982, %select_n3A_984 : vector<16xf32>
        %add3A_994 = arith.addf %add3A_975, %mul3A_993 : vector<16xf32>
        %add3A_995 = arith.addi %and3A_977, %broadcast_in_dim3A_113 : vector<16xi32>
        %and3A_996 = arith.andi %add3A_995, %broadcast_in_dim3A_115 : vector<16xi32>
        %add3A_997 = arith.addi %and3A_996, %broadcast_in_dim3A_117 : vector<16xi32>
        %gather3A_998 = tpu.vector_load_idx %arg20[%add3A_141, %and3A_996] : memref<128x128xf32, #tpu.memory_space<vmem>>[vector<16xi32>, vector<16xi32>], vector<16xf32>,
        %gather3A_999 = tpu.vector_load_idx %arg20[%add3A_141, %add3A_997] : memref<128x128xf32, #tpu.memory_space<vmem>>[vector<16xi32>, vector<16xi32>], vector<16xf32>,
        %add3A_1000 = arith.addi %and3A_996, %get3A_154 : vector<16xi32>
        %gather3A_1001 = tpu.vector_load_idx %arg22[%add3A_141, %add3A_1000] : memref<128x128xf32, #tpu.memory_space<vmem>>[vector<16xi32>, vector<16xi32>], vector<16xf32>,
        %gather3A_1002 = tpu.vector_load_idx %arg16[%get3A_147, %add3A_997] : memref<128x128xf32, #tpu.memory_space<vmem>>[vector<16xi32>, vector<16xi32>], vector<16xf32>,
        %select_n3A_1003 = arith.select %gt3A_163, %gather3A_998, %gather3A_999 : vector<16xi1>, vector<16xf32>
        %mul3A_1004 = arith.mulf %gather3A_1002, %gather3A_998 : vector<16xf32>
        %add3A_1005 = arith.addf %add3A_986, %mul3A_1004 : vector<16xf32>
        %mul3A_1006 = arith.mulf %gather3A_998, %gather3A_998 : vector<16xf32>
        %add3A_1007 = arith.addf %add3A_988, %mul3A_1006 : vector<16xf32>
        %mul3A_1008 = arith.mulf %gather3A_999, %gather3A_999 : vector<16xf32>
        %add3A_1009 = arith.addf %add3A_990, %mul3A_1008 : vector<16xf32>
        %mul3A_1010 = arith.mulf %gather3A_1001, %gather3A_1001 : vector<16xf32>
        %add3A_1011 = arith.addf %add3A_992, %mul3A_1010 : vector<16xf32>
        %mul3A_1012 = arith.mulf %gather3A_1001, %select_n3A_1003 : vector<16xf32>
        %add3A_1013 = arith.addf %add3A_994, %mul3A_1012 : vector<16xf32>
        %add3A_1014 = arith.addi %and3A_996, %broadcast_in_dim3A_113 : vector<16xi32>
        %and3A_1015 = arith.andi %add3A_1014, %broadcast_in_dim3A_115 : vector<16xi32>
        %add3A_1016 = arith.addi %and3A_1015, %broadcast_in_dim3A_117 : vector<16xi32>
        %gather3A_1017 = tpu.vector_load_idx %arg20[%add3A_141, %and3A_1015] : memref<128x128xf32, #tpu.memory_space<vmem>>[vector<16xi32>, vector<16xi32>], vector<16xf32>,
        %gather3A_1018 = tpu.vector_load_idx %arg20[%add3A_141, %add3A_1016] : memref<128x128xf32, #tpu.memory_space<vmem>>[vector<16xi32>, vector<16xi32>], vector<16xf32>,
        %add3A_1019 = arith.addi %and3A_1015, %get3A_154 : vector<16xi32>
        %gather3A_1020 = tpu.vector_load_idx %arg22[%add3A_141, %add3A_1019] : memref<128x128xf32, #tpu.memory_space<vmem>>[vector<16xi32>, vector<16xi32>], vector<16xf32>,
        %gather3A_1021 = tpu.vector_load_idx %arg16[%get3A_147, %add3A_1016] : memref<128x128xf32, #tpu.memory_space<vmem>>[vector<16xi32>, vector<16xi32>], vector<16xf32>,
        %select_n3A_1022 = arith.select %gt3A_163, %gather3A_1017, %gather3A_1018 : vector<16xi1>, vector<16xf32>
        %mul3A_1023 = arith.mulf %gather3A_1021, %gather3A_1017 : vector<16xf32>
        %add3A_1024 = arith.addf %add3A_1005, %mul3A_1023 : vector<16xf32>
        %mul3A_1025 = arith.mulf %gather3A_1017, %gather3A_1017 : vector<16xf32>
        %add3A_1026 = arith.addf %add3A_1007, %mul3A_1025 : vector<16xf32>
        %mul3A_1027 = arith.mulf %gather3A_1018, %gather3A_1018 : vector<16xf32>
        %add3A_1028 = arith.addf %add3A_1009, %mul3A_1027 : vector<16xf32>
        %mul3A_1029 = arith.mulf %gather3A_1020, %gather3A_1020 : vector<16xf32>
        %add3A_1030 = arith.addf %add3A_1011, %mul3A_1029 : vector<16xf32>
        %mul3A_1031 = arith.mulf %gather3A_1020, %select_n3A_1022 : vector<16xf32>
        %add3A_1032 = arith.addf %add3A_1013, %mul3A_1031 : vector<16xf32>
        %add3A_1033 = arith.addi %and3A_1015, %broadcast_in_dim3A_113 : vector<16xi32>
        %and3A_1034 = arith.andi %add3A_1033, %broadcast_in_dim3A_115 : vector<16xi32>
        %add3A_1035 = arith.addi %and3A_1034, %broadcast_in_dim3A_117 : vector<16xi32>
        %gather3A_1036 = tpu.vector_load_idx %arg20[%add3A_141, %and3A_1034] : memref<128x128xf32, #tpu.memory_space<vmem>>[vector<16xi32>, vector<16xi32>], vector<16xf32>,
        %gather3A_1037 = tpu.vector_load_idx %arg20[%add3A_141, %add3A_1035] : memref<128x128xf32, #tpu.memory_space<vmem>>[vector<16xi32>, vector<16xi32>], vector<16xf32>,
        %add3A_1038 = arith.addi %and3A_1034, %get3A_154 : vector<16xi32>
        %gather3A_1039 = tpu.vector_load_idx %arg22[%add3A_141, %add3A_1038] : memref<128x128xf32, #tpu.memory_space<vmem>>[vector<16xi32>, vector<16xi32>], vector<16xf32>,
        %gather3A_1040 = tpu.vector_load_idx %arg16[%get3A_147, %add3A_1035] : memref<128x128xf32, #tpu.memory_space<vmem>>[vector<16xi32>, vector<16xi32>], vector<16xf32>,
        %select_n3A_1041 = arith.select %gt3A_163, %gather3A_1036, %gather3A_1037 : vector<16xi1>, vector<16xf32>
        %mul3A_1042 = arith.mulf %gather3A_1040, %gather3A_1036 : vector<16xf32>
        %add3A_1043 = arith.addf %add3A_1024, %mul3A_1042 : vector<16xf32>
        %mul3A_1044 = arith.mulf %gather3A_1036, %gather3A_1036 : vector<16xf32>
        %add3A_1045 = arith.addf %add3A_1026, %mul3A_1044 : vector<16xf32>
        %mul3A_1046 = arith.mulf %gather3A_1037, %gather3A_1037 : vector<16xf32>
        %add3A_1047 = arith.addf %add3A_1028, %mul3A_1046 : vector<16xf32>
        %mul3A_1048 = arith.mulf %gather3A_1039, %gather3A_1039 : vector<16xf32>
        %add3A_1049 = arith.addf %add3A_1030, %mul3A_1048 : vector<16xf32>
        %mul3A_1050 = arith.mulf %gather3A_1039, %select_n3A_1041 : vector<16xf32>
        %add3A_1051 = arith.addf %add3A_1032, %mul3A_1050 : vector<16xf32>
        %add3A_1052 = arith.addi %and3A_1034, %broadcast_in_dim3A_113 : vector<16xi32>
        %and3A_1053 = arith.andi %add3A_1052, %broadcast_in_dim3A_115 : vector<16xi32>
        %add3A_1054 = arith.addi %and3A_1053, %broadcast_in_dim3A_117 : vector<16xi32>
        %gather3A_1055 = tpu.vector_load_idx %arg20[%add3A_141, %and3A_1053] : memref<128x128xf32, #tpu.memory_space<vmem>>[vector<16xi32>, vector<16xi32>], vector<16xf32>,
        %gather3A_1056 = tpu.vector_load_idx %arg20[%add3A_141, %add3A_1054] : memref<128x128xf32, #tpu.memory_space<vmem>>[vector<16xi32>, vector<16xi32>], vector<16xf32>,
        %add3A_1057 = arith.addi %and3A_1053, %get3A_154 : vector<16xi32>
        %gather3A_1058 = tpu.vector_load_idx %arg22[%add3A_141, %add3A_1057] : memref<128x128xf32, #tpu.memory_space<vmem>>[vector<16xi32>, vector<16xi32>], vector<16xf32>,
        %gather3A_1059 = tpu.vector_load_idx %arg16[%get3A_147, %add3A_1054] : memref<128x128xf32, #tpu.memory_space<vmem>>[vector<16xi32>, vector<16xi32>], vector<16xf32>,
        %select_n3A_1060 = arith.select %gt3A_163, %gather3A_1055, %gather3A_1056 : vector<16xi1>, vector<16xf32>
        %mul3A_1061 = arith.mulf %gather3A_1059, %gather3A_1055 : vector<16xf32>
        %add3A_1062 = arith.addf %add3A_1043, %mul3A_1061 : vector<16xf32>
        %mul3A_1063 = arith.mulf %gather3A_1055, %gather3A_1055 : vector<16xf32>
        %add3A_1064 = arith.addf %add3A_1045, %mul3A_1063 : vector<16xf32>
        %mul3A_1065 = arith.mulf %gather3A_1056, %gather3A_1056 : vector<16xf32>
        %add3A_1066 = arith.addf %add3A_1047, %mul3A_1065 : vector<16xf32>
        %mul3A_1067 = arith.mulf %gather3A_1058, %gather3A_1058 : vector<16xf32>
        %add3A_1068 = arith.addf %add3A_1049, %mul3A_1067 : vector<16xf32>
        %mul3A_1069 = arith.mulf %gather3A_1058, %select_n3A_1060 : vector<16xf32>
        %add3A_1070 = arith.addf %add3A_1051, %mul3A_1069 : vector<16xf32>
        %add3A_1071 = arith.addi %and3A_1053, %broadcast_in_dim3A_113 : vector<16xi32>
        %and3A_1072 = arith.andi %add3A_1071, %broadcast_in_dim3A_115 : vector<16xi32>
        %add3A_1073 = arith.addi %and3A_1072, %broadcast_in_dim3A_117 : vector<16xi32>
        %gather3A_1074 = tpu.vector_load_idx %arg20[%add3A_141, %and3A_1072] : memref<128x128xf32, #tpu.memory_space<vmem>>[vector<16xi32>, vector<16xi32>], vector<16xf32>,
        %gather3A_1075 = tpu.vector_load_idx %arg20[%add3A_141, %add3A_1073] : memref<128x128xf32, #tpu.memory_space<vmem>>[vector<16xi32>, vector<16xi32>], vector<16xf32>,
        %add3A_1076 = arith.addi %and3A_1072, %get3A_154 : vector<16xi32>
        %gather3A_1077 = tpu.vector_load_idx %arg22[%add3A_141, %add3A_1076] : memref<128x128xf32, #tpu.memory_space<vmem>>[vector<16xi32>, vector<16xi32>], vector<16xf32>,
        %gather3A_1078 = tpu.vector_load_idx %arg16[%get3A_147, %add3A_1073] : memref<128x128xf32, #tpu.memory_space<vmem>>[vector<16xi32>, vector<16xi32>], vector<16xf32>,
        %select_n3A_1079 = arith.select %gt3A_163, %gather3A_1074, %gather3A_1075 : vector<16xi1>, vector<16xf32>
        %mul3A_1080 = arith.mulf %gather3A_1078, %gather3A_1074 : vector<16xf32>
        %add3A_1081 = arith.addf %add3A_1062, %mul3A_1080 : vector<16xf32>
        %mul3A_1082 = arith.mulf %gather3A_1074, %gather3A_1074 : vector<16xf32>
        %add3A_1083 = arith.addf %add3A_1064, %mul3A_1082 : vector<16xf32>
        %mul3A_1084 = arith.mulf %gather3A_1075, %gather3A_1075 : vector<16xf32>
        %add3A_1085 = arith.addf %add3A_1066, %mul3A_1084 : vector<16xf32>
        %mul3A_1086 = arith.mulf %gather3A_1077, %gather3A_1077 : vector<16xf32>
        %add3A_1087 = arith.addf %add3A_1068, %mul3A_1086 : vector<16xf32>
        %mul3A_1088 = arith.mulf %gather3A_1077, %select_n3A_1079 : vector<16xf32>
        %add3A_1089 = arith.addf %add3A_1070, %mul3A_1088 : vector<16xf32>
        %add3A_1090 = arith.addi %and3A_1072, %broadcast_in_dim3A_113 : vector<16xi32>
        %and3A_1091 = arith.andi %add3A_1090, %broadcast_in_dim3A_115 : vector<16xi32>
        %add3A_1092 = arith.addi %and3A_1091, %broadcast_in_dim3A_117 : vector<16xi32>
        %gather3A_1093 = tpu.vector_load_idx %arg20[%add3A_141, %and3A_1091] : memref<128x128xf32, #tpu.memory_space<vmem>>[vector<16xi32>, vector<16xi32>], vector<16xf32>,
        %gather3A_1094 = tpu.vector_load_idx %arg20[%add3A_141, %add3A_1092] : memref<128x128xf32, #tpu.memory_space<vmem>>[vector<16xi32>, vector<16xi32>], vector<16xf32>,
        %add3A_1095 = arith.addi %and3A_1091, %get3A_154 : vector<16xi32>
        %gather3A_1096 = tpu.vector_load_idx %arg22[%add3A_141, %add3A_1095] : memref<128x128xf32, #tpu.memory_space<vmem>>[vector<16xi32>, vector<16xi32>], vector<16xf32>,
        %gather3A_1097 = tpu.vector_load_idx %arg16[%get3A_147, %add3A_1092] : memref<128x128xf32, #tpu.memory_space<vmem>>[vector<16xi32>, vector<16xi32>], vector<16xf32>,
        %select_n3A_1098 = arith.select %gt3A_163, %gather3A_1093, %gather3A_1094 : vector<16xi1>, vector<16xf32>
        %mul3A_1099 = arith.mulf %gather3A_1097, %gather3A_1093 : vector<16xf32>
        %add3A_1100 = arith.addf %add3A_1081, %mul3A_1099 : vector<16xf32>
        %mul3A_1101 = arith.mulf %gather3A_1093, %gather3A_1093 : vector<16xf32>
        %add3A_1102 = arith.addf %add3A_1083, %mul3A_1101 : vector<16xf32>
        %mul3A_1103 = arith.mulf %gather3A_1094, %gather3A_1094 : vector<16xf32>
        %add3A_1104 = arith.addf %add3A_1085, %mul3A_1103 : vector<16xf32>
        %mul3A_1105 = arith.mulf %gather3A_1096, %gather3A_1096 : vector<16xf32>
        %add3A_1106 = arith.addf %add3A_1087, %mul3A_1105 : vector<16xf32>
        %mul3A_1107 = arith.mulf %gather3A_1096, %select_n3A_1098 : vector<16xf32>
        %add3A_1108 = arith.addf %add3A_1089, %mul3A_1107 : vector<16xf32>
        %add3A_1109 = arith.addi %and3A_1091, %broadcast_in_dim3A_113 : vector<16xi32>
        %and3A_1110 = arith.andi %add3A_1109, %broadcast_in_dim3A_115 : vector<16xi32>
        %add3A_1111 = arith.addi %and3A_1110, %broadcast_in_dim3A_117 : vector<16xi32>
        %gather3A_1112 = tpu.vector_load_idx %arg20[%add3A_141, %and3A_1110] : memref<128x128xf32, #tpu.memory_space<vmem>>[vector<16xi32>, vector<16xi32>], vector<16xf32>,
        %gather3A_1113 = tpu.vector_load_idx %arg20[%add3A_141, %add3A_1111] : memref<128x128xf32, #tpu.memory_space<vmem>>[vector<16xi32>, vector<16xi32>], vector<16xf32>,
        %add3A_1114 = arith.addi %and3A_1110, %get3A_154 : vector<16xi32>
        %gather3A_1115 = tpu.vector_load_idx %arg22[%add3A_141, %add3A_1114] : memref<128x128xf32, #tpu.memory_space<vmem>>[vector<16xi32>, vector<16xi32>], vector<16xf32>,
        %gather3A_1116 = tpu.vector_load_idx %arg16[%get3A_147, %add3A_1111] : memref<128x128xf32, #tpu.memory_space<vmem>>[vector<16xi32>, vector<16xi32>], vector<16xf32>,
        %select_n3A_1117 = arith.select %gt3A_163, %gather3A_1112, %gather3A_1113 : vector<16xi1>, vector<16xf32>
        %mul3A_1118 = arith.mulf %gather3A_1116, %gather3A_1112 : vector<16xf32>
        %add3A_1119 = arith.addf %add3A_1100, %mul3A_1118 : vector<16xf32>
        %mul3A_1120 = arith.mulf %gather3A_1112, %gather3A_1112 : vector<16xf32>
        %add3A_1121 = arith.addf %add3A_1102, %mul3A_1120 : vector<16xf32>
        %mul3A_1122 = arith.mulf %gather3A_1113, %gather3A_1113 : vector<16xf32>
        %add3A_1123 = arith.addf %add3A_1104, %mul3A_1122 : vector<16xf32>
        %mul3A_1124 = arith.mulf %gather3A_1115, %gather3A_1115 : vector<16xf32>
        %add3A_1125 = arith.addf %add3A_1106, %mul3A_1124 : vector<16xf32>
        %mul3A_1126 = arith.mulf %gather3A_1115, %select_n3A_1117 : vector<16xf32>
        %add3A_1127 = arith.addf %add3A_1108, %mul3A_1126 : vector<16xf32>
        %add3A_1128 = arith.addi %and3A_1110, %broadcast_in_dim3A_113 : vector<16xi32>
        %and3A_1129 = arith.andi %add3A_1128, %broadcast_in_dim3A_115 : vector<16xi32>
        %add3A_1130 = arith.addi %and3A_1129, %broadcast_in_dim3A_117 : vector<16xi32>
        %gather3A_1131 = tpu.vector_load_idx %arg20[%add3A_141, %and3A_1129] : memref<128x128xf32, #tpu.memory_space<vmem>>[vector<16xi32>, vector<16xi32>], vector<16xf32>,
        %gather3A_1132 = tpu.vector_load_idx %arg20[%add3A_141, %add3A_1130] : memref<128x128xf32, #tpu.memory_space<vmem>>[vector<16xi32>, vector<16xi32>], vector<16xf32>,
        %add3A_1133 = arith.addi %and3A_1129, %get3A_154 : vector<16xi32>
        %gather3A_1134 = tpu.vector_load_idx %arg22[%add3A_141, %add3A_1133] : memref<128x128xf32, #tpu.memory_space<vmem>>[vector<16xi32>, vector<16xi32>], vector<16xf32>,
        %gather3A_1135 = tpu.vector_load_idx %arg16[%get3A_147, %add3A_1130] : memref<128x128xf32, #tpu.memory_space<vmem>>[vector<16xi32>, vector<16xi32>], vector<16xf32>,
        %select_n3A_1136 = arith.select %gt3A_163, %gather3A_1131, %gather3A_1132 : vector<16xi1>, vector<16xf32>
        %mul3A_1137 = arith.mulf %gather3A_1135, %gather3A_1131 : vector<16xf32>
        %add3A_1138 = arith.addf %add3A_1119, %mul3A_1137 : vector<16xf32>
        %mul3A_1139 = arith.mulf %gather3A_1131, %gather3A_1131 : vector<16xf32>
        %add3A_1140 = arith.addf %add3A_1121, %mul3A_1139 : vector<16xf32>
        %mul3A_1141 = arith.mulf %gather3A_1132, %gather3A_1132 : vector<16xf32>
        %add3A_1142 = arith.addf %add3A_1123, %mul3A_1141 : vector<16xf32>
        %mul3A_1143 = arith.mulf %gather3A_1134, %gather3A_1134 : vector<16xf32>
        %add3A_1144 = arith.addf %add3A_1125, %mul3A_1143 : vector<16xf32>
        %mul3A_1145 = arith.mulf %gather3A_1134, %select_n3A_1136 : vector<16xf32>
        %add3A_1146 = arith.addf %add3A_1127, %mul3A_1145 : vector<16xf32>
        %add3A_1147 = arith.addi %and3A_1129, %broadcast_in_dim3A_113 : vector<16xi32>
        %and3A_1148 = arith.andi %add3A_1147, %broadcast_in_dim3A_115 : vector<16xi32>
        %add3A_1149 = arith.addi %and3A_1148, %broadcast_in_dim3A_117 : vector<16xi32>
        %gather3A_1150 = tpu.vector_load_idx %arg20[%add3A_141, %and3A_1148] : memref<128x128xf32, #tpu.memory_space<vmem>>[vector<16xi32>, vector<16xi32>], vector<16xf32>,
        %gather3A_1151 = tpu.vector_load_idx %arg20[%add3A_141, %add3A_1149] : memref<128x128xf32, #tpu.memory_space<vmem>>[vector<16xi32>, vector<16xi32>], vector<16xf32>,
        %add3A_1152 = arith.addi %and3A_1148, %get3A_154 : vector<16xi32>
        %gather3A_1153 = tpu.vector_load_idx %arg22[%add3A_141, %add3A_1152] : memref<128x128xf32, #tpu.memory_space<vmem>>[vector<16xi32>, vector<16xi32>], vector<16xf32>,
        %gather3A_1154 = tpu.vector_load_idx %arg16[%get3A_147, %add3A_1149] : memref<128x128xf32, #tpu.memory_space<vmem>>[vector<16xi32>, vector<16xi32>], vector<16xf32>,
        %select_n3A_1155 = arith.select %gt3A_163, %gather3A_1150, %gather3A_1151 : vector<16xi1>, vector<16xf32>
        %mul3A_1156 = arith.mulf %gather3A_1154, %gather3A_1150 : vector<16xf32>
        %add3A_1157 = arith.addf %add3A_1138, %mul3A_1156 : vector<16xf32>
        %mul3A_1158 = arith.mulf %gather3A_1150, %gather3A_1150 : vector<16xf32>
        %add3A_1159 = arith.addf %add3A_1140, %mul3A_1158 : vector<16xf32>
        %mul3A_1160 = arith.mulf %gather3A_1151, %gather3A_1151 : vector<16xf32>
        %add3A_1161 = arith.addf %add3A_1142, %mul3A_1160 : vector<16xf32>
        %mul3A_1162 = arith.mulf %gather3A_1153, %gather3A_1153 : vector<16xf32>
        %add3A_1163 = arith.addf %add3A_1144, %mul3A_1162 : vector<16xf32>
        %mul3A_1164 = arith.mulf %gather3A_1153, %select_n3A_1155 : vector<16xf32>
        %add3A_1165 = arith.addf %add3A_1146, %mul3A_1164 : vector<16xf32>
        %add3A_1166 = arith.addi %and3A_1148, %broadcast_in_dim3A_113 : vector<16xi32>
        %and3A_1167 = arith.andi %add3A_1166, %broadcast_in_dim3A_115 : vector<16xi32>
        %add3A_1168 = arith.addi %and3A_1167, %broadcast_in_dim3A_117 : vector<16xi32>
        %gather3A_1169 = tpu.vector_load_idx %arg20[%add3A_141, %and3A_1167] : memref<128x128xf32, #tpu.memory_space<vmem>>[vector<16xi32>, vector<16xi32>], vector<16xf32>,
        %gather3A_1170 = tpu.vector_load_idx %arg20[%add3A_141, %add3A_1168] : memref<128x128xf32, #tpu.memory_space<vmem>>[vector<16xi32>, vector<16xi32>], vector<16xf32>,
        %add3A_1171 = arith.addi %and3A_1167, %get3A_154 : vector<16xi32>
        %gather3A_1172 = tpu.vector_load_idx %arg22[%add3A_141, %add3A_1171] : memref<128x128xf32, #tpu.memory_space<vmem>>[vector<16xi32>, vector<16xi32>], vector<16xf32>,
        %gather3A_1173 = tpu.vector_load_idx %arg16[%get3A_147, %add3A_1168] : memref<128x128xf32, #tpu.memory_space<vmem>>[vector<16xi32>, vector<16xi32>], vector<16xf32>,
        %select_n3A_1174 = arith.select %gt3A_163, %gather3A_1169, %gather3A_1170 : vector<16xi1>, vector<16xf32>
        %mul3A_1175 = arith.mulf %gather3A_1173, %gather3A_1169 : vector<16xf32>
        %add3A_1176 = arith.addf %add3A_1157, %mul3A_1175 : vector<16xf32>
        %mul3A_1177 = arith.mulf %gather3A_1169, %gather3A_1169 : vector<16xf32>
        %add3A_1178 = arith.addf %add3A_1159, %mul3A_1177 : vector<16xf32>
        %mul3A_1179 = arith.mulf %gather3A_1170, %gather3A_1170 : vector<16xf32>
        %add3A_1180 = arith.addf %add3A_1161, %mul3A_1179 : vector<16xf32>
        %mul3A_1181 = arith.mulf %gather3A_1172, %gather3A_1172 : vector<16xf32>
        %add3A_1182 = arith.addf %add3A_1163, %mul3A_1181 : vector<16xf32>
        %mul3A_1183 = arith.mulf %gather3A_1172, %select_n3A_1174 : vector<16xf32>
        %add3A_1184 = arith.addf %add3A_1165, %mul3A_1183 : vector<16xf32>
        %add3A_1185 = arith.addi %and3A_1167, %broadcast_in_dim3A_113 : vector<16xi32>
        %and3A_1186 = arith.andi %add3A_1185, %broadcast_in_dim3A_115 : vector<16xi32>
        %add3A_1187 = arith.addi %and3A_1186, %broadcast_in_dim3A_117 : vector<16xi32>
        %gather3A_1188 = tpu.vector_load_idx %arg20[%add3A_141, %and3A_1186] : memref<128x128xf32, #tpu.memory_space<vmem>>[vector<16xi32>, vector<16xi32>], vector<16xf32>,
        %gather3A_1189 = tpu.vector_load_idx %arg20[%add3A_141, %add3A_1187] : memref<128x128xf32, #tpu.memory_space<vmem>>[vector<16xi32>, vector<16xi32>], vector<16xf32>,
        %add3A_1190 = arith.addi %and3A_1186, %get3A_154 : vector<16xi32>
        %gather3A_1191 = tpu.vector_load_idx %arg22[%add3A_141, %add3A_1190] : memref<128x128xf32, #tpu.memory_space<vmem>>[vector<16xi32>, vector<16xi32>], vector<16xf32>,
        %gather3A_1192 = tpu.vector_load_idx %arg16[%get3A_147, %add3A_1187] : memref<128x128xf32, #tpu.memory_space<vmem>>[vector<16xi32>, vector<16xi32>], vector<16xf32>,
        %select_n3A_1193 = arith.select %gt3A_163, %gather3A_1188, %gather3A_1189 : vector<16xi1>, vector<16xf32>
        %mul3A_1194 = arith.mulf %gather3A_1192, %gather3A_1188 : vector<16xf32>
        %add3A_1195 = arith.addf %add3A_1176, %mul3A_1194 : vector<16xf32>
        %mul3A_1196 = arith.mulf %gather3A_1188, %gather3A_1188 : vector<16xf32>
        %add3A_1197 = arith.addf %add3A_1178, %mul3A_1196 : vector<16xf32>
        %mul3A_1198 = arith.mulf %gather3A_1189, %gather3A_1189 : vector<16xf32>
        %add3A_1199 = arith.addf %add3A_1180, %mul3A_1198 : vector<16xf32>
        %mul3A_1200 = arith.mulf %gather3A_1191, %gather3A_1191 : vector<16xf32>
        %add3A_1201 = arith.addf %add3A_1182, %mul3A_1200 : vector<16xf32>
        %mul3A_1202 = arith.mulf %gather3A_1191, %select_n3A_1193 : vector<16xf32>
        %add3A_1203 = arith.addf %add3A_1184, %mul3A_1202 : vector<16xf32>
        %add3A_1204 = arith.addi %and3A_1186, %broadcast_in_dim3A_113 : vector<16xi32>
        %and3A_1205 = arith.andi %add3A_1204, %broadcast_in_dim3A_115 : vector<16xi32>
        %add3A_1206 = arith.addi %and3A_1205, %broadcast_in_dim3A_117 : vector<16xi32>
        %gather3A_1207 = tpu.vector_load_idx %arg20[%add3A_141, %and3A_1205] : memref<128x128xf32, #tpu.memory_space<vmem>>[vector<16xi32>, vector<16xi32>], vector<16xf32>,
        %gather3A_1208 = tpu.vector_load_idx %arg20[%add3A_141, %add3A_1206] : memref<128x128xf32, #tpu.memory_space<vmem>>[vector<16xi32>, vector<16xi32>], vector<16xf32>,
        %add3A_1209 = arith.addi %and3A_1205, %get3A_154 : vector<16xi32>
        %gather3A_1210 = tpu.vector_load_idx %arg22[%add3A_141, %add3A_1209] : memref<128x128xf32, #tpu.memory_space<vmem>>[vector<16xi32>, vector<16xi32>], vector<16xf32>,
        %gather3A_1211 = tpu.vector_load_idx %arg16[%get3A_147, %add3A_1206] : memref<128x128xf32, #tpu.memory_space<vmem>>[vector<16xi32>, vector<16xi32>], vector<16xf32>,
        %select_n3A_1212 = arith.select %gt3A_163, %gather3A_1207, %gather3A_1208 : vector<16xi1>, vector<16xf32>
        %mul3A_1213 = arith.mulf %gather3A_1211, %gather3A_1207 : vector<16xf32>
        %add3A_1214 = arith.addf %add3A_1195, %mul3A_1213 : vector<16xf32>
        %mul3A_1215 = arith.mulf %gather3A_1207, %gather3A_1207 : vector<16xf32>
        %add3A_1216 = arith.addf %add3A_1197, %mul3A_1215 : vector<16xf32>
        %mul3A_1217 = arith.mulf %gather3A_1208, %gather3A_1208 : vector<16xf32>
        %add3A_1218 = arith.addf %add3A_1199, %mul3A_1217 : vector<16xf32>
        %mul3A_1219 = arith.mulf %gather3A_1210, %gather3A_1210 : vector<16xf32>
        %add3A_1220 = arith.addf %add3A_1201, %mul3A_1219 : vector<16xf32>
        %mul3A_1221 = arith.mulf %gather3A_1210, %select_n3A_1212 : vector<16xf32>
        %add3A_1222 = arith.addf %add3A_1203, %mul3A_1221 : vector<16xf32>
        %add3A_1223 = arith.addi %and3A_1205, %broadcast_in_dim3A_113 : vector<16xi32>
        %and3A_1224 = arith.andi %add3A_1223, %broadcast_in_dim3A_115 : vector<16xi32>
        %add3A_1225 = arith.addi %and3A_1224, %broadcast_in_dim3A_117 : vector<16xi32>
        %gather3A_1226 = tpu.vector_load_idx %arg20[%add3A_141, %and3A_1224] : memref<128x128xf32, #tpu.memory_space<vmem>>[vector<16xi32>, vector<16xi32>], vector<16xf32>,
        %gather3A_1227 = tpu.vector_load_idx %arg20[%add3A_141, %add3A_1225] : memref<128x128xf32, #tpu.memory_space<vmem>>[vector<16xi32>, vector<16xi32>], vector<16xf32>,
        %add3A_1228 = arith.addi %and3A_1224, %get3A_154 : vector<16xi32>
        %gather3A_1229 = tpu.vector_load_idx %arg22[%add3A_141, %add3A_1228] : memref<128x128xf32, #tpu.memory_space<vmem>>[vector<16xi32>, vector<16xi32>], vector<16xf32>,
        %gather3A_1230 = tpu.vector_load_idx %arg16[%get3A_147, %add3A_1225] : memref<128x128xf32, #tpu.memory_space<vmem>>[vector<16xi32>, vector<16xi32>], vector<16xf32>,
        %select_n3A_1231 = arith.select %gt3A_163, %gather3A_1226, %gather3A_1227 : vector<16xi1>, vector<16xf32>
        %mul3A_1232 = arith.mulf %gather3A_1230, %gather3A_1226 : vector<16xf32>
        %add3A_1233 = arith.addf %add3A_1214, %mul3A_1232 : vector<16xf32>
        %mul3A_1234 = arith.mulf %gather3A_1226, %gather3A_1226 : vector<16xf32>
        %add3A_1235 = arith.addf %add3A_1216, %mul3A_1234 : vector<16xf32>
        %mul3A_1236 = arith.mulf %gather3A_1227, %gather3A_1227 : vector<16xf32>
        %add3A_1237 = arith.addf %add3A_1218, %mul3A_1236 : vector<16xf32>
        %mul3A_1238 = arith.mulf %gather3A_1229, %gather3A_1229 : vector<16xf32>
        %add3A_1239 = arith.addf %add3A_1220, %mul3A_1238 : vector<16xf32>
        %mul3A_1240 = arith.mulf %gather3A_1229, %select_n3A_1231 : vector<16xf32>
        %add3A_1241 = arith.addf %add3A_1222, %mul3A_1240 : vector<16xf32>
        %add3A_1242 = arith.addi %and3A_1224, %broadcast_in_dim3A_113 : vector<16xi32>
        %and3A_1243 = arith.andi %add3A_1242, %broadcast_in_dim3A_115 : vector<16xi32>
        %add3A_1244 = arith.addi %and3A_1243, %broadcast_in_dim3A_117 : vector<16xi32>
        %gather3A_1245 = tpu.vector_load_idx %arg20[%add3A_141, %and3A_1243] : memref<128x128xf32, #tpu.memory_space<vmem>>[vector<16xi32>, vector<16xi32>], vector<16xf32>,
        %gather3A_1246 = tpu.vector_load_idx %arg20[%add3A_141, %add3A_1244] : memref<128x128xf32, #tpu.memory_space<vmem>>[vector<16xi32>, vector<16xi32>], vector<16xf32>,
        %add3A_1247 = arith.addi %and3A_1243, %get3A_154 : vector<16xi32>
        %gather3A_1248 = tpu.vector_load_idx %arg22[%add3A_141, %add3A_1247] : memref<128x128xf32, #tpu.memory_space<vmem>>[vector<16xi32>, vector<16xi32>], vector<16xf32>,
        %gather3A_1249 = tpu.vector_load_idx %arg16[%get3A_147, %add3A_1244] : memref<128x128xf32, #tpu.memory_space<vmem>>[vector<16xi32>, vector<16xi32>], vector<16xf32>,
        %select_n3A_1250 = arith.select %gt3A_163, %gather3A_1245, %gather3A_1246 : vector<16xi1>, vector<16xf32>
        %mul3A_1251 = arith.mulf %gather3A_1249, %gather3A_1245 : vector<16xf32>
        %add3A_1252 = arith.addf %add3A_1233, %mul3A_1251 : vector<16xf32>
        %mul3A_1253 = arith.mulf %gather3A_1245, %gather3A_1245 : vector<16xf32>
        %add3A_1254 = arith.addf %add3A_1235, %mul3A_1253 : vector<16xf32>
        %mul3A_1255 = arith.mulf %gather3A_1246, %gather3A_1246 : vector<16xf32>
        %add3A_1256 = arith.addf %add3A_1237, %mul3A_1255 : vector<16xf32>
        %mul3A_1257 = arith.mulf %gather3A_1248, %gather3A_1248 : vector<16xf32>
        %add3A_1258 = arith.addf %add3A_1239, %mul3A_1257 : vector<16xf32>
        %mul3A_1259 = arith.mulf %gather3A_1248, %select_n3A_1250 : vector<16xf32>
        %add3A_1260 = arith.addf %add3A_1241, %mul3A_1259 : vector<16xf32>
        %add3A_1261 = arith.addi %and3A_1243, %broadcast_in_dim3A_113 : vector<16xi32>
        %and3A_1262 = arith.andi %add3A_1261, %broadcast_in_dim3A_115 : vector<16xi32>
        %add3A_1263 = arith.addi %and3A_1262, %broadcast_in_dim3A_117 : vector<16xi32>
        %gather3A_1264 = tpu.vector_load_idx %arg20[%add3A_141, %and3A_1262] : memref<128x128xf32, #tpu.memory_space<vmem>>[vector<16xi32>, vector<16xi32>], vector<16xf32>,
        %gather3A_1265 = tpu.vector_load_idx %arg20[%add3A_141, %add3A_1263] : memref<128x128xf32, #tpu.memory_space<vmem>>[vector<16xi32>, vector<16xi32>], vector<16xf32>,
        %add3A_1266 = arith.addi %and3A_1262, %get3A_154 : vector<16xi32>
        %gather3A_1267 = tpu.vector_load_idx %arg22[%add3A_141, %add3A_1266] : memref<128x128xf32, #tpu.memory_space<vmem>>[vector<16xi32>, vector<16xi32>], vector<16xf32>,
        %gather3A_1268 = tpu.vector_load_idx %arg16[%get3A_147, %add3A_1263] : memref<128x128xf32, #tpu.memory_space<vmem>>[vector<16xi32>, vector<16xi32>], vector<16xf32>,
        %select_n3A_1269 = arith.select %gt3A_163, %gather3A_1264, %gather3A_1265 : vector<16xi1>, vector<16xf32>
        %mul3A_1270 = arith.mulf %gather3A_1268, %gather3A_1264 : vector<16xf32>
        %add3A_1271 = arith.addf %add3A_1252, %mul3A_1270 : vector<16xf32>
        %mul3A_1272 = arith.mulf %gather3A_1264, %gather3A_1264 : vector<16xf32>
        %add3A_1273 = arith.addf %add3A_1254, %mul3A_1272 : vector<16xf32>
        %mul3A_1274 = arith.mulf %gather3A_1265, %gather3A_1265 : vector<16xf32>
        %add3A_1275 = arith.addf %add3A_1256, %mul3A_1274 : vector<16xf32>
        %mul3A_1276 = arith.mulf %gather3A_1267, %gather3A_1267 : vector<16xf32>
        %add3A_1277 = arith.addf %add3A_1258, %mul3A_1276 : vector<16xf32>
        %mul3A_1278 = arith.mulf %gather3A_1267, %select_n3A_1269 : vector<16xf32>
        %add3A_1279 = arith.addf %add3A_1260, %mul3A_1278 : vector<16xf32>
        %add3A_1280 = arith.addi %and3A_1262, %broadcast_in_dim3A_113 : vector<16xi32>
        %and3A_1281 = arith.andi %add3A_1280, %broadcast_in_dim3A_115 : vector<16xi32>
        %add3A_1282 = arith.addi %and3A_1281, %broadcast_in_dim3A_117 : vector<16xi32>
        %gather3A_1283 = tpu.vector_load_idx %arg20[%add3A_141, %and3A_1281] : memref<128x128xf32, #tpu.memory_space<vmem>>[vector<16xi32>, vector<16xi32>], vector<16xf32>,
        %gather3A_1284 = tpu.vector_load_idx %arg20[%add3A_141, %add3A_1282] : memref<128x128xf32, #tpu.memory_space<vmem>>[vector<16xi32>, vector<16xi32>], vector<16xf32>,
        %add3A_1285 = arith.addi %and3A_1281, %get3A_154 : vector<16xi32>
        %gather3A_1286 = tpu.vector_load_idx %arg22[%add3A_141, %add3A_1285] : memref<128x128xf32, #tpu.memory_space<vmem>>[vector<16xi32>, vector<16xi32>], vector<16xf32>,
        %gather3A_1287 = tpu.vector_load_idx %arg16[%get3A_147, %add3A_1282] : memref<128x128xf32, #tpu.memory_space<vmem>>[vector<16xi32>, vector<16xi32>], vector<16xf32>,
        %select_n3A_1288 = arith.select %gt3A_163, %gather3A_1283, %gather3A_1284 : vector<16xi1>, vector<16xf32>
        %mul3A_1289 = arith.mulf %gather3A_1287, %gather3A_1283 : vector<16xf32>
        %add3A_1290 = arith.addf %add3A_1271, %mul3A_1289 : vector<16xf32>
        %mul3A_1291 = arith.mulf %gather3A_1283, %gather3A_1283 : vector<16xf32>
        %add3A_1292 = arith.addf %add3A_1273, %mul3A_1291 : vector<16xf32>
        %mul3A_1293 = arith.mulf %gather3A_1284, %gather3A_1284 : vector<16xf32>
        %add3A_1294 = arith.addf %add3A_1275, %mul3A_1293 : vector<16xf32>
        %mul3A_1295 = arith.mulf %gather3A_1286, %gather3A_1286 : vector<16xf32>
        %add3A_1296 = arith.addf %add3A_1277, %mul3A_1295 : vector<16xf32>
        %mul3A_1297 = arith.mulf %gather3A_1286, %select_n3A_1288 : vector<16xf32>
        %add3A_1298 = arith.addf %add3A_1279, %mul3A_1297 : vector<16xf32>
        %add3A_1299 = arith.addi %and3A_1281, %broadcast_in_dim3A_113 : vector<16xi32>
        %and3A_1300 = arith.andi %add3A_1299, %broadcast_in_dim3A_115 : vector<16xi32>
        %add3A_1301 = arith.addi %and3A_1300, %broadcast_in_dim3A_117 : vector<16xi32>
        %gather3A_1302 = tpu.vector_load_idx %arg20[%add3A_141, %and3A_1300] : memref<128x128xf32, #tpu.memory_space<vmem>>[vector<16xi32>, vector<16xi32>], vector<16xf32>,
        %gather3A_1303 = tpu.vector_load_idx %arg20[%add3A_141, %add3A_1301] : memref<128x128xf32, #tpu.memory_space<vmem>>[vector<16xi32>, vector<16xi32>], vector<16xf32>,
        %add3A_1304 = arith.addi %and3A_1300, %get3A_154 : vector<16xi32>
        %gather3A_1305 = tpu.vector_load_idx %arg22[%add3A_141, %add3A_1304] : memref<128x128xf32, #tpu.memory_space<vmem>>[vector<16xi32>, vector<16xi32>], vector<16xf32>,
        %gather3A_1306 = tpu.vector_load_idx %arg16[%get3A_147, %add3A_1301] : memref<128x128xf32, #tpu.memory_space<vmem>>[vector<16xi32>, vector<16xi32>], vector<16xf32>,
        %select_n3A_1307 = arith.select %gt3A_163, %gather3A_1302, %gather3A_1303 : vector<16xi1>, vector<16xf32>
        %mul3A_1308 = arith.mulf %gather3A_1306, %gather3A_1302 : vector<16xf32>
        %add3A_1309 = arith.addf %add3A_1290, %mul3A_1308 : vector<16xf32>
        %mul3A_1310 = arith.mulf %gather3A_1302, %gather3A_1302 : vector<16xf32>
        %add3A_1311 = arith.addf %add3A_1292, %mul3A_1310 : vector<16xf32>
        %mul3A_1312 = arith.mulf %gather3A_1303, %gather3A_1303 : vector<16xf32>
        %add3A_1313 = arith.addf %add3A_1294, %mul3A_1312 : vector<16xf32>
        %mul3A_1314 = arith.mulf %gather3A_1305, %gather3A_1305 : vector<16xf32>
        %add3A_1315 = arith.addf %add3A_1296, %mul3A_1314 : vector<16xf32>
        %mul3A_1316 = arith.mulf %gather3A_1305, %select_n3A_1307 : vector<16xf32>
        %add3A_1317 = arith.addf %add3A_1298, %mul3A_1316 : vector<16xf32>
        %add3A_1318 = arith.addi %and3A_1300, %broadcast_in_dim3A_113 : vector<16xi32>
        %and3A_1319 = arith.andi %add3A_1318, %broadcast_in_dim3A_115 : vector<16xi32>
        %add3A_1320 = arith.addi %and3A_1319, %broadcast_in_dim3A_117 : vector<16xi32>
        %gather3A_1321 = tpu.vector_load_idx %arg20[%add3A_141, %and3A_1319] : memref<128x128xf32, #tpu.memory_space<vmem>>[vector<16xi32>, vector<16xi32>], vector<16xf32>,
        %gather3A_1322 = tpu.vector_load_idx %arg20[%add3A_141, %add3A_1320] : memref<128x128xf32, #tpu.memory_space<vmem>>[vector<16xi32>, vector<16xi32>], vector<16xf32>,
        %add3A_1323 = arith.addi %and3A_1319, %get3A_154 : vector<16xi32>
        %gather3A_1324 = tpu.vector_load_idx %arg22[%add3A_141, %add3A_1323] : memref<128x128xf32, #tpu.memory_space<vmem>>[vector<16xi32>, vector<16xi32>], vector<16xf32>,
        %gather3A_1325 = tpu.vector_load_idx %arg16[%get3A_147, %add3A_1320] : memref<128x128xf32, #tpu.memory_space<vmem>>[vector<16xi32>, vector<16xi32>], vector<16xf32>,
        %select_n3A_1326 = arith.select %gt3A_163, %gather3A_1321, %gather3A_1322 : vector<16xi1>, vector<16xf32>
        %mul3A_1327 = arith.mulf %gather3A_1325, %gather3A_1321 : vector<16xf32>
        %add3A_1328 = arith.addf %add3A_1309, %mul3A_1327 : vector<16xf32>
        %mul3A_1329 = arith.mulf %gather3A_1321, %gather3A_1321 : vector<16xf32>
        %add3A_1330 = arith.addf %add3A_1311, %mul3A_1329 : vector<16xf32>
        %mul3A_1331 = arith.mulf %gather3A_1322, %gather3A_1322 : vector<16xf32>
        %add3A_1332 = arith.addf %add3A_1313, %mul3A_1331 : vector<16xf32>
        %mul3A_1333 = arith.mulf %gather3A_1324, %gather3A_1324 : vector<16xf32>
        %add3A_1334 = arith.addf %add3A_1315, %mul3A_1333 : vector<16xf32>
        %mul3A_1335 = arith.mulf %gather3A_1324, %select_n3A_1326 : vector<16xf32>
        %add3A_1336 = arith.addf %add3A_1317, %mul3A_1335 : vector<16xf32>
        %add3A_1337 = arith.addi %and3A_1319, %broadcast_in_dim3A_113 : vector<16xi32>
        %and3A_1338 = arith.andi %add3A_1337, %broadcast_in_dim3A_115 : vector<16xi32>
        %add3A_1339 = arith.addi %and3A_1338, %broadcast_in_dim3A_117 : vector<16xi32>
        %gather3A_1340 = tpu.vector_load_idx %arg20[%add3A_141, %and3A_1338] : memref<128x128xf32, #tpu.memory_space<vmem>>[vector<16xi32>, vector<16xi32>], vector<16xf32>,
        %gather3A_1341 = tpu.vector_load_idx %arg20[%add3A_141, %add3A_1339] : memref<128x128xf32, #tpu.memory_space<vmem>>[vector<16xi32>, vector<16xi32>], vector<16xf32>,
        %add3A_1342 = arith.addi %and3A_1338, %get3A_154 : vector<16xi32>
        %gather3A_1343 = tpu.vector_load_idx %arg22[%add3A_141, %add3A_1342] : memref<128x128xf32, #tpu.memory_space<vmem>>[vector<16xi32>, vector<16xi32>], vector<16xf32>,
        %gather3A_1344 = tpu.vector_load_idx %arg16[%get3A_147, %add3A_1339] : memref<128x128xf32, #tpu.memory_space<vmem>>[vector<16xi32>, vector<16xi32>], vector<16xf32>,
        %select_n3A_1345 = arith.select %gt3A_163, %gather3A_1340, %gather3A_1341 : vector<16xi1>, vector<16xf32>
        %mul3A_1346 = arith.mulf %gather3A_1344, %gather3A_1340 : vector<16xf32>
        %add3A_1347 = arith.addf %add3A_1328, %mul3A_1346 : vector<16xf32>
        %mul3A_1348 = arith.mulf %gather3A_1340, %gather3A_1340 : vector<16xf32>
        %add3A_1349 = arith.addf %add3A_1330, %mul3A_1348 : vector<16xf32>
        %mul3A_1350 = arith.mulf %gather3A_1341, %gather3A_1341 : vector<16xf32>
        %add3A_1351 = arith.addf %add3A_1332, %mul3A_1350 : vector<16xf32>
        %mul3A_1352 = arith.mulf %gather3A_1343, %gather3A_1343 : vector<16xf32>
        %add3A_1353 = arith.addf %add3A_1334, %mul3A_1352 : vector<16xf32>
        %mul3A_1354 = arith.mulf %gather3A_1343, %select_n3A_1345 : vector<16xf32>
        %add3A_1355 = arith.addf %add3A_1336, %mul3A_1354 : vector<16xf32>
        %add3A_1356 = arith.addi %and3A_1338, %broadcast_in_dim3A_113 : vector<16xi32>
        %and3A_1357 = arith.andi %add3A_1356, %broadcast_in_dim3A_115 : vector<16xi32>
        %add3A_1358 = arith.addi %and3A_1357, %broadcast_in_dim3A_117 : vector<16xi32>
        %gather3A_1359 = tpu.vector_load_idx %arg20[%add3A_141, %and3A_1357] : memref<128x128xf32, #tpu.memory_space<vmem>>[vector<16xi32>, vector<16xi32>], vector<16xf32>,
        %gather3A_1360 = tpu.vector_load_idx %arg20[%add3A_141, %add3A_1358] : memref<128x128xf32, #tpu.memory_space<vmem>>[vector<16xi32>, vector<16xi32>], vector<16xf32>,
        %add3A_1361 = arith.addi %and3A_1357, %get3A_154 : vector<16xi32>
        %gather3A_1362 = tpu.vector_load_idx %arg22[%add3A_141, %add3A_1361] : memref<128x128xf32, #tpu.memory_space<vmem>>[vector<16xi32>, vector<16xi32>], vector<16xf32>,
        %gather3A_1363 = tpu.vector_load_idx %arg16[%get3A_147, %add3A_1358] : memref<128x128xf32, #tpu.memory_space<vmem>>[vector<16xi32>, vector<16xi32>], vector<16xf32>,
        %select_n3A_1364 = arith.select %gt3A_163, %gather3A_1359, %gather3A_1360 : vector<16xi1>, vector<16xf32>
        %mul3A_1365 = arith.mulf %gather3A_1363, %gather3A_1359 : vector<16xf32>
        %add3A_1366 = arith.addf %add3A_1347, %mul3A_1365 : vector<16xf32>
        %mul3A_1367 = arith.mulf %gather3A_1359, %gather3A_1359 : vector<16xf32>
        %add3A_1368 = arith.addf %add3A_1349, %mul3A_1367 : vector<16xf32>
        %mul3A_1369 = arith.mulf %gather3A_1360, %gather3A_1360 : vector<16xf32>
        %add3A_1370 = arith.addf %add3A_1351, %mul3A_1369 : vector<16xf32>
        %mul3A_1371 = arith.mulf %gather3A_1362, %gather3A_1362 : vector<16xf32>
        %add3A_1372 = arith.addf %add3A_1353, %mul3A_1371 : vector<16xf32>
        %mul3A_1373 = arith.mulf %gather3A_1362, %select_n3A_1364 : vector<16xf32>
        %add3A_1374 = arith.addf %add3A_1355, %mul3A_1373 : vector<16xf32>
        %mul3A_1375 = arith.constant 16 : i32
        %mul3A_1376 = arith.muli %add3A_137, %mul3A_1375 : i32
        %add3A_1377 = arith.constant 0 : i32
        %add3A_1378 = arith.addi %add3A_1377, %mul3A_1376 : i32
        %swap3A = arith.index_cast %add3A_1378 : i32 to index
        %swap3A_1379 = tpu.vector_load %arg23[%swap3A] {strides = array<i32>} : memref<640xf32, #tpu.memory_space<vmem>>, vector<16xf32>,
        tpu.vector_store %arg23[%swap3A], %add3A_1366 {strides = array<i32>} : memref<640xf32, #tpu.memory_space<vmem>>, vector<16xf32>,
        %mul3A_1380 = arith.constant 16 : i32
        %mul3A_1381 = arith.muli %add3A_137, %mul3A_1380 : i32
        %add3A_1382 = arith.constant 128 : i32
        %add3A_1383 = arith.addi %add3A_1382, %mul3A_1381 : i32
        %swap3A_1384 = arith.index_cast %add3A_1383 : i32 to index
        %swap3A_1385 = tpu.vector_load %arg23[%swap3A_1384] {strides = array<i32>} : memref<640xf32, #tpu.memory_space<vmem>>, vector<16xf32>,
        tpu.vector_store %arg23[%swap3A_1384], %add3A_1368 {strides = array<i32>} : memref<640xf32, #tpu.memory_space<vmem>>, vector<16xf32>,
        %mul3A_1386 = arith.constant 16 : i32
        %mul3A_1387 = arith.muli %add3A_137, %mul3A_1386 : i32
        %add3A_1388 = arith.constant 256 : i32
        %add3A_1389 = arith.addi %add3A_1388, %mul3A_1387 : i32
        %swap3A_1390 = arith.index_cast %add3A_1389 : i32 to index
        %swap3A_1391 = tpu.vector_load %arg23[%swap3A_1390] {strides = array<i32>} : memref<640xf32, #tpu.memory_space<vmem>>, vector<16xf32>,
        tpu.vector_store %arg23[%swap3A_1390], %add3A_1370 {strides = array<i32>} : memref<640xf32, #tpu.memory_space<vmem>>, vector<16xf32>,
        %mul3A_1392 = arith.constant 16 : i32
        %mul3A_1393 = arith.muli %add3A_137, %mul3A_1392 : i32
        %add3A_1394 = arith.constant 384 : i32
        %add3A_1395 = arith.addi %add3A_1394, %mul3A_1393 : i32
        %swap3A_1396 = arith.index_cast %add3A_1395 : i32 to index
        %swap3A_1397 = tpu.vector_load %arg23[%swap3A_1396] {strides = array<i32>} : memref<640xf32, #tpu.memory_space<vmem>>, vector<16xf32>,
        tpu.vector_store %arg23[%swap3A_1396], %add3A_1372 {strides = array<i32>} : memref<640xf32, #tpu.memory_space<vmem>>, vector<16xf32>,
        %mul3A_1398 = arith.constant 16 : i32
        %mul3A_1399 = arith.muli %add3A_137, %mul3A_1398 : i32
        %add3A_1400 = arith.constant 512 : i32
        %add3A_1401 = arith.addi %add3A_1400, %mul3A_1399 : i32
        %swap3A_1402 = arith.index_cast %add3A_1401 : i32 to index
        %swap3A_1403 = tpu.vector_load %arg23[%swap3A_1402] {strides = array<i32>} : memref<640xf32, #tpu.memory_space<vmem>>, vector<16xf32>,
        tpu.vector_store %arg23[%swap3A_1402], %add3A_1374 {strides = array<i32>} : memref<640xf32, #tpu.memory_space<vmem>>, vector<16xf32>,
      }
      %scan3A_122 = arith.constant 8 : i32
      %add3A_123 = arith.constant 2 : i32
      %add3A_124 = arith.addi %add3A_99, %add3A_123 : i32
      %lt3A_125 = arith.constant 20 : i32
      %lt3A_126 = arith.cmpi slt, %add3A_124, %lt3A_125 : i32
      %convert_element_type3A_127 = arith.extui %lt3A_126 : i1 to i32
      %cond3A_128 = arith.constant 0 : i32
      %cond3A_129 = arith.cmpi ne, %convert_element_type3A_127, %cond3A_128 : i32
      scf.if %cond3A_129 {
        %add3A_133 = arith.constant 2 : i32
        %add3A_134 = arith.addi %add3A_99, %add3A_133 : i32
        %mul3A_135 = arith.constant 128 : i32
        %mul3A_136 = arith.muli %add3A_134, %mul3A_135 : i32
        %mul3A_137 = arith.constant 128 : i32
        %mul3A_138 = arith.muli %add3A_134, %mul3A_137 : i32
        %dma_start3A_139 = tpu.memref_slice %arg11[%mul3A_136] : memref<2560xi32, #tpu.memory_space<vmem>> -> memref<128xi32, #tpu.memory_space<vmem>>
        %dma_start3A_140 = arith.constant 0 : i32
        %dma_start3A_141 = arith.constant 0 : i32
        %dma_start3A_142 = tpu.memref_slice %arg2[%dma_start3A_140, %dma_start3A_141] : memref<100000x128xf32, #tpu.memory_space<hbm>> -> memref<100000x128xf32, #tpu.memory_space<hbm>>
        tpu.enqueue_indirect_dma source(%dma_start3A_142 : memref<100000x128xf32, #tpu.memory_space<hbm>>) target(%arg20 : memref<128x128xf32, #tpu.memory_space<vmem>>) offsets(%dma_start3A_139 : memref<128xi32, #tpu.memory_space<vmem>>) semaphore(%arg25 : memref<!tpu.dma_semaphore, #tpu.memory_space<semaphore_mem>>)
        %dma_start3A_143 = tpu.memref_slice %arg12[%mul3A_138] : memref<2560xi32, #tpu.memory_space<vmem>> -> memref<128xi32, #tpu.memory_space<vmem>>
        %dma_start3A_144 = arith.constant 0 : i32
        %dma_start3A_145 = arith.constant 0 : i32
        %dma_start3A_146 = tpu.memref_slice %arg3[%dma_start3A_144, %dma_start3A_145] : memref<50000x128xf32, #tpu.memory_space<hbm>> -> memref<50000x128xf32, #tpu.memory_space<hbm>>
        tpu.enqueue_indirect_dma source(%dma_start3A_146 : memref<50000x128xf32, #tpu.memory_space<hbm>>) target(%arg22 : memref<128x128xf32, #tpu.memory_space<vmem>>) offsets(%dma_start3A_143 : memref<128xi32, #tpu.memory_space<vmem>>) semaphore(%arg27 : memref<!tpu.dma_semaphore, #tpu.memory_space<semaphore_mem>>)
      } else {
      }
      %mul3A_130 = arith.constant 20 : i32
      %mul3A_131 = arith.muli %add3A, %mul3A_130 : i32
      %add3A_132 = arith.addi %mul3A_131, %add3A_99 : i32
      "tpu.region"() ({
        %run_scoped3A = tpu.sem_alloc : memref<!tpu.dma_semaphore, #tpu.memory_space<semaphore_mem>>
        %dma_start3A_133 = arith.constant 0 : i32
        %dma_start3A_134 = tpu.memref_slice %arg10[%add3A_132, %dma_start3A_133] : memref<640x640xf32, #tpu.memory_space<hbm>> -> memref<1x640xf32, #tpu.memory_space<hbm>>
        %dma_start3A_135 = tpu.memref_squeeze %dma_start3A_134 : memref<1x640xf32, #tpu.memory_space<hbm>> -> memref<640xf32, #tpu.memory_space<hbm>>
        %dma_start3A_136 = arith.constant 0 : i32
        %dma_start3A_137 = tpu.memref_slice %arg10[%add3A_132, %dma_start3A_136] : memref<640x640xf32, #tpu.memory_space<hbm>> -> memref<1x640xf32, #tpu.memory_space<hbm>>
        %dma_start3A_138 = tpu.memref_squeeze %dma_start3A_137 : memref<1x640xf32, #tpu.memory_space<hbm>> -> memref<640xf32, #tpu.memory_space<hbm>>
        tpu.enqueue_dma source(%arg23 : memref<640xf32, #tpu.memory_space<vmem>>) target(%dma_start3A_138 : memref<640xf32, #tpu.memory_space<hbm>>) target_semaphore(%run_scoped3A : memref<!tpu.dma_semaphore, #tpu.memory_space<semaphore_mem>>)
        %dma_wait3A_139 = arith.constant 0 : i32
        %dma_wait3A_140 = tpu.memref_slice %arg10[%add3A_132, %dma_wait3A_139] : memref<640x640xf32, #tpu.memory_space<hbm>> -> memref<1x640xf32, #tpu.memory_space<hbm>>
        %dma_wait3A_141 = tpu.memref_squeeze %dma_wait3A_140 : memref<1x640xf32, #tpu.memory_space<hbm>> -> memref<640xf32, #tpu.memory_space<hbm>>
        %dma_wait3A_142 = arith.constant 0 : i32
        %dma_wait3A_143 = tpu.memref_slice %arg10[%add3A_132, %dma_wait3A_142] : memref<640x640xf32, #tpu.memory_space<hbm>> -> memref<1x640xf32, #tpu.memory_space<hbm>>
        %dma_wait3A_144 = tpu.memref_squeeze %dma_wait3A_143 : memref<1x640xf32, #tpu.memory_space<hbm>> -> memref<640xf32, #tpu.memory_space<hbm>>
        tpu.wait_dma2 semaphore(%run_scoped3A : memref<!tpu.dma_semaphore, #tpu.memory_space<semaphore_mem>>) src(%arg23 : memref<640xf32, #tpu.memory_space<vmem>>) dst(%dma_wait3A_144 : memref<640xf32, #tpu.memory_space<hbm>>)
        tpu.yield
      }) : () -> ()
    }
    %scan3A_60 = arith.constant 10 : i32
    return
  }
}

module attributes {stable_mosaic.version = 14 : i64} {
  func.func @_mlp_body(%arg0: i32, %arg1: memref<800x128xf32, #tpu.memory_space<vmem>>, %arg2: memref<128x256xf32, #tpu.memory_space<vmem>>, %arg3: memref<1x256xf32, #tpu.memory_space<vmem>>, %arg4: memref<256x64xf32, #tpu.memory_space<vmem>>, %arg5: memref<1x64xf32, #tpu.memory_space<vmem>>, %arg6: memref<800x64xf32, #tpu.memory_space<vmem>>, %arg7: memref<800x128xf32, #tpu.memory_space<vmem>>) attributes {dimension_semantics = [#tpu.dimension_semantics<arbitrary>], iteration_bounds = array<i64: 125>, scalar_prefetch = 0 : i64, scratch_operands = 0 : i64, tpu.core_type = #tpu.core_type<tc>, window_params = [{transform_indices = @transform_0, window_bounds = array<i64: 800, 128>}, {pipeline_mode = #tpu.pipeline_mode<synchronous>, transform_indices = @transform_1, window_bounds = array<i64: 128, 256>}, {pipeline_mode = #tpu.pipeline_mode<synchronous>, transform_indices = @transform_2, window_bounds = array<i64: 1, 256>}, {pipeline_mode = #tpu.pipeline_mode<synchronous>, transform_indices = @transform_3, window_bounds = array<i64: 256, 64>}, {pipeline_mode = #tpu.pipeline_mode<synchronous>, transform_indices = @transform_4, window_bounds = array<i64: 1, 64>}, {transform_indices = @transform_5, window_bounds = array<i64: 800, 64>}, {transform_indices = @transform_6, window_bounds = array<i64: 800, 128>}]} {
    %get3A = arith.constant 0 : index
    %get3A_0 = arith.constant 0 : index
    %get3A_1 = vector.load %arg1[%get3A, %get3A_0] : memref<800x128xf32, #tpu.memory_space<vmem>>, vector<800x128xf32>
    %convert_element_type3A = arith.truncf %get3A_1 : vector<800x128xf32> to vector<800x128xbf16>
    %get3A_2 = arith.constant 0 : index
    %get3A_3 = arith.constant 0 : index
    %get3A_4 = vector.load %arg2[%get3A_2, %get3A_3] : memref<128x256xf32, #tpu.memory_space<vmem>>, vector<128x256xf32>
    %convert_element_type3A_5 = arith.truncf %get3A_4 : vector<128x256xf32> to vector<128x256xbf16>
    %dot_general3A = arith.constant dense<0.000000e+00> : vector<800x256xf32>
    %dot_general3A_6 = tpu.matmul %convert_element_type3A, %convert_element_type3A_5, %dot_general3A {dimension_numbers = #tpu.dot_dimension_numbers<[1], [0], [0], [1], [0, 0, 1, 1], [], []>, transpose_lhs_hint = false} : vector<800x128xbf16>, vector<128x256xbf16>, vector<800x256xf32> -> vector<800x256xf32>
    %get3A_7 = arith.constant 0 : index
    %get3A_8 = arith.constant 0 : index
    %get3A_9 = vector.load %arg3[%get3A_7, %get3A_8] : memref<1x256xf32, #tpu.memory_space<vmem>>, vector<1x256xf32>
    %add3A = vector.broadcast %get3A_9 : vector<1x256xf32> to vector<800x256xf32>
    %add3A_10 = arith.addf %dot_general3A_6, %add3A : vector<800x256xf32>
    %ge3A = arith.constant 0.000000e+00 : f32
    %ge3A_11 = vector.broadcast %ge3A : f32 to vector<800x256xf32>
    %ge3A_12 = arith.cmpf oge, %add3A_10, %ge3A_11 : vector<800x256xf32>
    %mul3A = arith.constant 0.00999999977 : f32
    %mul3A_13 = vector.broadcast %mul3A : f32 to vector<800x256xf32>
    %mul3A_14 = arith.mulf %mul3A_13, %add3A_10 : vector<800x256xf32>
    %select_n3A = arith.select %ge3A_12, %add3A_10, %mul3A_14 : vector<800x256xi1>, vector<800x256xf32>
    %get3A_15 = arith.constant 0 : index
    %get3A_16 = arith.constant 0 : index
    %get3A_17 = vector.load %arg4[%get3A_15, %get3A_16] : memref<256x64xf32, #tpu.memory_space<vmem>>, vector<256x64xf32>
    %dot_general3A_18 = arith.constant dense<0.000000e+00> : vector<800x64xf32>
    %dot_general3A_19 = tpu.matmul %select_n3A, %get3A_17, %dot_general3A_18 {dimension_numbers = #tpu.dot_dimension_numbers<[1], [0], [0], [1], [0, 0, 1, 1], [], []>, transpose_lhs_hint = false} : vector<800x256xf32>, vector<256x64xf32>, vector<800x64xf32> -> vector<800x64xf32>
    %get3A_20 = arith.constant 0 : index
    %get3A_21 = arith.constant 0 : index
    %get3A_22 = vector.load %arg5[%get3A_20, %get3A_21] : memref<1x64xf32, #tpu.memory_space<vmem>>, vector<1x64xf32>
    %add3A_23 = vector.broadcast %get3A_22 : vector<1x64xf32> to vector<800x64xf32>
    %add3A_24 = arith.addf %dot_general3A_19, %add3A_23 : vector<800x64xf32>
    %get3A_25 = arith.constant 0 : index
    %get3A_26 = arith.constant 0 : index
    %get3A_27 = vector.load %arg6[%get3A_25, %get3A_26] : memref<800x64xf32, #tpu.memory_space<vmem>>, vector<800x64xf32>
    %concatenate3A = tpu.concatenate %add3A_24, %get3A_27 in 1 : vector<800x64xf32>, vector<800x64xf32> -> vector<800x128xf32>
    %swap3A = arith.constant 0 : index
    %swap3A_28 = arith.constant 0 : index
    %swap3A_29 = vector.load %arg7[%swap3A, %swap3A_28] : memref<800x128xf32, #tpu.memory_space<vmem>>, vector<800x128xf32>
    tpu.vector_store %arg7[%swap3A, %swap3A_28], %concatenate3A {strides = array<i32>} : memref<800x128xf32, #tpu.memory_space<vmem>>, vector<800x128xf32>,
    return
  }
  func.func @transform_0(%arg0: i32) -> (i32, i32) {
    %c0_i32 = arith.constant 0 : i32
    %c0_i32_0 = arith.constant 0 : i32
    return %arg0, %c0_i32 : i32, i32
  }
  func.func @transform_1(%arg0: i32) -> (i32, i32) {
    %c0_i32 = arith.constant 0 : i32
    %c0_i32_0 = arith.constant 0 : i32
    %c0_i32_1 = arith.constant 0 : i32
    return %c0_i32, %c0_i32_0 : i32, i32
  }
  func.func @transform_2(%arg0: i32) -> (i32, i32) {
    %c0_i32 = arith.constant 0 : i32
    %c0_i32_0 = arith.constant 0 : i32
    %c0_i32_1 = arith.constant 0 : i32
    return %c0_i32, %c0_i32_0 : i32, i32
  }
  func.func @transform_3(%arg0: i32) -> (i32, i32) {
    %c0_i32 = arith.constant 0 : i32
    %c0_i32_0 = arith.constant 0 : i32
    %c0_i32_1 = arith.constant 0 : i32
    return %c0_i32, %c0_i32_0 : i32, i32
  }
  func.func @transform_4(%arg0: i32) -> (i32, i32) {
    %c0_i32 = arith.constant 0 : i32
    %c0_i32_0 = arith.constant 0 : i32
    %c0_i32_1 = arith.constant 0 : i32
    return %c0_i32, %c0_i32_0 : i32, i32
  }
  func.func @transform_5(%arg0: i32) -> (i32, i32) {
    %c0_i32 = arith.constant 0 : i32
    %c0_i32_0 = arith.constant 0 : i32
    return %arg0, %c0_i32 : i32, i32
  }
  func.func @transform_6(%arg0: i32) -> (i32, i32) {
    %c0_i32 = arith.constant 0 : i32
    %c0_i32_0 = arith.constant 0 : i32
    return %arg0, %c0_i32 : i32, i32
  }
}

module attributes {stable_mosaic.version = 14 : i64} {
  func.func @_fin_body(%arg0: memref<4096x20xf32, #tpu.memory_space<vmem>>, %arg1: memref<4096x20xf32, #tpu.memory_space<vmem>>, %arg2: memref<4096x20xf32, #tpu.memory_space<vmem>>, %arg3: memref<4096x20xf32, #tpu.memory_space<vmem>>, %arg4: memref<4096x20xf32, #tpu.memory_space<vmem>>, %arg5: memref<1x1xf32, #tpu.memory_space<vmem>>, %arg6: memref<1x1xf32, #tpu.memory_space<vmem>>) attributes {dimension_semantics = [], scalar_prefetch = 0 : i64, scratch_operands = 0 : i64, tpu.core_type = #tpu.core_type<tc>} {
    %get3A = arith.constant 0 : index
    %get3A_0 = arith.constant 0 : index
    %get3A_1 = vector.load %arg2[%get3A, %get3A_0] : memref<4096x20xf32, #tpu.memory_space<vmem>>, vector<4096x20xf32>
    %slice3A = vector.extract_strided_slice %get3A_1 {offsets = [0, 0], sizes = [4096, 1], strides = [1, 1]} : vector<4096x20xf32> to vector<4096x1xf32>
    %sqrt3A = math.sqrt %slice3A : vector<4096x1xf32>
    %max3A = arith.constant 9.99999996E-13 : f32
    %max3A_2 = vector.broadcast %max3A : f32 to vector<4096x1xf32>
    %max3A_3 = arith.maximumf %sqrt3A, %max3A_2 : vector<4096x1xf32>
    %get3A_4 = arith.constant 0 : index
    %get3A_5 = arith.constant 0 : index
    %get3A_6 = vector.load %arg1[%get3A_4, %get3A_5] : memref<4096x20xf32, #tpu.memory_space<vmem>>, vector<4096x20xf32>
    %sqrt3A_7 = math.sqrt %get3A_6 : vector<4096x20xf32>
    %max3A_8 = arith.constant 9.99999996E-13 : f32
    %max3A_9 = vector.broadcast %max3A_8 : f32 to vector<4096x20xf32>
    %max3A_10 = arith.maximumf %sqrt3A_7, %max3A_9 : vector<4096x20xf32>
    %mul3A = vector.broadcast %max3A_3 : vector<4096x1xf32> to vector<4096x20xf32>
    %mul3A_11 = arith.mulf %mul3A, %max3A_10 : vector<4096x20xf32>
    %get3A_12 = arith.constant 0 : index
    %get3A_13 = arith.constant 0 : index
    %get3A_14 = vector.load %arg0[%get3A_12, %get3A_13] : memref<4096x20xf32, #tpu.memory_space<vmem>>, vector<4096x20xf32>
    %mul3A_15 = arith.constant 2.000000e+00 : f32
    %mul3A_16 = vector.broadcast %mul3A_15 : f32 to vector<4096x20xf32>
    %mul3A_17 = arith.mulf %mul3A_11, %mul3A_16 : vector<4096x20xf32>
    %div3A = arith.divf %get3A_14, %mul3A_17 : vector<4096x20xf32>
    %exp3A = math.exp %div3A : vector<4096x20xf32>
    %reduce_sum3A = arith.constant dense<0.000000e+00> : vector<4096xf32>
    %reduce_sum3A_18 = vector.multi_reduction <add>, %exp3A, %reduce_sum3A [1] : vector<4096x20xf32> to vector<4096xf32>
    %broadcast_in_dim3A = vector.shape_cast %reduce_sum3A_18 : vector<4096xf32> to vector<4096x1xf32>
    %log3A = math.log %broadcast_in_dim3A : vector<4096x1xf32>
    %slice3A_19 = vector.extract_strided_slice %exp3A {offsets = [0, 0], sizes = [4096, 1], strides = [1, 1]} : vector<4096x20xf32> to vector<4096x1xf32>
    %log3A_20 = math.log %slice3A_19 : vector<4096x1xf32>
    %sub3A = arith.subf %log3A, %log3A_20 : vector<4096x1xf32>
    %reduce_sum3A_21 = vector.shape_cast %sub3A : vector<4096x1xf32> to vector<1x4096x1xf32>
    %reduce_sum3A_22 = arith.constant dense<0.000000e+00> : vector<1xf32>
    %reduce_sum3A_23 = vector.multi_reduction <add>, %reduce_sum3A_21, %reduce_sum3A_22 [1, 2] : vector<1x4096x1xf32> to vector<1xf32>
    %reduce_sum3A_24 = vector.shape_cast %reduce_sum3A_23 : vector<1xf32> to vector<1x1x1xf32>
    %reduce_sum3A_25 = vector.extract %reduce_sum3A_24[0, 0, 0] : f32 from vector<1x1x1xf32>
    %div3A_26 = arith.constant 4.096000e+03 : f32
    %div3A_27 = arith.divf %reduce_sum3A_25, %div3A_26 : f32
    %get3A_28 = arith.constant 0 : index
    %get3A_29 = arith.constant 0 : index
    %get3A_30 = vector.load %arg4[%get3A_28, %get3A_29] : memref<4096x20xf32, #tpu.memory_space<vmem>>, vector<4096x20xf32>
    %div3A_31 = arith.constant 2.000000e+00 : f32
    %div3A_32 = vector.broadcast %div3A_31 : f32 to vector<4096x20xf32>
    %div3A_33 = arith.divf %get3A_30, %div3A_32 : vector<4096x20xf32>
    %exp3A_34 = math.exp %div3A_33 : vector<4096x20xf32>
    %reduce_sum3A_35 = arith.constant dense<0.000000e+00> : vector<4096xf32>
    %reduce_sum3A_36 = vector.multi_reduction <add>, %exp3A_34, %reduce_sum3A_35 [1] : vector<4096x20xf32> to vector<4096xf32>
    %broadcast_in_dim3A_37 = vector.shape_cast %reduce_sum3A_36 : vector<4096xf32> to vector<4096x1xf32>
    %log3A_38 = math.log %broadcast_in_dim3A_37 : vector<4096x1xf32>
    %slice3A_39 = vector.extract_strided_slice %exp3A_34 {offsets = [0, 0], sizes = [4096, 1], strides = [1, 1]} : vector<4096x20xf32> to vector<4096x1xf32>
    %log3A_40 = math.log %slice3A_39 : vector<4096x1xf32>
    %sub3A_41 = arith.subf %log3A_38, %log3A_40 : vector<4096x1xf32>
    %reduce_sum3A_42 = vector.shape_cast %sub3A_41 : vector<4096x1xf32> to vector<1x4096x1xf32>
    %reduce_sum3A_43 = arith.constant dense<0.000000e+00> : vector<1xf32>
    %reduce_sum3A_44 = vector.multi_reduction <add>, %reduce_sum3A_42, %reduce_sum3A_43 [1, 2] : vector<1x4096x1xf32> to vector<1xf32>
    %reduce_sum3A_45 = vector.shape_cast %reduce_sum3A_44 : vector<1xf32> to vector<1x1x1xf32>
    %reduce_sum3A_46 = vector.extract %reduce_sum3A_45[0, 0, 0] : f32 from vector<1x1x1xf32>
    %div3A_47 = arith.constant 4.096000e+03 : f32
    %div3A_48 = arith.divf %reduce_sum3A_46, %div3A_47 : f32
    %get3A_49 = arith.constant 0 : index
    %get3A_50 = arith.constant 0 : index
    %get3A_51 = vector.load %arg3[%get3A_49, %get3A_50] : memref<4096x20xf32, #tpu.memory_space<vmem>>, vector<4096x20xf32>
    %sqrt3A_52 = math.sqrt %get3A_51 : vector<4096x20xf32>
    %reduce_sum3A_53 = vector.shape_cast %sqrt3A_52 : vector<4096x20xf32> to vector<1x4096x20xf32>
    %reduce_sum3A_54 = arith.constant dense<0.000000e+00> : vector<1xf32>
    %reduce_sum3A_55 = vector.multi_reduction <add>, %reduce_sum3A_53, %reduce_sum3A_54 [1, 2] : vector<1x4096x20xf32> to vector<1xf32>
    %reduce_sum3A_56 = vector.shape_cast %reduce_sum3A_55 : vector<1xf32> to vector<1x1x1xf32>
    %reduce_sum3A_57 = vector.extract %reduce_sum3A_56[0, 0, 0] : f32 from vector<1x1x1xf32>
    %div3A_58 = arith.constant 8.192000e+04 : f32
    %div3A_59 = arith.divf %reduce_sum3A_57, %div3A_58 : f32
    %sqrt3A_60 = math.sqrt %get3A_1 : vector<4096x20xf32>
    %reduce_sum3A_61 = vector.shape_cast %sqrt3A_60 : vector<4096x20xf32> to vector<1x4096x20xf32>
    %reduce_sum3A_62 = arith.constant dense<0.000000e+00> : vector<1xf32>
    %reduce_sum3A_63 = vector.multi_reduction <add>, %reduce_sum3A_61, %reduce_sum3A_62 [1, 2] : vector<1x4096x20xf32> to vector<1xf32>
    %reduce_sum3A_64 = vector.shape_cast %reduce_sum3A_63 : vector<1xf32> to vector<1x1x1xf32>
    %reduce_sum3A_65 = vector.extract %reduce_sum3A_64[0, 0, 0] : f32 from vector<1x1x1xf32>
    %div3A_66 = arith.constant 8.192000e+04 : f32
    %div3A_67 = arith.divf %reduce_sum3A_65, %div3A_66 : f32
    %add3A = arith.addf %div3A_59, %div3A_67 : f32
    %div3A_68 = arith.constant 2.000000e+00 : f32
    %div3A_69 = arith.divf %add3A, %div3A_68 : f32
    %mul3A_70 = arith.constant 5.000000e-01 : f32
    %mul3A_71 = arith.mulf %div3A_27, %mul3A_70 : f32
    %mul3A_72 = arith.constant 5.000000e-01 : f32
    %mul3A_73 = arith.mulf %div3A_48, %mul3A_72 : f32
    %add3A_74 = arith.addf %mul3A_71, %mul3A_73 : f32
    %reshape3A = vector.broadcast %add3A_74 : f32 to vector<1x1xf32>
    %swap3A = arith.constant 0 : index
    %swap3A_75 = arith.constant 0 : index
    %swap3A_76 = vector.load %arg5[%swap3A, %swap3A_75] : memref<1x1xf32, #tpu.memory_space<vmem>>, vector<1x1xf32>
    tpu.vector_store %arg5[%swap3A, %swap3A_75], %reshape3A {strides = array<i32>} : memref<1x1xf32, #tpu.memory_space<vmem>>, vector<1x1xf32>,
    %reshape3A_77 = vector.broadcast %div3A_69 : f32 to vector<1x1xf32>
    %swap3A_78 = arith.constant 0 : index
    %swap3A_79 = arith.constant 0 : index
    %swap3A_80 = vector.load %arg6[%swap3A_78, %swap3A_79] : memref<1x1xf32, #tpu.memory_space<vmem>>, vector<1x1xf32>
    tpu.vector_store %arg6[%swap3A_78, %swap3A_79], %reshape3A_77 {strides = array<i32>} : memref<1x1xf32, #tpu.memory_space<vmem>>, vector<1x1xf32>,
    return
  }
}

</mosaic_0001>

<sc_bundles>
// kernel: kernel.5.cloned.1.call-start
scs
__scs_entry_jumppad:
0x0: {  	(pc) =	sbr.rel $0x88, $3  }
0x1: {  	(tag) =	ssettag $0x0;
	lr =	simm.s32 $0x1  }
0x2: {  	[smem:$0x3F97] =	sst lr;
	_ =	strace $0xD0000000  }
0x3: {  	_ = 	snop  }
0x4: {  	_ = 	snop  }
0x5: {  	_ = 	snop  }
0x6: {  	_ = 	snop  }
0x7: {  	_ = 	snop  }
__scs_overlays_trampoline_lowered:
0x8: {  	[smem:$0x3FA6] =	sst s0  }
0x9: {  	[smem:$0x3FA7] =	sst s1  }
0xa: {  	[smem:$0x3FA8] =	sst s2  }
0xb: {  	[smem:$0x3FA9] =	sst s3  }
0xc: {  	[smem:$0x3FAA] =	sst s4  }
0xd: {  	[smem:$0x3FAB] =	sst s5  }
0xe: {  	[smem:$0x3FAC] =	sst s6  }
0xf: {  	[smem:$0x3FAD] =	sst s7  }
0x10: {  	[smem:$0x3FAE] =	sst s8  }
0x11: {  	[smem:$0x3FAF] =	sst s9;
	s0 =	simm.s32 @!p0 $0x0  }
0x12: {  	s1 =	sld [smem:$0x3F95];
	s0 =	simm.s32 @p0 $0x1  }
0x13: {  	[smem:$0x3FB0] =	sst s0;
	s0 =	simm.s32 @!p1 $0x0  }
0x14: {  	s2 =	sld [smem:$0x3F94];
	s0 =	simm.s32 @p1 $0x1  }
0x15: {  	[smem:$0x3FB1] =	sst s0;
	s0 =	simm.s32 @!p2 $0x0  }
0x16: {  	s3 =	sld [smem:$0x3FDB];
	s0 =	simm.s32 @p2 $0x1  }
0x17: {  	s4 =	simm.s32 $0x1BF5;
	[smem:$0x3FB3] =	sst s0  }
0x18: {  	s0 =	sld [smem:$0x3F96];
	_ =	swait.ge [sflag:s4], $0x0  }
0x19: {  	s7 =	sld [smem:$0x3F97]  }
0x1a: {  	s8 =	sadd.s32 $0xFFFFE003, lr  }
0x1b: {  	s9 =	sadd.s32 $0xFFFFFEF7, lr;
	s5 =	simm.s32 $0xFFFFFFFF;
	p2 =	slt.u32 s8, $0xFFFFF086  }
0x1c: {  	p1 =	slt.u32 s9, $0xF7A;
	s5 =	simm.s32 @!p2 $0x0  }
0x1d: {  	s5 =	simm.s32 @p1 $0x1;
	p0 =	seq.s32 s7, s2  }
0x1e: {  	s7 =	smul.u32 @!p0 $0xF7A, s2;
	p2 =	seq.s32 @!p0 s5, $0x0  }
0x1f: {  	s9 =	smul.u32 $0xF7A, s1;
	s8 =	simm.s32 @!p0 $0x1BF5;
	p2 =	por !p2, p0  }
0x20: {  	[sflag:s8] =	ssyncset.s32 @!p0 $0xFFFFF086;
	s6 =	sadd.s32 @!p0 s3, s7;
	s7 =	simm.s32 @!p0 $0x108  }
0x21: {  	s3 =	sadd.s32 s3, s9;
	s6 =	sadd.s32 @!p0 $0x88, s6;
	s7 =	simm.s32 @p2 $0x1082  }
0x22: {  	[simem:s7], [sflag:s8] =	dma.local @!p0 [hbm:s6], $0xF7A  }
0x23: {  	s9 =	sor.u32 $0xD0000000, s2;
	s6 =	simm.s32 $0x108;
	_ =	swait.ge @!p0 [sflag:s8], $0x0  }
0x24: {  	s3 =	sadd.s32 $0x88, s3;
	s6 =	simm.s32 @!p1 $0x1082;
	[sflag:s4] =	ssyncset.s32 $0xFFFFF086  }
0x25: {  	[simem:s6], [sflag:s4] =	dma.local [hbm:s3], $0xF7A  }
0x26: {  	[smem:$0x3F97] =	sst s1;
	(tag) =	ssettag s2;
	_ =	strace s9  }
0x27: {  	s1 =	sld [smem:$0x3FA7]  }
0x28: {  	s2 =	sld [smem:$0x3FA8]  }
0x29: {  	s4 =	sld [smem:$0x3FAA]  }
0x2a: {  	p0 =	seq.s32 s5, $0x0;
	s5 =	sld [smem:$0x3FAB]  }
0x2b: {  	s6 =	sld [smem:$0x3FAC]  }
0x2c: {  	s7 =	sld [smem:$0x3FAD]  }
0x2d: {  	s3 =	simm.s32 $0x108;
	s8 =	sld [smem:$0x3FAE]  }
0x2e: {  	s3 =	simm.s32 @!p0 $0x1082;
	s9 =	sld [smem:$0x3FAF]  }
0x2f: {  	lr =	sadd.s32 s0, s3;
	s0 =	sld [smem:$0x3FA6]  }
0x30: {  	s3 =	sld [smem:$0x3FA9]  }
0x31: {  	[smem:$0x3FB2] =	sst s10  }
0x32: {  	s10 =	sld [smem:$0x3FB0];
	_ =	sdelay $0x3  }
0x33: {  	p0 =	seq.s32 s10, $0x1;
	s10 =	sld [smem:$0x3FB2];
	_ =	sdelay $0x3  }
0x34: {  	[smem:$0x3FB2] =	sst s10  }
0x35: {  	s10 =	sld [smem:$0x3FB1];
	_ =	sdelay $0x3  }
0x36: {  	p1 =	seq.s32 s10, $0x1;
	s10 =	sld [smem:$0x3FB2];
	_ =	sdelay $0x3  }
0x37: {  	[smem:$0x3FB2] =	sst s10  }
0x38: {  	s10 =	sld [smem:$0x3FB3]  }
0x39: {  	_ = 	snop;
	(pc) =	sbr.ind lr, $3  }
0x3a: {  	_ = 	snop  }
0x3b: {  	_ = 	snop  }
0x3c: {  	p2 =	seq.s32 s10, $0x1;
	s10 =	sld [smem:$0x3FB2]  }
0x3d: {  	_ =	shalt  }
0x3e: {  	_ =	shalt  }
0x3f: {  	_ =	shalt  }
0x40: {  	_ =	shalt  }
0x41: {  	_ =	shalt  }
0x42: {  	_ =	shalt  }
0x43: {  	_ =	shalt  }
0x44: {  	_ =	shalt  }
0x45: {  	_ =	shalt  }
0x46: {  	_ =	shalt  }
0x47: {  	_ =	shalt  }
0x48: {  	_ =	shalt  }
0x49: {  	_ =	shalt  }
0x4a: {  	_ =	shalt  }
0x4b: {  	_ =	shalt  }
0x4c: {  	_ =	shalt  }
0x4d: {  	_ =	shalt  }
0x4e: {  	_ =	shalt  }
0x4f: {  	_ =	shalt  }
0x50: {  	_ =	shalt  }
0x51: {  	_ =	shalt  }
0x52: {  	_ =	shalt  }
0x53: {  	_ =	shalt  }
0x54: {  	_ =	shalt  }
0x55: {  	_ =	shalt  }
0x56: {  	_ =	shalt  }
0x57: {  	_ =	shalt  }
0x58: {  	_ =	shalt  }
0x59: {  	_ =	shalt  }
0x5a: {  	_ =	shalt  }
0x5b: {  	_ =	shalt  }
0x5c: {  	_ =	shalt  }
0x5d: {  	_ =	shalt  }
0x5e: {  	_ =	shalt  }
0x5f: {  	_ =	shalt  }
0x60: {  	_ =	shalt  }
0x61: {  	_ =	shalt  }
0x62: {  	_ =	shalt  }
0x63: {  	_ =	shalt  }
0x64: {  	_ =	shalt  }
0x65: {  	_ =	shalt  }
0x66: {  	_ =	shalt  }
0x67: {  	_ =	shalt  }
0x68: {  	_ =	shalt  }
0x69: {  	_ =	shalt  }
0x6a: {  	_ =	shalt  }
0x6b: {  	_ =	shalt  }
0x6c: {  	_ =	shalt  }
0x6d: {  	_ =	shalt  }
0x6e: {  	_ =	shalt  }
0x6f: {  	_ =	shalt  }
0x70: {  	_ =	shalt  }
0x71: {  	_ =	shalt  }
0x72: {  	_ =	shalt  }
0x73: {  	_ =	shalt  }
0x74: {  	_ =	shalt  }
0x75: {  	_ =	shalt  }
0x76: {  	_ =	shalt  }
0x77: {  	_ =	shalt  }
0x78: {  	_ =	shalt  }
0x79: {  	_ =	shalt  }
0x7a: {  	_ =	shalt  }
0x7b: {  	_ =	shalt  }
0x7c: {  	_ =	shalt  }
0x7d: {  	_ =	shalt  }
0x7e: {  	_ =	shalt  }
0x7f: {  	_ =	shalt  }
0x80: {  	_ =	shalt  }
0x81: {  	_ =	shalt  }
0x82: {  	_ =	shalt  }
0x83: {  	_ =	shalt  }
0x84: {  	_ =	shalt  }
0x85: {  	_ =	shalt  }
0x86: {  	_ =	shalt  }
0x87: {  	_ =	shalt  }
.Lfunc_end0:
.L_simem_size_0:
called_computation_lowered:
.L_overlay_start_0:
0x88: {  	s2 =	sld [smem:$0x3FD9]  }
0x89: {  	s3 =	sld [smem:$0x3FFE];
	_ =	sdelay $0x1  }
0x8a: {  	s1 =	srdreg.scid  }
0x8b: {  	s0 =	sand.u32 $0x1, s1  }
0x8c: {  	s17 =	sshll.u32 s0, $0xA;
	s2 =	sadd.s32 s3, s2  }
0x8d: {  	s2 =	sadd.s32 s2, s17  }
0x8e: {  	[smem:$0x3FBE] =	sst s2  }
0x8f: {  	_ = 	snop  }
0x90: {  	s2 =	sld [smem:$0x3FC7];
	(tm) =	ssettm $0x1  }
0x91: {  	s18 =	sld [smem:$0x3FFB];
	_ =	sdelay $0x3  }
0x92: {  	_ =	strace s18  }
0x93: {  	s3 =	sld [smem:$0x3FFC];
	_ =	sdelay $0x3  }
0x94: {  	_ =	strace s3  }
0x95: {  	s3 =	sld [smem:$0x3FFD];
	_ =	sdelay $0x3  }
0x96: {  	_ =	strace s3  }
0x97: {  	_ =	strace $0x8FFFFFFF  }
0x98: {  	s19 =	sld [smem:$0x3FDB];
	_ =	sdelay $0x1  }
0x99: {  	s4 =	simm.s32 $_scs_section_size  }
0x9a: {  	s5 =	simm.s32 $_size__tile_overlayer_lowered;
	s6 =	simm.s32 $_tile_overlayer_lowered  }
0x9b: {  	s22 =	simm.s32 $0x1BFF;
	s21 =	sshll.u32 s6, $0x1;
	s3 =	sadd.s32 s4, s19  }
0x9c: {  	s7 =	simm.s32 $0x0;
	s20 =	sshll.u32 s5, $0x1;
	s5 =	sadd.s32 s21, s3  }
0x9d: {  	[timem:s7], [sflag:s22] =	dma.local [hbm:s5], s20  }
0x9e: {  	_ =	swait.ge [sflag:s22], s20  }
0x9f: {  	s4 =	ssub.s32 $0x0, s20;
	[sflag:s22] =	ssyncset.done $0x0  }
0xa0: {  	[sflag:s22] =	ssyncadd.s32 s4;
	_ =	sdelay $0x1  }
0xa1: {  	s23 =	simm.s32 $0x1B8B  }
0xa2: {  	_ =	swait.ge [sflag:s23], $0x1  }
0xa3: {  	[sflag:s23] =	ssyncset.done $0x0  }
0xa4: {  	s25 =	simm.s32 $0x1B8E;
	s24 =	sld [smem:$0x3FFE];
	[sflag:s23] =	ssyncadd.s32 $0xFFFFFFFF  }
0xa5: {  	s26 =	simm.s32 $execute0_lowered;
	[smem:$0x3FD2] =	sst s25  }
0xa6: {  	s5 =	sshll.u32 s26, $0x1;
	_ =	strace $0x80000046;
	[dreg:$0x1] =	wrdreg $0xFFFFFFFF  }
0xa7: {  	s28 =	simm.s32 $_size_execute0_lowered;
	s3 =	sadd.s32 s3, s5;
	[dreg:$0x0] =	wrdreg $0x0  }
0xa8: {  	s5 =	sshll.u32 s28, $0x1;
	[dreg:$0x2] =	wrdreg s3  }
0xa9: {  	[dreg:$0x3] =	wrdreg s5  }
0xaa: {  	[dreg:$0x4] =	wrdreg $0xC0  }
0xab: {  	_ =	task [dreg:s7], $0x5FFFF  }
0xac: {  	[dreg:$0x1] =	wrdreg $0xFFFFFFFF  }
0xad: {  	[dreg:$0x0] =	wrdreg $0x60  }
0xae: {  	[dreg:$0x2] =	wrdreg s24  }
0xaf: {  	[dreg:$0x3] =	wrdreg s2  }
0xb0: {  	[dreg:$0x4] =	wrdreg $0x9  }
0xb1: {  	_ =	task.clear_ibuf [dreg:s7], $0x5FFFF;
	_ =	strace $0x90000046  }
0xb2: {  	s29 =	simm.s32 $0x9;
	_ =	strace $0x80000048  }
0xb3: {  	_ =	swait.ge [sflag:s29], $0x1  }
0xb4: {  	[sflag:s29] =	ssyncadd.s32 $0xFFFFFFFF  }
0xb5: {  	_ =	strace $0x90000048  }
0xb6: {  	_ =	sfence  }
0xb7: {  	s30 =	sld [smem:$0x0];
	_ =	sdelay $0x2  }
0xb8: {  	s31 =	sshll.u32 s1, $0xD;
	s1 =	sshrl.u32 s1, $0x2  }
0xb9: {  	s3 =	sand.u32 $0x4000, s31;
	s1 =	sadd.s32 s1, s30  }
0xba: {  	s0 =	sor.u32 s3, s0;
	s1 =	sshll.u32 s1, $0x11  }
0xbb: {  	s0 =	sor.u32 s1, s0  }
0xbc: {  	s0 =	sadd.s32 $0x8F2B, s0  }
0xbd: {  	[sflag:s0] =	ssyncadd.remote.s32 $0x1  }
0xbe: {  	_ =	sfence.sel $0xFFFF  }
0xbf: {  	[dreg:$0x0] =	wrdreg $0xFFFFFFFF;
	(pc) =	sbr.abs _section_cstart, $3  }
0xc0: {  	[dreg:$0x1] =	wrdreg $0xFFFFFFFF  }
0xc1: {  	_ =	task.clear_ibuf [dreg:s7], $0x2FFFF;
	_ =	strace $0x9FFFFFFF  }
0xc2: {  	(tm) =	ssettm $0x7FFFFFFF  }
0xc3: {  	_ =	shalt  }
tec
execute0_lowered:
.L_overlay_start_1:
0x0: {  	(tag) =	ssettag $0x1  }
0x1: {  	v0 =	vimm.s32 $0x34333231;
	v1 =	vimm.s32 $0x38373635  }
0x2: {  	vm0 =	vcmask $0x1F10;
	v2 =	vimm.s32 $0x74737271;
	v4 =	vimm.s32 $0x78777675  }
0x3: {  	v5 =	vimm.s32 $0x3F3E3D;
	v6 =	vimm.s32 $0x3B3A3938;
	v0 =	vunpack.c.0.s8.s32 v0  }
0x4: {  	v14 =	vunpack.c.0.s8.s32 v1;
	v1 =	vimm.s32 $0x3C3B3A39;
	v2 =	vunpack.c.0.s8.s32 v2  }
0x5: {  	v18 =	vunpack.c.0.s8.s32 v4;
	v23 =	vunpack.c.0.s8.s32 v5;
	v4 =	vimm.s32 $0x3A393837  }
0x6: {  	v5 =	vimm.s32 $0x41407F7E;
	v41 =	vunpack.c.0.s8.s32 v6;
	v21 =	vunpack.c.0.s8.s32 v1  }
0x7: {  	v1 =	vimm.s32 $0x39383736;
	v32 =	vunpack.c.0.s8.s32 v4;
	v35 =	vunpack.c.0.s8.s32 v5  }
0x8: {  	v4 =	vimm.s32 $0x3F3E3D3C;
	v5 =	vimm.s32 $0x37363534;
	v19 =	vsel vm0, v14, v0  }
0x9: {  	v24 =	vsel vm0, v18, v2;
	v0 =	vimm.s32 $0x35343332;
	v2 =	vimm.s32 $0x7C7B7A79  }
0xa: {  	v25 =	vunpack.c.0.s8.s32 v1;
	v1 =	vimm.s32 $0x407F7E7D;
	v40 =	vunpack.c.0.s8.s32 v4  }
0xb: {  	v0 =	vunpack.c.0.s8.s32 v0;
	v26 =	vunpack.c.0.s8.s32 v2;
	v2 =	vimm.s32 $0x3D3C3B3A  }
0xc: {  	v27 =	vunpack.c.0.s8.s32 v1;
	v1 =	vimm.s32 $0x75747372;
	v29 =	vunpack.c.0.s8.s32 v2  }
0xd: {  	v2 =	vimm.s32 $0x79787776;
	v28 =	vsel vm0, v25, v0;
	v0 =	vimm.s32 $0x1003F3E  }
0xe: {  	v31 =	vunpack.c.0.s8.s32 v2;
	v2 =	vimm.s32 $0x36353433;
	v30 =	vunpack.c.0.s8.s32 v0  }
0xf: {  	v0 =	vunpack.c.0.s8.s32 v1;
	v1 =	vimm.s32 $0x7D7C7B7A;
	v2 =	vunpack.c.0.s8.s32 v2  }
0x10: {  	v4 =	vunpack.c.0.s8.s32 v5;
	v34 =	vunpack.c.0.s8.s32 v1;
	v1 =	vimm.s32 $0x201003F  }
0x11: {  	v33 =	vsel vm0, v31, v0;
	v36 =	vsel vm0, v32, v2;
	v0 =	vimm.s32 $0x3E3D3C3B  }
0x12: {  	v38 =	vunpack.c.0.s8.s32 v1;
	v1 =	vimm.s32 $0x7A797877;
	v2 =	vimm.s32 $0x3020100  }
0x13: {  	v37 =	vunpack.c.0.s8.s32 v0;
	v0 =	vimm.s32 $0x76757473;
	v39 =	vunpack.c.0.s8.s32 v1  }
0x14: {  	v1 =	vimm.s32 $0x7E7D7C7B;
	v2 =	vunpack.c.0.s8.s32 v2;
	v0 =	vunpack.c.0.s8.s32 v0  }
0x15: {  	v43 =	vunpack.c.0.s8.s32 v1;
	v1 =	vsel vm0, v41, v4;
	v4 =	vimm.s32 $0x43424140  }
0x16: {  	v49 =	vunpack.c.0.s8.s32 v4;
	v42 =	vsel vm0, v39, v0;
	v0 =	vimm.s32 $0x4241407F  }
0x17: {  	v44 =	vunpack.c.0.s8.s32 v0;
	v0 =	vsel vm0, v2, v40;
	v2 =	vimm.s32 $0x7F7E7D7C  }
0x18: {  	v45 =	vcombine.low v1, v0;
	v0 =	vimm.s32 $0x77767574;
	v1 =	vimm.s32 $0x7B7A7978  }
0x19: {  	v0 =	vunpack.c.0.s8.s32 v0;
	v46 =	vunpack.c.0.s8.s32 v1;
	v1 =	vimm.s32 $0x4030201  }
0x1a: {  	v48 =	vunpack.c.0.s8.s32 v2;
	v2 =	vimm.s32 $0x45444342;
	v1 =	vunpack.c.0.s8.s32 v1  }
0x1b: {  	v53 =	vunpack.c.0.s8.s32 v2;
	v2 =	vimm.s32 $0x76543210;
	v47 =	vsel vm0, v46, v0  }
0x1c: {  	v0 =	vimm.s32 $0x44434241;
	v50 =	vsel vm0, v1, v23;
	v1 =	vimm.s32 $0x5040302  }
0x1d: {  	v51 =	vunpack.c.0.s8.s32 v0;
	v0 =	vunpack.c.0.s8.s32 v1;
	v1 =	vimm.s32 $0x6050403  }
0x1e: {  	v4 =	vimm.s32 $0x87654321;
	v2 =	vunpack.c.l.s4.s8 v2;
	v1 =	vunpack.c.0.s8.s32 v1  }
0x1f: {  	v52 =	vsel vm0, v0, v30;
	v0 =	vunpack.c.l.s4.s8 v4;
	v4 =	vimm.s32 $0x98765432  }
0x20: {  	v54 =	vsel vm0, v1, v38;
	v1 =	vimm.s32 $0x46454443;
	v4 =	vunpack.c.l.s4.s8 v4  }
0x21: {  	v56 =	vunpack.c.0.s8.s32 v2;
	v55 =	vunpack.c.0.s8.s32 v1;
	v1 =	vimm.s32 $0x47464544  }
0x22: {  	v2 =	vimm.s32 $0x32107654;
	v57 =	vunpack.c.0.s8.s32 v1;
	v1 =	vunpack.c.0.s8.s32 v4  }
0x23: {  	v2 =	vunpack.c.l.s4.s8 v2  }
0x24: {  	v60 =	vand.u32 $0xF, v1;
	v1 =	vimm.s32 $0x49484746  }
0x25: {  	v61 =	vunpack.c.0.s8.s32 v1;
	v1 =	vunpack.c.0.s8.s32 v2;
	v2 =	vimm.s32 $0x43218765  }
0x26: {  	v4 =	vimm.s32 $0xB0A0908;
	v2 =	vunpack.c.l.s4.s8 v2  }
0x27: {  	vm2 =	vcmask $0x2F10;
	v4 =	vunpack.c.0.s8.s32 v4;
	v1 =	vand.u32 $0xF, v1  }
0x28: {  	vm1 =	vcmask $0x3F30;
	v1 =	vsel vm2, v1, v40;
	v2 =	vunpack.c.0.s8.s32 v2  }
0x29: {  	v63 =	vimm.s32 $0x54329876;
	v62 =	vsel vm1, v4, v1;
	v4 =	vimm.s32 $0xC0B0A09  }
0x2a: {  	v6 =	vunpack.c.l.s4.s8 v63;
	v2 =	vand.u32 $0xF, v2;
	v4 =	vunpack.c.0.s8.s32 v4  }
0x2b: {  	s0 =	srdreg.scid;
	v2 =	vsel vm2, v2, v23  }
0x2c: {  	s1 =	sand.u32 $0x1, s0;
	v63 =	vsel vm1, v4, v2;
	v4 =	vunpack.c.0.s8.s32 v6  }
0x2d: {  	s4 =	stileid.u32;
	s0 =	sshll.u32 s1, $0x4;
	v6 =	vimm.s32 $0xD0C0B0A  }
0x2e: {  	s0 =	sor.u32 s4, s0;
	v6 =	vunpack.c.0.s8.s32 v6;
	v4 =	vand.u32 $0xF, v4  }
0x2f: {  	s2 =	smul.u32 $0xA00, s0;
	v4 =	vsel vm2, v4, v30  }
0x30: {  	s20 =	rddreg [dreg:$0x0];
	s9 =	simm.s32 $0x0;
	v4 =	vsel vm1, v6, v4  }
0x31: {  	v3 =	vlaneseq.u32;
	[smem:$0x7FF] =	sst s9;
	v9 =	vmov s2;
	s2 =	sadd.s32 $0xA00, s2;
	[tilespmem:$0x1F9D0] =	vst v4  }
0x32: {  	s8 =	rddreg [dreg:$0x1];
	v13 =	vmul.u32 $0x80, v3;
	v10 =	vmov s2;
	_ =	strace $0x80000047;
	[tilespmem:$0x1FC40] =	vst v9  }
0x33: {  	[tilespmem:$0x1FC50] =	vst v10  }
0x34: {  	v15 =	vor.u32 $0x40, v3;
	[tilespmem:$0x1FC60] =	vst v13  }
0x35: {  	v16 =	vadd.s32 $0x1, v3;
	[tilespmem:$0x1FC70] =	vst v15  }
0x36: {  	v17 =	vadd.s32 $0x41, v3;
	[tilespmem:$0x1FC80] =	vst v16  }
0x37: {  	v22 =	vadd.s32 $0x2, v3;
	[tilespmem:$0x1FC90] =	vst v17  }
0x38: {  	v20 =	vadd.s32 $0x42, v3;
	[tilespmem:$0x1FCA0] =	vst v22  }
0x39: {  	[tilespmem:$0x1FCB0] =	vst v20  }
0x3a: {  	[tilespmem:$0x1FCC0] =	vst v14  }
0x3b: {  	[tilespmem:$0x1FCD0] =	vst v18  }
0x3c: {  	[tilespmem:$0x1FCE0] =	vst v19  }
0x3d: {  	[tilespmem:$0x1FCF0] =	vst v21  }
0x3e: {  	[tilespmem:$0x1FD00] =	vst v23  }
0x3f: {  	[tilespmem:$0x1FD10] =	vst v24  }
0x40: {  	[tilespmem:$0x1FD20] =	vst v25  }
0x41: {  	[tilespmem:$0x1FD30] =	vst v26  }
0x42: {  	[tilespmem:$0x1FD40] =	vst v27  }
0x43: {  	[tilespmem:$0x1FD50] =	vst v28  }
0x44: {  	[tilespmem:$0x1FD60] =	vst v29  }
0x45: {  	[tilespmem:$0x1FD70] =	vst v30  }
0x46: {  	[tilespmem:$0x1FD80] =	vst v31  }
0x47: {  	[tilespmem:$0x1FD90] =	vst v32  }
0x48: {  	[tilespmem:$0x1FDA0] =	vst v33  }
0x49: {  	[tilespmem:$0x1FDB0] =	vst v34  }
0x4a: {  	[tilespmem:$0x1FDC0] =	vst v35  }
0x4b: {  	[tilespmem:$0x1FDD0] =	vst v36  }
0x4c: {  	[tilespmem:$0x1FDE0] =	vst v37  }
0x4d: {  	[tilespmem:$0x1FDF0] =	vst v38  }
0x4e: {  	[tilespmem:$0x1FE00] =	vst v39  }
0x4f: {  	[tilespmem:$0x1FE10] =	vst v40  }
0x50: {  	[tilespmem:$0x1FE20] =	vst v41  }
0x51: {  	[tilespmem:$0x1FE30] =	vst v42  }
0x52: {  	[tilespmem:$0x1FE40] =	vst v43  }
0x53: {  	[tilespmem:$0x1FE50] =	vst v44  }
0x54: {  	[tilespmem:$0x1FE60] =	vst v45  }
0x55: {  	[tilespmem:$0x1FE70] =	vst v46  }
0x56: {  	[tilespmem:$0x1FE80] =	vst v47  }
0x57: {  	[tilespmem:$0x1FE90] =	vst v48  }
0x58: {  	[tilespmem:$0x1FEA0] =	vst v49  }
0x59: {  	[tilespmem:$0x1FEB0] =	vst v50  }
0x5a: {  	[tilespmem:$0x1FEC0] =	vst v51  }
0x5b: {  	[tilespmem:$0x1FED0] =	vst v52  }
0x5c: {  	[tilespmem:$0x1FEE0] =	vst v53  }
0x5d: {  	v0 =	vunpack.c.0.s8.s32 v0;
	[tilespmem:$0x1FEF0] =	vst v54  }
0x5e: {  	[tilespmem:$0x1FF00] =	vst v55  }
0x5f: {  	v7 =	vimm.s32 $0x6543A987;
	v58 =	vand.u32 $0xF, v0;
	v0 =	vimm.s32 $0x48474645;
	[tilespmem:$0x1FF10] =	vst v56  }
0x60: {  	v7 =	vunpack.c.l.s4.s8 v7;
	v59 =	vunpack.c.0.s8.s32 v0;
	[tilespmem:$0x1FF20] =	vst v57  }
0x61: {  	[tilespmem:$0x1FF30] =	vst v58  }
0x62: {  	v7 =	vunpack.c.0.s8.s32 v7;
	v0 =	vimm.s32 $0xA9876543;
	[tilespmem:$0x1FF40] =	vst v59  }
0x63: {  	v8 =	vimm.s32 $0xE0D0C0B;
	v0 =	vunpack.c.l.s4.s8 v0;
	[tilespmem:$0x1FF50] =	vst v60  }
0x64: {  	v8 =	vunpack.c.0.s8.s32 v8;
	v7 =	vand.u32 $0xF, v7;
	[tilespmem:$0x1FF60] =	vst v61  }
0x65: {  	v5 =	vimm.s32 $0x4A494847;
	v0 =	vunpack.c.0.s8.s32 v0;
	v6 =	vsel vm2, v7, v38;
	[tilespmem:$0x1FF70] =	vst v62  }
0x66: {  	v5 =	vunpack.c.0.s8.s32 v5;
	v1 =	vimm.s32 $0x4B4A4948;
	v7 =	vsel vm1, v8, v6;
	[tilespmem:$0x1FF80] =	vst v63  }
0x67: {  	v1 =	vunpack.c.0.s8.s32 v1;
	v2 =	vimm.s32 $0x4C4B4A49;
	v8 =	vand.u32 $0xF, v0;
	[tilespmem:$0x1FF90] =	vst v7  }
0x68: {  	v2 =	vunpack.c.0.s8.s32 v2;
	v6 =	vimm.s32 $0x4E4D4C4B;
	[tilespmem:$0x1FFA0] =	vst v8  }
0x69: {  	v1 =	vsel vm0, v1, v57;
	v4 =	vimm.s32 $0x4D4C4B4A;
	v0 =	vunpack.c.0.s8.s32 v6;
	[tilespmem:$0x1FFB0] =	vst v5  }
0x6a: {  	v2 =	vsel vm0, v2, v59;
	v4 =	vunpack.c.0.s8.s32 v4;
	[tilespmem:$0x1FFC0] =	vst v1  }
0x6b: {  	[tilespmem:$0x1FFD0] =	vst v2;
	v6 =	vsel vm0, v0, v5;
	v0 =	vadd.s32 $0x3, v3  }
0x6c: {  	v4 =	vsel vm0, v4, v61;
	[tilespmem:$0x1F9E0] =	vst v0  }
0x6d: {  	[tilespmem:$0x1FFE0] =	vst v4  }
0x6e: {  	v0 =	vadd.s32 $0x43, v3;
	[tilespmem:$0x1FFF0] =	vst v6  }
0x6f: {  	[tilespmem:$0x1F9F0] =	vst v0;
	v0 =	vadd.s32 $0x4, v3  }
0x70: {  	[tilespmem:$0x1FA00] =	vst v0;
	v0 =	vadd.s32 $0x44, v3  }
0x71: {  	[tilespmem:$0x1FA10] =	vst v0;
	v0 =	vadd.s32 $0x5, v3  }
0x72: {  	[tilespmem:$0x1FA20] =	vst v0;
	v0 =	vadd.s32 $0x45, v3  }
0x73: {  	[tilespmem:$0x1FA30] =	vst v0;
	v0 =	vadd.s32 $0x6, v3  }
0x74: {  	[tilespmem:$0x1FA40] =	vst v0;
	v0 =	vadd.s32 $0x46, v3  }
0x75: {  	[tilespmem:$0x1FA50] =	vst v0;
	v0 =	vadd.s32 $0x7, v3  }
0x76: {  	[tilespmem:$0x1FA60] =	vst v0;
	v0 =	vadd.s32 $0x47, v3  }
0x77: {  	[tilespmem:$0x1FA70] =	vst v0;
	v0 =	vadd.s32 $0x8, v3  }
0x78: {  	[tilespmem:$0x1FA80] =	vst v0;
	v0 =	vadd.s32 $0x48, v3  }
0x79: {  	[tilespmem:$0x1FA90] =	vst v0;
	v0 =	vadd.s32 $0x9, v3  }
0x7a: {  	[tilespmem:$0x1FAA0] =	vst v0;
	v0 =	vadd.s32 $0x49, v3  }
0x7b: {  	[tilespmem:$0x1FAB0] =	vst v0;
	v0 =	vadd.s32 $0xA, v3  }
0x7c: {  	[tilespmem:$0x1FAC0] =	vst v0;
	v0 =	vadd.s32 $0x4A, v3  }
0x7d: {  	[tilespmem:$0x1FAD0] =	vst v0;
	v0 =	vadd.s32 $0xB, v3  }
0x7e: {  	[tilespmem:$0x1FAE0] =	vst v0;
	v0 =	vadd.s32 $0x4B, v3  }
0x7f: {  	[tilespmem:$0x1FAF0] =	vst v0;
	v0 =	vadd.s32 $0xC, v3  }
0x80: {  	[tilespmem:$0x1FB00] =	vst v0;
	v0 =	vadd.s32 $0x4C, v3  }
0x81: {  	[tilespmem:$0x1FB10] =	vst v0;
	v0 =	vadd.s32 $0xD, v3  }
0x82: {  	[tilespmem:$0x1FB20] =	vst v0;
	v0 =	vadd.s32 $0x4D, v3  }
0x83: {  	s17 =	simm.s32 $0x80;
	[tilespmem:$0x1FB30] =	vst v0;
	v0 =	vadd.s32 $0xE, v3  }
0x84: {  	s18 =	simm.s32 $0x400;
	s19 =	simm.s32 $0x6;
	s3 =	sshrl.u32 s0, $0x3;
	[tilespmem:$0x1FB40] =	vst v0;
	v0 =	vadd.s32 $0x4E, v3  }
0x85: {  	s28 =	simm.s32 $0xDA80;
	s4 =	sshll.u32 s4, $0x7;
	s3 =	smul.u32 $0x5000, s3;
	[tilespmem:$0x1FB50] =	vst v0;
	v0 =	vadd.s32 $0xF, v3  }
0x86: {  	s30 =	simm.s32 $0x15A80;
	s5 =	sadd.s32 $0x310800, s20;
	s4 =	sand.u32 $0x380, s4;
	[tilespmem:$0x1FB60] =	vst v0;
	v0 =	vadd.s32 $0x4F, v3  }
0x87: {  	s7 =	sadd.s32 $0x3200, s20;
	s25 =	sadd.s32 $0x500, s8;
	s3 =	sor.u32 s4, s3;
	[tilespmem:$0x1FB70] =	vst v0;
	v0 =	vor.u32 $0x10, v3  }
0x88: {  	s26 =	sadd.s32 $0xA00, s8;
	s29 =	sadd.s32 $0xF00, s8;
	s3 =	sshrl.u32 s3, $0x3;
	[tilespmem:$0x1FB80] =	vst v0;
	v0 =	vor.u32 $0x50, v3  }
0x89: {  	s8 =	simm.s32 $0x6880;
	s1 =	ssub.s32 $0x2, s1;
	s3 =	sadd.s32 s3, s20;
	[tilespmem:$0x1FB90] =	vst v0;
	v0 =	vadd.s32 $0x11, v3  }
0x8a: {  	s21 =	sshrl.u32 s1, $0x1;
	s10 =	sadd.s32 $0x189E00, s3;
	[dreg:$0x3] =	wrdreg s7;
	[tilespmem:$0x1FBA0] =	vst v0;
	v0 =	vadd.s32 $0x51, v3  }
0x8b: {  	s6 =	sshll.u32 s0, $0x4;
	s22 =	sadd.s32 $0x18EE00, s3;
	[dreg:$0x4] =	wrdreg s10;
	[tilespmem:$0x1FBB0] =	vst v0;
	v0 =	vadd.s32 $0x12, v3  }
0x8c: {  	s6 =	sadd.s32 s6, s20;
	s23 =	sadd.s32 $0x18C600, s3;
	[dreg:$0x5] =	wrdreg s22;
	[tilespmem:$0x1FBC0] =	vst v0;
	v0 =	vadd.s32 $0x52, v3  }
0x8d: {  	s1 =	ssub.s32 s1, s21;
	s24 =	sadd.s32 $0x3000, s6;
	[dreg:$0x6] =	wrdreg s23;
	[tilespmem:$0x1FBD0] =	vst v0;
	v0 =	vadd.s32 $0x13, v3  }
0x8e: {  	s15 =	smul.u32 $0x14, s0;
	s21 =	simm.s32 $0x1;
	[dreg:$0x7] =	wrdreg s24;
	[tilespmem:$0x1FBE0] =	vst v0;
	v0 =	vadd.s32 $0x53, v3  }
0x8f: {  	s31 =	smax.u32 s1, $0x1;
	s1 =	simm.s32 $0x9080;
	[dreg:$0x8] =	wrdreg s25;
	[tilespmem:$0x1FBF0] =	vst v0;
	v0 =	vadd.s32 $0x14, v3  }
0x90: {  	s4 =	sadd.s32 $0x3D3E00, s20;
	s2 =	simm.s32 $0x2;
	[dreg:$0x9] =	wrdreg s26;
	[tilespmem:$0x1FC00] =	vst v0;
	v0 =	vadd.s32 $0x54, v3  }
0x91: {  	s3 =	simm.s32 $0x0;
	s7 =	sadd.s32 $0x191600, s20;
	[dreg:$0xa] =	wrdreg s29;
	[tilespmem:$0x1FC10] =	vst v0;
	v0 =	vadd.s32 $0x15, v3  }
0x92: {  	[dreg:$0xb] =	wrdreg s31;
	s24 =	simm.s32 $0x2880;
	s25 =	simm.s32 $0x9A80;
	[tilespmem:$0x1FC20] =	vst v0;
	v0 =	vadd.s32 $0x55, v3  }
0x93: {  	v11 =	vimm.f32 $0.0e+00;
	v12 =	vimm.f32 $1.000000000e+00;
	s26 =	simm.s32 $0x11A80;
	s22 =	simm.s32 $0x3;
	s20 =	simm.s32 $0x4;
	[tilespmem:$0x1FC30] =	vst v0  }
.LBB2_1:
0x94: {  	[dreg:$0xc] =	wrdreg s3  }
0x95: {  	s0 =	rddreg [dreg:$0x4]  }
0x96: {  	[tilespmem:s9], [sflag:$0x6] =	stream.strided.gather [hbm4b:s0+s17], $0xA00, s18, s17, $0x38;
	[tilespmem:$0x19D00] =	vst v63  }
0x97: {  	_ =	swait.ge [sflag:s19], $0xA00  }
0x98: {  	[sflag:s19] =	ssyncset.done $0x0  }
0x99: {  	s12 =	simm.s32 $0xA00;
	s11 =	rddreg [dreg:$0x5];
	[sflag:s19] =	ssyncadd.s32 $0xFFFFF600  }
0x9a: {  	[tilespmem:s12], [sflag:$0x6] =	stream.strided.gather [hbm4b:s11+s17], $0xA00, s18, s17, $0x38;
	[tilespmem:$0x19D00] =	vst v63  }
0x9b: {  	_ =	swait.ge [sflag:s19], $0xA00  }
0x9c: {  	[sflag:s19] =	ssyncset.done $0x0  }
0x9d: {  	s6 =	simm.s32 $0x1400;
	s13 =	rddreg [dreg:$0x6];
	[sflag:s19] =	ssyncadd.s32 $0xFFFFF600  }
0x9e: {  	[tilespmem:s6], [sflag:$0x6] =	stream.strided.gather [hbm4b:s13+s17], $0xA00, s18, s17, $0x38;
	[tilespmem:$0x19D00] =	vst v63  }
0x9f: {  	_ =	swait.ge [sflag:s19], $0xA00  }
0xa0: {  	[sflag:s19] =	ssyncset.done $0x0  }
0xa1: {  	s16 =	simm.s32 $0x1E00;
	s14 =	rddreg [dreg:$0x3];
	[sflag:s19] =	ssyncadd.s32 $0xFFFFF600  }
0xa2: {  	[tilespmem:s16], [sflag:$0x6] =	stream.linear.gather [hbm4b:s14+s9], $0xA00, $0x38;
	[tilespmem:$0x19D00] =	vst v63  }
0xa3: {  	_ =	swait.ge [sflag:s19], $0xA00  }
0xa4: {  	[sflag:s19] =	ssyncset.done $0x0  }
0xa5: {  	s29 =	simm.s32 $0x2800;
	s23 =	rddreg [dreg:$0x7];
	[sflag:s19] =	ssyncadd.s32 $0xFFFFF600  }
0xa6: {  	[tilespmem:s29], [sflag:$0x6] =	stream.linear.gather [hbm4b:s23+s9], $0x80, $0x38;
	[tilespmem:$0x19D00] =	vst v63  }
0xa7: {  	_ =	swait.ge [sflag:s19], $0x80  }
0xa8: {  	[sflag:s19] =	ssyncset.done $0x0  }
0xa9: {  	[sflag:s19] =	ssyncadd.s32 $0xFFFFFF80  }
0xaa: {  	[tilespmem:s24], [sflag:$0x5] =	stream.indirect.gather [hbm4b:s4+s17], $0x80, s29, s17, $0xb8;
	[tilespmem:$0x19D00] =	vst v63  }
0xab: {  	_ = 	snop  }
0xac: {  	[tilespmem:s25], [sflag:$0x1] =	stream.indirect.gather [hbm4b:s4+s17], $0x80, s9, s17, $0xb8;
	[tilespmem:$0x19D00] =	vst v63  }
0xad: {  	_ = 	snop  }
0xae: {  	[tilespmem:s26], [sflag:$0x3] =	stream.indirect.gather [hbm4b:s5+s17], $0x80, s12, s17, $0xb8;
	[tilespmem:$0x19D00] =	vst v63  }
0xaf: {  	_ = 	snop  }
0xb0: {  	[tilespmem:s28], [sflag:$0x2] =	stream.indirect.gather [hbm4b:s4+s17], $0x80, s17, s17, $0xb8;
	[tilespmem:$0x19D00] =	vst v63  }
0xb1: {  	s31 =	simm.s32 $0xA80;
	s3 =	simm.s32 $0x0;
	s0 =	simm.s32 $0x40  }
0xb2: {  	[tilespmem:s30], [sflag:$0x4] =	stream.indirect.gather [hbm4b:s5+s17], $0x80, s31, s17, $0xb8;
	[tilespmem:$0x19D00] =	vst v63  }
.LBB2_2:
0xb3: {  	p0 =	sne.s32 s0, $0x27C0;
	[tilespmem:s3+$0x9080] =	vst v11;
	s3 =	smov.u32 s0;
	s0 =	sadd.s32 $0x40, s0  }
.Ltmp0:
0xb4: {  	(pc) =	sbr.rel @p0 .LBB2_2-.Ltmp0, $2  }
0xb5: {  	_ =	sdelay $0x2  }
0xb6: {  	s3 =	sshra.s32 s3, $0x2  }
0xb7: {  	[tilespmem:s3+$0x9080] =	vst v11;
	s0 =	rddreg [dreg:$0x1]  }
0xb8: {  	[tilespmem:s8], [sflag:$0x6] =	stream.linear.gather [hbm4b:s0+s9], $0x2800, $0x38;
	[tilespmem:$0x19D00] =	vst v63  }
0xb9: {  	_ =	swait.ge [sflag:s19], $0x2800  }
0xba: {  	[sflag:s19] =	ssyncset.done $0x0  }
0xbb: {  	s3 =	simm.s32 $0x68A0;
	s0 =	simm.s32 $0xFFFFFFFC;
	[sflag:s19] =	ssyncadd.s32 $0xFFFFD800  }
.LBB2_4:
0xbc: {  	v0 =	vld [tilespmem:s3+$0xFFFFFFE0];
	_ =	sdelay $0x4  }
0xbd: {  	vm1 =	vge.s32 v0, v9;
	vm2 =	vlt.s32 v0, v10  }
0xbe: {  	v0 =	vsub.s32 v0, v9;
	vm1 =	vmand vm1, vm2  }
0xbf: {  	v0 =	vnsel vm1, $0x0, v0;
	_ =	sdelay $0x4  }
0xc0: {  	[tilespmem:v0+s1+$0x0] =	vst.idx.msk vm1, v12  }
0xc1: {  	v0 =	vld [tilespmem:s3+$0xFFFFFFF0];
	_ =	sdelay $0x4  }
0xc2: {  	vm1 =	vge.s32 v0, v9;
	vm2 =	vlt.s32 v0, v10  }
0xc3: {  	v0 =	vsub.s32 v0, v9;
	vm1 =	vmand vm1, vm2  }
0xc4: {  	v0 =	vnsel vm1, $0x0, v0;
	_ =	sdelay $0x4  }
0xc5: {  	[tilespmem:v0+s1+$0x0] =	vst.idx.msk vm1, v12  }
0xc6: {  	v0 =	vld [tilespmem:s3+$0x0];
	_ =	sdelay $0x4  }
0xc7: {  	vm1 =	vge.s32 v0, v9;
	vm2 =	vlt.s32 v0, v10  }
0xc8: {  	v0 =	vsub.s32 v0, v9;
	vm1 =	vmand vm1, vm2  }
0xc9: {  	v0 =	vnsel vm1, $0x0, v0;
	_ =	sdelay $0x4  }
0xca: {  	[tilespmem:v0+s1+$0x0] =	vst.idx.msk vm1, v12  }
0xcb: {  	v0 =	vld [tilespmem:s3+$0x10];
	_ =	sdelay $0x4  }
0xcc: {  	vm1 =	vge.s32 v0, v9;
	vm2 =	vlt.s32 v0, v10  }
0xcd: {  	s0 =	sadd.s32 $0x4, s0;
	v0 =	vsub.s32 v0, v9;
	vm1 =	vmand vm1, vm2  }
0xce: {  	p0 =	slt.u32 s0, $0x27C;
	v0 =	vnsel vm1, $0x0, v0  }
.Ltmp1:
0xcf: {  	_ = 	snop;
	(pc) =	sbr.rel @p0 .LBB2_4-.Ltmp1, $2  }
0xd0: {  	_ =	sdelay $0x2  }
0xd1: {  	s3 =	sadd.s32 $0x40, s3;
	[tilespmem:v0+s1+$0x0] =	vst.idx.msk vm1, v12  }
0xd2: {  	s0 =	rddreg [dreg:$0x8]  }
0xd3: {  	[tilespmem:s8], [sflag:$0x6] =	stream.linear.gather [hbm4b:s0+s9], $0x2800, $0x38;
	[tilespmem:$0x19D00] =	vst v63  }
0xd4: {  	_ =	swait.ge [sflag:s19], $0x2800  }
0xd5: {  	[sflag:s19] =	ssyncset.done $0x0  }
0xd6: {  	s3 =	simm.s32 $0x68A0;
	s0 =	simm.s32 $0xFFFFFFFC;
	[sflag:s19] =	ssyncadd.s32 $0xFFFFD800  }
.LBB2_6:
0xd7: {  	v0 =	vld [tilespmem:s3+$0xFFFFFFE0];
	_ =	sdelay $0x4  }
0xd8: {  	vm1 =	vge.s32 v0, v9;
	vm2 =	vlt.s32 v0, v10  }
0xd9: {  	v0 =	vsub.s32 v0, v9;
	vm1 =	vmand vm1, vm2  }
0xda: {  	v0 =	vnsel vm1, $0x0, v0;
	_ =	sdelay $0x4  }
0xdb: {  	[tilespmem:v0+s1+$0x0] =	vst.idx.msk vm1, v12  }
0xdc: {  	v0 =	vld [tilespmem:s3+$0xFFFFFFF0];
	_ =	sdelay $0x4  }
0xdd: {  	vm1 =	vge.s32 v0, v9;
	vm2 =	vlt.s32 v0, v10  }
0xde: {  	v0 =	vsub.s32 v0, v9;
	vm1 =	vmand vm1, vm2  }
0xdf: {  	v0 =	vnsel vm1, $0x0, v0;
	_ =	sdelay $0x4  }
0xe0: {  	[tilespmem:v0+s1+$0x0] =	vst.idx.msk vm1, v12  }
0xe1: {  	v0 =	vld [tilespmem:s3+$0x0];
	_ =	sdelay $0x4  }
0xe2: {  	vm1 =	vge.s32 v0, v9;
	vm2 =	vlt.s32 v0, v10  }
0xe3: {  	v0 =	vsub.s32 v0, v9;
	vm1 =	vmand vm1, vm2  }
0xe4: {  	v0 =	vnsel vm1, $0x0, v0;
	_ =	sdelay $0x4  }
0xe5: {  	[tilespmem:v0+s1+$0x0] =	vst.idx.msk vm1, v12  }
0xe6: {  	v0 =	vld [tilespmem:s3+$0x10];
	_ =	sdelay $0x4  }
0xe7: {  	vm1 =	vge.s32 v0, v9;
	vm2 =	vlt.s32 v0, v10  }
0xe8: {  	s0 =	sadd.s32 $0x4, s0;
	v0 =	vsub.s32 v0, v9;
	vm1 =	vmand vm1, vm2  }
0xe9: {  	p0 =	slt.u32 s0, $0x27C;
	v0 =	vnsel vm1, $0x0, v0  }
.Ltmp2:
0xea: {  	_ = 	snop;
	(pc) =	sbr.rel @p0 .LBB2_6-.Ltmp2, $2  }
0xeb: {  	_ =	sdelay $0x2  }
0xec: {  	s3 =	sadd.s32 $0x40, s3;
	[tilespmem:v0+s1+$0x0] =	vst.idx.msk vm1, v12  }
0xed: {  	s0 =	rddreg [dreg:$0x9]  }
0xee: {  	[tilespmem:s8], [sflag:$0x6] =	stream.linear.gather [hbm4b:s0+s9], $0x2800, $0x38;
	[tilespmem:$0x19D00] =	vst v63  }
0xef: {  	_ =	swait.ge [sflag:s19], $0x2800  }
0xf0: {  	[sflag:s19] =	ssyncset.done $0x0  }
0xf1: {  	s3 =	simm.s32 $0x68A0;
	s0 =	simm.s32 $0xFFFFFFFC;
	[sflag:s19] =	ssyncadd.s32 $0xFFFFD800  }
.LBB2_8:
0xf2: {  	v0 =	vld [tilespmem:s3+$0xFFFFFFE0];
	_ =	sdelay $0x4  }
0xf3: {  	vm1 =	vge.s32 v0, v9;
	vm2 =	vlt.s32 v0, v10  }
0xf4: {  	v0 =	vsub.s32 v0, v9;
	vm1 =	vmand vm1, vm2  }
0xf5: {  	v0 =	vnsel vm1, $0x0, v0;
	_ =	sdelay $0x4  }
0xf6: {  	[tilespmem:v0+s1+$0x0] =	vst.idx.msk vm1, v12  }
0xf7: {  	v0 =	vld [tilespmem:s3+$0xFFFFFFF0];
	_ =	sdelay $0x4  }
0xf8: {  	vm1 =	vge.s32 v0, v9;
	vm2 =	vlt.s32 v0, v10  }
0xf9: {  	v0 =	vsub.s32 v0, v9;
	vm1 =	vmand vm1, vm2  }
0xfa: {  	v0 =	vnsel vm1, $0x0, v0;
	_ =	sdelay $0x4  }
0xfb: {  	[tilespmem:v0+s1+$0x0] =	vst.idx.msk vm1, v12  }
0xfc: {  	v0 =	vld [tilespmem:s3+$0x0];
	_ =	sdelay $0x4  }
0xfd: {  	vm1 =	vge.s32 v0, v9;
	vm2 =	vlt.s32 v0, v10  }
0xfe: {  	v0 =	vsub.s32 v0, v9;
	vm1 =	vmand vm1, vm2  }
0xff: {  	v0 =	vnsel vm1, $0x0, v0;
	_ =	sdelay $0x4  }
0x100: {  	[tilespmem:v0+s1+$0x0] =	vst.idx.msk vm1, v12  }
0x101: {  	v0 =	vld [tilespmem:s3+$0x10];
	_ =	sdelay $0x4  }
0x102: {  	vm1 =	vge.s32 v0, v9;
	vm2 =	vlt.s32 v0, v10  }
0x103: {  	s0 =	sadd.s32 $0x4, s0;
	v0 =	vsub.s32 v0, v9;
	vm1 =	vmand vm1, vm2  }
0x104: {  	p0 =	slt.u32 s0, $0x27C;
	v0 =	vnsel vm1, $0x0, v0  }
.Ltmp3:
0x105: {  	_ = 	snop;
	(pc) =	sbr.rel @p0 .LBB2_8-.Ltmp3, $2  }
0x106: {  	_ =	sdelay $0x2  }
0x107: {  	s3 =	sadd.s32 $0x40, s3;
	[tilespmem:v0+s1+$0x0] =	vst.idx.msk vm1, v12  }
0x108: {  	s0 =	rddreg [dreg:$0xa]  }
0x109: {  	[tilespmem:s8], [sflag:$0x6] =	stream.linear.gather [hbm4b:s0+s9], $0x2800, $0x38;
	[tilespmem:$0x19D00] =	vst v63  }
0x10a: {  	_ =	swait.ge [sflag:s19], $0x2800  }
0x10b: {  	[sflag:s19] =	ssyncset.done $0x0  }
0x10c: {  	s3 =	simm.s32 $0x68A0;
	s0 =	simm.s32 $0xFFFFFFFC;
	[sflag:s19] =	ssyncadd.s32 $0xFFFFD800  }
.LBB2_10:
0x10d: {  	v0 =	vld [tilespmem:s3+$0xFFFFFFE0];
	_ =	sdelay $0x4  }
0x10e: {  	vm1 =	vge.s32 v0, v9;
	vm2 =	vlt.s32 v0, v10  }
0x10f: {  	v0 =	vsub.s32 v0, v9;
	vm1 =	vmand vm1, vm2  }
0x110: {  	v0 =	vnsel vm1, $0x0, v0;
	_ =	sdelay $0x4  }
0x111: {  	[tilespmem:v0+s1+$0x0] =	vst.idx.msk vm1, v12  }
0x112: {  	v0 =	vld [tilespmem:s3+$0xFFFFFFF0];
	_ =	sdelay $0x4  }
0x113: {  	vm1 =	vge.s32 v0, v9;
	vm2 =	vlt.s32 v0, v10  }
0x114: {  	v0 =	vsub.s32 v0, v9;
	vm1 =	vmand vm1, vm2  }
0x115: {  	v0 =	vnsel vm1, $0x0, v0;
	_ =	sdelay $0x4  }
0x116: {  	[tilespmem:v0+s1+$0x0] =	vst.idx.msk vm1, v12  }
0x117: {  	v0 =	vld [tilespmem:s3+$0x0];
	_ =	sdelay $0x4  }
0x118: {  	vm1 =	vge.s32 v0, v9;
	vm2 =	vlt.s32 v0, v10  }
0x119: {  	v0 =	vsub.s32 v0, v9;
	vm1 =	vmand vm1, vm2  }
0x11a: {  	v0 =	vnsel vm1, $0x0, v0;
	_ =	sdelay $0x4  }
0x11b: {  	[tilespmem:v0+s1+$0x0] =	vst.idx.msk vm1, v12  }
0x11c: {  	v0 =	vld [tilespmem:s3+$0x10];
	_ =	sdelay $0x4  }
0x11d: {  	vm1 =	vge.s32 v0, v9;
	vm2 =	vlt.s32 v0, v10  }
0x11e: {  	s0 =	sadd.s32 $0x4, s0;
	v0 =	vsub.s32 v0, v9;
	vm1 =	vmand vm1, vm2  }
0x11f: {  	p0 =	slt.u32 s0, $0x27C;
	v0 =	vnsel vm1, $0x0, v0  }
.Ltmp4:
0x120: {  	_ = 	snop;
	(pc) =	sbr.rel @p0 .LBB2_10-.Ltmp4, $2  }
0x121: {  	_ =	sdelay $0x2  }
0x122: {  	s3 =	sadd.s32 $0x40, s3;
	[tilespmem:v0+s1+$0x0] =	vst.idx.msk vm1, v12  }
0x123: {  	s0 =	simm.s32 $0x5;
	s6 =	simm.s32 $0x0  }
0x124: {  	s3 =	simm.s32 $0x9080;
	s31 =	simm.s32 $0x1400;
	_ =	swait.ge [sflag:s0], $0x4000  }
0x125: {  	s29 =	simm.s32 $0x9100;
	s12 =	simm.s32 $0x1480;
	[sflag:s0] =	ssyncset.done $0x0  }
0x126: {  	s13 =	simm.s32 $0x1E80;
	[sflag:s0] =	ssyncadd.s32 $0xFFFFC000;
	s0 =	simm.s32 $0x1E00  }
.LBB2_12:
0x127: {  	_ =	swait.ge [sflag:s21], $0x4000  }
0x128: {  	[sflag:s21] =	ssyncset.done $0x0  }
0x129: {  	[sflag:s21] =	ssyncadd.s32 $0xFFFFC000  }
0x12a: {  	s14 =	sshll.u32 s6, $0x8;
	s16 =	simm.s32 $0x19B80;
	_ =	swait.ge [sflag:s22], $0x4000  }
0x12b: {  	s10 =	smov.u32 s0;
	s9 =	smov.u32 s31;
	[sflag:s22] =	ssyncset.done $0x0;
	v54 =	vld [tilespmem:$0x1F9E0]  }
0x12c: {  	s8 =	smov.u32 s3;
	s23 =	simm.s32 $0x0;
	v56 =	vld [tilespmem:$0x1F9F0];
	[sflag:s22] =	ssyncadd.s32 $0xFFFFC000  }
.LBB2_13:
0x12d: {  	v0 =	vld [tilespmem:s10+$0x0]  }
0x12e: {  	v8 =	vld [tilespmem:s9+$0x0];
	_ =	sdelay $0x1  }
0x12f: {  	v1 =	vmov s23  }
0x130: {  	v1 =	vshll.u32 v1, $0x7  }
0x131: {  	v7 =	vor.u32 v13, v1  }
0x132: {  	v1 =	vor.u32 v3, v7;
	v9 =	vshll.u32 v0, $0x7;
	v0 =	vadd.s32 v3, v8  }
0x133: {  	v2 =	vor.u32 v15, v9;
	v5 =	vand.u32 $0xFFFFFF80, v0  }
0x134: {  	v6 =	vld [tilespmem:s8+$0x0];
	v0 =	vand.u32 $0x7F, v0;
	v10 =	vor.u32 v17, v9;
	v5 =	vadd.s32 v7, v5  }
0x135: {  	v0 =	vor.u32 v0, v5;
	v5 =	vor.u32 v16, v7  }
0x136: {  	v4 =	vor.u32 v15, v7;
	v12 =	vadd.s32 v16, v8  }
0x137: {  	v11 =	vor.u32 v17, v7;
	v13 =	vand.u32 $0xFFFFFF80, v12;
	v1 =	vld.idx.msk [tilespmem:v1+s25+$0x0], $0xffff  }
0x138: {  	v12 =	vand.u32 $0x7F, v12;
	v13 =	vadd.s32 v7, v13;
	v2 =	vld.idx.msk [tilespmem:v2+s24+$0x0], $0xffff  }
0x139: {  	vm1 =	vgt.f32 v6, $0.0e+00;
	v12 =	vor.u32 v12, v13;
	v6 =	vld.idx.msk [tilespmem:v10+s24+$0x0], $0xffff  }
0x13a: {  	v5 =	vld.idx.msk [tilespmem:v5+s25+$0x0], $0xffff  }
0x13b: {  	v16 =	vor.u32 v20, v7;
	v4 =	vld.idx.msk [tilespmem:v4+s25+$0x0], $0xffff  }
0x13c: {  	v34 =	vor.u32 v22, v7;
	v14 =	vadd.s32 v22, v8;
	v11 =	vld.idx.msk [tilespmem:v11+s25+$0x0], $0xffff  }
0x13d: {  	v18 =	vor.u32 v54, v7;
	v15 =	vor.u32 v20, v9;
	v2 =	vmul.f32 v2, v1  }
0x13e: {  	v19 =	vadd.s32 v54, v8;
	v17 =	vand.u32 $0xFFFFFF80, v14;
	v14 =	vand.u32 $0x7F, v14;
	v12 =	vld.idx.msk [tilespmem:v12+s26+$0x0], $0xffff  }
0x13f: {  	v17 =	vadd.s32 v7, v17;
	v0 =	vld.idx.msk [tilespmem:v0+s26+$0x0], $0xffff;
	v2 =	vadd.f32 $0.0e+00, v2;
	v6 =	vmul.f32 v6, v5  }
0x140: {  	v14 =	vor.u32 v14, v17;
	v35 =	vld.idx.msk [tilespmem:v16+s25+$0x0], $0xffff;
	v16 =	vor.u32 v56, v9;
	v13 =	vsel vm1, v1, v4  }
0x141: {  	v10 =	vld.idx.msk [tilespmem:v34+s25+$0x0], $0xffff;
	v4 =	vmul.f32 v4, v4;
	v2 =	vadd.f32 v6, v2;
	v6 =	vmul.f32 v11, v11  }
0x142: {  	v20 =	vand.u32 $0xFFFFFF80, v19;
	v15 =	vld.idx.msk [tilespmem:v15+s24+$0x0], $0xffff;
	v1 =	vmul.f32 v1, v1;
	v17 =	vsel vm1, v5, v11  }
0x143: {  	v5 =	vmul.f32 v5, v5;
	v4 =	vadd.f32 v6, v4;
	v6 =	vmul.f32 v12, v12  }
0x144: {  	v12 =	vmul.f32 v17, v12;
	v17 =	vand.u32 $0x7F, v19;
	v19 =	vadd.s32 v7, v20;
	v20 =	vld [tilespmem:$0x1FA10]  }
0x145: {  	v13 =	vmul.f32 v13, v0;
	v0 =	vmul.f32 v0, v0;
	v16 =	vld.idx.msk [tilespmem:v16+s24+$0x0], $0xffff  }
0x146: {  	v1 =	vadd.f32 v5, v1;
	v17 =	vor.u32 v17, v19;
	v19 =	vld [tilespmem:$0x1FA00]  }
0x147: {  	v5 =	vor.u32 v56, v7;
	v0 =	vadd.f32 v6, v0;
	v6 =	vmul.f32 v15, v10;
	v15 =	vld.idx.msk [tilespmem:v18+s25+$0x0], $0xffff  }
0x148: {  	v14 =	vld.idx.msk [tilespmem:v14+s26+$0x0], $0xffff  }
0x149: {  	v13 =	vadd.f32 $0.0e+00, v13;
	v18 =	vor.u32 v20, v9;
	_ =	sdelay $0x1  }
0x14a: {  	v21 =	vld [tilespmem:$0x1FA30];
	v12 =	vadd.f32 v12, v13;
	v36 =	vor.u32 v19, v7  }
0x14b: {  	v13 =	vsel vm1, v10, v35;
	v5 =	vld.idx.msk [tilespmem:v5+s25+$0x0], $0xffff;
	v2 =	vadd.f32 v6, v2;
	v16 =	vmul.f32 v16, v15  }
0x14c: {  	v38 =	vmul.f32 v13, v14;
	v6 =	vmul.f32 v35, v35;
	v13 =	vld.idx.msk [tilespmem:v17+s26+$0x0], $0xffff  }
0x14d: {  	v37 =	vmul.f32 v14, v14;
	v10 =	vmul.f32 v10, v10;
	v2 =	vadd.f32 v16, v2;
	v16 =	vld.idx.msk [tilespmem:v18+s24+$0x0], $0xffff  }
0x14e: {  	v4 =	vadd.f32 v6, v4;
	v6 =	vor.u32 v20, v7;
	v19 =	vadd.s32 v19, v8;
	v18 =	vld [tilespmem:$0x1FA20]  }
0x14f: {  	v14 =	vand.u32 $0xFFFFFF80, v19;
	v17 =	vand.u32 $0x7F, v19;
	v19 =	vor.u32 v21, v9;
	v11 =	vld.idx.msk [tilespmem:v36+s25+$0x0], $0xffff  }
0x150: {  	v1 =	vadd.f32 v10, v1;
	v10 =	vadd.f32 v38, v12;
	v12 =	vsel vm1, v15, v5  }
0x151: {  	v14 =	vadd.s32 v7, v14;
	v12 =	vmul.f32 v12, v13  }
0x152: {  	v14 =	vor.u32 v17, v14  }
0x153: {  	v0 =	vadd.f32 v37, v0;
	v6 =	vld.idx.msk [tilespmem:v6+s25+$0x0], $0xffff;
	v20 =	vmul.f32 v13, v13;
	v10 =	vadd.f32 v12, v10  }
0x154: {  	v17 =	vor.u32 v18, v7;
	v18 =	vadd.s32 v18, v8;
	v12 =	vmul.f32 v16, v11;
	v16 =	vld.idx.msk [tilespmem:v19+s24+$0x0], $0xffff  }
0x155: {  	v21 =	vor.u32 v21, v7;
	v5 =	vmul.f32 v5, v5;
	v22 =	vand.u32 $0xFFFFFF80, v18;
	v19 =	vld [tilespmem:$0x1FA40]  }
0x156: {  	v0 =	vadd.f32 v20, v0;
	v20 =	vld [tilespmem:$0x1FA50];
	v13 =	vand.u32 $0x7F, v18;
	v18 =	vadd.s32 v7, v22  }
0x157: {  	v15 =	vmul.f32 v15, v15;
	v4 =	vadd.f32 v5, v4;
	v5 =	vld.idx.msk [tilespmem:v14+s26+$0x0], $0xffff;
	v13 =	vor.u32 v13, v18;
	_ =	sdelay $0x1  }
0x158: {  	v1 =	vadd.f32 v15, v1;
	v15 =	vsel vm1, v11, v6  }
0x159: {  	v6 =	vmul.f32 v6, v6;
	v2 =	vadd.f32 v12, v2;
	v14 =	vld.idx.msk [tilespmem:v17+s25+$0x0], $0xffff;
	v17 =	vor.u32 v19, v7  }
0x15a: {  	v12 =	vld.idx.msk [tilespmem:v21+s25+$0x0], $0xffff;
	v18 =	vor.u32 v20, v9;
	v39 =	vor.u32 v20, v7;
	v19 =	vadd.s32 v19, v8  }
0x15b: {  	v4 =	vadd.f32 v6, v4;
	v6 =	vmul.f32 v5, v5;
	v20 =	vand.u32 $0xFFFFFF80, v19;
	v13 =	vld.idx.msk [tilespmem:v13+s26+$0x0], $0xffff  }
0x15c: {  	v5 =	vmul.f32 v15, v5;
	v15 =	vand.u32 $0x7F, v19;
	v19 =	vadd.s32 v7, v20;
	v20 =	vld [tilespmem:$0x1FA70]  }
0x15d: {  	v15 =	vor.u32 v15, v19;
	v19 =	vld [tilespmem:$0x1FA60]  }
0x15e: {  	v11 =	vmul.f32 v11, v11;
	v0 =	vadd.f32 v6, v0;
	v6 =	vmul.f32 v16, v14;
	v16 =	vld.idx.msk [tilespmem:v17+s25+$0x0], $0xffff  }
0x15f: {  	v17 =	vld.idx.msk [tilespmem:v18+s24+$0x0], $0xffff  }
0x160: {  	v1 =	vadd.f32 v11, v1  }
0x161: {  	v11 =	vld.idx.msk [tilespmem:v39+s25+$0x0], $0xffff;
	v40 =	vsel vm1, v14, v12;
	v14 =	vmul.f32 v14, v14;
	v18 =	vor.u32 v20, v9  }
0x162: {  	v5 =	vadd.f32 v5, v10;
	v2 =	vadd.f32 v6, v2  }
0x163: {  	v21 =	vld [tilespmem:$0x1FA90];
	v6 =	vmul.f32 v12, v12;
	v1 =	vadd.f32 v14, v1;
	v14 =	vmul.f32 v13, v13  }
0x164: {  	v10 =	vmul.f32 v40, v13;
	v12 =	vor.u32 v19, v7;
	v13 =	vld.idx.msk [tilespmem:v15+s26+$0x0], $0xffff;
	v15 =	vmul.f32 v17, v16;
	_ =	sdelay $0x1  }
0x165: {  	v41 =	vsel vm1, v16, v11;
	v2 =	vadd.f32 v15, v2;
	v15 =	vmul.f32 v16, v16;
	v16 =	vld.idx.msk [tilespmem:v18+s24+$0x0], $0xffff  }
0x166: {  	v4 =	vadd.f32 v6, v4;
	v6 =	vor.u32 v20, v7;
	v18 =	vld [tilespmem:$0x1FA80]  }
0x167: {  	v19 =	vadd.s32 v19, v8;
	v0 =	vadd.f32 v14, v0  }
0x168: {  	v14 =	vand.u32 $0xFFFFFF80, v19;
	v17 =	vand.u32 $0x7F, v19;
	v19 =	vor.u32 v21, v9;
	v12 =	vld.idx.msk [tilespmem:v12+s25+$0x0], $0xffff  }
0x169: {  	v14 =	vadd.s32 v7, v14  }
0x16a: {  	v14 =	vor.u32 v17, v14;
	v20 =	vmul.f32 v13, v13  }
0x16b: {  	v6 =	vld.idx.msk [tilespmem:v6+s25+$0x0], $0xffff;
	v17 =	vor.u32 v18, v7  }
0x16c: {  	v11 =	vmul.f32 v11, v11;
	v0 =	vadd.f32 v20, v0;
	v20 =	vld [tilespmem:$0x1FAB0]  }
0x16d: {  	v43 =	vmul.f32 v16, v12;
	v16 =	vld.idx.msk [tilespmem:v19+s24+$0x0], $0xffff  }
0x16e: {  	v5 =	vadd.f32 v10, v5;
	v21 =	vor.u32 v21, v7;
	v4 =	vadd.f32 v11, v4;
	v19 =	vld [tilespmem:$0x1FAA0]  }
0x16f: {  	v10 =	vmul.f32 v41, v13;
	v1 =	vadd.f32 v15, v1;
	v42 =	vld.idx.msk [tilespmem:v14+s26+$0x0], $0xffff;
	v18 =	vadd.s32 v18, v8  }
0x170: {  	v22 =	vand.u32 $0xFFFFFF80, v18;
	v13 =	vand.u32 $0x7F, v18;
	v15 =	vsel vm1, v12, v6;
	v14 =	vld.idx.msk [tilespmem:v17+s25+$0x0], $0xffff  }
0x171: {  	v12 =	vmul.f32 v12, v12;
	v6 =	vmul.f32 v6, v6;
	v18 =	vadd.s32 v7, v22  }
0x172: {  	v13 =	vor.u32 v13, v18;
	v18 =	vor.u32 v20, v7;
	v20 =	vor.u32 v20, v9  }
0x173: {  	v2 =	vadd.f32 v43, v2;
	v17 =	vor.u32 v19, v7;
	v19 =	vadd.s32 v19, v8  }
0x174: {  	v1 =	vadd.f32 v12, v1;
	v4 =	vadd.f32 v6, v4;
	v12 =	vand.u32 $0xFFFFFF80, v19  }
0x175: {  	v44 =	vld.idx.msk [tilespmem:v21+s25+$0x0], $0xffff;
	v19 =	vand.u32 $0x7F, v19;
	v12 =	vadd.s32 v7, v12;
	v6 =	vmul.f32 v16, v14  }
0x176: {  	v12 =	vor.u32 v19, v12;
	v19 =	vld [tilespmem:$0x1FAC0]  }
0x177: {  	v2 =	vadd.f32 v6, v2;
	v6 =	vld.idx.msk [tilespmem:v20+s24+$0x0], $0xffff  }
0x178: {  	v20 =	vld [tilespmem:$0x1FAD0];
	_ =	sdelay $0x1  }
0x179: {  	v11 =	vmul.f32 v15, v42;
	v13 =	vld.idx.msk [tilespmem:v13+s26+$0x0], $0xffff;
	v15 =	vmul.f32 v14, v14  }
0x17a: {  	v45 =	vsel vm1, v14, v44;
	v14 =	vld.idx.msk [tilespmem:v18+s25+$0x0], $0xffff  }
0x17b: {  	v16 =	vld.idx.msk [tilespmem:v17+s25+$0x0], $0xffff;
	v1 =	vadd.f32 v15, v1;
	v15 =	vor.u32 v19, v7  }
0x17c: {  	v21 =	vmul.f32 v42, v42;
	v18 =	vor.u32 v20, v9  }
0x17d: {  	v5 =	vadd.f32 v10, v5  }
0x17e: {  	v0 =	vadd.f32 v21, v0;
	v21 =	vld [tilespmem:$0x1FAF0];
	v17 =	vmul.f32 v13, v13  }
0x17f: {  	v10 =	vmul.f32 v44, v44;
	v5 =	vadd.f32 v11, v5;
	v11 =	vmul.f32 v45, v13;
	v12 =	vld.idx.msk [tilespmem:v12+s26+$0x0], $0xffff  }
0x180: {  	v19 =	vadd.s32 v19, v8;
	v0 =	vadd.f32 v17, v0;
	v17 =	vsel vm1, v16, v14;
	v15 =	vld.idx.msk [tilespmem:v15+s25+$0x0], $0xffff  }
0x181: {  	v48 =	vmul.f32 v16, v16;
	v13 =	vor.u32 v20, v7;
	v6 =	vmul.f32 v6, v16;
	v16 =	vld.idx.msk [tilespmem:v18+s24+$0x0], $0xffff  }
0x182: {  	v46 =	vand.u32 $0xFFFFFF80, v19;
	v20 =	vld [tilespmem:$0x1FAE0]  }
0x183: {  	v4 =	vadd.f32 v10, v4;
	v47 =	vand.u32 $0x7F, v19;
	v10 =	vadd.s32 v7, v46  }
0x184: {  	v14 =	vmul.f32 v14, v14;
	v10 =	vor.u32 v47, v10  }
0x185: {  	v19 =	vor.u32 v21, v9;
	v2 =	vadd.f32 v6, v2;
	v6 =	vmul.f32 v12, v12  }
0x186: {  	v5 =	vadd.f32 v11, v5;
	v4 =	vadd.f32 v14, v4;
	v13 =	vld.idx.msk [tilespmem:v13+s25+$0x0], $0xffff;
	v16 =	vmul.f32 v16, v15  }
0x187: {  	v12 =	vmul.f32 v17, v12;
	v0 =	vadd.f32 v6, v0;
	v49 =	vadd.s32 v20, v8  }
0x188: {  	v6 =	vor.u32 v21, v7;
	v14 =	vand.u32 $0xFFFFFF80, v49;
	v2 =	vadd.f32 v16, v2;
	v16 =	vld [tilespmem:$0x1FB00]  }
0x189: {  	v18 =	vor.u32 v20, v7;
	v10 =	vld.idx.msk [tilespmem:v10+s26+$0x0], $0xffff;
	v11 =	vand.u32 $0x7F, v49;
	v14 =	vadd.s32 v7, v14  }
0x18a: {  	v1 =	vadd.f32 v48, v1;
	v5 =	vadd.f32 v12, v5;
	v11 =	vor.u32 v11, v14;
	v14 =	vld.idx.msk [tilespmem:v19+s24+$0x0], $0xffff  }
0x18b: {  	v17 =	vmul.f32 v15, v15;
	v19 =	vld [tilespmem:$0x1FB10];
	v12 =	vsel vm1, v15, v13;
	v13 =	vmul.f32 v13, v13;
	_ =	sdelay $0x1  }
0x18c: {  	v1 =	vadd.f32 v17, v1;
	v6 =	vld.idx.msk [tilespmem:v6+s25+$0x0], $0xffff;
	v4 =	vadd.f32 v13, v4;
	v13 =	vadd.s32 v16, v8  }
0x18d: {  	v18 =	vld.idx.msk [tilespmem:v18+s25+$0x0], $0xffff;
	v17 =	vmul.f32 v10, v10;
	v10 =	vmul.f32 v12, v10;
	v20 =	vand.u32 $0xFFFFFF80, v13  }
0x18e: {  	v15 =	vor.u32 v16, v7;
	v12 =	vand.u32 $0x7F, v13;
	v13 =	vadd.s32 v7, v20;
	v20 =	vld [tilespmem:$0x1FB20]  }
0x18f: {  	v11 =	vld.idx.msk [tilespmem:v11+s26+$0x0], $0xffff;
	v16 =	vor.u32 v19, v9;
	v19 =	vor.u32 v19, v7;
	_ =	sdelay $0x2  }
0x190: {  	v21 =	vld [tilespmem:$0x1FB30];
	v12 =	vor.u32 v12, v13  }
0x191: {  	v0 =	vadd.f32 v17, v0;
	v14 =	vmul.f32 v14, v18;
	v13 =	vld.idx.msk [tilespmem:v15+s25+$0x0], $0xffff;
	v15 =	vor.u32 v20, v7  }
0x192: {  	v17 =	vsel vm1, v18, v6;
	v6 =	vmul.f32 v6, v6;
	v51 =	vld.idx.msk [tilespmem:v19+s25+$0x0], $0xffff;
	v19 =	vmul.f32 v11, v11  }
0x193: {  	v50 =	vmul.f32 v18, v18;
	v2 =	vadd.f32 v14, v2;
	v14 =	vld.idx.msk [tilespmem:v16+s24+$0x0], $0xffff  }
0x194: {  	v4 =	vadd.f32 v6, v4;
	v18 =	vadd.s32 v20, v8;
	v0 =	vadd.f32 v19, v0;
	v19 =	vld [tilespmem:$0x1FB50]  }
0x195: {  	v16 =	vor.u32 v21, v9;
	v20 =	vor.u32 v21, v7;
	v21 =	vand.u32 $0xFFFFFF80, v18;
	v12 =	vld.idx.msk [tilespmem:v12+s26+$0x0], $0xffff  }
0x196: {  	v11 =	vmul.f32 v17, v11;
	v17 =	vand.u32 $0x7F, v18;
	v18 =	vadd.s32 v7, v21;
	v6 =	vld.idx.msk [tilespmem:v15+s25+$0x0], $0xffff  }
0x197: {  	v15 =	vor.u32 v17, v18;
	v18 =	vld [tilespmem:$0x1FB40]  }
0x198: {  	v5 =	vadd.f32 v10, v5  }
0x199: {  	v1 =	vadd.f32 v50, v1;
	v52 =	vmul.f32 v14, v13;
	v14 =	vmul.f32 v13, v13  }
0x19a: {  	v5 =	vadd.f32 v11, v5  }
0x19b: {  	v13 =	vsel vm1, v13, v51;
	v1 =	vadd.f32 v14, v1;
	v14 =	vor.u32 v19, v9  }
0x19c: {  	v16 =	vld.idx.msk [tilespmem:v16+s24+$0x0], $0xffff;
	v54 =	vmul.f32 v12, v12;
	v17 =	vor.u32 v18, v7;
	v18 =	vadd.s32 v18, v8  }
0x19d: {  	v12 =	vmul.f32 v13, v12;
	v13 =	vld.idx.msk [tilespmem:v15+s26+$0x0], $0xffff;
	v15 =	vor.u32 v19, v7;
	v19 =	vand.u32 $0xFFFFFF80, v18  }
0x19e: {  	v22 =	vld [tilespmem:$0x1FB70];
	v18 =	vand.u32 $0x7F, v18;
	v19 =	vadd.s32 v7, v19  }
0x19f: {  	v5 =	vadd.f32 v12, v5;
	v12 =	vor.u32 v18, v19;
	v18 =	vld [tilespmem:$0x1FB60]  }
0x1a0: {  	v53 =	vld.idx.msk [tilespmem:v20+s25+$0x0], $0xffff;
	_ =	sdelay $0x1  }
0x1a1: {  	v2 =	vadd.f32 v52, v2;
	v16 =	vmul.f32 v16, v6  }
0x1a2: {  	v21 =	vor.u32 v22, v9;
	v22 =	vor.u32 v22, v7;
	v10 =	vmul.f32 v51, v51;
	v14 =	vld.idx.msk [tilespmem:v14+s24+$0x0], $0xffff  }
0x1a3: {  	v2 =	vadd.f32 v16, v2;
	v55 =	vld.idx.msk [tilespmem:v17+s25+$0x0], $0xffff;
	v16 =	vor.u32 v18, v7;
	v18 =	vadd.s32 v18, v8  }
0x1a4: {  	v17 =	vsel vm1, v6, v53;
	v6 =	vmul.f32 v6, v6;
	v15 =	vld.idx.msk [tilespmem:v15+s25+$0x0], $0xffff;
	v20 =	vand.u32 $0xFFFFFF80, v18  }
0x1a5: {  	v19 =	vmul.f32 v13, v13;
	v12 =	vld.idx.msk [tilespmem:v12+s26+$0x0], $0xffff;
	v18 =	vand.u32 $0x7F, v18;
	v20 =	vadd.s32 v7, v20  }
0x1a6: {  	v1 =	vadd.f32 v6, v1;
	v6 =	vmul.f32 v17, v13;
	v13 =	vor.u32 v18, v20;
	v18 =	vld [tilespmem:$0x1FB80]  }
0x1a7: {  	v0 =	vadd.f32 v54, v0;
	v20 =	vld [tilespmem:$0x1FB90]  }
0x1a8: {  	v4 =	vadd.f32 v10, v4;
	v5 =	vadd.f32 v6, v5;
	v6 =	vmul.f32 v55, v55  }
0x1a9: {  	v57 =	vld.idx.msk [tilespmem:v21+s24+$0x0], $0xffff;
	v11 =	vmul.f32 v53, v53;
	v0 =	vadd.f32 v19, v0;
	v56 =	vmul.f32 v14, v55  }
0x1aa: {  	v10 =	vsel vm1, v55, v15;
	v1 =	vadd.f32 v6, v1;
	v6 =	vmul.f32 v15, v15;
	v15 =	vld.idx.msk [tilespmem:v22+s25+$0x0], $0xffff  }
0x1ab: {  	v14 =	vld.idx.msk [tilespmem:v16+s25+$0x0], $0xffff;
	v19 =	vmul.f32 v12, v12;
	v16 =	vor.u32 v18, v7;
	v18 =	vadd.s32 v18, v8  }
0x1ac: {  	v22 =	vld [tilespmem:$0x1FBB0];
	v10 =	vmul.f32 v10, v12;
	v17 =	vor.u32 v20, v9;
	v21 =	vand.u32 $0xFFFFFF80, v18  }
0x1ad: {  	v20 =	vor.u32 v20, v7;
	v12 =	vand.u32 $0x7F, v18;
	v18 =	vadd.s32 v7, v21;
	v21 =	vld [tilespmem:$0x1FBA0];
	_ =	sdelay $0x1  }
0x1ae: {  	v4 =	vadd.f32 v11, v4  }
0x1af: {  	v13 =	vld.idx.msk [tilespmem:v13+s26+$0x0], $0xffff;
	v12 =	vor.u32 v12, v18  }
0x1b0: {  	v4 =	vadd.f32 v6, v4;
	v18 =	vor.u32 v22, v9;
	v6 =	vld.idx.msk [tilespmem:v16+s25+$0x0], $0xffff  }
0x1b1: {  	v0 =	vadd.f32 v19, v0;
	v19 =	vld.idx.msk [tilespmem:v20+s25+$0x0], $0xffff;
	v16 =	vor.u32 v21, v7  }
0x1b2: {  	v60 =	vmul.f32 v15, v15;
	v59 =	vld.idx.msk [tilespmem:v17+s24+$0x0], $0xffff  }
0x1b3: {  	v58 =	vmul.f32 v57, v14;
	v17 =	vsel vm1, v14, v15;
	v14 =	vmul.f32 v14, v14  }
0x1b4: {  	v5 =	vadd.f32 v10, v5;
	v15 =	vmul.f32 v13, v13;
	v13 =	vmul.f32 v17, v13;
	v61 =	vld.idx.msk [tilespmem:v12+s26+$0x0], $0xffff  }
0x1b5: {  	v4 =	vadd.f32 v60, v4;
	v1 =	vadd.f32 v14, v1;
	v14 =	vor.u32 v22, v7;
	v17 =	vld.idx.msk [tilespmem:v18+s24+$0x0], $0xffff  }
0x1b6: {  	v12 =	vadd.s32 v21, v8;
	v5 =	vadd.f32 v13, v5;
	v18 =	vmul.f32 v19, v19;
	v13 =	vld.idx.msk [tilespmem:v16+s25+$0x0], $0xffff  }
0x1b7: {  	v11 =	vmul.f32 v59, v6;
	v16 =	vmul.f32 v6, v6;
	v6 =	vsel vm1, v6, v19;
	v19 =	vld [tilespmem:$0x1FBC0]  }
0x1b8: {  	v0 =	vadd.f32 v15, v0;
	v15 =	vand.u32 $0xFFFFFF80, v12;
	v4 =	vadd.f32 v18, v4;
	v18 =	vld [tilespmem:$0x1FBD0]  }
0x1b9: {  	v2 =	vadd.f32 v56, v2;
	v12 =	vand.u32 $0x7F, v12;
	v15 =	vadd.s32 v7, v15  }
0x1ba: {  	v12 =	vor.u32 v12, v15  }
0x1bb: {  	v2 =	vadd.f32 v58, v2;
	v15 =	vmul.f32 v61, v61  }
0x1bc: {  	v62 =	vld.idx.msk [tilespmem:v14+s25+$0x0], $0xffff;
	v6 =	vmul.f32 v6, v61;
	v1 =	vadd.f32 v16, v1;
	v14 =	vor.u32 v19, v7  }
0x1bd: {  	v21 =	vld [tilespmem:$0x1FBF0];
	v16 =	vor.u32 v18, v9;
	v63 =	vor.u32 v18, v7;
	v18 =	vadd.s32 v19, v8  }
0x1be: {  	v0 =	vadd.f32 v15, v0;
	v15 =	vmul.f32 v17, v13;
	v17 =	vand.u32 $0xFFFFFF80, v18  }
0x1bf: {  	v5 =	vadd.f32 v6, v5;
	v6 =	vld.idx.msk [tilespmem:v12+s26+$0x0], $0xffff;
	v12 =	vand.u32 $0x7F, v18;
	v17 =	vadd.s32 v7, v17  }
0x1c0: {  	v2 =	vadd.f32 v11, v2;
	v12 =	vor.u32 v12, v17;
	v17 =	vld [tilespmem:$0x1FBE0]  }
0x1c1: {  	v14 =	vld.idx.msk [tilespmem:v14+s25+$0x0], $0xffff  }
0x1c2: {  	v20 =	vor.u32 v21, v9;
	v2 =	vadd.f32 v15, v2;
	v15 =	vld.idx.msk [tilespmem:v16+s24+$0x0], $0xffff;
	_ =	sdelay $0x1  }
0x1c3: {  	v18 =	vsel vm1, v13, v62  }
0x1c4: {  	v22 =	vmul.f32 v6, v6;
	v6 =	vmul.f32 v18, v6  }
0x1c5: {  	v10 =	vld.idx.msk [tilespmem:v63+s25+$0x0], $0xffff;
	v16 =	vor.u32 v17, v7;
	v17 =	vadd.s32 v17, v8  }
0x1c6: {  	v5 =	vadd.f32 v6, v5;
	v19 =	vand.u32 $0xFFFFFF80, v17;
	v6 =	vmul.f32 v15, v14;
	v15 =	vld.idx.msk [tilespmem:v20+s24+$0x0], $0xffff  }
0x1c7: {  	v21 =	vor.u32 v21, v7;
	v17 =	vand.u32 $0x7F, v17;
	v19 =	vadd.s32 v7, v19;
	v20 =	vld [tilespmem:$0x1FC10]  }
0x1c8: {  	v17 =	vor.u32 v17, v19;
	v19 =	vld [tilespmem:$0x1FC00]  }
0x1c9: {  	v11 =	vmul.f32 v62, v62;
	v13 =	vmul.f32 v13, v13  }
0x1ca: {  	v32 =	vld.idx.msk [tilespmem:v12+s26+$0x0], $0xffff  }
0x1cb: {  	v4 =	vadd.f32 v11, v4;
	v1 =	vadd.f32 v13, v1  }
0x1cc: {  	v33 =	vld.idx.msk [tilespmem:v21+s25+$0x0], $0xffff;
	v13 =	vsel vm1, v14, v10;
	v14 =	vmul.f32 v14, v14;
	v18 =	vor.u32 v20, v9  }
0x1cd: {  	v2 =	vadd.f32 v6, v2;
	v6 =	vmul.f32 v10, v10;
	v12 =	vld.idx.msk [tilespmem:v16+s25+$0x0], $0xffff;
	v16 =	vor.u32 v19, v7  }
0x1ce: {  	v1 =	vadd.f32 v14, v1;
	v14 =	vld.idx.msk [tilespmem:v17+s26+$0x0], $0xffff;
	v17 =	vor.u32 v20, v7  }
0x1cf: {  	v0 =	vadd.f32 v22, v0;
	v4 =	vadd.f32 v6, v4;
	v6 =	vmul.f32 v32, v32  }
0x1d0: {  	v19 =	vadd.s32 v19, v8  }
0x1d1: {  	v11 =	vmul.f32 v13, v32;
	v0 =	vadd.f32 v6, v0;
	v20 =	vand.u32 $0xFFFFFF80, v19;
	v18 =	vld.idx.msk [tilespmem:v18+s24+$0x0], $0xffff  }
0x1d2: {  	v13 =	vand.u32 $0x7F, v19;
	v6 =	vmul.f32 v15, v12;
	v15 =	vld.idx.msk [tilespmem:v16+s25+$0x0], $0xffff;
	v16 =	vmul.f32 v33, v33  }
0x1d3: {  	v19 =	vadd.s32 v7, v20;
	v34 =	vmul.f32 v12, v12;
	v10 =	vsel vm1, v12, v33;
	v12 =	vld.idx.msk [tilespmem:v17+s25+$0x0], $0xffff  }
0x1d4: {  	v13 =	vor.u32 v13, v19;
	v4 =	vadd.f32 v16, v4;
	v16 =	vld [tilespmem:$0x1FC20]  }
0x1d5: {  	v17 =	vld [tilespmem:$0x1FC30]  }
0x1d6: {  	v5 =	vadd.f32 v11, v5  }
0x1d7: {  	v2 =	vadd.f32 v6, v2;
	v6 =	vmul.f32 v14, v14;
	v10 =	vmul.f32 v10, v14;
	_ =	sdelay $0x1  }
0x1d8: {  	v0 =	vadd.f32 v6, v0;
	v5 =	vadd.f32 v10, v5;
	v13 =	vld.idx.msk [tilespmem:v13+s26+$0x0], $0xffff;
	v35 =	vor.u32 v16, v7  }
0x1d9: {  	v18 =	vmul.f32 v18, v15;
	v6 =	vadd.s32 v16, v8;
	v16 =	vor.u32 v17, v9  }
0x1da: {  	v14 =	vor.u32 v17, v7;
	v19 =	vmul.f32 v15, v15;
	v20 =	vmul.f32 v12, v12  }
0x1db: {  	v36 =	vsel vm1, v15, v12;
	v2 =	vadd.f32 v18, v2;
	v17 =	vand.u32 $0xFFFFFF80, v6  }
0x1dc: {  	v18 =	vadd.s32 $0x56, v3;
	v6 =	vand.u32 $0x7F, v6;
	v17 =	vadd.s32 v7, v17  }
0x1dd: {  	v15 =	vmul.f32 v13, v13;
	v10 =	vmul.f32 v36, v13;
	v6 =	vor.u32 v6, v17;
	v11 =	vld.idx.msk [tilespmem:v35+s25+$0x0], $0xffff  }
0x1de: {  	v13 =	vor.u32 v18, v7;
	[tilespmem:$0x1F740] =	vst v18;
	v18 =	vor.u32 v18, v9;
	v17 =	vadd.s32 $0x16, v3;
	v12 =	vld.idx.msk [tilespmem:v16+s24+$0x0], $0xffff  }
0x1df: {  	v14 =	vld.idx.msk [tilespmem:v14+s25+$0x0], $0xffff;
	[tilespmem:$0x1F730] =	vst v17;
	v16 =	vor.u32 v17, v7;
	v17 =	vadd.s32 v17, v8  }
0x1e0: {  	v21 =	vadd.s32 $0x17, v3;
	v0 =	vadd.f32 v15, v0;
	v15 =	vand.u32 $0xFFFFFF80, v17  }
0x1e1: {  	v38 =	vadd.s32 v21, v8;
	v37 =	vand.u32 $0x7F, v17;
	v15 =	vadd.s32 v7, v15  }
0x1e2: {  	v1 =	vadd.f32 v34, v1;
	v5 =	vadd.f32 v10, v5;
	v6 =	vld.idx.msk [tilespmem:v6+s26+$0x0], $0xffff;
	v10 =	vor.u32 v37, v15  }
0x1e3: {  	v4 =	vadd.f32 v20, v4;
	v20 =	vadd.s32 $0x57, v3;
	v18 =	vld.idx.msk [tilespmem:v18+s24+$0x0], $0xffff;
	v12 =	vmul.f32 v12, v11  }
0x1e4: {  	v17 =	vor.u32 v21, v7;
	v15 =	vsel vm1, v11, v14;
	v16 =	vld.idx.msk [tilespmem:v16+s25+$0x0], $0xffff;
	v14 =	vmul.f32 v14, v14  }
0x1e5: {  	v1 =	vadd.f32 v19, v1;
	v2 =	vadd.f32 v12, v2;
	v12 =	vld.idx.msk [tilespmem:v13+s25+$0x0], $0xffff;
	v13 =	vor.u32 v20, v9  }
0x1e6: {  	[tilespmem:$0x1F750] =	vst v20;
	v11 =	vmul.f32 v11, v11;
	v20 =	vor.u32 v20, v7;
	v4 =	vadd.f32 v14, v4  }
0x1e7: {  	v14 =	vand.u32 $0xFFFFFF80, v38;
	v19 =	vmul.f32 v6, v6;
	v6 =	vmul.f32 v15, v6;
	v10 =	vld.idx.msk [tilespmem:v10+s26+$0x0], $0xffff  }
0x1e8: {  	v1 =	vadd.f32 v11, v1;
	v11 =	vand.u32 $0x7F, v38;
	v14 =	vadd.s32 v7, v14  }
0x1e9: {  	[tilespmem:$0x1F760] =	vst v21;
	v21 =	vadd.s32 $0x18, v3;
	v11 =	vor.u32 v11, v14;
	v5 =	vadd.f32 v6, v5;
	v6 =	vld.idx.msk [tilespmem:v17+s25+$0x0], $0xffff  }
0x1ea: {  	v0 =	vadd.f32 v19, v0;
	v14 =	vmul.f32 v18, v16;
	v18 =	vor.u32 v21, v7;
	v13 =	vld.idx.msk [tilespmem:v13+s24+$0x0], $0xffff  }
0x1eb: {  	v15 =	vsel vm1, v16, v12;
	v17 =	vld.idx.msk [tilespmem:v20+s25+$0x0], $0xffff;
	v20 =	vadd.s32 $0x58, v3;
	v16 =	vmul.f32 v16, v16  }
0x1ec: {  	v12 =	vmul.f32 v12, v12;
	v2 =	vadd.f32 v14, v2;
	v14 =	vmul.f32 v10, v10  }
0x1ed: {  	v19 =	vor.u32 v20, v7;
	[tilespmem:$0x1F770] =	vst v20;
	v10 =	vmul.f32 v15, v10;
	v1 =	vadd.f32 v16, v1  }
0x1ee: {  	v20 =	vor.u32 v20, v9;
	v4 =	vadd.f32 v12, v4;
	v11 =	vld.idx.msk [tilespmem:v11+s26+$0x0], $0xffff;
	v0 =	vadd.f32 v14, v0  }
0x1ef: {  	v5 =	vadd.f32 v10, v5;
	v12 =	vmul.f32 v13, v6;
	v13 =	vadd.s32 v21, v8  }
0x1f0: {  	v39 =	vsel vm1, v6, v17;
	v6 =	vmul.f32 v6, v6;
	v15 =	vand.u32 $0xFFFFFF80, v13  }
0x1f1: {  	v14 =	vld.idx.msk [tilespmem:v18+s25+$0x0], $0xffff;
	v16 =	vmul.f32 v17, v17;
	v13 =	vand.u32 $0x7F, v13;
	v15 =	vadd.s32 v7, v15  }
0x1f2: {  	v2 =	vadd.f32 v12, v2;
	v12 =	vld.idx.msk [tilespmem:v19+s25+$0x0], $0xffff;
	v19 =	vadd.s32 $0x19, v3;
	v13 =	vor.u32 v13, v15  }
0x1f3: {  	v18 =	vmul.f32 v11, v11;
	v15 =	vld.idx.msk [tilespmem:v20+s24+$0x0], $0xffff;
	v17 =	vor.u32 v19, v7;
	v20 =	vadd.s32 $0x59, v3  }
0x1f4: {  	v10 =	vmul.f32 v39, v11;
	v1 =	vadd.f32 v6, v1;
	v40 =	vor.u32 v20, v9  }
0x1f5: {  	v4 =	vadd.f32 v16, v4;
	v41 =	vadd.s32 v19, v8;
	v6 =	vor.u32 v20, v7  }
0x1f6: {  	[tilespmem:$0x1F790] =	vst v20;
	v0 =	vadd.f32 v18, v0;
	v18 =	vand.u32 $0xFFFFFF80, v41;
	v20 =	vadd.s32 $0x5A, v3  }
0x1f7: {  	v5 =	vadd.f32 v10, v5;
	v10 =	vand.u32 $0x7F, v41;
	v18 =	vadd.s32 v7, v18;
	[tilespmem:$0x1F7C0] =	vst v20;
	v13 =	vld.idx.msk [tilespmem:v13+s26+$0x0], $0xffff  }
0x1f8: {  	v10 =	vor.u32 v10, v18;
	v18 =	vor.u32 v20, v9;
	v15 =	vmul.f32 v15, v14;
	v17 =	vld.idx.msk [tilespmem:v17+s25+$0x0], $0xffff  }
0x1f9: {  	v20 =	vor.u32 v20, v7;
	v16 =	vsel vm1, v14, v12;
	v14 =	vmul.f32 v14, v14;
	v11 =	vld.idx.msk [tilespmem:v40+s24+$0x0], $0xffff  }
0x1fa: {  	v12 =	vmul.f32 v12, v12;
	v6 =	vld.idx.msk [tilespmem:v6+s25+$0x0], $0xffff;
	v2 =	vadd.f32 v15, v2;
	v15 =	vadd.s32 $0x1A, v3  }
0x1fb: {  	v1 =	vadd.f32 v14, v1;
	v14 =	vor.u32 v15, v7;
	[tilespmem:$0x1F7B0] =	vst v15;
	v15 =	vadd.s32 v15, v8  }
0x1fc: {  	[tilespmem:$0x1F7A0] =	vst v19;
	v19 =	vmul.f32 v13, v13;
	v13 =	vmul.f32 v16, v13;
	v16 =	vand.u32 $0xFFFFFF80, v15  }
0x1fd: {  	[tilespmem:$0x1F780] =	vst v21;
	v21 =	vadd.s32 $0x5B, v3;
	v10 =	vld.idx.msk [tilespmem:v10+s26+$0x0], $0xffff;
	v15 =	vand.u32 $0x7F, v15;
	v16 =	vadd.s32 v7, v16  }
0x1fe: {  	v4 =	vadd.f32 v12, v4;
	v42 =	vmul.f32 v17, v17;
	v12 =	vor.u32 v15, v16;
	v15 =	vld.idx.msk [tilespmem:v18+s24+$0x0], $0xffff  }
0x1ff: {  	v11 =	vmul.f32 v11, v17;
	v5 =	vadd.f32 v13, v5;
	v13 =	vsel vm1, v17, v6;
	v18 =	vld.idx.msk [tilespmem:v20+s25+$0x0], $0xffff  }
0x200: {  	[tilespmem:$0x1F7E0] =	vst v21;
	v17 =	vadd.s32 $0x1B, v3;
	v20 =	vor.u32 v21, v9;
	v21 =	vor.u32 v21, v7;
	v14 =	vld.idx.msk [tilespmem:v14+s25+$0x0], $0xffff  }
0x201: {  	v0 =	vadd.f32 v19, v0;
	v16 =	vor.u32 v17, v7;
	[tilespmem:$0x1F7D0] =	vst v17;
	v17 =	vadd.s32 v17, v8  }
0x202: {  	v6 =	vmul.f32 v6, v6;
	v1 =	vadd.f32 v42, v1;
	v19 =	vand.u32 $0xFFFFFF80, v17  }
0x203: {  	v22 =	vmul.f32 v10, v10;
	v17 =	vand.u32 $0x7F, v17;
	v19 =	vadd.s32 v7, v19  }
0x204: {  	v2 =	vadd.f32 v11, v2;
	v10 =	vmul.f32 v13, v10;
	v13 =	vor.u32 v17, v19;
	v12 =	vld.idx.msk [tilespmem:v12+s26+$0x0], $0xffff  }
0x205: {  	v4 =	vadd.f32 v6, v4;
	v0 =	vadd.f32 v22, v0;
	v17 =	vld.idx.msk [tilespmem:v21+s25+$0x0], $0xffff;
	v6 =	vmul.f32 v15, v14  }
0x206: {  	v43 =	vld.idx.msk [tilespmem:v16+s25+$0x0], $0xffff;
	v44 =	vsel vm1, v14, v18;
	v15 =	vmul.f32 v18, v18;
	v18 =	vadd.s32 $0x1C, v3  }
0x207: {  	v5 =	vadd.f32 v10, v5;
	v19 =	vadd.s32 $0x5C, v3;
	v45 =	vadd.s32 v18, v8  }
0x208: {  	v2 =	vadd.f32 v6, v2;
	v6 =	vmul.f32 v14, v14;
	v14 =	vld.idx.msk [tilespmem:v20+s24+$0x0], $0xffff;
	v4 =	vadd.f32 v15, v4  }
0x209: {  	v16 =	vmul.f32 v12, v12;
	v11 =	vmul.f32 v44, v12;
	v12 =	vld.idx.msk [tilespmem:v13+s26+$0x0], $0xffff;
	v13 =	vor.u32 v18, v7  }
0x20a: {  	[tilespmem:$0x1F800] =	vst v19;
	v15 =	vor.u32 v19, v7;
	v1 =	vadd.f32 v6, v1;
	v6 =	vor.u32 v19, v9  }
0x20b: {  	[tilespmem:$0x1F7F0] =	vst v18;
	v19 =	vmul.f32 v17, v17;
	v18 =	vmul.f32 v43, v43;
	v10 =	vsel vm1, v43, v17  }
0x20c: {  	v0 =	vadd.f32 v16, v0;
	v5 =	vadd.f32 v11, v5;
	v16 =	vand.u32 $0xFFFFFF80, v45  }
0x20d: {  	v11 =	vand.u32 $0x7F, v45;
	v4 =	vadd.f32 v19, v4;
	v16 =	vadd.s32 v7, v16  }
0x20e: {  	v19 =	vadd.s32 $0x5E, v3;
	v14 =	vmul.f32 v14, v43;
	v11 =	vor.u32 v11, v16;
	v13 =	vld.idx.msk [tilespmem:v13+s25+$0x0], $0xffff  }
0x20f: {  	v1 =	vadd.f32 v18, v1;
	v18 =	vadd.s32 $0x5D, v3;
	v16 =	vadd.s32 $0x1D, v3;
	v6 =	vld.idx.msk [tilespmem:v6+s24+$0x0], $0xffff  }
0x210: {  	v20 =	vmul.f32 v12, v12;
	v2 =	vadd.f32 v14, v2;
	v14 =	vld.idx.msk [tilespmem:v15+s25+$0x0], $0xffff;
	v15 =	vor.u32 v16, v7  }
0x211: {  	[tilespmem:$0x1F810] =	vst v16;
	v16 =	vadd.s32 v16, v8;
	v10 =	vmul.f32 v10, v12;
	v12 =	vor.u32 v18, v7  }
0x212: {  	[tilespmem:$0x1F820] =	vst v18;
	v18 =	vor.u32 v18, v9;
	v17 =	vand.u32 $0xFFFFFF80, v16;
	v16 =	vand.u32 $0x7F, v16  }
0x213: {  	v0 =	vadd.f32 v20, v0;
	v17 =	vadd.s32 v7, v17;
	v20 =	vadd.s32 $0x1E, v3;
	v11 =	vld.idx.msk [tilespmem:v11+s26+$0x0], $0xffff  }
0x214: {  	v16 =	vor.u32 v16, v17;
	v46 =	vor.u32 v20, v7;
	[tilespmem:$0x1F840] =	vst v20;
	v20 =	vadd.s32 v20, v8  }
0x215: {  	[tilespmem:$0x1F830] =	vst v19;
	v5 =	vadd.f32 v10, v5;
	v22 =	vand.u32 $0xFFFFFF80, v20;
	v6 =	vmul.f32 v6, v13  }
0x216: {  	v17 =	vsel vm1, v13, v14;
	v13 =	vmul.f32 v13, v13;
	v12 =	vld.idx.msk [tilespmem:v12+s25+$0x0], $0xffff;
	v14 =	vmul.f32 v14, v14  }
0x217: {  	v2 =	vadd.f32 v6, v2;
	v6 =	vld.idx.msk [tilespmem:v15+s25+$0x0], $0xffff;
	v15 =	vor.u32 v19, v9;
	v19 =	vor.u32 v19, v7  }
0x218: {  	v18 =	vld.idx.msk [tilespmem:v18+s24+$0x0], $0xffff;
	v1 =	vadd.f32 v13, v1;
	v4 =	vadd.f32 v14, v4;
	v21 =	vmul.f32 v11, v11  }
0x219: {  	v16 =	vld.idx.msk [tilespmem:v16+s26+$0x0], $0xffff;
	v11 =	vmul.f32 v17, v11;
	v17 =	vand.u32 $0x7F, v20;
	v20 =	vadd.s32 v7, v22  }
0x21a: {  	v10 =	vld.idx.msk [tilespmem:v46+s25+$0x0], $0xffff;
	v46 =	vadd.s32 $0x2A, v3;
	v22 =	vadd.s32 $0x1F, v3;
	v13 =	vor.u32 v17, v20  }
0x21b: {  	v59 =	vor.u32 v46, v7;
	v17 =	vor.u32 v22, v7;
	v0 =	vadd.f32 v21, v0  }
0x21c: {  	v5 =	vadd.f32 v11, v5;
	v21 =	vadd.s32 $0x5F, v3;
	v47 =	vld.idx.msk [tilespmem:v15+s24+$0x0], $0xffff;
	v14 =	vsel vm1, v6, v12  }
0x21d: {  	v15 =	vld.idx.msk [tilespmem:v19+s25+$0x0], $0xffff;
	v18 =	vmul.f32 v18, v6;
	v6 =	vmul.f32 v6, v6;
	v19 =	vor.u32 v21, v9  }
0x21e: {  	v12 =	vmul.f32 v12, v12;
	[tilespmem:$0x1F850] =	vst v21;
	v21 =	vor.u32 v21, v7;
	v20 =	vmul.f32 v16, v16  }
0x21f: {  	v2 =	vadd.f32 v18, v2;
	v1 =	vadd.f32 v6, v1;
	v6 =	vmul.f32 v14, v16;
	v13 =	vld.idx.msk [tilespmem:v13+s26+$0x0], $0xffff  }
0x220: {  	v4 =	vadd.f32 v12, v4;
	v14 =	vadd.s32 v22, v8;
	v0 =	vadd.f32 v20, v0  }
0x221: {  	v12 =	vld.idx.msk [tilespmem:v17+s25+$0x0], $0xffff;
	v48 =	vand.u32 $0xFFFFFF80, v14;
	v5 =	vadd.f32 v6, v5;
	v11 =	vmul.f32 v47, v10  }
0x222: {  	v6 =	vsel vm1, v10, v15;
	v10 =	vmul.f32 v10, v10;
	v16 =	vld.idx.msk [tilespmem:v19+s24+$0x0], $0xffff;
	v15 =	vmul.f32 v15, v15  }
0x223: {  	v14 =	vand.u32 $0x7F, v14;
	v17 =	vld.idx.msk [tilespmem:v21+s25+$0x0], $0xffff;
	v2 =	vadd.f32 v11, v2;
	v11 =	vadd.s32 v7, v48  }
0x224: {  	v1 =	vadd.f32 v10, v1;
	v4 =	vadd.f32 v15, v4;
	v18 =	vmul.f32 v13, v13  }
0x225: {  	v6 =	vmul.f32 v6, v13;
	v11 =	vor.u32 v14, v11;
	v14 =	vor.u32 $0x20, v3  }
0x226: {  	v49 =	vor.u32 v14, v7;
	[tilespmem:$0x1F870] =	vst v14;
	v14 =	vadd.s32 v14, v8;
	v0 =	vadd.f32 v18, v0  }
0x227: {  	v5 =	vadd.f32 v6, v5;
	v6 =	vmul.f32 v16, v12;
	v16 =	vor.u32 $0x60, v3  }
0x228: {  	v13 =	vsel vm1, v12, v17;
	v12 =	vmul.f32 v12, v12;
	v17 =	vmul.f32 v17, v17  }
0x229: {  	v18 =	vadd.s32 $0x21, v3;
	v15 =	vor.u32 v16, v9;
	v2 =	vadd.f32 v6, v2  }
0x22a: {  	[tilespmem:$0x1F880] =	vst v16;
	v6 =	vor.u32 v16, v7;
	v16 =	vand.u32 $0xFFFFFF80, v14;
	v14 =	vand.u32 $0x7F, v14  }
0x22b: {  	v1 =	vadd.f32 v12, v1;
	v12 =	vor.u32 v18, v7;
	v11 =	vld.idx.msk [tilespmem:v11+s26+$0x0], $0xffff;
	v16 =	vadd.s32 v7, v16  }
0x22c: {  	v19 =	vadd.s32 $0x61, v3;
	v21 =	vadd.s32 $0x62, v3;
	v14 =	vor.u32 v14, v16  }
0x22d: {  	v48 =	vadd.s32 $0x6A, v3;
	v10 =	vld.idx.msk [tilespmem:v49+s25+$0x0], $0xffff;
	v16 =	vadd.f32 v17, v4;
	v17 =	vor.u32 v19, v9  }
0x22e: {  	[tilespmem:$0x1F8A0] =	vst v19;
	v4 =	vadd.s32 v18, v8;
	v19 =	vor.u32 v19, v7;
	v49 =	vadd.s32 $0x2B, v3;
	v15 =	vld.idx.msk [tilespmem:v15+s24+$0x0], $0xffff  }
0x22f: {  	v20 =	vand.u32 $0xFFFFFF80, v4;
	v4 =	vand.u32 $0x7F, v4;
	v43 =	vadd.s32 v49, v8;
	v6 =	vld.idx.msk [tilespmem:v6+s25+$0x0], $0xffff  }
0x230: {  	[tilespmem:$0x1F890] =	vst v18;
	v38 =	vor.u32 v49, v7;
	v44 =	vand.u32 $0xFFFFFF80, v43;
	v50 =	vld.idx.msk [tilespmem:v12+s25+$0x0], $0xffff;
	v18 =	vmul.f32 v11, v11  }
0x231: {  	v11 =	vmul.f32 v13, v11;
	v13 =	vadd.s32 v7, v20;
	v20 =	vor.u32 v21, v7;
	v14 =	vld.idx.msk [tilespmem:v14+s26+$0x0], $0xffff  }
0x232: {  	[tilespmem:$0x1F8B0] =	vst v21;
	v21 =	vor.u32 v21, v9;
	v13 =	vor.u32 v4, v13;
	v4 =	vadd.s32 $0x22, v3;
	v17 =	vld.idx.msk [tilespmem:v17+s24+$0x0], $0xffff  }
0x233: {  	v19 =	vld.idx.msk [tilespmem:v19+s25+$0x0], $0xffff;
	v0 =	vadd.f32 v18, v0;
	v18 =	vmul.f32 v10, v10;
	v15 =	vmul.f32 v15, v10  }
0x234: {  	v5 =	vadd.f32 v11, v5;
	v10 =	vsel vm1, v10, v6;
	v6 =	vmul.f32 v6, v6  }
0x235: {  	v12 =	vor.u32 v4, v7;
	v1 =	vadd.f32 v18, v1;
	v2 =	vadd.f32 v15, v2  }
0x236: {  	v15 =	vadd.s32 v4, v8;
	v6 =	vadd.f32 v6, v16;
	v16 =	vmul.f32 v14, v14  }
0x237: {  	v13 =	vld.idx.msk [tilespmem:v13+s26+$0x0], $0xffff;
	v18 =	vand.u32 $0xFFFFFF80, v15;
	v10 =	vmul.f32 v10, v14;
	v14 =	vand.u32 $0x7F, v15  }
0x238: {  	v17 =	vmul.f32 v17, v50;
	v51 =	vsel vm1, v50, v19;
	v15 =	vadd.s32 v7, v18  }
0x239: {  	v52 =	vld.idx.msk [tilespmem:v21+s24+$0x0], $0xffff;
	v18 =	vmul.f32 v50, v50;
	v14 =	vor.u32 v14, v15;
	v0 =	vadd.f32 v16, v0  }
0x23a: {  	v12 =	vld.idx.msk [tilespmem:v12+s25+$0x0], $0xffff;
	v5 =	vadd.f32 v10, v5;
	v15 =	vadd.f32 v17, v2;
	v2 =	vadd.s32 $0x23, v3  }
0x23b: {  	v20 =	vld.idx.msk [tilespmem:v20+s25+$0x0], $0xffff;
	v16 =	vadd.f32 v18, v1;
	v1 =	vmul.f32 v19, v19;
	v18 =	vadd.s32 v2, v8  }
0x23c: {  	v21 =	vand.u32 $0xFFFFFF80, v18;
	v17 =	vmul.f32 v13, v13;
	v10 =	vmul.f32 v51, v13  }
0x23d: {  	v6 =	vadd.f32 v1, v6;
	v13 =	vor.u32 v2, v7;
	v1 =	vadd.s32 $0x63, v3  }
0x23e: {  	v18 =	vand.u32 $0x7F, v18;
	v17 =	vadd.f32 v17, v0;
	v53 =	vld.idx.msk [tilespmem:v14+s26+$0x0], $0xffff;
	v0 =	vor.u32 v1, v9  }
0x23f: {  	v21 =	vadd.s32 v7, v21;
	v11 =	vmul.f32 v52, v12;
	v19 =	vor.u32 v1, v7  }
0x240: {  	[tilespmem:$0x1F860] =	vst v22;
	v5 =	vadd.f32 v10, v5;
	v14 =	vsel vm1, v12, v20;
	v12 =	vmul.f32 v12, v12  }
0x241: {  	[tilespmem:$0x1F8E0] =	vst v1;
	v20 =	vmul.f32 v20, v20;
	v1 =	vadd.s32 $0x64, v3;
	v15 =	vadd.f32 v11, v15  }
0x242: {  	v23 =	vor.u32 v1, v7;
	v24 =	vor.u32 v1, v9;
	v16 =	vadd.f32 v12, v16;
	v22 =	vld.idx.msk [tilespmem:v13+s25+$0x0], $0xffff  }
0x243: {  	v12 =	vor.u32 v18, v21;
	v13 =	vmul.f32 v53, v53;
	v18 =	vld.idx.msk [tilespmem:v0+s24+$0x0], $0xffff;
	v0 =	vadd.s32 $0x24, v3  }
0x244: {  	v6 =	vadd.f32 v20, v6;
	v19 =	vld.idx.msk [tilespmem:v19+s25+$0x0], $0xffff;
	v20 =	vor.u32 v0, v7;
	v21 =	vadd.s32 v0, v8  }
0x245: {  	[tilespmem:$0x1F900] =	vst v1;
	v1 =	vadd.s32 $0x65, v3;
	v17 =	vadd.f32 v13, v17;
	v13 =	vand.u32 $0xFFFFFF80, v21  }
0x246: {  	v10 =	vmul.f32 v14, v53;
	v21 =	vand.u32 $0x7F, v21;
	v13 =	vadd.s32 v7, v13  }
0x247: {  	[tilespmem:$0x1F8F0] =	vst v0;
	v0 =	vadd.s32 $0x25, v3;
	v54 =	vmul.f32 v22, v22;
	v21 =	vor.u32 v21, v13  }
0x248: {  	v26 =	vor.u32 v1, v9;
	v14 =	vld.idx.msk [tilespmem:v12+s26+$0x0], $0xffff;
	v25 =	vor.u32 v0, v7;
	v18 =	vmul.f32 v18, v22  }
0x249: {  	v5 =	vadd.f32 v10, v5;
	v22 =	vsel vm1, v22, v19;
	v10 =	vadd.f32 v54, v16;
	v20 =	vld.idx.msk [tilespmem:v20+s25+$0x0], $0xffff  }
0x24a: {  	v16 =	vadd.s32 v0, v8;
	v18 =	vadd.f32 v18, v15;
	v15 =	vmul.f32 v19, v19;
	v19 =	vld.idx.msk [tilespmem:v23+s25+$0x0], $0xffff  }
0x24b: {  	v50 =	vadd.s32 $0x6B, v3;
	v27 =	vand.u32 $0xFFFFFF80, v16;
	v23 =	vld.idx.msk [tilespmem:v24+s24+$0x0], $0xffff;
	v24 =	vor.u32 v1, v7  }
0x24c: {  	[tilespmem:$0x1F910] =	vst v1;
	v16 =	vand.u32 $0x7F, v16;
	v1 =	vadd.s32 $0x66, v3;
	v6 =	vadd.f32 v15, v6;
	v21 =	vld.idx.msk [tilespmem:v21+s26+$0x0], $0xffff  }
0x24d: {  	v15 =	vmul.f32 v14, v14;
	v14 =	vmul.f32 v22, v14;
	v22 =	vld.idx.msk [tilespmem:v25+s25+$0x0], $0xffff;
	v25 =	vadd.s32 v7, v27  }
0x24e: {  	[tilespmem:$0x1F920] =	vst v0;
	v26 =	vld.idx.msk [tilespmem:v26+s24+$0x0], $0xffff;
	v0 =	vadd.s32 $0x26, v3;
	v28 =	vor.u32 v1, v9;
	v25 =	vor.u32 v16, v25  }
0x24f: {  	[tilespmem:$0x1F930] =	vst v1;
	v29 =	vor.u32 v1, v7;
	v1 =	vadd.s32 $0x67, v3;
	v17 =	vadd.f32 v15, v17  }
0x250: {  	v5 =	vadd.f32 v14, v5;
	v14 =	vor.u32 v0, v7;
	v23 =	vmul.f32 v23, v20;
	v24 =	vld.idx.msk [tilespmem:v24+s25+$0x0], $0xffff  }
0x251: {  	v27 =	vsel vm1, v20, v19;
	v20 =	vmul.f32 v20, v20;
	v19 =	vmul.f32 v19, v19  }
0x252: {  	v18 =	vadd.f32 v23, v18;
	v23 =	vmul.f32 v21, v21;
	v21 =	vmul.f32 v27, v21  }
0x253: {  	v10 =	vadd.f32 v20, v10;
	v6 =	vadd.f32 v19, v6;
	v20 =	vmul.f32 v26, v22;
	v19 =	vld.idx.msk [tilespmem:v25+s26+$0x0], $0xffff  }
0x254: {  	v25 =	vld.idx.msk [tilespmem:v28+s24+$0x0], $0xffff;
	v23 =	vadd.f32 v23, v17;
	v5 =	vadd.f32 v21, v5;
	v17 =	vadd.s32 v0, v8  }
0x255: {  	[tilespmem:$0x1F940] =	vst v0;
	v14 =	vld.idx.msk [tilespmem:v14+s25+$0x0], $0xffff;
	v18 =	vadd.f32 v20, v18;
	v0 =	vadd.s32 $0x27, v3;
	v21 =	vsel vm1, v22, v24  }
0x256: {  	v20 =	vand.u32 $0xFFFFFF80, v17;
	v22 =	vmul.f32 v22, v22;
	v24 =	vmul.f32 v24, v24  }
0x257: {  	v26 =	vld.idx.msk [tilespmem:v29+s25+$0x0], $0xffff;
	v17 =	vand.u32 $0x7F, v17;
	v29 =	vor.u32 v0, v7;
	v20 =	vadd.s32 v7, v20  }
0x258: {  	v27 =	vor.u32 v17, v20;
	v10 =	vadd.f32 v22, v10;
	v6 =	vadd.f32 v24, v6  }
0x259: {  	v28 =	vmul.f32 v19, v19;
	v19 =	vmul.f32 v21, v19;
	v21 =	vor.u32 v1, v9  }
0x25a: {  	[tilespmem:$0x1F960] =	vst v1;
	v22 =	vmul.f32 v25, v14;
	v25 =	vor.u32 v1, v7;
	v1 =	vadd.s32 $0x68, v3  }
0x25b: {  	v28 =	vadd.f32 v28, v23;
	v5 =	vadd.f32 v19, v5;
	v23 =	vadd.s32 v0, v8  }
0x25c: {  	v19 =	vsel vm1, v14, v26;
	v18 =	vadd.f32 v22, v18;
	v22 =	vand.u32 $0xFFFFFF80, v23  }
0x25d: {  	v14 =	vmul.f32 v14, v14;
	v23 =	vand.u32 $0x7F, v23;
	v24 =	vld.idx.msk [tilespmem:v27+s26+$0x0], $0xffff;
	v22 =	vadd.s32 v7, v22  }
0x25e: {  	[tilespmem:$0x1F950] =	vst v0;
	v26 =	vmul.f32 v26, v26;
	v0 =	vadd.s32 $0x28, v3;
	v27 =	vld.idx.msk [tilespmem:v29+s25+$0x0], $0xffff;
	v29 =	vor.u32 v23, v22  }
0x25f: {  	v30 =	vadd.s32 v0, v8;
	v10 =	vadd.f32 v14, v10;
	v14 =	vor.u32 v0, v7;
	v21 =	vld.idx.msk [tilespmem:v21+s24+$0x0], $0xffff  }
0x260: {  	v6 =	vadd.f32 v26, v6;
	v26 =	vor.u32 v1, v7;
	v32 =	vld.idx.msk [tilespmem:v25+s25+$0x0], $0xffff;
	v25 =	vand.u32 $0xFFFFFF80, v30  }
0x261: {  	v51 =	vadd.s32 $0x2C, v3;
	v33 =	vor.u32 v1, v9;
	v25 =	vadd.s32 v7, v25  }
0x262: {  	v31 =	vmul.f32 v24, v24;
	v19 =	vmul.f32 v19, v24;
	v24 =	vand.u32 $0x7F, v30  }
0x263: {  	v11 =	vor.u32 v50, v9;
	[tilespmem:$0x1F980] =	vst v1;
	v1 =	vadd.s32 $0x69, v3;
	v29 =	vld.idx.msk [tilespmem:v29+s26+$0x0], $0xffff;
	v30 =	vor.u32 v24, v25  }
0x264: {  	[tilespmem:$0x1F970] =	vst v0;
	v0 =	vadd.s32 $0x29, v3;
	v55 =	vor.u32 v1, v7;
	v14 =	vld.idx.msk [tilespmem:v14+s25+$0x0], $0xffff;
	v21 =	vmul.f32 v21, v27  }
0x265: {  	v35 =	vor.u32 v0, v7;
	v56 =	vadd.s32 v0, v8;
	v5 =	vadd.f32 v19, v5;
	v19 =	vld.idx.msk [tilespmem:v26+s25+$0x0], $0xffff  }
0x266: {  	v34 =	vmul.f32 v27, v27;
	v26 =	vor.u32 v1, v9;
	v18 =	vadd.f32 v21, v18;
	v21 =	vld.idx.msk [tilespmem:v33+s24+$0x0], $0xffff  }
0x267: {  	v28 =	vadd.f32 v31, v28;
	v27 =	vsel vm1, v27, v32;
	v31 =	vmul.f32 v32, v32  }
0x268: {  	v57 =	vmul.f32 v29, v29;
	v27 =	vmul.f32 v27, v29;
	v29 =	vld.idx.msk [tilespmem:v30+s26+$0x0], $0xffff;
	v30 =	vand.u32 $0xFFFFFF80, v56  }
0x269: {  	v10 =	vadd.f32 v34, v10;
	v32 =	vld.idx.msk [tilespmem:v55+s25+$0x0], $0xffff;
	v33 =	vand.u32 $0x7F, v56;
	v30 =	vadd.s32 v7, v30  }
0x26a: {  	v6 =	vadd.f32 v31, v6;
	v31 =	vld.idx.msk [tilespmem:v35+s25+$0x0], $0xffff;
	v5 =	vadd.f32 v27, v5;
	v27 =	vor.u32 v33, v30  }
0x26b: {  	v26 =	vld.idx.msk [tilespmem:v26+s24+$0x0], $0xffff;
	v58 =	vsel vm1, v14, v19;
	v21 =	vmul.f32 v21, v14;
	v14 =	vmul.f32 v14, v14  }
0x26c: {  	v45 =	vor.u32 v50, v7;
	v39 =	vor.u32 v51, v7;
	v19 =	vmul.f32 v19, v19  }
0x26d: {  	v10 =	vadd.f32 v14, v10;
	v14 =	vmul.f32 v29, v29;
	v29 =	vmul.f32 v58, v29  }
0x26e: {  	v40 =	vld.idx.msk [tilespmem:v38+s25+$0x0], $0xffff;
	v6 =	vadd.f32 v19, v6;
	v18 =	vadd.f32 v21, v18;
	v21 =	vor.u32 v48, v7  }
0x26f: {  	v19 =	vld.idx.msk [tilespmem:v27+s26+$0x0], $0xffff;
	v27 =	vor.u32 v48, v9;
	v5 =	vadd.f32 v29, v5;
	v29 =	vadd.s32 v46, v8  }
0x270: {  	v35 =	vld.idx.msk [tilespmem:v11+s24+$0x0], $0xffff;
	v60 =	vsel vm1, v31, v32;
	v26 =	vmul.f32 v26, v31;
	v61 =	vand.u32 $0xFFFFFF80, v29  }
0x271: {  	v62 =	vmul.f32 v31, v31;
	v29 =	vand.u32 $0x7F, v29;
	v31 =	vadd.s32 v7, v61  }
0x272: {  	v52 =	vadd.s32 $0x6C, v3;
	v18 =	vadd.f32 v26, v18;
	v26 =	vld.idx.msk [tilespmem:v59+s25+$0x0], $0xffff;
	v29 =	vor.u32 v29, v31  }
0x273: {  	v41 =	vadd.s32 v51, v8;
	v42 =	vor.u32 v52, v9;
	v34 =	vadd.f32 v57, v28;
	v21 =	vld.idx.msk [tilespmem:v21+s25+$0x0], $0xffff  }
0x274: {  	[tilespmem:$0x1F9A0] =	vst v0;
	v0 =	vadd.s32 $0x6D, v3;
	v63 =	vmul.f32 v32, v32;
	v33 =	vand.u32 $0x7F, v43;
	v27 =	vld.idx.msk [tilespmem:v27+s24+$0x0], $0xffff  }
0x275: {  	v43 =	vmul.f32 v40, v40;
	v35 =	vmul.f32 v35, v40;
	v14 =	vadd.f32 v14, v34  }
0x276: {  	v34 =	vadd.s32 v7, v44;
	v36 =	vmul.f32 v19, v19;
	v19 =	vmul.f32 v60, v19  }
0x277: {  	v6 =	vadd.f32 v63, v6;
	v10 =	vadd.f32 v62, v10;
	v47 =	vor.u32 v33, v34;
	v29 =	vld.idx.msk [tilespmem:v29+s26+$0x0], $0xffff  }
0x278: {  	v5 =	vadd.f32 v19, v5;
	v19 =	vsel vm1, v26, v21;
	v21 =	vmul.f32 v21, v21  }
0x279: {  	v59 =	vadd.s32 $0x2D, v3;
	v27 =	vmul.f32 v27, v26;
	v26 =	vmul.f32 v26, v26  }
0x27a: {  	v44 =	vor.u32 v59, v7;
	v60 =	vadd.s32 v59, v8;
	v6 =	vadd.f32 v21, v6  }
0x27b: {  	v21 =	vld.idx.msk [tilespmem:v45+s25+$0x0], $0xffff;
	v18 =	vadd.f32 v27, v18;
	v10 =	vadd.f32 v26, v10;
	v26 =	vand.u32 $0xFFFFFF80, v41  }
0x27c: {  	v27 =	vand.u32 $0x7F, v41;
	v26 =	vadd.s32 v7, v26;
	v19 =	vmul.f32 v19, v29  }
0x27d: {  	v14 =	vadd.f32 v36, v14;
	v26 =	vor.u32 v27, v26;
	v27 =	vor.u32 v52, v7  }
0x27e: {  	v42 =	vld.idx.msk [tilespmem:v42+s24+$0x0], $0xffff;
	v29 =	vmul.f32 v29, v29;
	v5 =	vadd.f32 v19, v5;
	v19 =	vor.u32 v0, v9  }
0x27f: {  	v61 =	vor.u32 v0, v7;
	v54 =	vld.idx.msk [tilespmem:v47+s26+$0x0], $0xffff;
	v62 =	vand.u32 $0xFFFFFF80, v60;
	v18 =	vadd.f32 v35, v18  }
0x280: {  	v55 =	vld.idx.msk [tilespmem:v39+s25+$0x0], $0xffff;
	v14 =	vadd.f32 v29, v14;
	v29 =	vsel vm1, v40, v21;
	v21 =	vmul.f32 v21, v21  }
0x281: {  	v45 =	vld.idx.msk [tilespmem:v44+s25+$0x0], $0xffff;
	v10 =	vadd.f32 v43, v10;
	v35 =	vand.u32 $0x7F, v60;
	v43 =	vadd.s32 v7, v62  }
0x282: {  	v6 =	vadd.f32 v21, v6;
	v21 =	vor.u32 v35, v43;
	v27 =	vld.idx.msk [tilespmem:v27+s25+$0x0], $0xffff  }
0x283: {  	v19 =	vld.idx.msk [tilespmem:v19+s24+$0x0], $0xffff  }
0x284: {  	v39 =	vadd.s32 $0x2E, v3;
	v44 =	vadd.s32 $0x6E, v3;
	v29 =	vmul.f32 v29, v54;
	v26 =	vld.idx.msk [tilespmem:v26+s26+$0x0], $0xffff  }
0x285: {  	v42 =	vmul.f32 v42, v55;
	v63 =	vor.u32 v39, v7;
	v53 =	vor.u32 v44, v9  }
0x286: {  	v36 =	vmul.f32 v54, v54;
	v40 =	vld.idx.msk [tilespmem:v61+s25+$0x0], $0xffff;
	v5 =	vadd.f32 v29, v5;
	v29 =	vmul.f32 v55, v55  }
0x287: {  	v54 =	vor.u32 v44, v7;
	v21 =	vld.idx.msk [tilespmem:v21+s26+$0x0], $0xffff;
	v47 =	vsel vm1, v55, v27;
	v27 =	vmul.f32 v27, v27  }
0x288: {  	v18 =	vadd.f32 v42, v18;
	v10 =	vadd.f32 v29, v10;
	v19 =	vmul.f32 v19, v45  }
0x289: {  	v29 =	vmul.f32 v47, v26;
	v6 =	vadd.f32 v27, v6;
	v27 =	vmul.f32 v45, v45  }
0x28a: {  	v18 =	vadd.f32 v19, v18;
	v19 =	vld.idx.msk [tilespmem:v63+s25+$0x0], $0xffff  }
0x28b: {  	v5 =	vadd.f32 v29, v5;
	v29 =	vld.idx.msk [tilespmem:v53+s24+$0x0], $0xffff;
	v10 =	vadd.f32 v27, v10;
	v27 =	vsel vm1, v45, v40  }
0x28c: {  	v56 =	vmul.f32 v21, v21;
	v21 =	vmul.f32 v27, v21;
	v27 =	vld.idx.msk [tilespmem:v54+s25+$0x0], $0xffff  }
0x28d: {  	[tilespmem:$0x1F990] =	vst v1;
	v1 =	vld [tilespmem:$0x1FCF0]  }
0x28e: {  	[tilespmem:$0x1F9B0] =	vst v0;
	v0 =	vld [tilespmem:$0x1FD00];
	v40 =	vmul.f32 v40, v40  }
0x28f: {  	v14 =	vadd.f32 v36, v14  }
0x290: {  	v26 =	vmul.f32 v26, v26;
	v6 =	vadd.f32 v40, v6;
	v29 =	vmul.f32 v29, v19  }
0x291: {  	v54 =	vmul.f32 v19, v19;
	v19 =	vsel vm1, v19, v27;
	v27 =	vmul.f32 v27, v27  }
0x292: {  	v14 =	vadd.f32 v26, v14  }
0x293: {  	v26 =	vadd.s32 v39, v8;
	v27 =	vadd.f32 v27, v6;
	v6 =	vsel vm0, v0, v1;
	v0 =	vld [tilespmem:$0x1FCE0]  }
0x294: {  	v28 =	vadd.s32 $0x2F, v3;
	v55 =	vand.u32 $0xFFFFFF80, v26  }
0x295: {  	v57 =	vor.u32 v28, v7;
	v26 =	vand.u32 $0x7F, v26;
	v36 =	vadd.s32 v7, v55  }
0x296: {  	[tilespmem:$0x1F8D0] =	vst v2;
	v2 =	vld [tilespmem:$0x1FD30];
	v31 =	vor.u32 $0x30, v3;
	v26 =	vor.u32 v26, v36  }
0x297: {  	v11 =	vld [tilespmem:$0x1FD40];
	v18 =	vadd.f32 v29, v18;
	v29 =	vor.u32 v31, v7  }
0x298: {  	v30 =	vadd.s32 $0x6F, v3;
	v33 =	vcombine.low v0, v6;
	v0 =	vld [tilespmem:$0x1FD10]  }
0x299: {  	v12 =	vld [tilespmem:$0x1FD60];
	v60 =	vor.u32 v30, v9  }
0x29a: {  	v58 =	vadd.s32 v28, v8;
	v63 =	vld.idx.msk [tilespmem:v57+s25+$0x0], $0xffff  }
0x29b: {  	v61 =	vand.u32 $0xFFFFFF80, v58;
	v26 =	vld.idx.msk [tilespmem:v26+s26+$0x0], $0xffff  }
0x29c: {  	v62 =	vor.u32 v30, v7;
	v35 =	vadd.s32 v7, v61;
	v61 =	vld.idx.msk [tilespmem:v29+s25+$0x0], $0xffff;
	v29 =	vsel vm0, v11, v2  }
0x29d: {  	v34 =	vcombine.low v0, v29;
	v0 =	vld [tilespmem:$0x1FD70]  }
0x29e: {  	v53 =	vld.idx.msk [tilespmem:v60+s24+$0x0], $0xffff;
	v36 =	vand.u32 $0x7F, v58  }
0x29f: {  	v55 =	vadd.s32 v31, v8;
	v5 =	vadd.f32 v21, v5;
	v21 =	vor.u32 v36, v35  }
0x2a0: {  	v32 =	vor.u32 $0x70, v3;
	v14 =	vadd.f32 v56, v14;
	v47 =	vand.u32 $0xFFFFFF80, v55  }
0x2a1: {  	v57 =	vld.idx.msk [tilespmem:v62+s25+$0x0], $0xffff;
	v56 =	vor.u32 v32, v9;
	v41 =	vand.u32 $0x7F, v55;
	v58 =	vadd.s32 v7, v47  }
0x2a2: {  	v19 =	vmul.f32 v19, v26;
	v26 =	vmul.f32 v26, v26;
	v35 =	vsel vm0, v0, v12;
	v0 =	vld [tilespmem:$0x1FD50]  }
0x2a3: {  	v13 =	vld [tilespmem:$0x1FDB0];
	v60 =	vor.u32 v32, v7;
	v41 =	vor.u32 v41, v58;
	v36 =	vmul.f32 v53, v63  }
0x2a4: {  	v10 =	vadd.f32 v54, v10;
	v21 =	vld.idx.msk [tilespmem:v21+s26+$0x0], $0xffff;
	v14 =	vadd.f32 v26, v14;
	v26 =	vmul.f32 v63, v63  }
0x2a5: {  	v15 =	vld [tilespmem:$0x1FDC0];
	v5 =	vadd.f32 v19, v5;
	v19 =	vor.u32 v33, v7;
	v38 =	vadd.s32 v33, v8  }
0x2a6: {  	v45 =	vld.idx.msk [tilespmem:v56+s24+$0x0], $0xffff;
	v10 =	vadd.f32 v26, v10;
	v26 =	vsel vm1, v63, v57;
	v63 =	vor.u32 v34, v9  }
0x2a7: {  	v53 =	vand.u32 $0xFFFFFF80, v38;
	v43 =	vand.u32 $0x7F, v38;
	v38 =	vcombine.low v0, v35;
	v0 =	vld [tilespmem:$0x1FDA0]  }
0x2a8: {  	v62 =	vld.idx.msk [tilespmem:v60+s25+$0x0], $0xffff  }
0x2a9: {  	v41 =	vld.idx.msk [tilespmem:v41+s26+$0x0], $0xffff;
	v26 =	vmul.f32 v26, v21  }
0x2aa: {  	v40 =	vmul.f32 v57, v57;
	v18 =	vadd.f32 v36, v18;
	v19 =	vld.idx.msk [tilespmem:v19+s25+$0x0], $0xffff  }
0x2ab: {  	v36 =	vsel vm0, v15, v13;
	v21 =	vmul.f32 v21, v21;
	v5 =	vadd.f32 v26, v5;
	v26 =	vld.idx.msk [tilespmem:v63+s24+$0x0], $0xffff  }
0x2ac: {  	v45 =	vmul.f32 v45, v61;
	v53 =	vadd.s32 v7, v53;
	v0 =	vcombine.low v0, v36  }
0x2ad: {  	v16 =	vld [tilespmem:$0x1FDE0];
	v54 =	vmul.f32 v61, v61;
	v14 =	vadd.f32 v21, v14;
	v21 =	vor.u32 v43, v53  }
0x2ae: {  	v53 =	vsel vm1, v61, v62;
	v37 =	vor.u32 v0, v7;
	[tilespmem:$0x1F9C0] =	vst v0;
	v60 =	vor.u32 v0, v9;
	v0 =	vld [tilespmem:$0x1FDF0]  }
0x2af: {  	v27 =	vadd.f32 v40, v27;
	v18 =	vadd.f32 v45, v18;
	v40 =	vmul.f32 v53, v41  }
0x2b0: {  	v10 =	vadd.f32 v54, v10;
	v26 =	vmul.f32 v26, v19;
	v53 =	vadd.s32 v38, v8  }
0x2b1: {  	v58 =	vor.u32 v34, v7;
	v5 =	vadd.f32 v40, v5;
	v54 =	vand.u32 $0xFFFFFF80, v53  }
0x2b2: {  	v18 =	vadd.f32 v26, v18;
	v26 =	vand.u32 $0x7F, v53;
	v40 =	vadd.s32 v7, v54  }
0x2b3: {  	v26 =	vor.u32 v26, v40;
	v40 =	vsel vm0, v0, v16;
	v0 =	vld [tilespmem:$0x1FDD0]  }
0x2b4: {  	v17 =	vld [tilespmem:$0x1FE40]  }
0x2b5: {  	v20 =	vld [tilespmem:$0x1FE50]  }
0x2b6: {  	v57 =	vld.idx.msk [tilespmem:v58+s25+$0x0], $0xffff;
	v58 =	vor.u32 v38, v7  }
0x2b7: {  	v21 =	vld.idx.msk [tilespmem:v21+s26+$0x0], $0xffff  }
0x2b8: {  	v24 =	vcombine.low v0, v40;
	v0 =	vld [tilespmem:$0x1FE30]  }
0x2b9: {  	v22 =	vld [tilespmem:$0x1FE90];
	v55 =	vmul.f32 v62, v62  }
0x2ba: {  	v23 =	vld [tilespmem:$0x1FEA0];
	v56 =	vmul.f32 v41, v41  }
0x2bb: {  	v27 =	vadd.f32 v55, v27;
	v62 =	vld.idx.msk [tilespmem:v58+s25+$0x0], $0xffff  }
0x2bc: {  	v41 =	vsel vm0, v20, v17;
	v14 =	vadd.f32 v56, v14;
	v61 =	vmul.f32 v21, v21;
	v26 =	vld.idx.msk [tilespmem:v26+s26+$0x0], $0xffff  }
0x2bd: {  	v55 =	vsel vm1, v19, v57;
	v19 =	vmul.f32 v19, v19;
	v58 =	vcombine.low v0, v41;
	v0 =	vld [tilespmem:$0x1FE80]  }
0x2be: {  	v43 =	vmul.f32 v57, v57;
	v14 =	vadd.f32 v61, v14;
	v45 =	vld.idx.msk [tilespmem:v60+s24+$0x0], $0xffff  }
0x2bf: {  	v21 =	vmul.f32 v55, v21;
	v10 =	vadd.f32 v19, v10;
	v19 =	vld.idx.msk [tilespmem:v37+s25+$0x0], $0xffff;
	v56 =	vadd.s32 v24, v8  }
0x2c0: {  	[tilespmem:$0x1F8C0] =	vst v4;
	v4 =	vld [tilespmem:$0x1FE60];
	v27 =	vadd.f32 v43, v27;
	v43 =	vsel vm0, v23, v22;
	v57 =	vand.u32 $0xFFFFFF80, v56  }
0x2c1: {  	v63 =	vand.u32 $0x7F, v56;
	v61 =	vadd.s32 v7, v57;
	v54 =	vor.u32 v58, v9  }
0x2c2: {  	v5 =	vadd.f32 v21, v5;
	v21 =	vor.u32 v63, v61;
	v61 =	vcombine.low v0, v43;
	v0 =	vld [tilespmem:$0x1FCC0]  }
0x2c3: {  	v42 =	vmul.f32 v26, v26;
	v45 =	vmul.f32 v45, v62  }
0x2c4: {  	v63 =	vsel vm1, v62, v19;
	v62 =	vmul.f32 v62, v62;
	v19 =	vmul.f32 v19, v19  }
0x2c5: {  	v55 =	vor.u32 v4, v7;
	v14 =	vadd.f32 v42, v14  }
0x2c6: {  	v10 =	vadd.f32 v62, v10;
	v19 =	vadd.f32 v19, v27;
	v62 =	vadd.s32 v4, v8;
	v27 =	vld.idx.msk [tilespmem:v54+s24+$0x0], $0xffff  }
0x2c7: {  	v42 =	vand.u32 $0xFFFFFF80, v62;
	v54 =	vand.u32 $0x7F, v62;
	v62 =	vsel vm0, v1, v0;
	v0 =	vld [tilespmem:$0x1FEB0]  }
0x2c8: {  	v47 =	vor.u32 v24, v7  }
0x2c9: {  	v37 =	vor.u32 v58, v7  }
0x2ca: {  	v25 =	vld [tilespmem:$0x1FEC0]  }
0x2cb: {  	v55 =	vld.idx.msk [tilespmem:v55+s25+$0x0], $0xffff  }
0x2cc: {  	v56 =	vor.u32 v61, v9;
	v62 =	vcombine.low v62, v0;
	v0 =	vld [tilespmem:$0x1FCD0]  }
0x2cd: {  	v47 =	vld.idx.msk [tilespmem:v47+s25+$0x0], $0xffff  }
0x2ce: {  	v37 =	vld.idx.msk [tilespmem:v37+s25+$0x0], $0xffff  }
0x2cf: {  	v26 =	vmul.f32 v63, v26;
	v21 =	vld.idx.msk [tilespmem:v21+s26+$0x0], $0xffff;
	v57 =	vor.u32 v61, v7  }
0x2d0: {  	v60 =	vmovc v4;
	v18 =	vadd.f32 v45, v18;
	v45 =	vsel vm0, v25, v11;
	v53 =	vadd.s32 v7, v42  }
0x2d1: {  	v5 =	vadd.f32 v26, v5;
	v26 =	vor.u32 v54, v53;
	v56 =	vld.idx.msk [tilespmem:v56+s24+$0x0], $0xffff;
	v4 =	vsel vm0, v2, v0  }
0x2d2: {  	v53 =	vor.u32 v62, v7;
	v63 =	vcombine.low v4, v45;
	v4 =	vmul.f32 v27, v47  }
0x2d3: {  	v27 =	vmul.f32 v47, v47;
	v47 =	vsel vm1, v47, v37;
	v37 =	vmul.f32 v37, v37  }
0x2d4: {  	v42 =	vld.idx.msk [tilespmem:v57+s25+$0x0], $0xffff;
	v4 =	vadd.f32 v4, v18;
	v18 =	vmul.f32 v21, v21  }
0x2d5: {  	v10 =	vadd.f32 v27, v10;
	v19 =	vadd.f32 v37, v19  }
0x2d6: {  	v0 =	vld [tilespmem:$0x1FD20];
	v27 =	vmul.f32 v56, v55;
	v37 =	vadd.f32 v18, v14;
	v18 =	vmul.f32 v55, v55  }
0x2d7: {  	v21 =	vmul.f32 v47, v21;
	v14 =	vld.idx.msk [tilespmem:v26+s26+$0x0], $0xffff  }
0x2d8: {  	v4 =	vadd.f32 v27, v4;
	v27 =	vld.idx.msk [tilespmem:v53+s25+$0x0], $0xffff;
	v54 =	vadd.f32 v18, v10;
	v10 =	vor.u32 v63, v7  }
0x2d9: {  	v26 =	vmul.f32 v42, v42;
	v21 =	vadd.f32 v21, v5;
	v5 =	vadd.s32 v62, v8;
	v53 =	vld [tilespmem:$0x1FD90]  }
0x2da: {  	v47 =	vsel vm1, v55, v42;
	v42 =	vand.u32 $0x7F, v5;
	v18 =	vand.u32 $0xFFFFFF80, v5  }
0x2db: {  	v26 =	vadd.f32 v26, v19;
	v19 =	vsel vm0, v12, v0;
	v0 =	vld [tilespmem:$0x1FED0];
	v18 =	vadd.s32 v7, v18  }
0x2dc: {  	v55 =	vor.u32 v42, v18;
	v42 =	vld [tilespmem:$0x1FEE0]  }
0x2dd: {  	v1 =	vld.idx.msk [tilespmem:v10+s25+$0x0], $0xffff  }
0x2de: {  	v10 =	vsel vm0, v16, v53;
	v53 =	vld [tilespmem:$0x1FE00];
	_ =	sdelay $0x1  }
0x2df: {  	v2 =	vor.u32 v63, v9  }
0x2e0: {  	v12 =	vld [tilespmem:$0x1FEF0]  }
0x2e1: {  	v5 =	vcombine.low v19, v0;
	v0 =	vld [tilespmem:$0x1FD80]  }
0x2e2: {  	v56 =	vmul.f32 v47, v14;
	v47 =	vsel vm0, v42, v15;
	v15 =	vsel vm0, v17, v53;
	v53 =	vld [tilespmem:$0x1FF00];
	_ =	sdelay $0x1  }
0x2e3: {  	v2 =	vld.idx.msk [tilespmem:v2+s24+$0x0], $0xffff;
	v18 =	vadd.s32 v5, v8  }
0x2e4: {  	v19 =	vmul.f32 v14, v14;
	v57 =	vand.u32 $0xFFFFFF80, v18  }
0x2e5: {  	v14 =	vsel vm0, v13, v0;
	v0 =	vand.u32 $0x7F, v18;
	v18 =	vcombine.low v10, v12  }
0x2e6: {  	v37 =	vadd.f32 v19, v37;
	v10 =	vsel vm0, v53, v20  }
0x2e7: {  	v19 =	vcombine.low v15, v10;
	v15 =	vadd.f32 v56, v21;
	v21 =	vor.u32 v18, v7  }
0x2e8: {  	v2 =	vmul.f32 v2, v27;
	_ =	sdelay $0x1  }
0x2e9: {  	v2 =	vadd.f32 v2, v4;
	v4 =	vld.idx.msk [tilespmem:v55+s26+$0x0], $0xffff;
	v55 =	vsel vm1, v27, v1;
	v27 =	vmul.f32 v27, v27  }
0x2ea: {  	v20 =	vld [tilespmem:$0x1FE10]  }
0x2eb: {  	v27 =	vadd.f32 v27, v54;
	v54 =	vld.idx.msk [tilespmem:v21+s25+$0x0], $0xffff  }
0x2ec: {  	v21 =	vld [tilespmem:$0x1FE20];
	_ =	sdelay $0x4  }
0x2ed: {  	v14 =	vcombine.low v14, v47;
	v21 =	vsel vm0, v20, v21;
	v20 =	vld [tilespmem:$0x1FF10]  }
0x2ee: {  	v11 =	vor.u32 v5, v7  }
0x2ef: {  	v13 =	vor.u32 v14, v9  }
0x2f0: {  	v57 =	vadd.s32 v7, v57;
	v12 =	vor.u32 v14, v7  }
0x2f1: {  	v0 =	vor.u32 v0, v57  }
0x2f2: {  	v21 =	vcombine.low v21, v20;
	v20 =	vld [tilespmem:$0x1FF20]  }
0x2f3: {  	v1 =	vmul.f32 v1, v1;
	v11 =	vld.idx.msk [tilespmem:v11+s25+$0x0], $0xffff;
	v17 =	vor.u32 v19, v7  }
0x2f4: {  	v56 =	vadd.s32 v18, v8;
	v13 =	vld.idx.msk [tilespmem:v13+s24+$0x0], $0xffff  }
0x2f5: {  	v1 =	vadd.f32 v1, v26;
	v26 =	vmul.f32 v55, v4;
	v16 =	vand.u32 $0xFFFFFF80, v56;
	v12 =	vld.idx.msk [tilespmem:v12+s25+$0x0], $0xffff  }
0x2f6: {  	v0 =	vld.idx.msk [tilespmem:v0+s26+$0x0], $0xffff;
	v56 =	vand.u32 $0x7F, v56;
	v57 =	vor.u32 v19, v9;
	v16 =	vadd.s32 v7, v16  }
0x2f7: {  	v4 =	vmul.f32 v4, v4;
	v16 =	vor.u32 v56, v16;
	v56 =	vsel vm0, v20, v23;
	v20 =	vld [tilespmem:$0x1FE70]  }
0x2f8: {  	v17 =	vld.idx.msk [tilespmem:v17+s25+$0x0], $0xffff  }
0x2f9: {  	v4 =	vadd.f32 v4, v37;
	v15 =	vadd.f32 v26, v15;
	v13 =	vmul.f32 v13, v11  }
0x2fa: {  	v37 =	vsel vm1, v11, v12;
	v11 =	vmul.f32 v11, v11;
	v12 =	vmul.f32 v12, v12  }
0x2fb: {  	v55 =	vld.idx.msk [tilespmem:v57+s24+$0x0], $0xffff;
	v2 =	vadd.f32 v13, v2;
	v13 =	vmul.f32 v37, v0;
	v0 =	vmul.f32 v0, v0  }
0x2fc: {  	v11 =	vadd.f32 v11, v27;
	v1 =	vadd.f32 v12, v1;
	v57 =	vsel vm0, v22, v20;
	v20 =	vld [tilespmem:$0x1FF30]  }
0x2fd: {  	v0 =	vadd.f32 v0, v4;
	v4 =	vadd.f32 v13, v15;
	v15 =	vmul.f32 v17, v17  }
0x2fe: {  	v27 =	vadd.s32 v21, v8;
	v26 =	vcombine.low v57, v56;
	v56 =	vor.u32 v21, v7  }
0x2ff: {  	v1 =	vadd.f32 v15, v1;
	v15 =	vand.u32 $0xFFFFFF80, v27  }
0x300: {  	v16 =	vld.idx.msk [tilespmem:v16+s26+$0x0], $0xffff;
	v27 =	vand.u32 $0x7F, v27;
	v15 =	vadd.s32 v7, v15;
	v57 =	vor.u32 v26, v9  }
0x301: {  	v12 =	vmul.f32 v55, v54;
	v15 =	vor.u32 v27, v15;
	v27 =	vcombine.low v6, v20;
	v20 =	vld [tilespmem:$0x1FF50]  }
0x302: {  	v13 =	vmul.f32 v54, v54;
	v6 =	vld [tilespmem:$0x1FF40]  }
0x303: {  	v2 =	vadd.f32 v12, v2;
	v12 =	vsel vm1, v54, v17;
	v17 =	vld.idx.msk [tilespmem:v56+s25+$0x0], $0xffff;
	v56 =	vor.u32 v26, v7;
	_ =	sdelay $0x1  }
0x304: {  	v11 =	vadd.f32 v13, v11;
	v12 =	vmul.f32 v12, v16;
	v13 =	vld.idx.msk [tilespmem:v57+s24+$0x0], $0xffff  }
0x305: {  	v16 =	vmul.f32 v16, v16;
	v35 =	vcombine.low v35, v20;
	v20 =	vld [tilespmem:$0x1FF60]  }
0x306: {  	v6 =	vsel vm0, v6, v25  }
0x307: {  	v0 =	vadd.f32 v16, v0;
	v16 =	vadd.s32 v27, v8;
	v29 =	vcombine.low v29, v6;
	v6 =	vld.idx.msk [tilespmem:v56+s25+$0x0], $0xffff  }
0x308: {  	v57 =	vand.u32 $0xFFFFFF80, v16  }
0x309: {  	v4 =	vadd.f32 v12, v4;
	v37 =	vadd.s32 v7, v57  }
0x30a: {  	v15 =	vld.idx.msk [tilespmem:v15+s26+$0x0], $0xffff;
	v12 =	vmul.f32 v13, v17;
	v13 =	vor.u32 v27, v7;
	v57 =	vsel vm0, v20, v42  }
0x30b: {  	v55 =	vmul.f32 v17, v17;
	v54 =	vor.u32 v29, v9;
	v20 =	vld [tilespmem:$0x1FFA0];
	v36 =	vcombine.low v36, v57  }
0x30c: {  	v2 =	vadd.f32 v12, v2;
	v12 =	vsel vm1, v17, v6;
	v17 =	vor.u32 v35, v7  }
0x30d: {  	v57 =	vor.u32 v36, v9  }
0x30e: {  	v23 =	vld [tilespmem:$0x1FFB0];
	v16 =	vand.u32 $0x7F, v16;
	v56 =	vor.u32 v29, v7  }
0x30f: {  	v16 =	vor.u32 v16, v37;
	v37 =	vadd.s32 v35, v8;
	v6 =	vmul.f32 v6, v6;
	v13 =	vld.idx.msk [tilespmem:v13+s25+$0x0], $0xffff  }
0x310: {  	v11 =	vadd.f32 v55, v11;
	v54 =	vld.idx.msk [tilespmem:v54+s24+$0x0], $0xffff;
	v40 =	vcombine.low v40, v20;
	v20 =	vmul.f32 v15, v15  }
0x311: {  	v42 =	vand.u32 $0xFFFFFF80, v37;
	v37 =	vand.u32 $0x7F, v37;
	v1 =	vadd.f32 v6, v1;
	v6 =	vld.idx.msk [tilespmem:v17+s25+$0x0], $0xffff  }
0x312: {  	v55 =	vadd.s32 v7, v42;
	v22 =	vor.u32 v36, v7;
	v0 =	vadd.f32 v20, v0;
	v20 =	vld.idx.msk [tilespmem:v57+s24+$0x0], $0xffff  }
0x313: {  	v23 =	vsel vm0, v23, v53;
	v12 =	vmul.f32 v12, v15;
	v56 =	vld.idx.msk [tilespmem:v56+s25+$0x0], $0xffff;
	v15 =	vor.u32 v37, v55  }
0x314: {  	v41 =	vcombine.low v41, v23;
	v16 =	vld.idx.msk [tilespmem:v16+s26+$0x0], $0xffff  }
0x315: {  	v4 =	vadd.f32 v12, v4;
	v17 =	vor.u32 v40, v7;
	v12 =	vmul.f32 v54, v13  }
0x316: {  	v23 =	vor.u32 v41, v9  }
0x317: {  	v2 =	vadd.f32 v12, v2;
	v12 =	vld.idx.msk [tilespmem:v22+s25+$0x0], $0xffff;
	v20 =	vmul.f32 v20, v6  }
0x318: {  	v37 =	vmul.f32 v13, v13;
	v54 =	vmul.f32 v56, v56;
	v13 =	vsel vm1, v13, v56;
	v15 =	vld.idx.msk [tilespmem:v15+s26+$0x0], $0xffff  }
0x319: {  	v56 =	vadd.s32 v40, v8;
	v22 =	vmul.f32 v16, v16;
	v2 =	vadd.f32 v20, v2;
	v20 =	vld [tilespmem:$0x1FFC0]  }
0x31a: {  	v13 =	vmul.f32 v13, v16;
	v16 =	vld.idx.msk [tilespmem:v17+s25+$0x0], $0xffff;
	v17 =	vand.u32 $0xFFFFFF80, v56  }
0x31b: {  	v23 =	vld.idx.msk [tilespmem:v23+s24+$0x0], $0xffff;
	v0 =	vadd.f32 v22, v0;
	v22 =	vand.u32 $0x7F, v56;
	v17 =	vadd.s32 v7, v17  }
0x31c: {  	v4 =	vadd.f32 v13, v4;
	v13 =	vor.u32 v22, v17  }
0x31d: {  	v42 =	vor.u32 v41, v7;
	v57 =	vld [tilespmem:$0x1FF70];
	v22 =	vmul.f32 v6, v6  }
0x31e: {  	v6 =	vsel vm1, v6, v12;
	v43 =	vcombine.low v43, v20;
	v20 =	vmul.f32 v15, v15  }
0x31f: {  	v11 =	vadd.f32 v37, v11;
	v6 =	vmul.f32 v6, v15  }
0x320: {  	v15 =	vmul.f32 v23, v16;
	v0 =	vadd.f32 v20, v0;
	v20 =	vor.u32 v43, v9  }
0x321: {  	v11 =	vadd.f32 v22, v11;
	v4 =	vadd.f32 v6, v4;
	v6 =	vld.idx.msk [tilespmem:v13+s26+$0x0], $0xffff;
	v13 =	vmul.f32 v16, v16  }
0x322: {  	v2 =	vadd.f32 v15, v2;
	v15 =	vadd.s32 v57, v8  }
0x323: {  	v17 =	vld.idx.msk [tilespmem:v42+s25+$0x0], $0xffff;
	v11 =	vadd.f32 v13, v11;
	v13 =	vand.u32 $0xFFFFFF80, v15  }
0x324: {  	v23 =	vld [tilespmem:$0x1FF80];
	v15 =	vand.u32 $0x7F, v15;
	v13 =	vadd.s32 v7, v13  }
0x325: {  	v13 =	vor.u32 v15, v13;
	v15 =	vld.idx.msk [tilespmem:v20+s24+$0x0], $0xffff  }
0x326: {  	v20 =	vld [tilespmem:$0x1FFD0];
	_ =	sdelay $0x1  }
0x327: {  	v1 =	vadd.f32 v54, v1;
	v12 =	vmul.f32 v12, v12;
	_ =	sdelay $0x1  }
0x328: {  	v1 =	vadd.f32 v12, v1;
	v22 =	vmul.f32 v17, v17  }
0x329: {  	v12 =	vor.u32 v57, v7;
	v45 =	vcombine.low v45, v20;
	v20 =	vadd.s32 v23, v8  }
0x32a: {  	v16 =	vsel vm1, v16, v17;
	v1 =	vadd.f32 v22, v1;
	v57 =	vand.u32 $0xFFFFFF80, v20  }
0x32b: {  	v56 =	vld [tilespmem:$0x1F9D0];
	v17 =	vor.u32 v43, v7;
	v20 =	vand.u32 $0x7F, v20;
	v37 =	vadd.s32 v7, v57  }
0x32c: {  	v22 =	vmul.f32 v6, v6;
	v6 =	vmul.f32 v16, v6;
	v16 =	vor.u32 v20, v37;
	v20 =	vld [tilespmem:$0x1FFE0];
	_ =	sdelay $0x1  }
0x32d: {  	v12 =	vld.idx.msk [tilespmem:v12+s25+$0x0], $0xffff;
	v23 =	vor.u32 v23, v7  }
0x32e: {  	v4 =	vadd.f32 v6, v4;
	v6 =	vld [tilespmem:$0x1FFF0];
	v42 =	vor.u32 v45, v7  }
0x32f: {  	v0 =	vadd.f32 v22, v0;
	v22 =	vadd.s32 v56, v8;
	v17 =	vld.idx.msk [tilespmem:v17+s25+$0x0], $0xffff  }
0x330: {  	v13 =	vld.idx.msk [tilespmem:v13+s26+$0x0], $0xffff;
	v57 =	vand.u32 $0xFFFFFF80, v22;
	v47 =	vcombine.low v47, v20;
	v20 =	vor.u32 v45, v9  }
0x331: {  	v22 =	vand.u32 $0x7F, v22;
	v37 =	vor.u32 v56, v7;
	v55 =	vadd.s32 v7, v57;
	v57 =	vld [tilespmem:$0x1FF90]  }
0x332: {  	v15 =	vmul.f32 v15, v12;
	v22 =	vor.u32 v22, v55;
	v23 =	vld.idx.msk [tilespmem:v23+s25+$0x0], $0xffff  }
0x333: {  	v6 =	vcombine.low v10, v6;
	v54 =	vld.idx.msk [tilespmem:v42+s25+$0x0], $0xffff;
	v56 =	vor.u32 v47, v7  }
0x334: {  	v2 =	vadd.f32 v15, v2;
	v42 =	vmul.f32 v12, v12;
	v15 =	vld.idx.msk [tilespmem:v16+s26+$0x0], $0xffff;
	v10 =	vor.u32 v47, v9  }
0x335: {  	v12 =	vsel vm1, v12, v17;
	v17 =	vmul.f32 v17, v17;
	v9 =	vor.u32 v6, v9;
	v16 =	vld.idx.msk [tilespmem:v20+s24+$0x0], $0xffff  }
0x336: {  	v37 =	vld.idx.msk [tilespmem:v37+s25+$0x0], $0xffff;
	v8 =	vadd.s32 v57, v8;
	v12 =	vmul.f32 v12, v13;
	v20 =	vor.u32 v57, v7  }
0x337: {  	v13 =	vmul.f32 v13, v13;
	v11 =	vadd.f32 v42, v11;
	v53 =	vand.u32 $0xFFFFFF80, v8;
	v22 =	vld.idx.msk [tilespmem:v22+s26+$0x0], $0xffff  }
0x338: {  	v8 =	vand.u32 $0x7F, v8;
	v42 =	vld.idx.msk [tilespmem:v56+s25+$0x0], $0xffff;
	v56 =	vadd.s32 v7, v53;
	v7 =	vor.u32 v6, v7  }
0x339: {  	v1 =	vadd.f32 v17, v1;
	v0 =	vadd.f32 v13, v0;
	v10 =	vld.idx.msk [tilespmem:v10+s24+$0x0], $0xffff;
	v8 =	vor.u32 v8, v56  }
0x33a: {  	v4 =	vadd.f32 v12, v4;
	v9 =	vld.idx.msk [tilespmem:v9+s24+$0x0], $0xffff;
	v12 =	vmul.f32 v16, v23;
	v16 =	vmul.f32 v23, v23  }
0x33b: {  	v17 =	vsel vm1, v23, v54;
	v13 =	vld.idx.msk [tilespmem:v20+s25+$0x0], $0xffff;
	v20 =	vmul.f32 v54, v54;
	v23 =	vmul.f32 v15, v15  }
0x33c: {  	v2 =	vadd.f32 v12, v2;
	v11 =	vadd.f32 v16, v11  }
0x33d: {  	v12 =	vmul.f32 v17, v15;
	v1 =	vadd.f32 v20, v1;
	v0 =	vadd.f32 v23, v0;
	v7 =	vld.idx.msk [tilespmem:v7+s25+$0x0], $0xffff  }
0x33e: {  	v10 =	vmul.f32 v10, v37;
	v15 =	vsel vm1, v37, v42;
	v16 =	vmul.f32 v42, v42;
	v8 =	vld.idx.msk [tilespmem:v8+s26+$0x0], $0xffff  }
0x33f: {  	v17 =	vmul.f32 v22, v22;
	v4 =	vadd.f32 v12, v4;
	v12 =	vmul.f32 v37, v37  }
0x340: {  	v2 =	vadd.f32 v10, v2;
	v1 =	vadd.f32 v16, v1;
	v9 =	vmul.f32 v9, v13  }
0x341: {  	v56 =	vld [tilespmem:$0x1F9F0];
	v0 =	vadd.f32 v17, v0;
	v53 =	vmul.f32 v13, v13;
	v42 =	vadd.f32 v12, v11  }
0x342: {  	v54 =	vld [tilespmem:$0x1F9E0];
	v12 =	vmul.f32 v15, v22;
	v2 =	vadd.f32 v9, v2;
	v55 =	vmul.f32 v7, v7  }
0x343: {  	p0 =	sne.s32 s23, $0x70;
	v20 =	vld [tilespmem:$0x1FCB0];
	v7 =	vsel vm1, v13, v7;
	v10 =	vadd.f32 v53, v42;
	v57 =	vmul.f32 v8, v8  }
.Ltmp5:
0x344: {  	v16 =	vld [tilespmem:$0x1FC80];
	v4 =	vadd.f32 v12, v4;
	v7 =	vmul.f32 v7, v8;
	v1 =	vadd.f32 v55, v1;
	[tilespmem:s16+$0xFFFFFF00] =	vst v2;
	(pc) =	sbr.rel @p0 .LBB2_13-.Ltmp5, $4  }
0x345: {  	v17 =	vld [tilespmem:$0x1FC90];
	v0 =	vadd.f32 v57, v0;
	[tilespmem:s16+$0xFFFFFF80] =	vst v10  }
0x346: {  	v22 =	vld [tilespmem:$0x1FCA0];
	v2 =	vadd.f32 v7, v4;
	[tilespmem:s16+$0x0] =	vst v1  }
0x347: {  	s8 =	sadd.s32 $0x10, s8;
	s9 =	sadd.s32 $0x10, s9;
	v15 =	vld [tilespmem:$0x1FC70];
	[tilespmem:s16+$0x80] =	vst v0  }
0x348: {  	s10 =	sadd.s32 $0x10, s10;
	s23 =	sadd.s32 $0x10, s23;
	v13 =	vld [tilespmem:$0x1FC60];
	[tilespmem:s16+$0x100] =	vst v2;
	s16 =	sadd.s32 $0x10, s16  }
0x349: {  	p0 =	seq.s32 s6, $0x9  }
0x34a: {  	s8 =	sadd.s32 @!p0 $0x100, s14;
	s9 =	simm.s32 @!p0 $0x80;
	s10 =	simm.s32 @!p0 $0x9A80  }
0x34b: {  	[tilespmem:s10], [sflag:$0x1] =	stream.indirect.gather @!p0 [hbm4b:s4+s9], $0x80, s8, s9, $0xb8;
	[tilespmem:$0x19D00] =	vst v63  }
0x34c: {  	s11 =	simm.s32 @!p0 $0x11A80;
	s8 =	sshll.u32 s6, $0x1;
	s10 =	sadd.s32 @!p0 $0xB00, s14  }
0x34d: {  	[tilespmem:s11], [sflag:$0x3] =	stream.indirect.gather @!p0 [hbm4b:s5+s9], $0x80, s10, s9, $0xb8;
	[tilespmem:$0x19D00] =	vst v63  }
0x34e: {  	s11 =	sadd.s32 s15, s8  }
0x34f: {  	s16 =	sshrl.u32 s11, $0x3  }
0x350: {  	s9 =	sshll.u32 s11, $0x7;
	s10 =	smul.u32 $0x1400, s16  }
0x351: {  	s9 =	sand.u32 $0x300, s9  }
0x352: {  	s9 =	sor.u32 s9, s10  }
0x353: {  	s9 =	sshrl.u32 s9, $0x3  }
0x354: {  	s23 =	simm.s32 $0x19A80;
	s9 =	sadd.s32 s7, s9  }
0x355: {  	[hbm4b:s9+s17] =	stream.strided.scatter [tilespmem:s23], [sflag:$0x6], $0x280, s18, s17, $0x38;
	[tilespmem:$0x19D00] =	vst v63  }
0x356: {  	_ =	swait.ge [sflag:s19], $0x280  }
0x357: {  	[sflag:s19] =	ssyncset.done $0x0  }
0x358: {  	[sflag:s19] =	ssyncadd.s32 $0xFFFFFD80  }
0x359: {  	_ =	swait.ge [sflag:s2], $0x4000  }
0x35a: {  	[sflag:s2] =	ssyncset.done $0x0  }
0x35b: {  	[sflag:s2] =	ssyncadd.s32 $0xFFFFC000  }
0x35c: {  	s8 =	sor.u32 $0x1, s8;
	s11 =	smov.u32 s29;
	_ =	swait.ge [sflag:s20], $0x4000  }
0x35d: {  	s16 =	smov.u32 s13;
	s10 =	simm.s32 $0x19B80;
	[sflag:s20] =	ssyncset.done $0x0  }
0x35e: {  	v53 =	vmov v24;
	s9 =	simm.s32 $0x0;
	s23 =	smov.u32 s12;
	v25 =	vld [tilespmem:$0x1F990];
	[sflag:s20] =	ssyncadd.s32 $0xFFFFC000  }
.LBB2_15:
0x35f: {  	v0 =	vld [tilespmem:s16+$0x0]  }
0x360: {  	v8 =	vld [tilespmem:s23+$0x0]  }
0x361: {  	v1 =	vmov s9  }
0x362: {  	v1 =	vshll.u32 v1, $0x7  }
0x363: {  	v7 =	vor.u32 v13, v1  }
0x364: {  	v1 =	vor.u32 v3, v7  }
0x365: {  	v9 =	vshll.u32 v0, $0x7;
	v0 =	vadd.s32 v3, v8;
	v4 =	vor.u32 v15, v7  }
0x366: {  	v57 =	vor.u32 v16, v7;
	v2 =	vor.u32 v15, v9;
	v15 =	vadd.s32 v16, v8  }
0x367: {  	v10 =	vand.u32 $0xFFFFFF80, v0;
	v0 =	vand.u32 $0x7F, v0;
	v16 =	vand.u32 $0xFFFFFF80, v15  }
0x368: {  	v11 =	vld [tilespmem:s11+$0x0];
	v12 =	vor.u32 v17, v9;
	v15 =	vand.u32 $0x7F, v15;
	v16 =	vadd.s32 v7, v16  }
0x369: {  	v10 =	vadd.s32 v7, v10;
	v15 =	vor.u32 v15, v16;
	v16 =	vor.u32 v22, v7;
	v22 =	vld [tilespmem:$0x1FCA0]  }
0x36a: {  	v0 =	vor.u32 v0, v10;
	v1 =	vld.idx.msk [tilespmem:v1+s28+$0x0], $0xffff  }
0x36b: {  	v4 =	vld.idx.msk [tilespmem:v4+s28+$0x0], $0xffff  }
0x36c: {  	v2 =	vld.idx.msk [tilespmem:v2+s24+$0x0], $0xffff  }
0x36d: {  	v10 =	vld.idx.msk [tilespmem:v57+s28+$0x0], $0xffff  }
0x36e: {  	v37 =	vld.idx.msk [tilespmem:v12+s24+$0x0], $0xffff  }
0x36f: {  	v0 =	vld.idx.msk [tilespmem:v0+s30+$0x0], $0xffff  }
0x370: {  	v13 =	vor.u32 v17, v7  }
0x371: {  	v17 =	vor.u32 v20, v9;
	v20 =	vld [tilespmem:$0x1FCB0];
	v2 =	vmul.f32 v2, v1  }
0x372: {  	vm1 =	vgt.f32 v11, $0.0e+00;
	v22 =	vadd.s32 v22, v8  }
0x373: {  	v12 =	vsel vm1, v1, v4;
	v11 =	vmul.f32 v37, v10;
	v2 =	vadd.f32 $0.0e+00, v2  }
0x374: {  	v23 =	vmul.f32 v0, v0;
	v0 =	vmul.f32 v12, v0;
	v12 =	vld.idx.msk [tilespmem:v15+s30+$0x0], $0xffff;
	v15 =	vand.u32 $0xFFFFFF80, v22  }
0x375: {  	v13 =	vld.idx.msk [tilespmem:v13+s28+$0x0], $0xffff;
	v22 =	vand.u32 $0x7F, v22;
	v15 =	vadd.s32 v7, v15  }
0x376: {  	v42 =	vld [tilespmem:$0x1F9F0];
	v20 =	vor.u32 v20, v7;
	v15 =	vor.u32 v22, v15;
	v2 =	vadd.f32 v11, v2  }
0x377: {  	v11 =	vld.idx.msk [tilespmem:v17+s24+$0x0], $0xffff;
	v17 =	vor.u32 v54, v7;
	v22 =	vadd.s32 v54, v8;
	v54 =	vor.u32 v56, v9;
	_ =	sdelay $0x1  }
0x378: {  	v4 =	vmul.f32 v4, v4  }
0x379: {  	v16 =	vld.idx.msk [tilespmem:v16+s28+$0x0], $0xffff;
	v37 =	vsel vm1, v10, v13;
	v13 =	vmul.f32 v13, v13;
	v57 =	vand.u32 $0xFFFFFF80, v22  }
0x37a: {  	v20 =	vld.idx.msk [tilespmem:v20+s28+$0x0], $0xffff;
	v56 =	vor.u32 v42, v7;
	v22 =	vand.u32 $0x7F, v22;
	v42 =	vadd.s32 v7, v57  }
0x37b: {  	v4 =	vadd.f32 v13, v4;
	v13 =	vor.u32 v22, v42;
	v22 =	vld.idx.msk [tilespmem:v54+s24+$0x0], $0xffff  }
0x37c: {  	v54 =	vld [tilespmem:$0x1FA00]  }
0x37d: {  	v1 =	vmul.f32 v1, v1;
	v10 =	vmul.f32 v10, v10;
	v42 =	vld [tilespmem:$0x1FA10]  }
0x37e: {  	v0 =	vadd.f32 $0.0e+00, v0;
	v55 =	vmul.f32 v12, v12;
	v12 =	vmul.f32 v37, v12  }
0x37f: {  	v1 =	vadd.f32 v10, v1;
	v57 =	vmul.f32 v20, v20;
	v10 =	vld.idx.msk [tilespmem:v15+s30+$0x0], $0xffff  }
0x380: {  	v15 =	vadd.f32 v55, v23;
	v0 =	vadd.f32 v12, v0;
	v11 =	vmul.f32 v11, v16  }
0x381: {  	v12 =	vld.idx.msk [tilespmem:v17+s28+$0x0], $0xffff;
	v17 =	vsel vm1, v16, v20;
	v16 =	vmul.f32 v16, v16;
	v23 =	vor.u32 v54, v7  }
0x382: {  	v4 =	vadd.f32 v57, v4;
	v37 =	vor.u32 v42, v9;
	v54 =	vadd.s32 v54, v8  }
0x383: {  	v20 =	vld.idx.msk [tilespmem:v56+s28+$0x0], $0xffff;
	v2 =	vadd.f32 v11, v2;
	v1 =	vadd.f32 v16, v1;
	v57 =	vand.u32 $0xFFFFFF80, v54  }
0x384: {  	v16 =	vor.u32 v42, v7;
	v11 =	vmul.f32 v10, v10;
	v42 =	vadd.s32 v7, v57;
	v57 =	vld [tilespmem:$0x1FA30]  }
0x385: {  	v13 =	vld.idx.msk [tilespmem:v13+s30+$0x0], $0xffff;
	v10 =	vmul.f32 v17, v10  }
0x386: {  	v17 =	vand.u32 $0x7F, v54;
	v11 =	vadd.f32 v11, v15;
	v15 =	vmul.f32 v22, v12;
	v22 =	vld.idx.msk [tilespmem:v23+s28+$0x0], $0xffff  }
0x387: {  	v17 =	vor.u32 v17, v42;
	v23 =	vld.idx.msk [tilespmem:v37+s24+$0x0], $0xffff  }
0x388: {  	v0 =	vadd.f32 v10, v0;
	v10 =	vsel vm1, v12, v20;
	v12 =	vmul.f32 v12, v12  }
0x389: {  	v16 =	vld.idx.msk [tilespmem:v16+s28+$0x0], $0xffff;
	v42 =	vor.u32 v57, v9  }
0x38a: {  	v54 =	vld [tilespmem:$0x1FA20];
	v1 =	vadd.f32 v12, v1;
	v12 =	vmul.f32 v13, v13  }
0x38b: {  	v10 =	vmul.f32 v10, v13  }
0x38c: {  	v2 =	vadd.f32 v15, v2;
	v11 =	vadd.f32 v12, v11;
	v12 =	vld.idx.msk [tilespmem:v17+s30+$0x0], $0xffff;
	v17 =	vmul.f32 v23, v22  }
0x38d: {  	v0 =	vadd.f32 v10, v0  }
0x38e: {  	v10 =	vsel vm1, v22, v16;
	v2 =	vadd.f32 v17, v2;
	v17 =	vmul.f32 v22, v22;
	v22 =	vld.idx.msk [tilespmem:v42+s24+$0x0], $0xffff  }
0x38f: {  	v15 =	vmul.f32 v20, v20;
	v20 =	vor.u32 v54, v7;
	v42 =	vld [tilespmem:$0x1FA50]  }
0x390: {  	v54 =	vadd.s32 v54, v8  }
0x391: {  	v4 =	vadd.f32 v15, v4;
	v15 =	vor.u32 v57, v7;
	v13 =	vand.u32 $0xFFFFFF80, v54  }
0x392: {  	v57 =	vld [tilespmem:$0x1FA40];
	v13 =	vadd.s32 v7, v13;
	v23 =	vand.u32 $0x7F, v54  }
0x393: {  	v13 =	vor.u32 v23, v13  }
0x394: {  	v20 =	vld.idx.msk [tilespmem:v20+s28+$0x0], $0xffff;
	v54 =	vor.u32 v42, v9;
	_ =	sdelay $0x1  }
0x395: {  	v15 =	vld.idx.msk [tilespmem:v15+s28+$0x0], $0xffff  }
0x396: {  	v16 =	vmul.f32 v16, v16;
	v37 =	vadd.s32 v57, v8  }
0x397: {  	v23 =	vor.u32 v57, v7;
	v13 =	vld.idx.msk [tilespmem:v13+s30+$0x0], $0xffff;
	v56 =	vor.u32 v42, v7;
	v42 =	vand.u32 $0xFFFFFF80, v37  }
0x398: {  	v4 =	vadd.f32 v16, v4;
	v57 =	vadd.s32 v7, v42;
	v42 =	vmul.f32 v22, v20;
	v22 =	vld.idx.msk [tilespmem:v54+s24+$0x0], $0xffff  }
0x399: {  	v55 =	vmul.f32 v12, v12;
	v10 =	vmul.f32 v10, v12;
	v12 =	vand.u32 $0x7F, v37;
	v54 =	vld [tilespmem:$0x1FA60]  }
0x39a: {  	v1 =	vadd.f32 v17, v1;
	v17 =	vsel vm1, v20, v15;
	v2 =	vadd.f32 v42, v2;
	v42 =	vld [tilespmem:$0x1FA70]  }
0x39b: {  	v20 =	vmul.f32 v20, v20;
	v12 =	vor.u32 v12, v57;
	v57 =	vmul.f32 v15, v15  }
0x39c: {  	v0 =	vadd.f32 v10, v0  }
0x39d: {  	v1 =	vadd.f32 v20, v1;
	v4 =	vadd.f32 v57, v4  }
0x39e: {  	v16 =	vld.idx.msk [tilespmem:v23+s28+$0x0], $0xffff;
	v10 =	vmul.f32 v13, v13;
	v23 =	vor.u32 v54, v7;
	v54 =	vadd.s32 v54, v8  }
0x39f: {  	v13 =	vmul.f32 v17, v13;
	v37 =	vor.u32 v42, v9;
	v57 =	vand.u32 $0xFFFFFF80, v54  }
0x3a0: {  	v15 =	vld.idx.msk [tilespmem:v56+s28+$0x0], $0xffff;
	v20 =	vor.u32 v42, v7;
	v17 =	vand.u32 $0x7F, v54;
	v42 =	vadd.s32 v7, v57  }
0x3a1: {  	v17 =	vor.u32 v17, v42;
	v42 =	vld [tilespmem:$0x1FA90]  }
0x3a2: {  	v11 =	vadd.f32 v55, v11;
	v12 =	vld.idx.msk [tilespmem:v12+s30+$0x0], $0xffff  }
0x3a3: {  	v57 =	vmul.f32 v22, v16;
	v22 =	vld.idx.msk [tilespmem:v23+s28+$0x0], $0xffff  }
0x3a4: {  	v10 =	vadd.f32 v10, v11;
	v23 =	vld.idx.msk [tilespmem:v37+s24+$0x0], $0xffff  }
0x3a5: {  	v0 =	vadd.f32 v13, v0;
	v13 =	vsel vm1, v16, v15;
	v54 =	vld [tilespmem:$0x1FA80];
	v16 =	vmul.f32 v16, v16  }
0x3a6: {  	v11 =	vmul.f32 v15, v15;
	v15 =	vld.idx.msk [tilespmem:v20+s28+$0x0], $0xffff;
	v2 =	vadd.f32 v57, v2;
	v57 =	vor.u32 v42, v9  }
0x3a7: {  	v1 =	vadd.f32 v16, v1  }
0x3a8: {  	v16 =	vmul.f32 v12, v12;
	v12 =	vmul.f32 v13, v12;
	v42 =	vor.u32 v42, v7  }
0x3a9: {  	v13 =	vld.idx.msk [tilespmem:v17+s30+$0x0], $0xffff;
	v17 =	vmul.f32 v23, v22  }
0x3aa: {  	v20 =	vor.u32 v54, v7;
	v54 =	vadd.s32 v54, v8;
	v0 =	vadd.f32 v12, v0  }
0x3ab: {  	v12 =	vsel vm1, v22, v15;
	v2 =	vadd.f32 v17, v2;
	v17 =	vmul.f32 v22, v22;
	v22 =	vld.idx.msk [tilespmem:v57+s24+$0x0], $0xffff  }
0x3ac: {  	v10 =	vadd.f32 v16, v10;
	v16 =	vand.u32 $0xFFFFFF80, v54;
	v57 =	vld [tilespmem:$0x1FAA0]  }
0x3ad: {  	v4 =	vadd.f32 v11, v4;
	v16 =	vadd.s32 v7, v16;
	v23 =	vand.u32 $0x7F, v54;
	v11 =	vld.idx.msk [tilespmem:v42+s28+$0x0], $0xffff  }
0x3ae: {  	v16 =	vor.u32 v23, v16;
	v42 =	vld [tilespmem:$0x1FAB0]  }
0x3af: {  	v15 =	vmul.f32 v15, v15;
	v20 =	vld.idx.msk [tilespmem:v20+s28+$0x0], $0xffff  }
0x3b0: {  	v12 =	vmul.f32 v12, v13  }
0x3b1: {  	v4 =	vadd.f32 v15, v4  }
0x3b2: {  	v55 =	vmul.f32 v13, v13;
	v1 =	vadd.f32 v17, v1;
	v0 =	vadd.f32 v12, v0  }
0x3b3: {  	v15 =	vld.idx.msk [tilespmem:v16+s30+$0x0], $0xffff;
	v23 =	vor.u32 v57, v7;
	v37 =	vadd.s32 v57, v8;
	v54 =	vor.u32 v42, v9  }
0x3b4: {  	v56 =	vor.u32 v42, v7;
	v12 =	vmul.f32 v22, v20;
	v57 =	vld [tilespmem:$0x1FAC0];
	v42 =	vand.u32 $0xFFFFFF80, v37  }
0x3b5: {  	v17 =	vsel vm1, v20, v11;
	v13 =	vand.u32 $0x7F, v37;
	v42 =	vadd.s32 v7, v42  }
0x3b6: {  	v20 =	vmul.f32 v20, v20;
	v11 =	vmul.f32 v11, v11;
	v13 =	vor.u32 v13, v42;
	v42 =	vld [tilespmem:$0x1FAD0];
	_ =	sdelay $0x1  }
0x3b7: {  	v1 =	vadd.f32 v20, v1;
	v4 =	vadd.f32 v11, v4  }
0x3b8: {  	v11 =	vmul.f32 v15, v15;
	v15 =	vmul.f32 v17, v15;
	v22 =	vld.idx.msk [tilespmem:v54+s24+$0x0], $0xffff;
	v54 =	vadd.s32 v57, v8  }
0x3b9: {  	v16 =	vld.idx.msk [tilespmem:v23+s28+$0x0], $0xffff;
	v23 =	vor.u32 v57, v7;
	v57 =	vand.u32 $0xFFFFFF80, v54;
	v17 =	vand.u32 $0x7F, v54  }
0x3ba: {  	v37 =	vor.u32 v42, v9;
	v20 =	vor.u32 v42, v7;
	v42 =	vadd.s32 v7, v57  }
0x3bb: {  	v17 =	vor.u32 v17, v42;
	v42 =	vld [tilespmem:$0x1FAF0]  }
0x3bc: {  	v2 =	vadd.f32 v12, v2;
	v12 =	vld.idx.msk [tilespmem:v56+s28+$0x0], $0xffff  }
0x3bd: {  	v10 =	vadd.f32 v55, v10;
	v54 =	vld [tilespmem:$0x1FAE0]  }
0x3be: {  	v13 =	vld.idx.msk [tilespmem:v13+s30+$0x0], $0xffff;
	v57 =	vmul.f32 v22, v16  }
0x3bf: {  	v10 =	vadd.f32 v11, v10;
	v0 =	vadd.f32 v15, v0;
	v22 =	vld.idx.msk [tilespmem:v23+s28+$0x0], $0xffff  }
0x3c0: {  	v2 =	vadd.f32 v57, v2;
	v23 =	vld.idx.msk [tilespmem:v37+s24+$0x0], $0xffff;
	v57 =	vor.u32 v42, v9;
	v42 =	vor.u32 v42, v7  }
0x3c1: {  	v15 =	vsel vm1, v16, v12;
	v16 =	vmul.f32 v16, v16;
	v11 =	vmul.f32 v12, v12  }
0x3c2: {  	v12 =	vld.idx.msk [tilespmem:v20+s28+$0x0], $0xffff  }
0x3c3: {  	v1 =	vadd.f32 v16, v1;
	v4 =	vadd.f32 v11, v4;
	v16 =	vmul.f32 v13, v13  }
0x3c4: {  	v20 =	vor.u32 v54, v7;
	v54 =	vadd.s32 v54, v8;
	v13 =	vmul.f32 v15, v13;
	v15 =	vld.idx.msk [tilespmem:v17+s30+$0x0], $0xffff  }
0x3c5: {  	v10 =	vadd.f32 v16, v10;
	v16 =	vand.u32 $0xFFFFFF80, v54;
	v17 =	vmul.f32 v23, v22;
	v11 =	vld.idx.msk [tilespmem:v42+s28+$0x0], $0xffff  }
0x3c6: {  	v0 =	vadd.f32 v13, v0;
	v16 =	vadd.s32 v7, v16;
	v23 =	vand.u32 $0x7F, v54;
	v42 =	vld [tilespmem:$0x1FB10]  }
0x3c7: {  	v13 =	vsel vm1, v22, v12;
	v2 =	vadd.f32 v17, v2;
	v17 =	vmul.f32 v22, v22;
	v22 =	vld.idx.msk [tilespmem:v57+s24+$0x0], $0xffff  }
0x3c8: {  	v16 =	vor.u32 v23, v16;
	v57 =	vld [tilespmem:$0x1FB00]  }
0x3c9: {  	v20 =	vld.idx.msk [tilespmem:v20+s28+$0x0], $0xffff;
	v12 =	vmul.f32 v12, v12  }
0x3ca: {  	v13 =	vmul.f32 v13, v15  }
0x3cb: {  	v4 =	vadd.f32 v12, v4  }
0x3cc: {  	v55 =	vmul.f32 v15, v15;
	v0 =	vadd.f32 v13, v0;
	v1 =	vadd.f32 v17, v1  }
0x3cd: {  	v54 =	vor.u32 v42, v9;
	v56 =	vor.u32 v42, v7;
	v12 =	vld.idx.msk [tilespmem:v16+s30+$0x0], $0xffff;
	v37 =	vadd.s32 v57, v8  }
0x3ce: {  	v17 =	vsel vm1, v20, v11;
	v23 =	vor.u32 v57, v7;
	v57 =	vld [tilespmem:$0x1FB20];
	v42 =	vand.u32 $0xFFFFFF80, v37  }
0x3cf: {  	v11 =	vmul.f32 v11, v11;
	v15 =	vand.u32 $0x7F, v37;
	v42 =	vadd.s32 v7, v42  }
0x3d0: {  	v13 =	vmul.f32 v22, v20;
	v20 =	vmul.f32 v20, v20;
	v15 =	vor.u32 v15, v42;
	v42 =	vld [tilespmem:$0x1FB30];
	_ =	sdelay $0x1  }
0x3d1: {  	v4 =	vadd.f32 v11, v4;
	v1 =	vadd.f32 v20, v1  }
0x3d2: {  	v22 =	vld.idx.msk [tilespmem:v54+s24+$0x0], $0xffff;
	v11 =	vmul.f32 v12, v12;
	v12 =	vmul.f32 v17, v12;
	v54 =	vadd.s32 v57, v8  }
0x3d3: {  	v16 =	vld.idx.msk [tilespmem:v23+s28+$0x0], $0xffff;
	v23 =	vor.u32 v57, v7;
	v57 =	vand.u32 $0xFFFFFF80, v54;
	v17 =	vand.u32 $0x7F, v54  }
0x3d4: {  	v37 =	vor.u32 v42, v9;
	v20 =	vor.u32 v42, v7;
	v42 =	vadd.s32 v7, v57  }
0x3d5: {  	v17 =	vor.u32 v17, v42;
	v42 =	vld [tilespmem:$0x1FB50]  }
0x3d6: {  	v2 =	vadd.f32 v13, v2;
	v13 =	vld.idx.msk [tilespmem:v56+s28+$0x0], $0xffff  }
0x3d7: {  	v10 =	vadd.f32 v55, v10;
	v54 =	vld [tilespmem:$0x1FB40]  }
0x3d8: {  	v15 =	vld.idx.msk [tilespmem:v15+s30+$0x0], $0xffff;
	v57 =	vmul.f32 v22, v16  }
0x3d9: {  	v10 =	vadd.f32 v11, v10;
	v0 =	vadd.f32 v12, v0;
	v22 =	vld.idx.msk [tilespmem:v23+s28+$0x0], $0xffff  }
0x3da: {  	v2 =	vadd.f32 v57, v2;
	v23 =	vld.idx.msk [tilespmem:v37+s24+$0x0], $0xffff;
	v57 =	vor.u32 v42, v9;
	v42 =	vor.u32 v42, v7  }
0x3db: {  	v11 =	vmul.f32 v13, v13;
	v12 =	vsel vm1, v16, v13;
	v16 =	vmul.f32 v16, v16  }
0x3dc: {  	v13 =	vld.idx.msk [tilespmem:v20+s28+$0x0], $0xffff  }
0x3dd: {  	v4 =	vadd.f32 v11, v4;
	v1 =	vadd.f32 v16, v1;
	v16 =	vmul.f32 v15, v15  }
0x3de: {  	v20 =	vor.u32 v54, v7;
	v54 =	vadd.s32 v54, v8;
	v12 =	vmul.f32 v12, v15;
	v15 =	vld.idx.msk [tilespmem:v17+s30+$0x0], $0xffff  }
0x3df: {  	v10 =	vadd.f32 v16, v10;
	v16 =	vand.u32 $0xFFFFFF80, v54;
	v17 =	vmul.f32 v23, v22;
	v11 =	vld.idx.msk [tilespmem:v42+s28+$0x0], $0xffff  }
0x3e0: {  	v0 =	vadd.f32 v12, v0;
	v16 =	vadd.s32 v7, v16;
	v23 =	vand.u32 $0x7F, v54;
	v42 =	vld [tilespmem:$0x1FB70]  }
0x3e1: {  	v12 =	vsel vm1, v22, v13;
	v2 =	vadd.f32 v17, v2;
	v17 =	vmul.f32 v22, v22;
	v22 =	vld.idx.msk [tilespmem:v57+s24+$0x0], $0xffff  }
0x3e2: {  	v16 =	vor.u32 v23, v16;
	v57 =	vld [tilespmem:$0x1FB60]  }
0x3e3: {  	v20 =	vld.idx.msk [tilespmem:v20+s28+$0x0], $0xffff;
	v13 =	vmul.f32 v13, v13  }
0x3e4: {  	v12 =	vmul.f32 v12, v15  }
0x3e5: {  	v4 =	vadd.f32 v13, v4  }
0x3e6: {  	v55 =	vmul.f32 v15, v15;
	v0 =	vadd.f32 v12, v0;
	v1 =	vadd.f32 v17, v1  }
0x3e7: {  	v54 =	vor.u32 v42, v9;
	v56 =	vor.u32 v42, v7;
	v13 =	vld.idx.msk [tilespmem:v16+s30+$0x0], $0xffff;
	v37 =	vadd.s32 v57, v8  }
0x3e8: {  	v17 =	vsel vm1, v20, v11;
	v23 =	vor.u32 v57, v7;
	v57 =	vld [tilespmem:$0x1FB80];
	v42 =	vand.u32 $0xFFFFFF80, v37  }
0x3e9: {  	v11 =	vmul.f32 v11, v11;
	v15 =	vand.u32 $0x7F, v37;
	v42 =	vadd.s32 v7, v42  }
0x3ea: {  	v12 =	vmul.f32 v22, v20;
	v20 =	vmul.f32 v20, v20;
	v15 =	vor.u32 v15, v42;
	v42 =	vld [tilespmem:$0x1FB90];
	_ =	sdelay $0x1  }
0x3eb: {  	v4 =	vadd.f32 v11, v4;
	v1 =	vadd.f32 v20, v1  }
0x3ec: {  	v22 =	vld.idx.msk [tilespmem:v54+s24+$0x0], $0xffff;
	v11 =	vmul.f32 v13, v13;
	v13 =	vmul.f32 v17, v13;
	v54 =	vadd.s32 v57, v8  }
0x3ed: {  	v16 =	vld.idx.msk [tilespmem:v23+s28+$0x0], $0xffff;
	v23 =	vor.u32 v57, v7;
	v57 =	vand.u32 $0xFFFFFF80, v54;
	v17 =	vand.u32 $0x7F, v54  }
0x3ee: {  	v37 =	vor.u32 v42, v9;
	v20 =	vor.u32 v42, v7;
	v42 =	vadd.s32 v7, v57  }
0x3ef: {  	v17 =	vor.u32 v17, v42;
	v42 =	vld [tilespmem:$0x1FBB0]  }
0x3f0: {  	v2 =	vadd.f32 v12, v2;
	v12 =	vld.idx.msk [tilespmem:v56+s28+$0x0], $0xffff  }
0x3f1: {  	v10 =	vadd.f32 v55, v10;
	v54 =	vld [tilespmem:$0x1FBA0]  }
0x3f2: {  	v15 =	vld.idx.msk [tilespmem:v15+s30+$0x0], $0xffff;
	v57 =	vmul.f32 v22, v16  }
0x3f3: {  	v10 =	vadd.f32 v11, v10;
	v0 =	vadd.f32 v13, v0;
	v22 =	vld.idx.msk [tilespmem:v23+s28+$0x0], $0xffff  }
0x3f4: {  	v2 =	vadd.f32 v57, v2;
	v23 =	vld.idx.msk [tilespmem:v37+s24+$0x0], $0xffff;
	v57 =	vor.u32 v42, v9;
	v42 =	vor.u32 v42, v7  }
0x3f5: {  	v11 =	vmul.f32 v12, v12;
	v13 =	vsel vm1, v16, v12;
	v16 =	vmul.f32 v16, v16  }
0x3f6: {  	v12 =	vld.idx.msk [tilespmem:v20+s28+$0x0], $0xffff  }
0x3f7: {  	v4 =	vadd.f32 v11, v4;
	v1 =	vadd.f32 v16, v1;
	v16 =	vmul.f32 v15, v15  }
0x3f8: {  	v20 =	vor.u32 v54, v7;
	v54 =	vadd.s32 v54, v8;
	v13 =	vmul.f32 v13, v15;
	v15 =	vld.idx.msk [tilespmem:v17+s30+$0x0], $0xffff  }
0x3f9: {  	v10 =	vadd.f32 v16, v10;
	v16 =	vand.u32 $0xFFFFFF80, v54;
	v17 =	vmul.f32 v23, v22;
	v11 =	vld.idx.msk [tilespmem:v42+s28+$0x0], $0xffff  }
0x3fa: {  	v0 =	vadd.f32 v13, v0;
	v16 =	vadd.s32 v7, v16;
	v23 =	vand.u32 $0x7F, v54;
	v42 =	vld [tilespmem:$0x1FBD0]  }
0x3fb: {  	v13 =	vsel vm1, v22, v12;
	v2 =	vadd.f32 v17, v2;
	v17 =	vmul.f32 v22, v22;
	v22 =	vld.idx.msk [tilespmem:v57+s24+$0x0], $0xffff  }
0x3fc: {  	v16 =	vor.u32 v23, v16;
	v57 =	vld [tilespmem:$0x1FBC0]  }
0x3fd: {  	v20 =	vld.idx.msk [tilespmem:v20+s28+$0x0], $0xffff;
	v12 =	vmul.f32 v12, v12  }
0x3fe: {  	v13 =	vmul.f32 v13, v15  }
0x3ff: {  	v4 =	vadd.f32 v12, v4  }
0x400: {  	v55 =	vmul.f32 v15, v15;
	v0 =	vadd.f32 v13, v0;
	v1 =	vadd.f32 v17, v1  }
0x401: {  	v54 =	vor.u32 v42, v9;
	v56 =	vor.u32 v42, v7;
	v12 =	vld.idx.msk [tilespmem:v16+s30+$0x0], $0xffff;
	v37 =	vadd.s32 v57, v8  }
0x402: {  	v17 =	vsel vm1, v20, v11;
	v23 =	vor.u32 v57, v7;
	v57 =	vld [tilespmem:$0x1FBE0];
	v42 =	vand.u32 $0xFFFFFF80, v37  }
0x403: {  	v11 =	vmul.f32 v11, v11;
	v15 =	vand.u32 $0x7F, v37;
	v42 =	vadd.s32 v7, v42  }
0x404: {  	v13 =	vmul.f32 v22, v20;
	v20 =	vmul.f32 v20, v20;
	v15 =	vor.u32 v15, v42;
	v42 =	vld [tilespmem:$0x1FBF0];
	_ =	sdelay $0x1  }
0x405: {  	v4 =	vadd.f32 v11, v4;
	v1 =	vadd.f32 v20, v1  }
0x406: {  	v22 =	vld.idx.msk [tilespmem:v54+s24+$0x0], $0xffff;
	v11 =	vmul.f32 v12, v12;
	v12 =	vmul.f32 v17, v12;
	v54 =	vadd.s32 v57, v8  }
0x407: {  	v16 =	vld.idx.msk [tilespmem:v23+s28+$0x0], $0xffff;
	v23 =	vor.u32 v57, v7;
	v57 =	vand.u32 $0xFFFFFF80, v54;
	v17 =	vand.u32 $0x7F, v54  }
0x408: {  	v37 =	vor.u32 v42, v9;
	v20 =	vor.u32 v42, v7;
	v42 =	vadd.s32 v7, v57  }
0x409: {  	v17 =	vor.u32 v17, v42;
	v42 =	vld [tilespmem:$0x1FC10]  }
0x40a: {  	v2 =	vadd.f32 v13, v2;
	v13 =	vld.idx.msk [tilespmem:v56+s28+$0x0], $0xffff  }
0x40b: {  	v10 =	vadd.f32 v55, v10;
	v54 =	vld [tilespmem:$0x1FC00]  }
0x40c: {  	v15 =	vld.idx.msk [tilespmem:v15+s30+$0x0], $0xffff;
	v57 =	vmul.f32 v22, v16  }
0x40d: {  	v10 =	vadd.f32 v11, v10;
	v0 =	vadd.f32 v12, v0;
	v22 =	vld.idx.msk [tilespmem:v23+s28+$0x0], $0xffff  }
0x40e: {  	v2 =	vadd.f32 v57, v2;
	v23 =	vld.idx.msk [tilespmem:v37+s24+$0x0], $0xffff;
	v57 =	vor.u32 v42, v9;
	v42 =	vor.u32 v42, v7  }
0x40f: {  	v11 =	vmul.f32 v13, v13;
	v12 =	vsel vm1, v16, v13;
	v16 =	vmul.f32 v16, v16  }
0x410: {  	v13 =	vld.idx.msk [tilespmem:v20+s28+$0x0], $0xffff  }
0x411: {  	v4 =	vadd.f32 v11, v4;
	v1 =	vadd.f32 v16, v1;
	v16 =	vmul.f32 v15, v15  }
0x412: {  	v20 =	vor.u32 v54, v7;
	v54 =	vadd.s32 v54, v8;
	v12 =	vmul.f32 v12, v15;
	v15 =	vld.idx.msk [tilespmem:v17+s30+$0x0], $0xffff  }
0x413: {  	v10 =	vadd.f32 v16, v10;
	v16 =	vand.u32 $0xFFFFFF80, v54;
	v17 =	vmul.f32 v23, v22;
	v11 =	vld.idx.msk [tilespmem:v42+s28+$0x0], $0xffff  }
0x414: {  	v0 =	vadd.f32 v12, v0;
	v16 =	vadd.s32 v7, v16;
	v23 =	vand.u32 $0x7F, v54;
	v42 =	vld [tilespmem:$0x1FC30]  }
0x415: {  	v12 =	vsel vm1, v22, v13;
	v2 =	vadd.f32 v17, v2;
	v17 =	vmul.f32 v22, v22;
	v22 =	vld.idx.msk [tilespmem:v57+s24+$0x0], $0xffff  }
0x416: {  	v16 =	vor.u32 v23, v16;
	v57 =	vld [tilespmem:$0x1FC20]  }
0x417: {  	v20 =	vld.idx.msk [tilespmem:v20+s28+$0x0], $0xffff;
	v13 =	vmul.f32 v13, v13  }
0x418: {  	v12 =	vmul.f32 v12, v15  }
0x419: {  	v4 =	vadd.f32 v13, v4  }
0x41a: {  	v55 =	vmul.f32 v15, v15;
	v0 =	vadd.f32 v12, v0;
	v1 =	vadd.f32 v17, v1  }
0x41b: {  	v54 =	vor.u32 v42, v9;
	v56 =	vor.u32 v42, v7;
	v13 =	vld.idx.msk [tilespmem:v16+s30+$0x0], $0xffff;
	v37 =	vadd.s32 v57, v8  }
0x41c: {  	v17 =	vsel vm1, v20, v11;
	v23 =	vor.u32 v57, v7;
	v57 =	vld [tilespmem:$0x1F730];
	v42 =	vand.u32 $0xFFFFFF80, v37  }
0x41d: {  	v11 =	vmul.f32 v11, v11;
	v15 =	vand.u32 $0x7F, v37;
	v42 =	vadd.s32 v7, v42  }
0x41e: {  	v12 =	vmul.f32 v22, v20;
	v20 =	vmul.f32 v20, v20;
	v15 =	vor.u32 v15, v42;
	v42 =	vld [tilespmem:$0x1F740];
	_ =	sdelay $0x1  }
0x41f: {  	v4 =	vadd.f32 v11, v4;
	v1 =	vadd.f32 v20, v1  }
0x420: {  	v22 =	vld.idx.msk [tilespmem:v54+s24+$0x0], $0xffff;
	v11 =	vmul.f32 v13, v13;
	v13 =	vmul.f32 v17, v13;
	v54 =	vadd.s32 v57, v8  }
0x421: {  	v16 =	vld.idx.msk [tilespmem:v23+s28+$0x0], $0xffff;
	v23 =	vor.u32 v57, v7;
	v57 =	vand.u32 $0xFFFFFF80, v54;
	v17 =	vand.u32 $0x7F, v54  }
0x422: {  	v37 =	vor.u32 v42, v9;
	v20 =	vor.u32 v42, v7;
	v42 =	vadd.s32 v7, v57  }
0x423: {  	v17 =	vor.u32 v17, v42;
	v42 =	vld [tilespmem:$0x1F750]  }
0x424: {  	v2 =	vadd.f32 v12, v2;
	v12 =	vld.idx.msk [tilespmem:v56+s28+$0x0], $0xffff  }
0x425: {  	v10 =	vadd.f32 v55, v10;
	v54 =	vld [tilespmem:$0x1F760]  }
0x426: {  	v15 =	vld.idx.msk [tilespmem:v15+s30+$0x0], $0xffff;
	v57 =	vmul.f32 v22, v16  }
0x427: {  	v10 =	vadd.f32 v11, v10;
	v0 =	vadd.f32 v13, v0;
	v22 =	vld.idx.msk [tilespmem:v23+s28+$0x0], $0xffff  }
0x428: {  	v2 =	vadd.f32 v57, v2;
	v23 =	vld.idx.msk [tilespmem:v37+s24+$0x0], $0xffff;
	v57 =	vor.u32 v42, v9;
	v42 =	vor.u32 v42, v7  }
0x429: {  	v11 =	vmul.f32 v12, v12;
	v13 =	vsel vm1, v16, v12;
	v16 =	vmul.f32 v16, v16  }
0x42a: {  	v12 =	vld.idx.msk [tilespmem:v20+s28+$0x0], $0xffff  }
0x42b: {  	v4 =	vadd.f32 v11, v4;
	v1 =	vadd.f32 v16, v1;
	v16 =	vmul.f32 v15, v15  }
0x42c: {  	v20 =	vor.u32 v54, v7;
	v54 =	vadd.s32 v54, v8;
	v13 =	vmul.f32 v13, v15;
	v15 =	vld.idx.msk [tilespmem:v17+s30+$0x0], $0xffff  }
0x42d: {  	v10 =	vadd.f32 v16, v10;
	v16 =	vand.u32 $0xFFFFFF80, v54;
	v17 =	vmul.f32 v23, v22;
	v11 =	vld.idx.msk [tilespmem:v42+s28+$0x0], $0xffff  }
0x42e: {  	v0 =	vadd.f32 v13, v0;
	v16 =	vadd.s32 v7, v16;
	v23 =	vand.u32 $0x7F, v54;
	v42 =	vld [tilespmem:$0x1F770]  }
0x42f: {  	v13 =	vsel vm1, v22, v12;
	v2 =	vadd.f32 v17, v2;
	v17 =	vmul.f32 v22, v22;
	v22 =	vld.idx.msk [tilespmem:v57+s24+$0x0], $0xffff  }
0x430: {  	v16 =	vor.u32 v23, v16;
	v57 =	vld [tilespmem:$0x1F780]  }
0x431: {  	v20 =	vld.idx.msk [tilespmem:v20+s28+$0x0], $0xffff;
	v12 =	vmul.f32 v12, v12  }
0x432: {  	v13 =	vmul.f32 v13, v15  }
0x433: {  	v4 =	vadd.f32 v12, v4  }
0x434: {  	v55 =	vmul.f32 v15, v15;
	v0 =	vadd.f32 v13, v0;
	v1 =	vadd.f32 v17, v1  }
0x435: {  	v54 =	vor.u32 v42, v9;
	v56 =	vor.u32 v42, v7;
	v12 =	vld.idx.msk [tilespmem:v16+s30+$0x0], $0xffff;
	v37 =	vadd.s32 v57, v8  }
0x436: {  	v17 =	vsel vm1, v20, v11;
	v23 =	vor.u32 v57, v7;
	v57 =	vld [tilespmem:$0x1F7A0];
	v42 =	vand.u32 $0xFFFFFF80, v37  }
0x437: {  	v11 =	vmul.f32 v11, v11;
	v15 =	vand.u32 $0x7F, v37;
	v42 =	vadd.s32 v7, v42  }
0x438: {  	v13 =	vmul.f32 v22, v20;
	v20 =	vmul.f32 v20, v20;
	v15 =	vor.u32 v15, v42;
	v42 =	vld [tilespmem:$0x1F790];
	_ =	sdelay $0x1  }
0x439: {  	v4 =	vadd.f32 v11, v4;
	v1 =	vadd.f32 v20, v1  }
0x43a: {  	v22 =	vld.idx.msk [tilespmem:v54+s24+$0x0], $0xffff;
	v11 =	vmul.f32 v12, v12;
	v12 =	vmul.f32 v17, v12;
	v54 =	vadd.s32 v57, v8  }
0x43b: {  	v16 =	vld.idx.msk [tilespmem:v23+s28+$0x0], $0xffff;
	v23 =	vor.u32 v57, v7;
	v57 =	vand.u32 $0xFFFFFF80, v54;
	v17 =	vand.u32 $0x7F, v54  }
0x43c: {  	v37 =	vor.u32 v42, v9;
	v20 =	vor.u32 v42, v7;
	v42 =	vadd.s32 v7, v57  }
0x43d: {  	v17 =	vor.u32 v17, v42;
	v42 =	vld [tilespmem:$0x1F7C0]  }
0x43e: {  	v2 =	vadd.f32 v13, v2;
	v13 =	vld.idx.msk [tilespmem:v56+s28+$0x0], $0xffff  }
0x43f: {  	v10 =	vadd.f32 v55, v10;
	v54 =	vld [tilespmem:$0x1F7B0]  }
0x440: {  	v15 =	vld.idx.msk [tilespmem:v15+s30+$0x0], $0xffff;
	v57 =	vmul.f32 v22, v16  }
0x441: {  	v10 =	vadd.f32 v11, v10;
	v0 =	vadd.f32 v12, v0;
	v22 =	vld.idx.msk [tilespmem:v23+s28+$0x0], $0xffff  }
0x442: {  	v2 =	vadd.f32 v57, v2;
	v23 =	vld.idx.msk [tilespmem:v37+s24+$0x0], $0xffff;
	v57 =	vor.u32 v42, v9;
	v42 =	vor.u32 v42, v7  }
0x443: {  	v11 =	vmul.f32 v13, v13;
	v12 =	vsel vm1, v16, v13;
	v16 =	vmul.f32 v16, v16  }
0x444: {  	v13 =	vld.idx.msk [tilespmem:v20+s28+$0x0], $0xffff  }
0x445: {  	v4 =	vadd.f32 v11, v4;
	v1 =	vadd.f32 v16, v1;
	v16 =	vmul.f32 v15, v15  }
0x446: {  	v20 =	vor.u32 v54, v7;
	v54 =	vadd.s32 v54, v8;
	v12 =	vmul.f32 v12, v15;
	v15 =	vld.idx.msk [tilespmem:v17+s30+$0x0], $0xffff  }
0x447: {  	v10 =	vadd.f32 v16, v10;
	v16 =	vand.u32 $0xFFFFFF80, v54;
	v17 =	vmul.f32 v23, v22;
	v11 =	vld.idx.msk [tilespmem:v42+s28+$0x0], $0xffff  }
0x448: {  	v0 =	vadd.f32 v12, v0;
	v16 =	vadd.s32 v7, v16;
	v23 =	vand.u32 $0x7F, v54;
	v42 =	vld [tilespmem:$0x1F7E0]  }
0x449: {  	v12 =	vsel vm1, v22, v13;
	v2 =	vadd.f32 v17, v2;
	v17 =	vmul.f32 v22, v22;
	v22 =	vld.idx.msk [tilespmem:v57+s24+$0x0], $0xffff  }
0x44a: {  	v16 =	vor.u32 v23, v16;
	v57 =	vld [tilespmem:$0x1F7D0]  }
0x44b: {  	v20 =	vld.idx.msk [tilespmem:v20+s28+$0x0], $0xffff;
	v13 =	vmul.f32 v13, v13  }
0x44c: {  	v12 =	vmul.f32 v12, v15  }
0x44d: {  	v4 =	vadd.f32 v13, v4  }
0x44e: {  	v55 =	vmul.f32 v15, v15;
	v0 =	vadd.f32 v12, v0;
	v1 =	vadd.f32 v17, v1  }
0x44f: {  	v54 =	vor.u32 v42, v9;
	v56 =	vor.u32 v42, v7;
	v13 =	vld.idx.msk [tilespmem:v16+s30+$0x0], $0xffff;
	v37 =	vadd.s32 v57, v8  }
0x450: {  	v17 =	vsel vm1, v20, v11;
	v23 =	vor.u32 v57, v7;
	v57 =	vld [tilespmem:$0x1F7F0];
	v42 =	vand.u32 $0xFFFFFF80, v37  }
0x451: {  	v11 =	vmul.f32 v11, v11;
	v15 =	vand.u32 $0x7F, v37;
	v42 =	vadd.s32 v7, v42  }
0x452: {  	v12 =	vmul.f32 v22, v20;
	v20 =	vmul.f32 v20, v20;
	v15 =	vor.u32 v15, v42;
	v42 =	vld [tilespmem:$0x1F800];
	_ =	sdelay $0x1  }
0x453: {  	v4 =	vadd.f32 v11, v4;
	v1 =	vadd.f32 v20, v1  }
0x454: {  	v22 =	vld.idx.msk [tilespmem:v54+s24+$0x0], $0xffff;
	v11 =	vmul.f32 v13, v13;
	v13 =	vmul.f32 v17, v13;
	v54 =	vadd.s32 v57, v8  }
0x455: {  	v16 =	vld.idx.msk [tilespmem:v23+s28+$0x0], $0xffff;
	v23 =	vor.u32 v57, v7;
	v57 =	vand.u32 $0xFFFFFF80, v54;
	v17 =	vand.u32 $0x7F, v54  }
0x456: {  	v37 =	vor.u32 v42, v9;
	v20 =	vor.u32 v42, v7;
	v42 =	vadd.s32 v7, v57  }
0x457: {  	v17 =	vor.u32 v17, v42;
	v42 =	vld [tilespmem:$0x1F820]  }
0x458: {  	v2 =	vadd.f32 v12, v2;
	v12 =	vld.idx.msk [tilespmem:v56+s28+$0x0], $0xffff  }
0x459: {  	v10 =	vadd.f32 v55, v10;
	v54 =	vld [tilespmem:$0x1F810]  }
0x45a: {  	v15 =	vld.idx.msk [tilespmem:v15+s30+$0x0], $0xffff;
	v57 =	vmul.f32 v22, v16  }
0x45b: {  	v10 =	vadd.f32 v11, v10;
	v0 =	vadd.f32 v13, v0;
	v22 =	vld.idx.msk [tilespmem:v23+s28+$0x0], $0xffff  }
0x45c: {  	v2 =	vadd.f32 v57, v2;
	v23 =	vld.idx.msk [tilespmem:v37+s24+$0x0], $0xffff;
	v57 =	vor.u32 v42, v9;
	v42 =	vor.u32 v42, v7  }
0x45d: {  	v11 =	vmul.f32 v12, v12;
	v13 =	vsel vm1, v16, v12;
	v16 =	vmul.f32 v16, v16  }
0x45e: {  	v12 =	vld.idx.msk [tilespmem:v20+s28+$0x0], $0xffff  }
0x45f: {  	v4 =	vadd.f32 v11, v4;
	v1 =	vadd.f32 v16, v1;
	v16 =	vmul.f32 v15, v15  }
0x460: {  	v20 =	vor.u32 v54, v7;
	v54 =	vadd.s32 v54, v8;
	v13 =	vmul.f32 v13, v15;
	v15 =	vld.idx.msk [tilespmem:v17+s30+$0x0], $0xffff  }
0x461: {  	v10 =	vadd.f32 v16, v10;
	v16 =	vand.u32 $0xFFFFFF80, v54;
	v17 =	vmul.f32 v23, v22;
	v11 =	vld.idx.msk [tilespmem:v42+s28+$0x0], $0xffff  }
0x462: {  	v0 =	vadd.f32 v13, v0;
	v16 =	vadd.s32 v7, v16;
	v23 =	vand.u32 $0x7F, v54;
	v42 =	vld [tilespmem:$0x1F830]  }
0x463: {  	v13 =	vsel vm1, v22, v12;
	v2 =	vadd.f32 v17, v2;
	v17 =	vmul.f32 v22, v22;
	v22 =	vld.idx.msk [tilespmem:v57+s24+$0x0], $0xffff  }
0x464: {  	v16 =	vor.u32 v23, v16;
	v57 =	vld [tilespmem:$0x1F840]  }
0x465: {  	v20 =	vld.idx.msk [tilespmem:v20+s28+$0x0], $0xffff;
	v12 =	vmul.f32 v12, v12  }
0x466: {  	v13 =	vmul.f32 v13, v15  }
0x467: {  	v4 =	vadd.f32 v12, v4  }
0x468: {  	v55 =	vmul.f32 v15, v15;
	v0 =	vadd.f32 v13, v0;
	v1 =	vadd.f32 v17, v1  }
0x469: {  	v54 =	vor.u32 v42, v9;
	v56 =	vor.u32 v42, v7;
	v12 =	vld.idx.msk [tilespmem:v16+s30+$0x0], $0xffff;
	v37 =	vadd.s32 v57, v8  }
0x46a: {  	v17 =	vsel vm1, v20, v11;
	v23 =	vor.u32 v57, v7;
	v57 =	vld [tilespmem:$0x1F860];
	v42 =	vand.u32 $0xFFFFFF80, v37  }
0x46b: {  	v11 =	vmul.f32 v11, v11;
	v15 =	vand.u32 $0x7F, v37;
	v42 =	vadd.s32 v7, v42  }
0x46c: {  	v13 =	vmul.f32 v22, v20;
	v20 =	vmul.f32 v20, v20;
	v15 =	vor.u32 v15, v42;
	v42 =	vld [tilespmem:$0x1F850];
	_ =	sdelay $0x1  }
0x46d: {  	v4 =	vadd.f32 v11, v4;
	v1 =	vadd.f32 v20, v1  }
0x46e: {  	v22 =	vld.idx.msk [tilespmem:v54+s24+$0x0], $0xffff;
	v11 =	vmul.f32 v12, v12;
	v12 =	vmul.f32 v17, v12;
	v54 =	vadd.s32 v57, v8  }
0x46f: {  	v16 =	vld.idx.msk [tilespmem:v23+s28+$0x0], $0xffff;
	v23 =	vor.u32 v57, v7;
	v57 =	vand.u32 $0xFFFFFF80, v54;
	v17 =	vand.u32 $0x7F, v54  }
0x470: {  	v37 =	vor.u32 v42, v9;
	v20 =	vor.u32 v42, v7;
	v42 =	vadd.s32 v7, v57  }
0x471: {  	v17 =	vor.u32 v17, v42;
	v42 =	vld [tilespmem:$0x1F880]  }
0x472: {  	v2 =	vadd.f32 v13, v2;
	v13 =	vld.idx.msk [tilespmem:v56+s28+$0x0], $0xffff  }
0x473: {  	v10 =	vadd.f32 v55, v10;
	v54 =	vld [tilespmem:$0x1F870]  }
0x474: {  	v15 =	vld.idx.msk [tilespmem:v15+s30+$0x0], $0xffff;
	v57 =	vmul.f32 v22, v16  }
0x475: {  	v10 =	vadd.f32 v11, v10;
	v0 =	vadd.f32 v12, v0;
	v22 =	vld.idx.msk [tilespmem:v23+s28+$0x0], $0xffff  }
0x476: {  	v2 =	vadd.f32 v57, v2;
	v23 =	vld.idx.msk [tilespmem:v37+s24+$0x0], $0xffff;
	v57 =	vor.u32 v42, v9;
	v42 =	vor.u32 v42, v7  }
0x477: {  	v11 =	vmul.f32 v13, v13;
	v12 =	vsel vm1, v16, v13;
	v16 =	vmul.f32 v16, v16  }
0x478: {  	v13 =	vld.idx.msk [tilespmem:v20+s28+$0x0], $0xffff  }
0x479: {  	v4 =	vadd.f32 v11, v4;
	v1 =	vadd.f32 v16, v1;
	v16 =	vmul.f32 v15, v15  }
0x47a: {  	v20 =	vor.u32 v54, v7;
	v54 =	vadd.s32 v54, v8;
	v12 =	vmul.f32 v12, v15;
	v15 =	vld.idx.msk [tilespmem:v17+s30+$0x0], $0xffff  }
0x47b: {  	v10 =	vadd.f32 v16, v10;
	v16 =	vand.u32 $0xFFFFFF80, v54;
	v17 =	vmul.f32 v23, v22;
	v11 =	vld.idx.msk [tilespmem:v42+s28+$0x0], $0xffff  }
0x47c: {  	v0 =	vadd.f32 v12, v0;
	v16 =	vadd.s32 v7, v16;
	v23 =	vand.u32 $0x7F, v54;
	v42 =	vld [tilespmem:$0x1F8A0]  }
0x47d: {  	v12 =	vsel vm1, v22, v13;
	v2 =	vadd.f32 v17, v2;
	v17 =	vmul.f32 v22, v22;
	v22 =	vld.idx.msk [tilespmem:v57+s24+$0x0], $0xffff  }
0x47e: {  	v16 =	vor.u32 v23, v16;
	v57 =	vld [tilespmem:$0x1F890]  }
0x47f: {  	v20 =	vld.idx.msk [tilespmem:v20+s28+$0x0], $0xffff;
	v13 =	vmul.f32 v13, v13  }
0x480: {  	v12 =	vmul.f32 v12, v15  }
0x481: {  	v4 =	vadd.f32 v13, v4  }
0x482: {  	v55 =	vmul.f32 v15, v15;
	v0 =	vadd.f32 v12, v0;
	v1 =	vadd.f32 v17, v1  }
0x483: {  	v54 =	vor.u32 v42, v9;
	v56 =	vor.u32 v42, v7;
	v13 =	vld.idx.msk [tilespmem:v16+s30+$0x0], $0xffff;
	v37 =	vadd.s32 v57, v8  }
0x484: {  	v17 =	vsel vm1, v20, v11;
	v23 =	vor.u32 v57, v7;
	v57 =	vld [tilespmem:$0x1F8C0];
	v42 =	vand.u32 $0xFFFFFF80, v37  }
0x485: {  	v11 =	vmul.f32 v11, v11;
	v15 =	vand.u32 $0x7F, v37;
	v42 =	vadd.s32 v7, v42  }
0x486: {  	v12 =	vmul.f32 v22, v20;
	v20 =	vmul.f32 v20, v20;
	v15 =	vor.u32 v15, v42;
	v42 =	vld [tilespmem:$0x1F8B0];
	_ =	sdelay $0x1  }
0x487: {  	v4 =	vadd.f32 v11, v4;
	v1 =	vadd.f32 v20, v1  }
0x488: {  	v22 =	vld.idx.msk [tilespmem:v54+s24+$0x0], $0xffff;
	v11 =	vmul.f32 v13, v13;
	v13 =	vmul.f32 v17, v13;
	v54 =	vadd.s32 v57, v8  }
0x489: {  	v16 =	vld.idx.msk [tilespmem:v23+s28+$0x0], $0xffff;
	v23 =	vor.u32 v57, v7;
	v57 =	vand.u32 $0xFFFFFF80, v54;
	v17 =	vand.u32 $0x7F, v54  }
0x48a: {  	v37 =	vor.u32 v42, v9;
	v20 =	vor.u32 v42, v7;
	v42 =	vadd.s32 v7, v57  }
0x48b: {  	v17 =	vor.u32 v17, v42;
	v42 =	vld [tilespmem:$0x1F8E0]  }
0x48c: {  	v2 =	vadd.f32 v12, v2;
	v12 =	vld.idx.msk [tilespmem:v56+s28+$0x0], $0xffff  }
0x48d: {  	v10 =	vadd.f32 v55, v10;
	v54 =	vld [tilespmem:$0x1F8D0]  }
0x48e: {  	v15 =	vld.idx.msk [tilespmem:v15+s30+$0x0], $0xffff;
	v57 =	vmul.f32 v22, v16  }
0x48f: {  	v10 =	vadd.f32 v11, v10;
	v0 =	vadd.f32 v13, v0;
	v22 =	vld.idx.msk [tilespmem:v23+s28+$0x0], $0xffff  }
0x490: {  	v2 =	vadd.f32 v57, v2;
	v23 =	vld.idx.msk [tilespmem:v37+s24+$0x0], $0xffff;
	v57 =	vor.u32 v42, v9;
	v42 =	vor.u32 v42, v7  }
0x491: {  	v11 =	vmul.f32 v12, v12;
	v13 =	vsel vm1, v16, v12;
	v16 =	vmul.f32 v16, v16  }
0x492: {  	v12 =	vld.idx.msk [tilespmem:v20+s28+$0x0], $0xffff  }
0x493: {  	v4 =	vadd.f32 v11, v4;
	v1 =	vadd.f32 v16, v1;
	v16 =	vmul.f32 v15, v15  }
0x494: {  	v20 =	vor.u32 v54, v7;
	v54 =	vadd.s32 v54, v8;
	v13 =	vmul.f32 v13, v15;
	v15 =	vld.idx.msk [tilespmem:v17+s30+$0x0], $0xffff  }
0x495: {  	v10 =	vadd.f32 v16, v10;
	v16 =	vand.u32 $0xFFFFFF80, v54;
	v17 =	vmul.f32 v23, v22;
	v11 =	vld.idx.msk [tilespmem:v42+s28+$0x0], $0xffff  }
0x496: {  	v0 =	vadd.f32 v13, v0;
	v16 =	vadd.s32 v7, v16;
	v23 =	vand.u32 $0x7F, v54;
	v42 =	vld [tilespmem:$0x1F900]  }
0x497: {  	v13 =	vsel vm1, v22, v12;
	v2 =	vadd.f32 v17, v2;
	v17 =	vmul.f32 v22, v22;
	v22 =	vld.idx.msk [tilespmem:v57+s24+$0x0], $0xffff  }
0x498: {  	v16 =	vor.u32 v23, v16;
	v57 =	vld [tilespmem:$0x1F8F0]  }
0x499: {  	v20 =	vld.idx.msk [tilespmem:v20+s28+$0x0], $0xffff;
	v12 =	vmul.f32 v12, v12  }
0x49a: {  	v13 =	vmul.f32 v13, v15  }
0x49b: {  	v4 =	vadd.f32 v12, v4  }
0x49c: {  	v55 =	vmul.f32 v15, v15;
	v0 =	vadd.f32 v13, v0;
	v1 =	vadd.f32 v17, v1  }
0x49d: {  	v54 =	vor.u32 v42, v9;
	v56 =	vor.u32 v42, v7;
	v12 =	vld.idx.msk [tilespmem:v16+s30+$0x0], $0xffff;
	v37 =	vadd.s32 v57, v8  }
0x49e: {  	v17 =	vsel vm1, v20, v11;
	v23 =	vor.u32 v57, v7;
	v57 =	vld [tilespmem:$0x1F920];
	v42 =	vand.u32 $0xFFFFFF80, v37  }
0x49f: {  	v11 =	vmul.f32 v11, v11;
	v15 =	vand.u32 $0x7F, v37;
	v42 =	vadd.s32 v7, v42  }
0x4a0: {  	v13 =	vmul.f32 v22, v20;
	v20 =	vmul.f32 v20, v20;
	v15 =	vor.u32 v15, v42;
	v42 =	vld [tilespmem:$0x1F910];
	_ =	sdelay $0x1  }
0x4a1: {  	v4 =	vadd.f32 v11, v4;
	v1 =	vadd.f32 v20, v1  }
0x4a2: {  	v22 =	vld.idx.msk [tilespmem:v54+s24+$0x0], $0xffff;
	v11 =	vmul.f32 v12, v12;
	v12 =	vmul.f32 v17, v12;
	v54 =	vadd.s32 v57, v8  }
0x4a3: {  	v16 =	vld.idx.msk [tilespmem:v23+s28+$0x0], $0xffff;
	v23 =	vor.u32 v57, v7;
	v57 =	vand.u32 $0xFFFFFF80, v54;
	v17 =	vand.u32 $0x7F, v54  }
0x4a4: {  	v37 =	vor.u32 v42, v9;
	v20 =	vor.u32 v42, v7;
	v42 =	vadd.s32 v7, v57  }
0x4a5: {  	v17 =	vor.u32 v17, v42;
	v42 =	vld [tilespmem:$0x1F930];
	_ =	sdelay $0x1  }
0x4a6: {  	v2 =	vadd.f32 v13, v2;
	v13 =	vld.idx.msk [tilespmem:v56+s28+$0x0], $0xffff  }
0x4a7: {  	v15 =	vld.idx.msk [tilespmem:v15+s30+$0x0], $0xffff;
	v57 =	vmul.f32 v22, v16  }
0x4a8: {  	v10 =	vadd.f32 v55, v10;
	v22 =	vld.idx.msk [tilespmem:v23+s28+$0x0], $0xffff  }
0x4a9: {  	v2 =	vadd.f32 v57, v2;
	v23 =	vld.idx.msk [tilespmem:v37+s24+$0x0], $0xffff;
	v57 =	vor.u32 v42, v9;
	v42 =	vor.u32 v42, v7  }
0x4aa: {  	v10 =	vadd.f32 v11, v10;
	v0 =	vadd.f32 v12, v0  }
0x4ab: {  	v11 =	vmul.f32 v13, v13;
	v12 =	vsel vm1, v16, v13;
	v16 =	vmul.f32 v16, v16;
	v13 =	vld.idx.msk [tilespmem:v20+s28+$0x0], $0xffff  }
0x4ac: {  	v54 =	vld [tilespmem:$0x1F940]  }
0x4ad: {  	v1 =	vadd.f32 v16, v1;
	v16 =	vmul.f32 v15, v15;
	v12 =	vmul.f32 v12, v15;
	v15 =	vld.idx.msk [tilespmem:v17+s30+$0x0], $0xffff  }
0x4ae: {  	v4 =	vadd.f32 v11, v4;
	v17 =	vmul.f32 v23, v22;
	v11 =	vld.idx.msk [tilespmem:v42+s28+$0x0], $0xffff  }
0x4af: {  	v0 =	vadd.f32 v12, v0;
	v42 =	vld [tilespmem:$0x1F960]  }
0x4b0: {  	v12 =	vsel vm1, v22, v13;
	v2 =	vadd.f32 v17, v2;
	v17 =	vmul.f32 v22, v22;
	v22 =	vld.idx.msk [tilespmem:v57+s24+$0x0], $0xffff  }
0x4b1: {  	v57 =	vld [tilespmem:$0x1F950]  }
0x4b2: {  	v20 =	vor.u32 v54, v7;
	v54 =	vadd.s32 v54, v8  }
0x4b3: {  	v10 =	vadd.f32 v16, v10;
	v16 =	vand.u32 $0xFFFFFF80, v54  }
0x4b4: {  	v16 =	vadd.s32 v7, v16;
	v23 =	vand.u32 $0x7F, v54  }
0x4b5: {  	v13 =	vmul.f32 v13, v13;
	v16 =	vor.u32 v23, v16  }
0x4b6: {  	v55 =	vmul.f32 v15, v15;
	v54 =	vor.u32 v42, v9;
	v37 =	vadd.s32 v57, v8  }
0x4b7: {  	v20 =	vld.idx.msk [tilespmem:v20+s28+$0x0], $0xffff;
	v56 =	vor.u32 v42, v7;
	v23 =	vor.u32 v57, v7;
	v42 =	vand.u32 $0xFFFFFF80, v37  }
0x4b8: {  	v12 =	vmul.f32 v12, v15;
	v15 =	vand.u32 $0x7F, v37;
	v57 =	vadd.s32 v7, v42;
	v42 =	vld [tilespmem:$0x1F970]  }
0x4b9: {  	v15 =	vor.u32 v15, v57;
	v57 =	vld [tilespmem:$0x1F980]  }
0x4ba: {  	v4 =	vadd.f32 v13, v4;
	v13 =	vld.idx.msk [tilespmem:v16+s30+$0x0], $0xffff  }
0x4bb: {  	v10 =	vadd.f32 v55, v10;
	v0 =	vadd.f32 v12, v0  }
0x4bc: {  	v1 =	vadd.f32 v17, v1;
	v12 =	vmul.f32 v22, v20;
	v22 =	vmul.f32 v11, v11;
	v16 =	vld.idx.msk [tilespmem:v23+s28+$0x0], $0xffff  }
0x4bd: {  	v17 =	vmul.f32 v20, v20;
	v11 =	vsel vm1, v20, v11;
	v23 =	vld.idx.msk [tilespmem:v54+s24+$0x0], $0xffff;
	v37 =	vor.u32 v42, v7  }
0x4be: {  	v2 =	vadd.f32 v12, v2;
	v4 =	vadd.f32 v22, v4;
	v12 =	vld.idx.msk [tilespmem:v56+s28+$0x0], $0xffff;
	v20 =	vor.u32 v57, v9  }
0x4bf: {  	v22 =	vmul.f32 v13, v13;
	v11 =	vmul.f32 v11, v13;
	v54 =	vor.u32 v57, v7;
	v57 =	vld [tilespmem:$0x1F9A0]  }
0x4c0: {  	v1 =	vadd.f32 v17, v1;
	v17 =	vadd.s32 v42, v8;
	v15 =	vld.idx.msk [tilespmem:v15+s30+$0x0], $0xffff  }
0x4c1: {  	v10 =	vadd.f32 v22, v10;
	v0 =	vadd.f32 v11, v0;
	v42 =	vand.u32 $0xFFFFFF80, v17  }
0x4c2: {  	v13 =	vand.u32 $0x7F, v17;
	v17 =	vadd.s32 v7, v42;
	v22 =	vmul.f32 v23, v16;
	v23 =	vld.idx.msk [tilespmem:v37+s28+$0x0], $0xffff  }
0x4c3: {  	v13 =	vor.u32 v13, v17;
	v11 =	vsel vm1, v16, v12;
	v16 =	vmul.f32 v16, v16;
	v17 =	vld.idx.msk [tilespmem:v20+s24+$0x0], $0xffff  }
0x4c4: {  	v12 =	vmul.f32 v12, v12;
	v2 =	vadd.f32 v22, v2;
	v20 =	vor.u32 v57, v7  }
0x4c5: {  	v1 =	vadd.f32 v16, v1;
	v37 =	vor.u32 v25, v9;
	v16 =	vmul.f32 v15, v15;
	v22 =	vld.idx.msk [tilespmem:v54+s28+$0x0], $0xffff  }
0x4c6: {  	v4 =	vadd.f32 v12, v4;
	v12 =	vor.u32 v25, v7;
	v42 =	vadd.s32 v57, v8  }
0x4c7: {  	v11 =	vmul.f32 v11, v15;
	v15 =	vand.u32 $0xFFFFFF80, v42;
	v10 =	vadd.f32 v16, v10  }
0x4c8: {  	v13 =	vld.idx.msk [tilespmem:v13+s30+$0x0], $0xffff;
	v15 =	vadd.s32 v7, v15;
	v16 =	vmul.f32 v17, v23;
	v17 =	vand.u32 $0x7F, v42  }
0x4c9: {  	v57 =	vmul.f32 v23, v23;
	v20 =	vld.idx.msk [tilespmem:v20+s28+$0x0], $0xffff;
	v15 =	vor.u32 v17, v15  }
0x4ca: {  	v17 =	vsel vm1, v23, v22;
	v23 =	vor.u32 v46, v7;
	v2 =	vadd.f32 v16, v2;
	v16 =	vld.idx.msk [tilespmem:v37+s24+$0x0], $0xffff  }
0x4cb: {  	v0 =	vadd.f32 v11, v0;
	v11 =	vld.idx.msk [tilespmem:v12+s28+$0x0], $0xffff;
	v12 =	vadd.s32 v46, v8;
	v37 =	vor.u32 v48, v9  }
0x4cc: {  	v55 =	vand.u32 $0xFFFFFF80, v12;
	v42 =	vor.u32 v48, v7  }
0x4cd: {  	v12 =	vand.u32 $0x7F, v12;
	v1 =	vadd.f32 v57, v1;
	v22 =	vmul.f32 v22, v22  }
0x4ce: {  	v55 =	vadd.s32 v7, v55;
	v54 =	vmul.f32 v13, v13;
	v13 =	vmul.f32 v17, v13;
	v15 =	vld.idx.msk [tilespmem:v15+s30+$0x0], $0xffff  }
0x4cf: {  	v12 =	vor.u32 v12, v55;
	v4 =	vadd.f32 v22, v4;
	v22 =	vld.idx.msk [tilespmem:v23+s28+$0x0], $0xffff;
	v16 =	vmul.f32 v16, v20  }
0x4d0: {  	v0 =	vadd.f32 v13, v0;
	v17 =	vmul.f32 v20, v20;
	v13 =	vsel vm1, v20, v11;
	v20 =	vld.idx.msk [tilespmem:v37+s24+$0x0], $0xffff  }
0x4d1: {  	v11 =	vmul.f32 v11, v11;
	v2 =	vadd.f32 v16, v2;
	v16 =	vor.u32 v49, v7  }
0x4d2: {  	v23 =	vor.u32 v50, v9  }
0x4d3: {  	v1 =	vadd.f32 v17, v1;
	v4 =	vadd.f32 v11, v4;
	v11 =	vld.idx.msk [tilespmem:v42+s28+$0x0], $0xffff;
	v17 =	vadd.s32 v49, v8  }
0x4d4: {  	v12 =	vld.idx.msk [tilespmem:v12+s30+$0x0], $0xffff;
	v42 =	vor.u32 v50, v7;
	v57 =	vand.u32 $0xFFFFFF80, v17;
	v13 =	vmul.f32 v13, v15  }
0x4d5: {  	v37 =	vmul.f32 v15, v15;
	v15 =	vand.u32 $0x7F, v17;
	v20 =	vmul.f32 v20, v22  }
0x4d6: {  	v17 =	vadd.s32 v7, v57;
	v0 =	vadd.f32 v13, v0;
	v13 =	vmul.f32 v22, v22;
	v16 =	vld.idx.msk [tilespmem:v16+s28+$0x0], $0xffff  }
0x4d7: {  	v15 =	vor.u32 v15, v17;
	v17 =	vor.u32 v51, v7;
	v2 =	vadd.f32 v20, v2;
	v20 =	vld.idx.msk [tilespmem:v23+s24+$0x0], $0xffff  }
0x4d8: {  	v10 =	vadd.f32 v54, v10;
	v22 =	vsel vm1, v22, v11;
	v1 =	vadd.f32 v13, v1  }
0x4d9: {  	v13 =	vmul.f32 v12, v12;
	v12 =	vmul.f32 v22, v12;
	v22 =	vor.u32 v52, v7;
	_ =	sdelay $0x1  }
0x4da: {  	v10 =	vadd.f32 v37, v10;
	v37 =	vld.idx.msk [tilespmem:v42+s28+$0x0], $0xffff;
	v23 =	vor.u32 v52, v9  }
0x4db: {  	v42 =	vadd.s32 v51, v8;
	v0 =	vadd.f32 v12, v0;
	v12 =	vld.idx.msk [tilespmem:v17+s28+$0x0], $0xffff;
	v17 =	vmul.f32 v20, v16  }
0x4dc: {  	v10 =	vadd.f32 v13, v10;
	v57 =	vld.idx.msk [tilespmem:v15+s30+$0x0], $0xffff;
	v13 =	vand.u32 $0xFFFFFF80, v42  }
0x4dd: {  	v15 =	vand.u32 $0x7F, v42;
	v13 =	vadd.s32 v7, v13;
	v2 =	vadd.f32 v17, v2;
	v17 =	vld.idx.msk [tilespmem:v22+s28+$0x0], $0xffff  }
0x4de: {  	v11 =	vmul.f32 v11, v11;
	v20 =	vmul.f32 v16, v16;
	v13 =	vor.u32 v15, v13;
	v22 =	vld [tilespmem:$0x1F9B0]  }
0x4df: {  	v15 =	vld.idx.msk [tilespmem:v23+s24+$0x0], $0xffff;
	v16 =	vsel vm1, v16, v37;
	v23 =	vmul.f32 v37, v37;
	v37 =	vor.u32 v59, v7  }
0x4e0: {  	v4 =	vadd.f32 v11, v4  }
0x4e1: {  	v55 =	vor.u32 v44, v7;
	v1 =	vadd.f32 v20, v1  }
0x4e2: {  	v4 =	vadd.f32 v23, v4;
	v23 =	vadd.s32 v59, v8;
	v42 =	vmul.f32 v57, v57  }
0x4e3: {  	v11 =	vmul.f32 v16, v57;
	v16 =	vand.u32 $0xFFFFFF80, v23;
	v13 =	vld.idx.msk [tilespmem:v13+s30+$0x0], $0xffff;
	v20 =	vor.u32 v22, v9  }
0x4e4: {  	v23 =	vand.u32 $0x7F, v23;
	v16 =	vadd.s32 v7, v16;
	v37 =	vld.idx.msk [tilespmem:v37+s28+$0x0], $0xffff;
	v22 =	vor.u32 v22, v7  }
0x4e5: {  	v57 =	vmul.f32 v12, v12;
	v15 =	vmul.f32 v15, v12;
	v16 =	vor.u32 v23, v16  }
0x4e6: {  	v0 =	vadd.f32 v11, v0;
	v11 =	vsel vm1, v12, v17;
	v17 =	vmul.f32 v17, v17  }
0x4e7: {  	v54 =	vor.u32 v44, v9;
	v10 =	vadd.f32 v42, v10;
	v1 =	vadd.f32 v57, v1  }
0x4e8: {  	v2 =	vadd.f32 v15, v2;
	v4 =	vadd.f32 v17, v4;
	v42 =	vmul.f32 v13, v13;
	v12 =	vld.idx.msk [tilespmem:v20+s24+$0x0], $0xffff  }
0x4e9: {  	v11 =	vmul.f32 v11, v13;
	v17 =	vmul.f32 v37, v37;
	v15 =	vld.idx.msk [tilespmem:v22+s28+$0x0], $0xffff;
	v22 =	vadd.s32 v39, v8  }
0x4ea: {  	v13 =	vld.idx.msk [tilespmem:v16+s30+$0x0], $0xffff;
	v20 =	vor.u32 v39, v7;
	v10 =	vadd.f32 v42, v10;
	v23 =	vand.u32 $0xFFFFFF80, v22  }
0x4eb: {  	v0 =	vadd.f32 v11, v0;
	v22 =	vand.u32 $0x7F, v22;
	v23 =	vadd.s32 v7, v23  }
0x4ec: {  	v1 =	vadd.f32 v17, v1;
	v17 =	vor.u32 v28, v7;
	v16 =	vor.u32 v22, v23  }
0x4ed: {  	v22 =	vld.idx.msk [tilespmem:v55+s28+$0x0], $0xffff;
	v23 =	vadd.s32 v28, v8;
	v55 =	vor.u32 v30, v7;
	v12 =	vmul.f32 v12, v37  }
0x4ee: {  	v42 =	vand.u32 $0xFFFFFF80, v23;
	v11 =	vsel vm1, v37, v15;
	v15 =	vmul.f32 v15, v15  }
0x4ef: {  	v20 =	vld.idx.msk [tilespmem:v20+s28+$0x0], $0xffff;
	v37 =	vor.u32 v30, v9;
	v11 =	vmul.f32 v11, v13;
	v2 =	vadd.f32 v12, v2  }
0x4f0: {  	v12 =	vld.idx.msk [tilespmem:v54+s24+$0x0], $0xffff;
	v54 =	vmul.f32 v13, v13;
	v13 =	vand.u32 $0x7F, v23;
	v23 =	vadd.s32 v7, v42  }
0x4f1: {  	v16 =	vld.idx.msk [tilespmem:v16+s30+$0x0], $0xffff;
	v13 =	vor.u32 v13, v23  }
0x4f2: {  	v4 =	vadd.f32 v15, v4;
	v57 =	vmul.f32 v22, v22  }
0x4f3: {  	v15 =	vor.u32 v31, v7;
	v42 =	vadd.s32 v31, v8;
	v10 =	vadd.f32 v54, v10;
	v54 =	vld.idx.msk [tilespmem:v55+s28+$0x0], $0xffff  }
0x4f4: {  	v0 =	vadd.f32 v11, v0;
	v23 =	vld.idx.msk [tilespmem:v37+s24+$0x0], $0xffff;
	v37 =	vor.u32 v32, v9;
	v4 =	vadd.f32 v57, v4  }
0x4f5: {  	v56 =	vmul.f32 v12, v20;
	v12 =	vld.idx.msk [tilespmem:v17+s28+$0x0], $0xffff;
	v17 =	vsel vm1, v20, v22;
	v20 =	vmul.f32 v20, v20  }
0x4f6: {  	v22 =	vmul.f32 v16, v16;
	v57 =	vld.idx.msk [tilespmem:v13+s30+$0x0], $0xffff;
	v13 =	vand.u32 $0xFFFFFF80, v42;
	v16 =	vmul.f32 v17, v16  }
0x4f7: {  	v17 =	vand.u32 $0x7F, v42;
	v42 =	vadd.s32 v33, v8;
	v2 =	vadd.f32 v56, v2  }
0x4f8: {  	v24 =	vld [tilespmem:$0x1F9C0];
	v1 =	vadd.f32 v20, v1;
	v20 =	vor.u32 v32, v7;
	v13 =	vadd.s32 v7, v13  }
0x4f9: {  	v15 =	vld.idx.msk [tilespmem:v15+s28+$0x0], $0xffff;
	v10 =	vadd.f32 v22, v10;
	v13 =	vor.u32 v17, v13;
	v0 =	vadd.f32 v16, v0  }
0x4fa: {  	v17 =	vld.idx.msk [tilespmem:v37+s24+$0x0], $0xffff;
	v22 =	vmul.f32 v23, v12;
	v23 =	vmul.f32 v12, v12;
	v12 =	vsel vm1, v12, v54  }
0x4fb: {  	v16 =	vor.u32 v33, v7;
	v37 =	vmul.f32 v57, v57;
	v11 =	vmul.f32 v12, v57  }
0x4fc: {  	v12 =	vor.u32 v34, v7;
	v2 =	vadd.f32 v22, v2;
	v22 =	vor.u32 v34, v9  }
0x4fd: {  	v57 =	vand.u32 $0xFFFFFF80, v42;
	v1 =	vadd.f32 v23, v1;
	v23 =	vmul.f32 v54, v54  }
0x4fe: {  	v56 =	vor.u32 v24, v9;
	v20 =	vld.idx.msk [tilespmem:v20+s28+$0x0], $0xffff;
	v54 =	vand.u32 $0x7F, v42;
	v55 =	vadd.s32 v7, v57  }
0x4ff: {  	v13 =	vld.idx.msk [tilespmem:v13+s30+$0x0], $0xffff;
	v17 =	vmul.f32 v17, v15;
	v4 =	vadd.f32 v23, v4;
	v23 =	vor.u32 v54, v55  }
0x500: {  	v42 =	vadd.s32 v38, v8;
	v10 =	vadd.f32 v37, v10;
	v16 =	vld.idx.msk [tilespmem:v16+s28+$0x0], $0xffff;
	v0 =	vadd.f32 v11, v0  }
0x501: {  	v57 =	vand.u32 $0xFFFFFF80, v42;
	v37 =	vand.u32 $0x7F, v42;
	v2 =	vadd.f32 v17, v2;
	v17 =	vld.idx.msk [tilespmem:v22+s24+$0x0], $0xffff  }
0x502: {  	v54 =	vor.u32 v24, v7;
	v55 =	vadd.s32 v7, v57;
	v12 =	vld.idx.msk [tilespmem:v12+s28+$0x0], $0xffff;
	v22 =	vor.u32 v38, v7  }
0x503: {  	v11 =	vsel vm1, v15, v20;
	v15 =	vmul.f32 v15, v15;
	v20 =	vmul.f32 v20, v20  }
0x504: {  	v42 =	vmul.f32 v13, v13;
	v11 =	vmul.f32 v11, v13;
	v13 =	vld.idx.msk [tilespmem:v23+s30+$0x0], $0xffff;
	v23 =	vor.u32 v37, v55  }
0x505: {  	v1 =	vadd.f32 v15, v1;
	v4 =	vadd.f32 v20, v4;
	v37 =	vld.idx.msk [tilespmem:v56+s24+$0x0], $0xffff;
	v56 =	vor.u32 v58, v7  }
0x506: {  	v10 =	vadd.f32 v42, v10;
	v0 =	vadd.f32 v11, v0;
	v15 =	vmul.f32 v17, v16  }
0x507: {  	v20 =	vsel vm1, v16, v12;
	v12 =	vmul.f32 v12, v12;
	v11 =	vld.idx.msk [tilespmem:v22+s28+$0x0], $0xffff;
	v17 =	vor.u32 v53, v7  }
0x508: {  	v22 =	vor.u32 v58, v9;
	v2 =	vadd.f32 v15, v2;
	v15 =	vld.idx.msk [tilespmem:v54+s28+$0x0], $0xffff;
	v54 =	vadd.s32 v53, v8  }
0x509: {  	v16 =	vmul.f32 v16, v16;
	v55 =	vmul.f32 v13, v13;
	v42 =	vand.u32 $0xFFFFFF80, v54  }
0x50a: {  	v23 =	vld.idx.msk [tilespmem:v23+s30+$0x0], $0xffff;
	v13 =	vmul.f32 v20, v13;
	v20 =	vand.u32 $0x7F, v54;
	v57 =	vadd.s32 v7, v42  }
0x50b: {  	v4 =	vadd.f32 v12, v4;
	v1 =	vadd.f32 v16, v1;
	v16 =	vor.u32 v20, v57  }
0x50c: {  	v24 =	vor.u32 v36, v9;
	v10 =	vadd.f32 v55, v10;
	v0 =	vadd.f32 v13, v0;
	v12 =	vld.idx.msk [tilespmem:v17+s28+$0x0], $0xffff  }
0x50d: {  	v42 =	vor.u32 v61, v7;
	v17 =	vld.idx.msk [tilespmem:v22+s24+$0x0], $0xffff;
	v20 =	vmul.f32 v37, v11;
	v22 =	vor.u32 v60, v7  }
0x50e: {  	v57 =	vor.u32 v61, v9;
	v13 =	vsel vm1, v11, v15;
	v15 =	vmul.f32 v15, v15  }
0x50f: {  	v54 =	vld.idx.msk [tilespmem:v56+s28+$0x0], $0xffff;
	v11 =	vmul.f32 v11, v11;
	v37 =	vmul.f32 v23, v23;
	v2 =	vadd.f32 v20, v2  }
0x510: {  	v13 =	vmul.f32 v13, v23;
	v4 =	vadd.f32 v15, v4;
	v15 =	vld.idx.msk [tilespmem:v16+s30+$0x0], $0xffff;
	v16 =	vadd.s32 v60, v8  }
0x511: {  	v1 =	vadd.f32 v11, v1;
	v10 =	vadd.f32 v37, v10;
	v20 =	vand.u32 $0xFFFFFF80, v16  }
0x512: {  	v17 =	vmul.f32 v17, v12;
	v16 =	vand.u32 $0x7F, v16;
	v20 =	vadd.s32 v7, v20  }
0x513: {  	v23 =	vmul.f32 v12, v12;
	v22 =	vld.idx.msk [tilespmem:v22+s28+$0x0], $0xffff;
	v0 =	vadd.f32 v13, v0;
	v16 =	vor.u32 v16, v20  }
0x514: {  	v12 =	vsel vm1, v12, v54;
	v11 =	vld.idx.msk [tilespmem:v57+s24+$0x0], $0xffff;
	v2 =	vadd.f32 v17, v2;
	v17 =	vor.u32 v62, v7  }
0x515: {  	v13 =	vld.idx.msk [tilespmem:v42+s28+$0x0], $0xffff;
	v42 =	vor.u32 v63, v9;
	v57 =	vadd.s32 v62, v8;
	v20 =	vmul.f32 v54, v54  }
0x516: {  	v1 =	vadd.f32 v23, v1;
	v23 =	vmul.f32 v15, v15;
	v12 =	vmul.f32 v12, v15  }
0x517: {  	v15 =	vor.u32 v63, v7;
	v4 =	vadd.f32 v20, v4;
	v20 =	vand.u32 $0xFFFFFF80, v57  }
0x518: {  	v20 =	vadd.s32 v7, v20;
	v0 =	vadd.f32 v12, v0;
	v12 =	vld.idx.msk [tilespmem:v16+s30+$0x0], $0xffff;
	v16 =	vand.u32 $0x7F, v57  }
0x519: {  	v60 =	vadd.s32 v5, v8;
	v11 =	vmul.f32 v11, v22;
	v17 =	vld.idx.msk [tilespmem:v17+s28+$0x0], $0xffff;
	v16 =	vor.u32 v16, v20  }
0x51a: {  	v10 =	vadd.f32 v23, v10;
	v23 =	vsel vm1, v22, v13;
	v20 =	vmul.f32 v22, v22;
	v22 =	vld.idx.msk [tilespmem:v42+s24+$0x0], $0xffff  }
0x51b: {  	v54 =	vand.u32 $0x7F, v60;
	v42 =	vand.u32 $0xFFFFFF80, v60;
	v60 =	vor.u32 v14, v9  }
0x51c: {  	v55 =	vor.u32 v14, v7;
	v37 =	vor.u32 v5, v7;
	v13 =	vmul.f32 v13, v13;
	v15 =	vld.idx.msk [tilespmem:v15+s28+$0x0], $0xffff  }
0x51d: {  	v2 =	vadd.f32 v11, v2;
	v57 =	vor.u32 v19, v7;
	v56 =	vadd.s32 v7, v42  }
0x51e: {  	v4 =	vadd.f32 v13, v4;
	v54 =	vor.u32 v54, v56;
	v42 =	vmul.f32 v12, v12;
	v13 =	vld.idx.msk [tilespmem:v16+s30+$0x0], $0xffff  }
0x51f: {  	v1 =	vadd.f32 v20, v1;
	v12 =	vmul.f32 v23, v12;
	v56 =	vmul.f32 v22, v17  }
0x520: {  	v16 =	vmul.f32 v17, v17;
	v22 =	vor.u32 v18, v7;
	v11 =	vld.idx.msk [tilespmem:v60+s24+$0x0], $0xffff;
	v60 =	vadd.s32 v18, v8  }
0x521: {  	v20 =	vld.idx.msk [tilespmem:v37+s28+$0x0], $0xffff;
	v10 =	vadd.f32 v42, v10;
	v0 =	vadd.f32 v12, v0;
	v12 =	vsel vm1, v17, v15  }
0x522: {  	v17 =	vld.idx.msk [tilespmem:v55+s28+$0x0], $0xffff;
	v15 =	vmul.f32 v15, v15;
	v1 =	vadd.f32 v16, v1;
	v16 =	vor.u32 v19, v9  }
0x523: {  	v23 =	vld.idx.msk [tilespmem:v54+s30+$0x0], $0xffff;
	v42 =	vmul.f32 v13, v13;
	v12 =	vmul.f32 v12, v13;
	v13 =	vand.u32 $0xFFFFFF80, v60  }
0x524: {  	v4 =	vadd.f32 v15, v4;
	v15 =	vand.u32 $0x7F, v60;
	v13 =	vadd.s32 v7, v13  }
0x525: {  	v37 =	vld.idx.msk [tilespmem:v57+s28+$0x0], $0xffff;
	v57 =	vor.u32 v21, v7;
	v2 =	vadd.f32 v56, v2;
	v13 =	vor.u32 v15, v13  }
0x526: {  	v11 =	vmul.f32 v11, v20;
	v60 =	vor.u32 v26, v9;
	v0 =	vadd.f32 v12, v0;
	v12 =	vld.idx.msk [tilespmem:v22+s28+$0x0], $0xffff  }
0x527: {  	v10 =	vadd.f32 v42, v10;
	v15 =	vsel vm1, v20, v17;
	v16 =	vld.idx.msk [tilespmem:v16+s24+$0x0], $0xffff;
	v17 =	vmul.f32 v17, v17  }
0x528: {  	v20 =	vmul.f32 v20, v20;
	v22 =	vmul.f32 v23, v23;
	v2 =	vadd.f32 v11, v2  }
0x529: {  	v15 =	vmul.f32 v15, v23;
	v4 =	vadd.f32 v17, v4;
	v17 =	vadd.s32 v21, v8  }
0x52a: {  	v1 =	vadd.f32 v20, v1;
	v10 =	vadd.f32 v22, v10;
	v22 =	vand.u32 $0xFFFFFF80, v17;
	v13 =	vld.idx.msk [tilespmem:v13+s30+$0x0], $0xffff  }
0x52b: {  	v20 =	vor.u32 v26, v7;
	v17 =	vand.u32 $0x7F, v17;
	v22 =	vadd.s32 v7, v22  }
0x52c: {  	v42 =	vmul.f32 v37, v37;
	v16 =	vmul.f32 v16, v12;
	v17 =	vor.u32 v17, v22  }
0x52d: {  	v54 =	vld.idx.msk [tilespmem:v57+s28+$0x0], $0xffff;
	v0 =	vadd.f32 v15, v0;
	v15 =	vor.u32 v27, v7;
	v23 =	vmul.f32 v12, v12  }
0x52e: {  	v11 =	vld.idx.msk [tilespmem:v60+s24+$0x0], $0xffff;
	v12 =	vsel vm1, v12, v37;
	v22 =	vadd.s32 v27, v8;
	v2 =	vadd.f32 v16, v2  }
0x52f: {  	v1 =	vadd.f32 v23, v1;
	v23 =	vor.u32 v29, v9;
	v16 =	vmul.f32 v13, v13  }
0x530: {  	v57 =	vand.u32 $0xFFFFFF80, v22;
	v20 =	vld.idx.msk [tilespmem:v20+s28+$0x0], $0xffff;
	v12 =	vmul.f32 v12, v13;
	v13 =	vor.u32 v29, v7  }
0x531: {  	v10 =	vadd.f32 v16, v10;
	v16 =	vld.idx.msk [tilespmem:v17+s30+$0x0], $0xffff;
	v17 =	vand.u32 $0x7F, v22;
	v22 =	vadd.s32 v7, v57  }
0x532: {  	v56 =	vor.u32 v36, v7;
	v0 =	vadd.f32 v12, v0;
	v12 =	vor.u32 v17, v22  }
0x533: {  	v60 =	vadd.s32 v35, v8;
	v4 =	vadd.f32 v42, v4;
	v11 =	vmul.f32 v11, v54;
	v15 =	vld.idx.msk [tilespmem:v15+s28+$0x0], $0xffff  }
0x534: {  	v42 =	vand.u32 $0xFFFFFF80, v60;
	v37 =	vand.u32 $0x7F, v60;
	v23 =	vld.idx.msk [tilespmem:v23+s24+$0x0], $0xffff;
	v22 =	vor.u32 v35, v7  }
0x535: {  	v2 =	vadd.f32 v11, v2;
	v55 =	vmul.f32 v20, v20;
	v57 =	vadd.s32 v7, v42;
	v13 =	vld.idx.msk [tilespmem:v13+s28+$0x0], $0xffff  }
0x536: {  	v20 =	vsel vm1, v54, v20;
	v42 =	vor.u32 v41, v9;
	v17 =	vmul.f32 v54, v54  }
0x537: {  	v11 =	vor.u32 v37, v57;
	v4 =	vadd.f32 v55, v4;
	v60 =	vmul.f32 v16, v16;
	v12 =	vld.idx.msk [tilespmem:v12+s30+$0x0], $0xffff  }
0x538: {  	v1 =	vadd.f32 v17, v1;
	v16 =	vmul.f32 v20, v16;
	v20 =	vor.u32 v40, v7  }
0x539: {  	v17 =	vld.idx.msk [tilespmem:v22+s28+$0x0], $0xffff;
	v22 =	vmul.f32 v23, v15;
	v23 =	vmul.f32 v15, v15;
	v10 =	vadd.f32 v60, v10  }
0x53a: {  	v0 =	vadd.f32 v16, v0;
	v16 =	vld.idx.msk [tilespmem:v24+s24+$0x0], $0xffff;
	v24 =	vor.u32 v41, v7;
	v15 =	vsel vm1, v15, v13  }
0x53b: {  	v2 =	vadd.f32 v22, v2;
	v1 =	vadd.f32 v23, v1;
	v22 =	vadd.s32 v40, v8  }
0x53c: {  	v13 =	vmul.f32 v13, v13;
	v60 =	vand.u32 $0xFFFFFF80, v22;
	v23 =	vmul.f32 v12, v12  }
0x53d: {  	v12 =	vmul.f32 v15, v12;
	v15 =	vld.idx.msk [tilespmem:v20+s28+$0x0], $0xffff;
	v20 =	vand.u32 $0x7F, v22;
	v22 =	vadd.s32 v7, v60  }
0x53e: {  	v11 =	vld.idx.msk [tilespmem:v11+s30+$0x0], $0xffff;
	v4 =	vadd.f32 v13, v4;
	v13 =	vor.u32 v20, v22  }
0x53f: {  	v57 =	vld [tilespmem:$0x1FF70]  }
0x540: {  	v37 =	vld.idx.msk [tilespmem:v56+s28+$0x0], $0xffff  }
0x541: {  	v20 =	vld.idx.msk [tilespmem:v42+s24+$0x0], $0xffff  }
0x542: {  	v22 =	vld.idx.msk [tilespmem:v24+s28+$0x0], $0xffff  }
0x543: {  	v24 =	vmul.f32 v11, v11;
	v42 =	vld.idx.msk [tilespmem:v13+s30+$0x0], $0xffff  }
0x544: {  	v10 =	vadd.f32 v23, v10;
	v0 =	vadd.f32 v12, v0;
	v12 =	vmul.f32 v16, v17  }
0x545: {  	v16 =	vmul.f32 v17, v17;
	v17 =	vsel vm1, v17, v37;
	v23 =	vmul.f32 v37, v37  }
0x546: {  	v11 =	vmul.f32 v17, v11  }
0x547: {  	v55 =	vld [tilespmem:$0x1FF80];
	v17 =	vadd.s32 v57, v8;
	v4 =	vadd.f32 v23, v4;
	v10 =	vadd.f32 v24, v10  }
0x548: {  	v23 =	vand.u32 $0xFFFFFF80, v17;
	v13 =	vor.u32 v57, v7;
	v24 =	vmul.f32 v42, v42  }
0x549: {  	v2 =	vadd.f32 v12, v2;
	v17 =	vand.u32 $0x7F, v17;
	v23 =	vadd.s32 v7, v23  }
0x54a: {  	v12 =	vmul.f32 v20, v15;
	v20 =	vor.u32 v43, v9;
	v10 =	vadd.f32 v24, v10;
	v24 =	vld [tilespmem:$0x1F9D0]  }
0x54b: {  	v60 =	vor.u32 v45, v7;
	v1 =	vadd.f32 v16, v1;
	v17 =	vor.u32 v17, v23  }
0x54c: {  	v23 =	vadd.s32 v55, v8;
	v2 =	vadd.f32 v12, v2;
	v12 =	vor.u32 v43, v7  }
0x54d: {  	v16 =	vsel vm1, v15, v22;
	v15 =	vmul.f32 v15, v15;
	v57 =	vand.u32 $0xFFFFFF80, v23;
	v13 =	vld.idx.msk [tilespmem:v13+s28+$0x0], $0xffff  }
0x54e: {  	v0 =	vadd.f32 v11, v0;
	v23 =	vand.u32 $0x7F, v23;
	v54 =	vadd.s32 v7, v57  }
0x54f: {  	v1 =	vadd.f32 v15, v1;
	v15 =	vor.u32 v23, v54;
	v20 =	vld.idx.msk [tilespmem:v20+s24+$0x0], $0xffff;
	v23 =	vadd.s32 v24, v8  }
0x550: {  	v11 =	vmul.f32 v16, v42;
	v16 =	vld.idx.msk [tilespmem:v17+s30+$0x0], $0xffff;
	v17 =	vor.u32 v24, v7;
	v24 =	vand.u32 $0xFFFFFF80, v23  }
0x551: {  	v22 =	vmul.f32 v22, v22;
	v12 =	vld.idx.msk [tilespmem:v12+s28+$0x0], $0xffff;
	v23 =	vand.u32 $0x7F, v23;
	v24 =	vadd.s32 v7, v24  }
0x552: {  	v37 =	vor.u32 v55, v7;
	v23 =	vor.u32 v23, v24;
	v24 =	vmul.f32 v13, v13  }
0x553: {  	v4 =	vadd.f32 v22, v4;
	v22 =	vor.u32 v45, v9  }
0x554: {  	v1 =	vadd.f32 v24, v1;
	v24 =	vld [tilespmem:$0x1FF90]  }
0x555: {  	v55 =	vld.idx.msk [tilespmem:v60+s28+$0x0], $0xffff  }
0x556: {  	v20 =	vmul.f32 v20, v13;
	v57 =	vsel vm1, v13, v12;
	v13 =	vld.idx.msk [tilespmem:v15+s30+$0x0], $0xffff;
	v15 =	vor.u32 v47, v9  }
0x557: {  	v37 =	vld.idx.msk [tilespmem:v37+s28+$0x0], $0xffff;
	v42 =	vor.u32 v47, v7  }
0x558: {  	v2 =	vadd.f32 v20, v2;
	v20 =	vld.idx.msk [tilespmem:v22+s24+$0x0], $0xffff;
	v12 =	vmul.f32 v12, v12;
	v9 =	vor.u32 v6, v9  }
0x559: {  	v0 =	vadd.f32 v11, v0;
	v17 =	vld.idx.msk [tilespmem:v17+s28+$0x0], $0xffff;
	v22 =	vor.u32 v24, v7;
	v8 =	vadd.s32 v24, v8  }
0x55a: {  	v11 =	vmul.f32 v57, v16;
	v4 =	vadd.f32 v12, v4;
	v23 =	vld.idx.msk [tilespmem:v23+s30+$0x0], $0xffff;
	v60 =	vand.u32 $0xFFFFFF80, v8  }
0x55b: {  	v12 =	vld.idx.msk [tilespmem:v15+s24+$0x0], $0xffff;
	v8 =	vand.u32 $0x7F, v8;
	v54 =	vadd.s32 v7, v60;
	v7 =	vor.u32 v6, v7  }
0x55c: {  	v15 =	vmul.f32 v37, v37;
	v24 =	vmul.f32 v16, v16;
	v16 =	vld.idx.msk [tilespmem:v42+s28+$0x0], $0xffff;
	v8 =	vor.u32 v8, v54  }
0x55d: {  	v0 =	vadd.f32 v11, v0;
	v9 =	vld.idx.msk [tilespmem:v9+s24+$0x0], $0xffff;
	v42 =	vmul.f32 v20, v37  }
0x55e: {  	v1 =	vadd.f32 v15, v1;
	v10 =	vadd.f32 v24, v10;
	v24 =	vmul.f32 v55, v55;
	v20 =	vld.idx.msk [tilespmem:v22+s28+$0x0], $0xffff  }
0x55f: {  	v2 =	vadd.f32 v42, v2;
	v22 =	vsel vm1, v37, v55;
	v55 =	vmul.f32 v13, v13  }
0x560: {  	v4 =	vadd.f32 v24, v4;
	v37 =	vmul.f32 v12, v17;
	v12 =	vmul.f32 v17, v17;
	v7 =	vld.idx.msk [tilespmem:v7+s28+$0x0], $0xffff  }
0x561: {  	v15 =	vmul.f32 v16, v16;
	v57 =	vmul.f32 v22, v13;
	v13 =	vsel vm1, v17, v16;
	v8 =	vld.idx.msk [tilespmem:v8+s30+$0x0], $0xffff  }
0x562: {  	v16 =	vmul.f32 v23, v23;
	v10 =	vadd.f32 v55, v10;
	v2 =	vadd.f32 v37, v2  }
0x563: {  	v56 =	vld [tilespmem:$0x1F9F0];
	v1 =	vadd.f32 v12, v1;
	v4 =	vadd.f32 v15, v4;
	v9 =	vmul.f32 v9, v20  }
0x564: {  	v60 =	vld [tilespmem:$0x1FE60];
	v12 =	vmul.f32 v13, v23;
	v0 =	vadd.f32 v57, v0;
	v42 =	vmul.f32 v20, v20  }
0x565: {  	v54 =	vld [tilespmem:$0x1F9E0];
	v10 =	vadd.f32 v16, v10;
	v2 =	vadd.f32 v9, v2;
	v55 =	vmul.f32 v7, v7  }
0x566: {  	p1 =	sne.s32 s9, $0x70;
	v22 =	vld [tilespmem:$0x1FCA0];
	v7 =	vsel vm1, v20, v7;
	v1 =	vadd.f32 v42, v1;
	v57 =	vmul.f32 v8, v8  }
.Ltmp6:
0x567: {  	v17 =	vld [tilespmem:$0x1FC90];
	v0 =	vadd.f32 v12, v0;
	v7 =	vmul.f32 v7, v8;
	v4 =	vadd.f32 v55, v4;
	[tilespmem:s10+$0xFFFFFF00] =	vst v2;
	(pc) =	sbr.rel @p1 .LBB2_15-.Ltmp6, $4  }
0x568: {  	v15 =	vld [tilespmem:$0x1FC70];
	[tilespmem:s10+$0xFFFFFF80] =	vst v1;
	v2 =	vadd.f32 v57, v10  }
0x569: {  	v13 =	vld [tilespmem:$0x1FC60];
	v0 =	vadd.f32 v7, v0;
	[tilespmem:s10+$0x0] =	vst v4  }
0x56a: {  	s11 =	sadd.s32 $0x10, s11;
	s23 =	sadd.s32 $0x10, s23;
	v16 =	vld [tilespmem:$0x1FC80];
	[tilespmem:s10+$0x80] =	vst v2  }
0x56b: {  	s16 =	sadd.s32 $0x10, s16;
	s9 =	sadd.s32 $0x10, s9;
	v20 =	vld [tilespmem:$0x1FCB0];
	[tilespmem:s10+$0x100] =	vst v0;
	s10 =	sadd.s32 $0x10, s10  }
0x56c: {  	s9 =	sadd.s32 @!p0 $0x180, s14  }
0x56d: {  	s10 =	simm.s32 @!p0 $0x80;
	s11 =	simm.s32 @!p0 $0xDA80;
	s8 =	sadd.s32 s15, s8  }
0x56e: {  	[tilespmem:s11], [sflag:$0x2] =	stream.indirect.gather @!p0 [hbm4b:s4+s10], $0x80, s9, s10, $0xb8;
	[tilespmem:$0x19D00] =	vst v63  }
0x56f: {  	s9 =	sadd.s32 @!p0 $0xB80, s14;
	s11 =	simm.s32 @!p0 $0x15A80;
	s16 =	sshrl.u32 s8, $0x3  }
0x570: {  	[tilespmem:s11], [sflag:$0x4] =	stream.indirect.gather @!p0 [hbm4b:s5+s10], $0x80, s9, s10, $0xb8;
	[tilespmem:$0x19D00] =	vst v63  }
0x571: {  	s8 =	sshll.u32 s8, $0x7;
	s9 =	smul.u32 $0x1400, s16  }
0x572: {  	s8 =	sand.u32 $0x380, s8  }
0x573: {  	s6 =	sadd.s32 $0x1, s6;
	s8 =	sor.u32 s8, s9  }
0x574: {  	p0 =	sne.s32 s6, $0xA;
	s8 =	sshrl.u32 s8, $0x3  }
.Ltmp7:
0x575: {  	s23 =	simm.s32 $0x19A80;
	s8 =	sadd.s32 s7, s8;
	(pc) =	sbr.rel @p0 .LBB2_12-.Ltmp7, $4  }
0x576: {  	[hbm4b:s8+s17] =	stream.strided.scatter [tilespmem:s23], [sflag:$0x6], $0x280, s18, s17, $0x38;
	[tilespmem:$0x19D00] =	vst v63  }
0x577: {  	s3 =	sadd.s32 $0x100, s3;
	s31 =	sadd.s32 $0x100, s31;
	_ =	swait.ge [sflag:s19], $0x280  }
0x578: {  	s0 =	sadd.s32 $0x100, s0;
	s29 =	sadd.s32 $0x100, s29;
	[sflag:s19] =	ssyncset.done $0x0  }
0x579: {  	s12 =	sadd.s32 $0x100, s12;
	s13 =	sadd.s32 $0x100, s13;
	[sflag:s19] =	ssyncadd.s32 $0xFFFFFD80  }
0x57a: {  	s3 =	rddreg [dreg:$0xc]  }
0x57b: {  	s0 =	rddreg [dreg:$0xb];
	s3 =	sadd.s32 $0x1, s3  }
0x57c: {  	p0 =	sne.s32 s3, s0  }
.Ltmp8:
0x57d: {  	_ = 	snop;
	(pc) =	sbr.rel @p0 .LBB2_1-.Ltmp8, $3  }
0x57e: {  	_ =	sdelay $0x1  }
0x57f: {  	v9 =	vld [tilespmem:$0x1FC40]  }
0x580: {  	v10 =	vld [tilespmem:$0x1FC50];
	v11 =	vimm.f32 $0.0e+00;
	v12 =	vimm.f32 $1.000000000e+00;
	s9 =	simm.s32 $0x0;
	s8 =	simm.s32 $0x6880  }
0x581: {  	_ =	sfence.sel $0x180000  }
0x582: {  	[bflag:$0x0] =	sbarrier.arrive $0xFFFF  }
0x583: {  	_ =	strace $0x90000047  }
0x584: {  	s0 =	stileid.u32;
	[bflag:$0x2] =	sbarrier.arrive $0xFFFF  }
0x585: {  	p0 =	sne.s32 s0, $0x0;
	s0 =	rddreg [dreg:$0x2]  }
0x586: {  	s0 =	sadd.s32 @!p0 $0x100000, s0  }
0x587: {  	[sflag:s0] =	ssyncadd.tile.s32 @!p0 $0x1;
	_ =	shalt  }
.Lfunc_end2:
_tile_overlayer_lowered:
.L_overlay_start_2:
0x588: {  	(tag) =	ssettag $0x2  }
0x589: {  	s0 =	rddreg [dreg:$0x0];
	s2 =	stileid.u32  }
0x58a: {  	s1 =	rddreg [dreg:$0x1];
	p0 =	sne.s32 s2, $0x0  }
0x58b: {  	s3 =	rddreg [dreg:$0x2];
	[bflag:$0x3] =	sbarrier.arrive $0xFFFF;
	s2 =	simm.s32 @!p0 $0x1C06  }
0x58c: {  	[timem:s3], [sflag:s2] =	dma.local @!p0 [hbm:s0], s1  }
0x58d: {  	s0 =	simm.s32 @!p0 $0x6  }
0x58e: {  	_ =	swait.ge @!p0 [sflag:s0], s1  }
0x58f: {  	s1 =	ssub.s32 @!p0 $0x0, s1;
	[sflag:s0] =	ssyncset.done @!p0 $0x0  }
0x590: {  	[sflag:s0] =	ssyncadd.s32 @!p0 s1  }
0x591: {  	[bflag:$0x3] =	sbarrier.arrive $0xFFFF  }
0x592: {  	_ =	shalt  }

</sc_bundles>
